<compile_context>
chip_gen: v7x
topology: tpu7x:2x2x1
jax: 0.10.2.dev20260603
libtpu: 0.0.44.dev20260713+nightly
codegen_flags: <defaults>
</compile_context>

<pallas_src>
import functools

import jax
import jax.numpy as jnp
from jax import lax
from jax.experimental import pallas as pl
from jax.experimental.pallas import tpu as pltpu
from jax.experimental.pallas import tpu_sc as plsc

_OFFS = tuple((dr, dc) for dr in (-1, 0, 1) for dc in (-1, 0, 1))


def _roll_lanes(a, shift):
    s = shift % a.shape[-1]
    if s == 0:
        return a
    return jnp.concatenate([a[:, s:], a[:, :s]], axis=1)


def _attn_body(x_ref, wq_ref, bq_ref, wk_ref, bk_ref, s_ref,
               attn_ref, vals_ref, *, width, height):
    n_pos = width * height
    xf = x_ref[0]
    q = jnp.dot(wq_ref[...], xf, preferred_element_type=jnp.float32) + bq_ref[...]
    k = jnp.dot(wk_ref[...], xf, preferred_element_type=jnp.float32) + bk_ref[...]

    n_iota = jax.lax.broadcasted_iota(jnp.int32, (1, n_pos), 1)
    r = n_iota // height
    c = n_iota % height

    energies = []
    for dr, dc in _OFFS:
        off = dr * height + dc
        kr = _roll_lanes(k, off)
        e = jnp.sum(q * kr, axis=0, keepdims=True)
        valid = ((r + dr >= 0) & (r + dr < width)
                 & (c + dc >= 0) & (c + dc < height))
        energies.append(jnp.where(valid, e, -1e30))
    energy = jnp.concatenate(energies, axis=0)
    emax = jnp.max(energy, axis=0, keepdims=True)
    p = jnp.exp(energy - emax)
    attn = p / jnp.sum(p, axis=0, keepdims=True)
    attn16 = jnp.concatenate(
        [attn, jnp.zeros((16 - attn.shape[0], n_pos), jnp.float32)], axis=0)
    attn_ref[0] = attn16

    attn_t = lax.dot_general(
        attn16, s_ref[...], (((0,), (0,)), ((), ())),
        preferred_element_type=jnp.float32)
    nrow = jax.lax.broadcasted_iota(jnp.int32, (n_pos, 128), 0)
    jcol = jax.lax.broadcasted_iota(jnp.int32, (n_pos, 128), 1)
    wb = jnp.minimum(jnp.maximum(((nrow - 33) // 16) * 16, 0), n_pos - 128)
    c0 = jcol + wb - nrow
    vals = jnp.zeros((n_pos, 128), jnp.float32)
    for i, (dr, dc) in enumerate(_OFFS):
        off = dr * height + dc
        vals = jnp.where(c0 == off, attn_t[:, i:i + 1], vals)
    vals_ref[0] = vals


def _out_body(x_ref, attn_ref, wv_ref, bv_ref, g_ref, out_ref,
              *, width, height):
    xf = x_ref[0]
    v = jnp.dot(wv_ref[...], xf, preferred_element_type=jnp.float32) + bv_ref[...]
    attn = attn_ref[0]
    v_dc = {dc: _roll_lanes(v, dc) for dc in (-1, 0, 1)}
    acc = jnp.zeros_like(v)
    for dr in (-1, 0, 1):
        w = jnp.zeros_like(v)
        for dc in (-1, 0, 1):
            i = (dr + 1) * 3 + (dc + 1)
            w = w + _roll_lanes(attn[i:i + 1, :], -dr * height) * v_dc[dc]
        acc = acc + _roll_lanes(w, dr * height)
    out_ref[0] = g_ref[0, 0] * acc + xf


def _attn_call(xf, Wq, bq, Wk, bk, width, height):
    B, C, N = xf.shape
    d = Wq.shape[0]
    body = functools.partial(_attn_body, width=width, height=height)
    return pl.pallas_call(
        body,
        grid=(B,),
        in_specs=[
            pl.BlockSpec((1, C, N), lambda b: (b, 0, 0)),
            pl.BlockSpec((d, C), lambda b: (0, 0)),
            pl.BlockSpec((d, 1), lambda b: (0, 0)),
            pl.BlockSpec((d, C), lambda b: (0, 0)),
            pl.BlockSpec((d, 1), lambda b: (0, 0)),
            pl.BlockSpec((16, 16), lambda b: (0, 0)),
        ],
        out_specs=[
            pl.BlockSpec((1, 16, N), lambda b: (b, 0, 0)),
            pl.BlockSpec((1, N, 128), lambda b: (b, 0, 0)),
        ],
        out_shape=[
            jax.ShapeDtypeStruct((B, 16, N), jnp.float32),
            jax.ShapeDtypeStruct((B, N, 128), jnp.float32),
        ],
    )(xf, Wq, bq.reshape(d, 1), Wk, bk.reshape(d, 1),
      jnp.eye(16, dtype=jnp.float32))


def _out_call(xf, attn16, Wv, bv, gamma, width, height):
    B, C, N = xf.shape
    body = functools.partial(_out_body, width=width, height=height)
    return pl.pallas_call(
        body,
        grid=(B,),
        in_specs=[
            pl.BlockSpec((1, C, N), lambda b: (b, 0, 0)),
            pl.BlockSpec((1, 16, N), lambda b: (b, 0, 0)),
            pl.BlockSpec((C, C), lambda b: (0, 0)),
            pl.BlockSpec((C, 1), lambda b: (0, 0)),
            pl.BlockSpec((1, 1), lambda b: (0, 0)),
        ],
        out_specs=pl.BlockSpec((1, C, N), lambda b: (b, 0, 0)),
        out_shape=jax.ShapeDtypeStruct((B, C, N), jnp.float32),
    )(xf, attn16, Wv, bv.reshape(C, 1), gamma.reshape(1, 1))



_RB = 32
_NCHUNK = 8


def _make_sc_builder(B, N):
    info = plsc.get_sparse_core_info()
    NC, NS = info.num_cores, info.num_subcores
    NW = NC * NS
    rows_w = (B * N) // NW
    mesh = plsc.VectorSubcoreMesh(core_axis_name="c", subcore_axis_name="s")

    @functools.partial(
        pl.kernel, mesh=mesh,
        out_type=jax.ShapeDtypeStruct((B * N, N), jnp.float32),
        scratch_types=[
            pltpu.VMEM((rows_w, 128), jnp.float32),
            pltpu.VMEM((2 * _RB, N), jnp.float32),
            pltpu.SemaphoreType.DMA,
            pltpu.SemaphoreType.DMA,
        ],
    )
    def build(vals_hbm, zeros_hbm, att_hbm, vals_v, rows_v, sem0, sem1):
        wid = lax.axis_index("s") * NC + lax.axis_index("c")
        base = wid * rows_w
        m0 = base % N

        zeros16 = jnp.zeros((16,), jnp.float32)

        zcopy = pltpu.async_copy(zeros_hbm, rows_v.at[pl.ds(0, _RB), :], sem0)
        pltpu.sync_copy(vals_hbm.at[pl.ds(base, rows_w), :], vals_v)

        def zbody(row, carry):
            for t in range(N // 16):
                rows_v[_RB + row, pl.ds(16 * t, 16)] = zeros16
            return carry
        lax.fori_loop(0, _RB, zbody, 0)
        zcopy.wait()
        sems = (sem0, sem1)

        def wclamp(m):
            wb = jnp.minimum(jnp.maximum(((m - 33) // 16) * 16, 0), N - 128)
            return pl.multiple_of(wb, 16)

        def build_chunk(c, bufrow0):
            def body(row, carry):
                rr = c * _RB + row
                wb = wclamp(m0 + rr)
                for t in range(8):
                    g = vals_v[rr, pl.ds(16 * t, 16)]
                    rows_v[bufrow0 + row, pl.ds(wb + 16 * t, 16)] = g
                return carry
            lax.fori_loop(0, _RB, body, 0)

        def clear_chunk(c, bufrow0):
            def body(row, carry):
                rr = c * _RB + row
                wb = wclamp(m0 + rr)
                for t in range(8):
                    rows_v[bufrow0 + row, pl.ds(wb + 16 * t, 16)] = zeros16
                return carry
            lax.fori_loop(0, _RB, body, 0)

        handles = {}
        for c in range(_NCHUNK):
            bufrow0 = (c % 2) * _RB
            if c >= 2:
                handles[c - 2].wait()
                clear_chunk(c - 2, bufrow0)
            build_chunk(c, bufrow0)
            handles[c] = pltpu.async_copy(
                rows_v.at[pl.ds(bufrow0, _RB), :],
                att_hbm.at[pl.ds(base + c * _RB, _RB), :],
                sems[c % 2])
        handles[_NCHUNK - 2].wait()
        handles[_NCHUNK - 1].wait()

    return build


def kernel(x, Wq, bq, Wk, bk, Wv, bv, gamma):
    B, C, width, height = x.shape
    N = width * height
    xf = x.reshape(B, C, N)
    attn16, vals = _attn_call(xf, Wq, bq, Wk, bk, width, height)
    zeros = jnp.zeros((_RB, N), jnp.float32)
    att = _make_sc_builder(B, N)(vals.reshape(B * N, 128), zeros)
    out3 = _out_call(xf, attn16, Wv, bv, gamma, width, height)
    return out3.reshape(B, C, width, height), att.reshape(B, N, N)

# --- scband reference (transcript-rebuilt; emitter-appended) ---
"""Pipeline reference for scband-self-attn-8907762172299 (READ-ONLY COPY).

The authoritative reference and input builder live on the scoring server;
editing this copy changes nothing except your own understanding.
"""

import jax, jax.numpy as jnp
import numpy as np


def setup_inputs(seed: int = 0) -> dict:
    key = jax.random.key(seed)
    ks = jax.random.split(key, 8)
    B, C, W, H = 8, 384, 32, 32
    d = C // 8
    x = jax.random.normal(ks[0], (B, C, W, H), dtype=jnp.float32)
    Wq = jax.random.normal(ks[1], (d, C), dtype=jnp.float32) * (1.0 / np.sqrt(C))
    bq = jnp.zeros((d,), dtype=jnp.float32)
    Wk = jax.random.normal(ks[2], (d, C), dtype=jnp.float32) * (1.0 / np.sqrt(C))
    bk = jnp.zeros((d,), dtype=jnp.float32)
    Wv = jax.random.normal(ks[3], (C, C), dtype=jnp.float32) * (1.0 / np.sqrt(C))
    bv = jnp.zeros((C,), dtype=jnp.float32)
    gamma = jnp.full((1,), 0.5, dtype=jnp.float32)
    return {"x": x, "Wq": Wq, "bq": bq, "Wk": Wk, "bk": bk, "Wv": Wv, "bv": bv, "gamma": gamma}


def reference(x, Wq, bq, Wk, bk, Wv, bv, gamma):
    B, C, width, height = x.shape
    N = width * height
    ws = 3
    half = ws // 2
    xf = x.reshape(B, C, N)
    # 1x1 convs == per-pixel linear projections
    q = jnp.einsum('oc,bcn->bno', Wq, xf) + bq[None, None, :]   # [B, N, d]  (proj_query permuted)
    k = jnp.einsum('oc,bcn->bon', Wk, xf) + bk[None, :, None]   # [B, d, N]
    v = jnp.einsum('oc,bcn->bon', Wv, xf) + bv[None, :, None]   # [B, C, N]
    rows = jnp.arange(N) // height
    cols = jnp.arange(N) % height
    offs = jnp.array([[dr, dc] for dr in range(-half, half + 1) for dc in range(-half, half + 1)], dtype=jnp.int32)  # [K, 2]
    K = offs.shape[0]
    nr = rows[:, None] + offs[None, :, 0]   # [N, K]
    nc = cols[:, None] + offs[None, :, 1]   # [N, K]
    valid = (nr >= 0) & (nr < width) & (nc >= 0) & (nc < height)
    nidx = jnp.clip(nr, 0, width - 1) * height + jnp.clip(nc, 0, height - 1)  # [N, K]
    # gather local keys: [B, d, N, K]
    k_g = jnp.take(k, nidx.reshape(-1), axis=2).reshape(B, k.shape[1], N, K)
    energy = jnp.einsum('bnd,bdnk->bnk', q, k_g)                 # [B, N, K]
    energy = jnp.where(valid[None, :, :], energy, -1e30)
    attn_local = jax.nn.softmax(energy, axis=-1)
    attn_local = jnp.where(valid[None, :, :], attn_local, 0.0)
    # scatter local attention rows into dense [B, N, N] matrix (invalid entries add 0)
    attention = jnp.zeros((B, N, N), dtype=x.dtype)
    attention = attention.at[:, jnp.arange(N)[:, None], nidx].add(attn_local)
    # out = bmm(V, attention^T): out[b,c,m] = sum_n v[b,c,n] * attention[b,m,n]
    out = jnp.einsum('bcn,bmn->bcm', v, attention)
    out = out.reshape(B, C, width, height)
    out = gamma * out + x
    return (out, attention)

if __name__ == "__main__":
    import jax
    _d = setup_inputs()
    print(jax.jit(kernel)(*tuple(_d.values())))

</pallas_src>

<mosaic_0001>
#map = affine_map<(d0, d1) -> (0, 0)>
module attributes {stable_mosaic.version = 14 : i64} {
  func.func @build(%arg0: i32, %arg1: i32, %arg2: memref<8192x128xf32, #tpu.memory_space<hbm>>, %arg3: memref<32x1024xf32, #tpu.memory_space<hbm>>, %arg4: memref<8192x1024xf32, #tpu.memory_space<hbm>>, %arg5: memref<256x128xf32, #tpu.memory_space<vmem>>, %arg6: memref<64x1024xf32, #tpu.memory_space<vmem>>, %arg7: memref<!tpu.dma_semaphore, #tpu.memory_space<semaphore_mem>>, %arg8: memref<!tpu.dma_semaphore, #tpu.memory_space<semaphore_mem>>) attributes {dimension_semantics = [#tpu.dimension_semantics<core_parallel>, #tpu.dimension_semantics<subcore_parallel>], iteration_bounds = array<i64: 2, 16>, scalar_prefetch = 0 : i64, scratch_operands = 4 : i64, tpu.core_type = #tpu.core_type<sc_vector_subcore>, window_params = [{transform_indices = #map}, {transform_indices = #map}, {transform_indices = #map}]} {
    %mul3A = arith.constant 2 : i32
    %mul3A_0 = arith.muli %arg1, %mul3A : i32
    %add3A = arith.addi %mul3A_0, %arg0 : i32
    %mul3A_1 = arith.constant 256 : i32
    %mul3A_2 = arith.muli %add3A, %mul3A_1 : i32
    %jit3A = arith.constant 1024 : i32
    %eq3A = arith.constant 0 : i32
    %eq3A_3 = arith.cmpi eq, %jit3A, %eq3A : i32
    %jit3A_4 = arith.constant 1 : i32
    %select_n3A = arith.select %eq3A_3, %jit3A_4, %jit3A : i32
    %rem3A = arith.remsi %mul3A_2, %select_n3A : i32
    %ne3A = arith.constant 0 : i32
    %ne3A_5 = arith.cmpi ne, %rem3A, %ne3A : i32
    %lt3A = arith.constant 0 : i32
    %lt3A_6 = arith.cmpi slt, %rem3A, %lt3A : i32
    %lt3A_7 = arith.constant 0 : i32
    %lt3A_8 = arith.cmpi slt, %select_n3A, %lt3A_7 : i32
    %ne3A_9 = arith.xori %lt3A_6, %lt3A_8 : i1
    %and3A = arith.andi %ne3A_9, %ne3A_5 : i1
    %add3A_10 = arith.addi %rem3A, %select_n3A : i32
    %select_n3A_11 = arith.select %and3A, %add3A_10, %rem3A : i32
    %broadcast_in_dim3A = arith.constant 0.000000e+00 : f32
    %broadcast_in_dim3A_12 = vector.broadcast %broadcast_in_dim3A : f32 to vector<16xf32>
    %dma_start3A = arith.constant 0 : i32
    %dma_start3A_13 = arith.constant 0 : i32
    %dma_start3A_14 = tpu.memref_slice %arg6[%dma_start3A, %dma_start3A_13] : memref<64x1024xf32, #tpu.memory_space<vmem>> -> memref<32x1024xf32, #tpu.memory_space<vmem>>
    %dma_start3A_15 = arith.constant 0 : i32
    %dma_start3A_16 = arith.constant 0 : i32
    %dma_start3A_17 = tpu.memref_slice %arg6[%dma_start3A_15, %dma_start3A_16] : memref<64x1024xf32, #tpu.memory_space<vmem>> -> memref<32x1024xf32, #tpu.memory_space<vmem>>
    tpu.enqueue_dma source(%arg3 : memref<32x1024xf32, #tpu.memory_space<hbm>>) target(%dma_start3A_17 : memref<32x1024xf32, #tpu.memory_space<vmem>>) target_semaphore(%arg7 : memref<!tpu.dma_semaphore, #tpu.memory_space<semaphore_mem>>)
    "tpu.region"() ({
      %run_scoped3A = tpu.sem_alloc : memref<!tpu.dma_semaphore, #tpu.memory_space<semaphore_mem>>
      %dma_start3A_288 = arith.constant 0 : i32
      %dma_start3A_289 = tpu.memref_slice %arg2[%mul3A_2, %dma_start3A_288] : memref<8192x128xf32, #tpu.memory_space<hbm>> -> memref<256x128xf32, #tpu.memory_space<hbm>>
      %dma_start3A_290 = arith.constant 0 : i32
      %dma_start3A_291 = tpu.memref_slice %arg2[%mul3A_2, %dma_start3A_290] : memref<8192x128xf32, #tpu.memory_space<hbm>> -> memref<256x128xf32, #tpu.memory_space<hbm>>
      tpu.enqueue_dma source(%dma_start3A_291 : memref<256x128xf32, #tpu.memory_space<hbm>>) target(%arg5 : memref<256x128xf32, #tpu.memory_space<vmem>>) target_semaphore(%run_scoped3A : memref<!tpu.dma_semaphore, #tpu.memory_space<semaphore_mem>>)
      %dma_wait3A_292 = arith.constant 0 : i32
      %dma_wait3A_293 = tpu.memref_slice %arg2[%mul3A_2, %dma_wait3A_292] : memref<8192x128xf32, #tpu.memory_space<hbm>> -> memref<256x128xf32, #tpu.memory_space<hbm>>
      %dma_wait3A_294 = arith.constant 0 : i32
      %dma_wait3A_295 = tpu.memref_slice %arg2[%mul3A_2, %dma_wait3A_294] : memref<8192x128xf32, #tpu.memory_space<hbm>> -> memref<256x128xf32, #tpu.memory_space<hbm>>
      tpu.wait_dma2 semaphore(%run_scoped3A : memref<!tpu.dma_semaphore, #tpu.memory_space<semaphore_mem>>) src(%dma_wait3A_295 : memref<256x128xf32, #tpu.memory_space<hbm>>) dst(%arg5 : memref<256x128xf32, #tpu.memory_space<vmem>>)
      tpu.yield
    }) : () -> ()
    %scan3A = arith.constant 0 : i32
    %scan3A_18 = arith.constant 0 : i32
    %scan3A_19 = arith.constant 32 : i32
    %scan3A_20 = arith.addi %scan3A_18, %scan3A_19 : i32
    %scan3A_21 = arith.constant 1 : i32
    scf.for %scan3A_288 = %scan3A_18 to %scan3A_20 step %scan3A_21  : i32 {
      %add3A_289 = arith.constant 32 : i32
      %add3A_290 = arith.addi %add3A_289, %scan3A_288 : i32
      %swap3A = arith.index_cast %add3A_290 : i32 to index
      %swap3A_291 = arith.constant 0 : index
      %swap3A_292 = tpu.vector_load %arg6[%swap3A, %swap3A_291] {strides = array<i32>} : memref<64x1024xf32, #tpu.memory_space<vmem>>, vector<1x16xf32>,
      %swap3A_293 = vector.shape_cast %swap3A_292 : vector<1x16xf32> to vector<16xf32>
      %swap3A_294 = vector.shape_cast %broadcast_in_dim3A_12 : vector<16xf32> to vector<1x16xf32>
      tpu.vector_store %arg6[%swap3A, %swap3A_291], %swap3A_294 {strides = array<i32>} : memref<64x1024xf32, #tpu.memory_space<vmem>>, vector<1x16xf32>,
      %add3A_295 = arith.constant 32 : i32
      %add3A_296 = arith.addi %add3A_295, %scan3A_288 : i32
      %swap3A_297 = arith.index_cast %add3A_296 : i32 to index
      %swap3A_298 = arith.constant 16 : index
      %swap3A_299 = tpu.vector_load %arg6[%swap3A_297, %swap3A_298] {strides = array<i32>} : memref<64x1024xf32, #tpu.memory_space<vmem>>, vector<1x16xf32>,
      %swap3A_300 = vector.shape_cast %swap3A_299 : vector<1x16xf32> to vector<16xf32>
      %swap3A_301 = vector.shape_cast %broadcast_in_dim3A_12 : vector<16xf32> to vector<1x16xf32>
      tpu.vector_store %arg6[%swap3A_297, %swap3A_298], %swap3A_301 {strides = array<i32>} : memref<64x1024xf32, #tpu.memory_space<vmem>>, vector<1x16xf32>,
      %add3A_302 = arith.constant 32 : i32
      %add3A_303 = arith.addi %add3A_302, %scan3A_288 : i32
      %swap3A_304 = arith.index_cast %add3A_303 : i32 to index
      %swap3A_305 = arith.constant 32 : index
      %swap3A_306 = tpu.vector_load %arg6[%swap3A_304, %swap3A_305] {strides = array<i32>} : memref<64x1024xf32, #tpu.memory_space<vmem>>, vector<1x16xf32>,
      %swap3A_307 = vector.shape_cast %swap3A_306 : vector<1x16xf32> to vector<16xf32>
      %swap3A_308 = vector.shape_cast %broadcast_in_dim3A_12 : vector<16xf32> to vector<1x16xf32>
      tpu.vector_store %arg6[%swap3A_304, %swap3A_305], %swap3A_308 {strides = array<i32>} : memref<64x1024xf32, #tpu.memory_space<vmem>>, vector<1x16xf32>,
      %add3A_309 = arith.constant 32 : i32
      %add3A_310 = arith.addi %add3A_309, %scan3A_288 : i32
      %swap3A_311 = arith.index_cast %add3A_310 : i32 to index
      %swap3A_312 = arith.constant 48 : index
      %swap3A_313 = tpu.vector_load %arg6[%swap3A_311, %swap3A_312] {strides = array<i32>} : memref<64x1024xf32, #tpu.memory_space<vmem>>, vector<1x16xf32>,
      %swap3A_314 = vector.shape_cast %swap3A_313 : vector<1x16xf32> to vector<16xf32>
      %swap3A_315 = vector.shape_cast %broadcast_in_dim3A_12 : vector<16xf32> to vector<1x16xf32>
      tpu.vector_store %arg6[%swap3A_311, %swap3A_312], %swap3A_315 {strides = array<i32>} : memref<64x1024xf32, #tpu.memory_space<vmem>>, vector<1x16xf32>,
      %add3A_316 = arith.constant 32 : i32
      %add3A_317 = arith.addi %add3A_316, %scan3A_288 : i32
      %swap3A_318 = arith.index_cast %add3A_317 : i32 to index
      %swap3A_319 = arith.constant 64 : index
      %swap3A_320 = tpu.vector_load %arg6[%swap3A_318, %swap3A_319] {strides = array<i32>} : memref<64x1024xf32, #tpu.memory_space<vmem>>, vector<1x16xf32>,
      %swap3A_321 = vector.shape_cast %swap3A_320 : vector<1x16xf32> to vector<16xf32>
      %swap3A_322 = vector.shape_cast %broadcast_in_dim3A_12 : vector<16xf32> to vector<1x16xf32>
      tpu.vector_store %arg6[%swap3A_318, %swap3A_319], %swap3A_322 {strides = array<i32>} : memref<64x1024xf32, #tpu.memory_space<vmem>>, vector<1x16xf32>,
      %add3A_323 = arith.constant 32 : i32
      %add3A_324 = arith.addi %add3A_323, %scan3A_288 : i32
      %swap3A_325 = arith.index_cast %add3A_324 : i32 to index
      %swap3A_326 = arith.constant 80 : index
      %swap3A_327 = tpu.vector_load %arg6[%swap3A_325, %swap3A_326] {strides = array<i32>} : memref<64x1024xf32, #tpu.memory_space<vmem>>, vector<1x16xf32>,
      %swap3A_328 = vector.shape_cast %swap3A_327 : vector<1x16xf32> to vector<16xf32>
      %swap3A_329 = vector.shape_cast %broadcast_in_dim3A_12 : vector<16xf32> to vector<1x16xf32>
      tpu.vector_store %arg6[%swap3A_325, %swap3A_326], %swap3A_329 {strides = array<i32>} : memref<64x1024xf32, #tpu.memory_space<vmem>>, vector<1x16xf32>,
      %add3A_330 = arith.constant 32 : i32
      %add3A_331 = arith.addi %add3A_330, %scan3A_288 : i32
      %swap3A_332 = arith.index_cast %add3A_331 : i32 to index
      %swap3A_333 = arith.constant 96 : index
      %swap3A_334 = tpu.vector_load %arg6[%swap3A_332, %swap3A_333] {strides = array<i32>} : memref<64x1024xf32, #tpu.memory_space<vmem>>, vector<1x16xf32>,
      %swap3A_335 = vector.shape_cast %swap3A_334 : vector<1x16xf32> to vector<16xf32>
      %swap3A_336 = vector.shape_cast %broadcast_in_dim3A_12 : vector<16xf32> to vector<1x16xf32>
      tpu.vector_store %arg6[%swap3A_332, %swap3A_333], %swap3A_336 {strides = array<i32>} : memref<64x1024xf32, #tpu.memory_space<vmem>>, vector<1x16xf32>,
      %add3A_337 = arith.constant 32 : i32
      %add3A_338 = arith.addi %add3A_337, %scan3A_288 : i32
      %swap3A_339 = arith.index_cast %add3A_338 : i32 to index
      %swap3A_340 = arith.constant 112 : index
      %swap3A_341 = tpu.vector_load %arg6[%swap3A_339, %swap3A_340] {strides = array<i32>} : memref<64x1024xf32, #tpu.memory_space<vmem>>, vector<1x16xf32>,
      %swap3A_342 = vector.shape_cast %swap3A_341 : vector<1x16xf32> to vector<16xf32>
      %swap3A_343 = vector.shape_cast %broadcast_in_dim3A_12 : vector<16xf32> to vector<1x16xf32>
      tpu.vector_store %arg6[%swap3A_339, %swap3A_340], %swap3A_343 {strides = array<i32>} : memref<64x1024xf32, #tpu.memory_space<vmem>>, vector<1x16xf32>,
      %add3A_344 = arith.constant 32 : i32
      %add3A_345 = arith.addi %add3A_344, %scan3A_288 : i32
      %swap3A_346 = arith.index_cast %add3A_345 : i32 to index
      %swap3A_347 = arith.constant 128 : index
      %swap3A_348 = tpu.vector_load %arg6[%swap3A_346, %swap3A_347] {strides = array<i32>} : memref<64x1024xf32, #tpu.memory_space<vmem>>, vector<1x16xf32>,
      %swap3A_349 = vector.shape_cast %swap3A_348 : vector<1x16xf32> to vector<16xf32>
      %swap3A_350 = vector.shape_cast %broadcast_in_dim3A_12 : vector<16xf32> to vector<1x16xf32>
      tpu.vector_store %arg6[%swap3A_346, %swap3A_347], %swap3A_350 {strides = array<i32>} : memref<64x1024xf32, #tpu.memory_space<vmem>>, vector<1x16xf32>,
      %add3A_351 = arith.constant 32 : i32
      %add3A_352 = arith.addi %add3A_351, %scan3A_288 : i32
      %swap3A_353 = arith.index_cast %add3A_352 : i32 to index
      %swap3A_354 = arith.constant 144 : index
      %swap3A_355 = tpu.vector_load %arg6[%swap3A_353, %swap3A_354] {strides = array<i32>} : memref<64x1024xf32, #tpu.memory_space<vmem>>, vector<1x16xf32>,
      %swap3A_356 = vector.shape_cast %swap3A_355 : vector<1x16xf32> to vector<16xf32>
      %swap3A_357 = vector.shape_cast %broadcast_in_dim3A_12 : vector<16xf32> to vector<1x16xf32>
      tpu.vector_store %arg6[%swap3A_353, %swap3A_354], %swap3A_357 {strides = array<i32>} : memref<64x1024xf32, #tpu.memory_space<vmem>>, vector<1x16xf32>,
      %add3A_358 = arith.constant 32 : i32
      %add3A_359 = arith.addi %add3A_358, %scan3A_288 : i32
      %swap3A_360 = arith.index_cast %add3A_359 : i32 to index
      %swap3A_361 = arith.constant 160 : index
      %swap3A_362 = tpu.vector_load %arg6[%swap3A_360, %swap3A_361] {strides = array<i32>} : memref<64x1024xf32, #tpu.memory_space<vmem>>, vector<1x16xf32>,
      %swap3A_363 = vector.shape_cast %swap3A_362 : vector<1x16xf32> to vector<16xf32>
      %swap3A_364 = vector.shape_cast %broadcast_in_dim3A_12 : vector<16xf32> to vector<1x16xf32>
      tpu.vector_store %arg6[%swap3A_360, %swap3A_361], %swap3A_364 {strides = array<i32>} : memref<64x1024xf32, #tpu.memory_space<vmem>>, vector<1x16xf32>,
      %add3A_365 = arith.constant 32 : i32
      %add3A_366 = arith.addi %add3A_365, %scan3A_288 : i32
      %swap3A_367 = arith.index_cast %add3A_366 : i32 to index
      %swap3A_368 = arith.constant 176 : index
      %swap3A_369 = tpu.vector_load %arg6[%swap3A_367, %swap3A_368] {strides = array<i32>} : memref<64x1024xf32, #tpu.memory_space<vmem>>, vector<1x16xf32>,
      %swap3A_370 = vector.shape_cast %swap3A_369 : vector<1x16xf32> to vector<16xf32>
      %swap3A_371 = vector.shape_cast %broadcast_in_dim3A_12 : vector<16xf32> to vector<1x16xf32>
      tpu.vector_store %arg6[%swap3A_367, %swap3A_368], %swap3A_371 {strides = array<i32>} : memref<64x1024xf32, #tpu.memory_space<vmem>>, vector<1x16xf32>,
      %add3A_372 = arith.constant 32 : i32
      %add3A_373 = arith.addi %add3A_372, %scan3A_288 : i32
      %swap3A_374 = arith.index_cast %add3A_373 : i32 to index
      %swap3A_375 = arith.constant 192 : index
      %swap3A_376 = tpu.vector_load %arg6[%swap3A_374, %swap3A_375] {strides = array<i32>} : memref<64x1024xf32, #tpu.memory_space<vmem>>, vector<1x16xf32>,
      %swap3A_377 = vector.shape_cast %swap3A_376 : vector<1x16xf32> to vector<16xf32>
      %swap3A_378 = vector.shape_cast %broadcast_in_dim3A_12 : vector<16xf32> to vector<1x16xf32>
      tpu.vector_store %arg6[%swap3A_374, %swap3A_375], %swap3A_378 {strides = array<i32>} : memref<64x1024xf32, #tpu.memory_space<vmem>>, vector<1x16xf32>,
      %add3A_379 = arith.constant 32 : i32
      %add3A_380 = arith.addi %add3A_379, %scan3A_288 : i32
      %swap3A_381 = arith.index_cast %add3A_380 : i32 to index
      %swap3A_382 = arith.constant 208 : index
      %swap3A_383 = tpu.vector_load %arg6[%swap3A_381, %swap3A_382] {strides = array<i32>} : memref<64x1024xf32, #tpu.memory_space<vmem>>, vector<1x16xf32>,
      %swap3A_384 = vector.shape_cast %swap3A_383 : vector<1x16xf32> to vector<16xf32>
      %swap3A_385 = vector.shape_cast %broadcast_in_dim3A_12 : vector<16xf32> to vector<1x16xf32>
      tpu.vector_store %arg6[%swap3A_381, %swap3A_382], %swap3A_385 {strides = array<i32>} : memref<64x1024xf32, #tpu.memory_space<vmem>>, vector<1x16xf32>,
      %add3A_386 = arith.constant 32 : i32
      %add3A_387 = arith.addi %add3A_386, %scan3A_288 : i32
      %swap3A_388 = arith.index_cast %add3A_387 : i32 to index
      %swap3A_389 = arith.constant 224 : index
      %swap3A_390 = tpu.vector_load %arg6[%swap3A_388, %swap3A_389] {strides = array<i32>} : memref<64x1024xf32, #tpu.memory_space<vmem>>, vector<1x16xf32>,
      %swap3A_391 = vector.shape_cast %swap3A_390 : vector<1x16xf32> to vector<16xf32>
      %swap3A_392 = vector.shape_cast %broadcast_in_dim3A_12 : vector<16xf32> to vector<1x16xf32>
      tpu.vector_store %arg6[%swap3A_388, %swap3A_389], %swap3A_392 {strides = array<i32>} : memref<64x1024xf32, #tpu.memory_space<vmem>>, vector<1x16xf32>,
      %add3A_393 = arith.constant 32 : i32
      %add3A_394 = arith.addi %add3A_393, %scan3A_288 : i32
      %swap3A_395 = arith.index_cast %add3A_394 : i32 to index
      %swap3A_396 = arith.constant 240 : index
      %swap3A_397 = tpu.vector_load %arg6[%swap3A_395, %swap3A_396] {strides = array<i32>} : memref<64x1024xf32, #tpu.memory_space<vmem>>, vector<1x16xf32>,
      %swap3A_398 = vector.shape_cast %swap3A_397 : vector<1x16xf32> to vector<16xf32>
      %swap3A_399 = vector.shape_cast %broadcast_in_dim3A_12 : vector<16xf32> to vector<1x16xf32>
      tpu.vector_store %arg6[%swap3A_395, %swap3A_396], %swap3A_399 {strides = array<i32>} : memref<64x1024xf32, #tpu.memory_space<vmem>>, vector<1x16xf32>,
      %add3A_400 = arith.constant 32 : i32
      %add3A_401 = arith.addi %add3A_400, %scan3A_288 : i32
      %swap3A_402 = arith.index_cast %add3A_401 : i32 to index
      %swap3A_403 = arith.constant 256 : index
      %swap3A_404 = tpu.vector_load %arg6[%swap3A_402, %swap3A_403] {strides = array<i32>} : memref<64x1024xf32, #tpu.memory_space<vmem>>, vector<1x16xf32>,
      %swap3A_405 = vector.shape_cast %swap3A_404 : vector<1x16xf32> to vector<16xf32>
      %swap3A_406 = vector.shape_cast %broadcast_in_dim3A_12 : vector<16xf32> to vector<1x16xf32>
      tpu.vector_store %arg6[%swap3A_402, %swap3A_403], %swap3A_406 {strides = array<i32>} : memref<64x1024xf32, #tpu.memory_space<vmem>>, vector<1x16xf32>,
      %add3A_407 = arith.constant 32 : i32
      %add3A_408 = arith.addi %add3A_407, %scan3A_288 : i32
      %swap3A_409 = arith.index_cast %add3A_408 : i32 to index
      %swap3A_410 = arith.constant 272 : index
      %swap3A_411 = tpu.vector_load %arg6[%swap3A_409, %swap3A_410] {strides = array<i32>} : memref<64x1024xf32, #tpu.memory_space<vmem>>, vector<1x16xf32>,
      %swap3A_412 = vector.shape_cast %swap3A_411 : vector<1x16xf32> to vector<16xf32>
      %swap3A_413 = vector.shape_cast %broadcast_in_dim3A_12 : vector<16xf32> to vector<1x16xf32>
      tpu.vector_store %arg6[%swap3A_409, %swap3A_410], %swap3A_413 {strides = array<i32>} : memref<64x1024xf32, #tpu.memory_space<vmem>>, vector<1x16xf32>,
      %add3A_414 = arith.constant 32 : i32
      %add3A_415 = arith.addi %add3A_414, %scan3A_288 : i32
      %swap3A_416 = arith.index_cast %add3A_415 : i32 to index
      %swap3A_417 = arith.constant 288 : index
      %swap3A_418 = tpu.vector_load %arg6[%swap3A_416, %swap3A_417] {strides = array<i32>} : memref<64x1024xf32, #tpu.memory_space<vmem>>, vector<1x16xf32>,
      %swap3A_419 = vector.shape_cast %swap3A_418 : vector<1x16xf32> to vector<16xf32>
      %swap3A_420 = vector.shape_cast %broadcast_in_dim3A_12 : vector<16xf32> to vector<1x16xf32>
      tpu.vector_store %arg6[%swap3A_416, %swap3A_417], %swap3A_420 {strides = array<i32>} : memref<64x1024xf32, #tpu.memory_space<vmem>>, vector<1x16xf32>,
      %add3A_421 = arith.constant 32 : i32
      %add3A_422 = arith.addi %add3A_421, %scan3A_288 : i32
      %swap3A_423 = arith.index_cast %add3A_422 : i32 to index
      %swap3A_424 = arith.constant 304 : index
      %swap3A_425 = tpu.vector_load %arg6[%swap3A_423, %swap3A_424] {strides = array<i32>} : memref<64x1024xf32, #tpu.memory_space<vmem>>, vector<1x16xf32>,
      %swap3A_426 = vector.shape_cast %swap3A_425 : vector<1x16xf32> to vector<16xf32>
      %swap3A_427 = vector.shape_cast %broadcast_in_dim3A_12 : vector<16xf32> to vector<1x16xf32>
      tpu.vector_store %arg6[%swap3A_423, %swap3A_424], %swap3A_427 {strides = array<i32>} : memref<64x1024xf32, #tpu.memory_space<vmem>>, vector<1x16xf32>,
      %add3A_428 = arith.constant 32 : i32
      %add3A_429 = arith.addi %add3A_428, %scan3A_288 : i32
      %swap3A_430 = arith.index_cast %add3A_429 : i32 to index
      %swap3A_431 = arith.constant 320 : index
      %swap3A_432 = tpu.vector_load %arg6[%swap3A_430, %swap3A_431] {strides = array<i32>} : memref<64x1024xf32, #tpu.memory_space<vmem>>, vector<1x16xf32>,
      %swap3A_433 = vector.shape_cast %swap3A_432 : vector<1x16xf32> to vector<16xf32>
      %swap3A_434 = vector.shape_cast %broadcast_in_dim3A_12 : vector<16xf32> to vector<1x16xf32>
      tpu.vector_store %arg6[%swap3A_430, %swap3A_431], %swap3A_434 {strides = array<i32>} : memref<64x1024xf32, #tpu.memory_space<vmem>>, vector<1x16xf32>,
      %add3A_435 = arith.constant 32 : i32
      %add3A_436 = arith.addi %add3A_435, %scan3A_288 : i32
      %swap3A_437 = arith.index_cast %add3A_436 : i32 to index
      %swap3A_438 = arith.constant 336 : index
      %swap3A_439 = tpu.vector_load %arg6[%swap3A_437, %swap3A_438] {strides = array<i32>} : memref<64x1024xf32, #tpu.memory_space<vmem>>, vector<1x16xf32>,
      %swap3A_440 = vector.shape_cast %swap3A_439 : vector<1x16xf32> to vector<16xf32>
      %swap3A_441 = vector.shape_cast %broadcast_in_dim3A_12 : vector<16xf32> to vector<1x16xf32>
      tpu.vector_store %arg6[%swap3A_437, %swap3A_438], %swap3A_441 {strides = array<i32>} : memref<64x1024xf32, #tpu.memory_space<vmem>>, vector<1x16xf32>,
      %add3A_442 = arith.constant 32 : i32
      %add3A_443 = arith.addi %add3A_442, %scan3A_288 : i32
      %swap3A_444 = arith.index_cast %add3A_443 : i32 to index
      %swap3A_445 = arith.constant 352 : index
      %swap3A_446 = tpu.vector_load %arg6[%swap3A_444, %swap3A_445] {strides = array<i32>} : memref<64x1024xf32, #tpu.memory_space<vmem>>, vector<1x16xf32>,
      %swap3A_447 = vector.shape_cast %swap3A_446 : vector<1x16xf32> to vector<16xf32>
      %swap3A_448 = vector.shape_cast %broadcast_in_dim3A_12 : vector<16xf32> to vector<1x16xf32>
      tpu.vector_store %arg6[%swap3A_444, %swap3A_445], %swap3A_448 {strides = array<i32>} : memref<64x1024xf32, #tpu.memory_space<vmem>>, vector<1x16xf32>,
      %add3A_449 = arith.constant 32 : i32
      %add3A_450 = arith.addi %add3A_449, %scan3A_288 : i32
      %swap3A_451 = arith.index_cast %add3A_450 : i32 to index
      %swap3A_452 = arith.constant 368 : index
      %swap3A_453 = tpu.vector_load %arg6[%swap3A_451, %swap3A_452] {strides = array<i32>} : memref<64x1024xf32, #tpu.memory_space<vmem>>, vector<1x16xf32>,
      %swap3A_454 = vector.shape_cast %swap3A_453 : vector<1x16xf32> to vector<16xf32>
      %swap3A_455 = vector.shape_cast %broadcast_in_dim3A_12 : vector<16xf32> to vector<1x16xf32>
      tpu.vector_store %arg6[%swap3A_451, %swap3A_452], %swap3A_455 {strides = array<i32>} : memref<64x1024xf32, #tpu.memory_space<vmem>>, vector<1x16xf32>,
      %add3A_456 = arith.constant 32 : i32
      %add3A_457 = arith.addi %add3A_456, %scan3A_288 : i32
      %swap3A_458 = arith.index_cast %add3A_457 : i32 to index
      %swap3A_459 = arith.constant 384 : index
      %swap3A_460 = tpu.vector_load %arg6[%swap3A_458, %swap3A_459] {strides = array<i32>} : memref<64x1024xf32, #tpu.memory_space<vmem>>, vector<1x16xf32>,
      %swap3A_461 = vector.shape_cast %swap3A_460 : vector<1x16xf32> to vector<16xf32>
      %swap3A_462 = vector.shape_cast %broadcast_in_dim3A_12 : vector<16xf32> to vector<1x16xf32>
      tpu.vector_store %arg6[%swap3A_458, %swap3A_459], %swap3A_462 {strides = array<i32>} : memref<64x1024xf32, #tpu.memory_space<vmem>>, vector<1x16xf32>,
      %add3A_463 = arith.constant 32 : i32
      %add3A_464 = arith.addi %add3A_463, %scan3A_288 : i32
      %swap3A_465 = arith.index_cast %add3A_464 : i32 to index
      %swap3A_466 = arith.constant 400 : index
      %swap3A_467 = tpu.vector_load %arg6[%swap3A_465, %swap3A_466] {strides = array<i32>} : memref<64x1024xf32, #tpu.memory_space<vmem>>, vector<1x16xf32>,
      %swap3A_468 = vector.shape_cast %swap3A_467 : vector<1x16xf32> to vector<16xf32>
      %swap3A_469 = vector.shape_cast %broadcast_in_dim3A_12 : vector<16xf32> to vector<1x16xf32>
      tpu.vector_store %arg6[%swap3A_465, %swap3A_466], %swap3A_469 {strides = array<i32>} : memref<64x1024xf32, #tpu.memory_space<vmem>>, vector<1x16xf32>,
      %add3A_470 = arith.constant 32 : i32
      %add3A_471 = arith.addi %add3A_470, %scan3A_288 : i32
      %swap3A_472 = arith.index_cast %add3A_471 : i32 to index
      %swap3A_473 = arith.constant 416 : index
      %swap3A_474 = tpu.vector_load %arg6[%swap3A_472, %swap3A_473] {strides = array<i32>} : memref<64x1024xf32, #tpu.memory_space<vmem>>, vector<1x16xf32>,
      %swap3A_475 = vector.shape_cast %swap3A_474 : vector<1x16xf32> to vector<16xf32>
      %swap3A_476 = vector.shape_cast %broadcast_in_dim3A_12 : vector<16xf32> to vector<1x16xf32>
      tpu.vector_store %arg6[%swap3A_472, %swap3A_473], %swap3A_476 {strides = array<i32>} : memref<64x1024xf32, #tpu.memory_space<vmem>>, vector<1x16xf32>,
      %add3A_477 = arith.constant 32 : i32
      %add3A_478 = arith.addi %add3A_477, %scan3A_288 : i32
      %swap3A_479 = arith.index_cast %add3A_478 : i32 to index
      %swap3A_480 = arith.constant 432 : index
      %swap3A_481 = tpu.vector_load %arg6[%swap3A_479, %swap3A_480] {strides = array<i32>} : memref<64x1024xf32, #tpu.memory_space<vmem>>, vector<1x16xf32>,
      %swap3A_482 = vector.shape_cast %swap3A_481 : vector<1x16xf32> to vector<16xf32>
      %swap3A_483 = vector.shape_cast %broadcast_in_dim3A_12 : vector<16xf32> to vector<1x16xf32>
      tpu.vector_store %arg6[%swap3A_479, %swap3A_480], %swap3A_483 {strides = array<i32>} : memref<64x1024xf32, #tpu.memory_space<vmem>>, vector<1x16xf32>,
      %add3A_484 = arith.constant 32 : i32
      %add3A_485 = arith.addi %add3A_484, %scan3A_288 : i32
      %swap3A_486 = arith.index_cast %add3A_485 : i32 to index
      %swap3A_487 = arith.constant 448 : index
      %swap3A_488 = tpu.vector_load %arg6[%swap3A_486, %swap3A_487] {strides = array<i32>} : memref<64x1024xf32, #tpu.memory_space<vmem>>, vector<1x16xf32>,
      %swap3A_489 = vector.shape_cast %swap3A_488 : vector<1x16xf32> to vector<16xf32>
      %swap3A_490 = vector.shape_cast %broadcast_in_dim3A_12 : vector<16xf32> to vector<1x16xf32>
      tpu.vector_store %arg6[%swap3A_486, %swap3A_487], %swap3A_490 {strides = array<i32>} : memref<64x1024xf32, #tpu.memory_space<vmem>>, vector<1x16xf32>,
      %add3A_491 = arith.constant 32 : i32
      %add3A_492 = arith.addi %add3A_491, %scan3A_288 : i32
      %swap3A_493 = arith.index_cast %add3A_492 : i32 to index
      %swap3A_494 = arith.constant 464 : index
      %swap3A_495 = tpu.vector_load %arg6[%swap3A_493, %swap3A_494] {strides = array<i32>} : memref<64x1024xf32, #tpu.memory_space<vmem>>, vector<1x16xf32>,
      %swap3A_496 = vector.shape_cast %swap3A_495 : vector<1x16xf32> to vector<16xf32>
      %swap3A_497 = vector.shape_cast %broadcast_in_dim3A_12 : vector<16xf32> to vector<1x16xf32>
      tpu.vector_store %arg6[%swap3A_493, %swap3A_494], %swap3A_497 {strides = array<i32>} : memref<64x1024xf32, #tpu.memory_space<vmem>>, vector<1x16xf32>,
      %add3A_498 = arith.constant 32 : i32
      %add3A_499 = arith.addi %add3A_498, %scan3A_288 : i32
      %swap3A_500 = arith.index_cast %add3A_499 : i32 to index
      %swap3A_501 = arith.constant 480 : index
      %swap3A_502 = tpu.vector_load %arg6[%swap3A_500, %swap3A_501] {strides = array<i32>} : memref<64x1024xf32, #tpu.memory_space<vmem>>, vector<1x16xf32>,
      %swap3A_503 = vector.shape_cast %swap3A_502 : vector<1x16xf32> to vector<16xf32>
      %swap3A_504 = vector.shape_cast %broadcast_in_dim3A_12 : vector<16xf32> to vector<1x16xf32>
      tpu.vector_store %arg6[%swap3A_500, %swap3A_501], %swap3A_504 {strides = array<i32>} : memref<64x1024xf32, #tpu.memory_space<vmem>>, vector<1x16xf32>,
      %add3A_505 = arith.constant 32 : i32
      %add3A_506 = arith.addi %add3A_505, %scan3A_288 : i32
      %swap3A_507 = arith.index_cast %add3A_506 : i32 to index
      %swap3A_508 = arith.constant 496 : index
      %swap3A_509 = tpu.vector_load %arg6[%swap3A_507, %swap3A_508] {strides = array<i32>} : memref<64x1024xf32, #tpu.memory_space<vmem>>, vector<1x16xf32>,
      %swap3A_510 = vector.shape_cast %swap3A_509 : vector<1x16xf32> to vector<16xf32>
      %swap3A_511 = vector.shape_cast %broadcast_in_dim3A_12 : vector<16xf32> to vector<1x16xf32>
      tpu.vector_store %arg6[%swap3A_507, %swap3A_508], %swap3A_511 {strides = array<i32>} : memref<64x1024xf32, #tpu.memory_space<vmem>>, vector<1x16xf32>,
      %add3A_512 = arith.constant 32 : i32
      %add3A_513 = arith.addi %add3A_512, %scan3A_288 : i32
      %swap3A_514 = arith.index_cast %add3A_513 : i32 to index
      %swap3A_515 = arith.constant 512 : index
      %swap3A_516 = tpu.vector_load %arg6[%swap3A_514, %swap3A_515] {strides = array<i32>} : memref<64x1024xf32, #tpu.memory_space<vmem>>, vector<1x16xf32>,
      %swap3A_517 = vector.shape_cast %swap3A_516 : vector<1x16xf32> to vector<16xf32>
      %swap3A_518 = vector.shape_cast %broadcast_in_dim3A_12 : vector<16xf32> to vector<1x16xf32>
      tpu.vector_store %arg6[%swap3A_514, %swap3A_515], %swap3A_518 {strides = array<i32>} : memref<64x1024xf32, #tpu.memory_space<vmem>>, vector<1x16xf32>,
      %add3A_519 = arith.constant 32 : i32
      %add3A_520 = arith.addi %add3A_519, %scan3A_288 : i32
      %swap3A_521 = arith.index_cast %add3A_520 : i32 to index
      %swap3A_522 = arith.constant 528 : index
      %swap3A_523 = tpu.vector_load %arg6[%swap3A_521, %swap3A_522] {strides = array<i32>} : memref<64x1024xf32, #tpu.memory_space<vmem>>, vector<1x16xf32>,
      %swap3A_524 = vector.shape_cast %swap3A_523 : vector<1x16xf32> to vector<16xf32>
      %swap3A_525 = vector.shape_cast %broadcast_in_dim3A_12 : vector<16xf32> to vector<1x16xf32>
      tpu.vector_store %arg6[%swap3A_521, %swap3A_522], %swap3A_525 {strides = array<i32>} : memref<64x1024xf32, #tpu.memory_space<vmem>>, vector<1x16xf32>,
      %add3A_526 = arith.constant 32 : i32
      %add3A_527 = arith.addi %add3A_526, %scan3A_288 : i32
      %swap3A_528 = arith.index_cast %add3A_527 : i32 to index
      %swap3A_529 = arith.constant 544 : index
      %swap3A_530 = tpu.vector_load %arg6[%swap3A_528, %swap3A_529] {strides = array<i32>} : memref<64x1024xf32, #tpu.memory_space<vmem>>, vector<1x16xf32>,
      %swap3A_531 = vector.shape_cast %swap3A_530 : vector<1x16xf32> to vector<16xf32>
      %swap3A_532 = vector.shape_cast %broadcast_in_dim3A_12 : vector<16xf32> to vector<1x16xf32>
      tpu.vector_store %arg6[%swap3A_528, %swap3A_529], %swap3A_532 {strides = array<i32>} : memref<64x1024xf32, #tpu.memory_space<vmem>>, vector<1x16xf32>,
      %add3A_533 = arith.constant 32 : i32
      %add3A_534 = arith.addi %add3A_533, %scan3A_288 : i32
      %swap3A_535 = arith.index_cast %add3A_534 : i32 to index
      %swap3A_536 = arith.constant 560 : index
      %swap3A_537 = tpu.vector_load %arg6[%swap3A_535, %swap3A_536] {strides = array<i32>} : memref<64x1024xf32, #tpu.memory_space<vmem>>, vector<1x16xf32>,
      %swap3A_538 = vector.shape_cast %swap3A_537 : vector<1x16xf32> to vector<16xf32>
      %swap3A_539 = vector.shape_cast %broadcast_in_dim3A_12 : vector<16xf32> to vector<1x16xf32>
      tpu.vector_store %arg6[%swap3A_535, %swap3A_536], %swap3A_539 {strides = array<i32>} : memref<64x1024xf32, #tpu.memory_space<vmem>>, vector<1x16xf32>,
      %add3A_540 = arith.constant 32 : i32
      %add3A_541 = arith.addi %add3A_540, %scan3A_288 : i32
      %swap3A_542 = arith.index_cast %add3A_541 : i32 to index
      %swap3A_543 = arith.constant 576 : index
      %swap3A_544 = tpu.vector_load %arg6[%swap3A_542, %swap3A_543] {strides = array<i32>} : memref<64x1024xf32, #tpu.memory_space<vmem>>, vector<1x16xf32>,
      %swap3A_545 = vector.shape_cast %swap3A_544 : vector<1x16xf32> to vector<16xf32>
      %swap3A_546 = vector.shape_cast %broadcast_in_dim3A_12 : vector<16xf32> to vector<1x16xf32>
      tpu.vector_store %arg6[%swap3A_542, %swap3A_543], %swap3A_546 {strides = array<i32>} : memref<64x1024xf32, #tpu.memory_space<vmem>>, vector<1x16xf32>,
      %add3A_547 = arith.constant 32 : i32
      %add3A_548 = arith.addi %add3A_547, %scan3A_288 : i32
      %swap3A_549 = arith.index_cast %add3A_548 : i32 to index
      %swap3A_550 = arith.constant 592 : index
      %swap3A_551 = tpu.vector_load %arg6[%swap3A_549, %swap3A_550] {strides = array<i32>} : memref<64x1024xf32, #tpu.memory_space<vmem>>, vector<1x16xf32>,
      %swap3A_552 = vector.shape_cast %swap3A_551 : vector<1x16xf32> to vector<16xf32>
      %swap3A_553 = vector.shape_cast %broadcast_in_dim3A_12 : vector<16xf32> to vector<1x16xf32>
      tpu.vector_store %arg6[%swap3A_549, %swap3A_550], %swap3A_553 {strides = array<i32>} : memref<64x1024xf32, #tpu.memory_space<vmem>>, vector<1x16xf32>,
      %add3A_554 = arith.constant 32 : i32
      %add3A_555 = arith.addi %add3A_554, %scan3A_288 : i32
      %swap3A_556 = arith.index_cast %add3A_555 : i32 to index
      %swap3A_557 = arith.constant 608 : index
      %swap3A_558 = tpu.vector_load %arg6[%swap3A_556, %swap3A_557] {strides = array<i32>} : memref<64x1024xf32, #tpu.memory_space<vmem>>, vector<1x16xf32>,
      %swap3A_559 = vector.shape_cast %swap3A_558 : vector<1x16xf32> to vector<16xf32>
      %swap3A_560 = vector.shape_cast %broadcast_in_dim3A_12 : vector<16xf32> to vector<1x16xf32>
      tpu.vector_store %arg6[%swap3A_556, %swap3A_557], %swap3A_560 {strides = array<i32>} : memref<64x1024xf32, #tpu.memory_space<vmem>>, vector<1x16xf32>,
      %add3A_561 = arith.constant 32 : i32
      %add3A_562 = arith.addi %add3A_561, %scan3A_288 : i32
      %swap3A_563 = arith.index_cast %add3A_562 : i32 to index
      %swap3A_564 = arith.constant 624 : index
      %swap3A_565 = tpu.vector_load %arg6[%swap3A_563, %swap3A_564] {strides = array<i32>} : memref<64x1024xf32, #tpu.memory_space<vmem>>, vector<1x16xf32>,
      %swap3A_566 = vector.shape_cast %swap3A_565 : vector<1x16xf32> to vector<16xf32>
      %swap3A_567 = vector.shape_cast %broadcast_in_dim3A_12 : vector<16xf32> to vector<1x16xf32>
      tpu.vector_store %arg6[%swap3A_563, %swap3A_564], %swap3A_567 {strides = array<i32>} : memref<64x1024xf32, #tpu.memory_space<vmem>>, vector<1x16xf32>,
      %add3A_568 = arith.constant 32 : i32
      %add3A_569 = arith.addi %add3A_568, %scan3A_288 : i32
      %swap3A_570 = arith.index_cast %add3A_569 : i32 to index
      %swap3A_571 = arith.constant 640 : index
      %swap3A_572 = tpu.vector_load %arg6[%swap3A_570, %swap3A_571] {strides = array<i32>} : memref<64x1024xf32, #tpu.memory_space<vmem>>, vector<1x16xf32>,
      %swap3A_573 = vector.shape_cast %swap3A_572 : vector<1x16xf32> to vector<16xf32>
      %swap3A_574 = vector.shape_cast %broadcast_in_dim3A_12 : vector<16xf32> to vector<1x16xf32>
      tpu.vector_store %arg6[%swap3A_570, %swap3A_571], %swap3A_574 {strides = array<i32>} : memref<64x1024xf32, #tpu.memory_space<vmem>>, vector<1x16xf32>,
      %add3A_575 = arith.constant 32 : i32
      %add3A_576 = arith.addi %add3A_575, %scan3A_288 : i32
      %swap3A_577 = arith.index_cast %add3A_576 : i32 to index
      %swap3A_578 = arith.constant 656 : index
      %swap3A_579 = tpu.vector_load %arg6[%swap3A_577, %swap3A_578] {strides = array<i32>} : memref<64x1024xf32, #tpu.memory_space<vmem>>, vector<1x16xf32>,
      %swap3A_580 = vector.shape_cast %swap3A_579 : vector<1x16xf32> to vector<16xf32>
      %swap3A_581 = vector.shape_cast %broadcast_in_dim3A_12 : vector<16xf32> to vector<1x16xf32>
      tpu.vector_store %arg6[%swap3A_577, %swap3A_578], %swap3A_581 {strides = array<i32>} : memref<64x1024xf32, #tpu.memory_space<vmem>>, vector<1x16xf32>,
      %add3A_582 = arith.constant 32 : i32
      %add3A_583 = arith.addi %add3A_582, %scan3A_288 : i32
      %swap3A_584 = arith.index_cast %add3A_583 : i32 to index
      %swap3A_585 = arith.constant 672 : index
      %swap3A_586 = tpu.vector_load %arg6[%swap3A_584, %swap3A_585] {strides = array<i32>} : memref<64x1024xf32, #tpu.memory_space<vmem>>, vector<1x16xf32>,
      %swap3A_587 = vector.shape_cast %swap3A_586 : vector<1x16xf32> to vector<16xf32>
      %swap3A_588 = vector.shape_cast %broadcast_in_dim3A_12 : vector<16xf32> to vector<1x16xf32>
      tpu.vector_store %arg6[%swap3A_584, %swap3A_585], %swap3A_588 {strides = array<i32>} : memref<64x1024xf32, #tpu.memory_space<vmem>>, vector<1x16xf32>,
      %add3A_589 = arith.constant 32 : i32
      %add3A_590 = arith.addi %add3A_589, %scan3A_288 : i32
      %swap3A_591 = arith.index_cast %add3A_590 : i32 to index
      %swap3A_592 = arith.constant 688 : index
      %swap3A_593 = tpu.vector_load %arg6[%swap3A_591, %swap3A_592] {strides = array<i32>} : memref<64x1024xf32, #tpu.memory_space<vmem>>, vector<1x16xf32>,
      %swap3A_594 = vector.shape_cast %swap3A_593 : vector<1x16xf32> to vector<16xf32>
      %swap3A_595 = vector.shape_cast %broadcast_in_dim3A_12 : vector<16xf32> to vector<1x16xf32>
      tpu.vector_store %arg6[%swap3A_591, %swap3A_592], %swap3A_595 {strides = array<i32>} : memref<64x1024xf32, #tpu.memory_space<vmem>>, vector<1x16xf32>,
      %add3A_596 = arith.constant 32 : i32
      %add3A_597 = arith.addi %add3A_596, %scan3A_288 : i32
      %swap3A_598 = arith.index_cast %add3A_597 : i32 to index
      %swap3A_599 = arith.constant 704 : index
      %swap3A_600 = tpu.vector_load %arg6[%swap3A_598, %swap3A_599] {strides = array<i32>} : memref<64x1024xf32, #tpu.memory_space<vmem>>, vector<1x16xf32>,
      %swap3A_601 = vector.shape_cast %swap3A_600 : vector<1x16xf32> to vector<16xf32>
      %swap3A_602 = vector.shape_cast %broadcast_in_dim3A_12 : vector<16xf32> to vector<1x16xf32>
      tpu.vector_store %arg6[%swap3A_598, %swap3A_599], %swap3A_602 {strides = array<i32>} : memref<64x1024xf32, #tpu.memory_space<vmem>>, vector<1x16xf32>,
      %add3A_603 = arith.constant 32 : i32
      %add3A_604 = arith.addi %add3A_603, %scan3A_288 : i32
      %swap3A_605 = arith.index_cast %add3A_604 : i32 to index
      %swap3A_606 = arith.constant 720 : index
      %swap3A_607 = tpu.vector_load %arg6[%swap3A_605, %swap3A_606] {strides = array<i32>} : memref<64x1024xf32, #tpu.memory_space<vmem>>, vector<1x16xf32>,
      %swap3A_608 = vector.shape_cast %swap3A_607 : vector<1x16xf32> to vector<16xf32>
      %swap3A_609 = vector.shape_cast %broadcast_in_dim3A_12 : vector<16xf32> to vector<1x16xf32>
      tpu.vector_store %arg6[%swap3A_605, %swap3A_606], %swap3A_609 {strides = array<i32>} : memref<64x1024xf32, #tpu.memory_space<vmem>>, vector<1x16xf32>,
      %add3A_610 = arith.constant 32 : i32
      %add3A_611 = arith.addi %add3A_610, %scan3A_288 : i32
      %swap3A_612 = arith.index_cast %add3A_611 : i32 to index
      %swap3A_613 = arith.constant 736 : index
      %swap3A_614 = tpu.vector_load %arg6[%swap3A_612, %swap3A_613] {strides = array<i32>} : memref<64x1024xf32, #tpu.memory_space<vmem>>, vector<1x16xf32>,
      %swap3A_615 = vector.shape_cast %swap3A_614 : vector<1x16xf32> to vector<16xf32>
      %swap3A_616 = vector.shape_cast %broadcast_in_dim3A_12 : vector<16xf32> to vector<1x16xf32>
      tpu.vector_store %arg6[%swap3A_612, %swap3A_613], %swap3A_616 {strides = array<i32>} : memref<64x1024xf32, #tpu.memory_space<vmem>>, vector<1x16xf32>,
      %add3A_617 = arith.constant 32 : i32
      %add3A_618 = arith.addi %add3A_617, %scan3A_288 : i32
      %swap3A_619 = arith.index_cast %add3A_618 : i32 to index
      %swap3A_620 = arith.constant 752 : index
      %swap3A_621 = tpu.vector_load %arg6[%swap3A_619, %swap3A_620] {strides = array<i32>} : memref<64x1024xf32, #tpu.memory_space<vmem>>, vector<1x16xf32>,
      %swap3A_622 = vector.shape_cast %swap3A_621 : vector<1x16xf32> to vector<16xf32>
      %swap3A_623 = vector.shape_cast %broadcast_in_dim3A_12 : vector<16xf32> to vector<1x16xf32>
      tpu.vector_store %arg6[%swap3A_619, %swap3A_620], %swap3A_623 {strides = array<i32>} : memref<64x1024xf32, #tpu.memory_space<vmem>>, vector<1x16xf32>,
      %add3A_624 = arith.constant 32 : i32
      %add3A_625 = arith.addi %add3A_624, %scan3A_288 : i32
      %swap3A_626 = arith.index_cast %add3A_625 : i32 to index
      %swap3A_627 = arith.constant 768 : index
      %swap3A_628 = tpu.vector_load %arg6[%swap3A_626, %swap3A_627] {strides = array<i32>} : memref<64x1024xf32, #tpu.memory_space<vmem>>, vector<1x16xf32>,
      %swap3A_629 = vector.shape_cast %swap3A_628 : vector<1x16xf32> to vector<16xf32>
      %swap3A_630 = vector.shape_cast %broadcast_in_dim3A_12 : vector<16xf32> to vector<1x16xf32>
      tpu.vector_store %arg6[%swap3A_626, %swap3A_627], %swap3A_630 {strides = array<i32>} : memref<64x1024xf32, #tpu.memory_space<vmem>>, vector<1x16xf32>,
      %add3A_631 = arith.constant 32 : i32
      %add3A_632 = arith.addi %add3A_631, %scan3A_288 : i32
      %swap3A_633 = arith.index_cast %add3A_632 : i32 to index
      %swap3A_634 = arith.constant 784 : index
      %swap3A_635 = tpu.vector_load %arg6[%swap3A_633, %swap3A_634] {strides = array<i32>} : memref<64x1024xf32, #tpu.memory_space<vmem>>, vector<1x16xf32>,
      %swap3A_636 = vector.shape_cast %swap3A_635 : vector<1x16xf32> to vector<16xf32>
      %swap3A_637 = vector.shape_cast %broadcast_in_dim3A_12 : vector<16xf32> to vector<1x16xf32>
      tpu.vector_store %arg6[%swap3A_633, %swap3A_634], %swap3A_637 {strides = array<i32>} : memref<64x1024xf32, #tpu.memory_space<vmem>>, vector<1x16xf32>,
      %add3A_638 = arith.constant 32 : i32
      %add3A_639 = arith.addi %add3A_638, %scan3A_288 : i32
      %swap3A_640 = arith.index_cast %add3A_639 : i32 to index
      %swap3A_641 = arith.constant 800 : index
      %swap3A_642 = tpu.vector_load %arg6[%swap3A_640, %swap3A_641] {strides = array<i32>} : memref<64x1024xf32, #tpu.memory_space<vmem>>, vector<1x16xf32>,
      %swap3A_643 = vector.shape_cast %swap3A_642 : vector<1x16xf32> to vector<16xf32>
      %swap3A_644 = vector.shape_cast %broadcast_in_dim3A_12 : vector<16xf32> to vector<1x16xf32>
      tpu.vector_store %arg6[%swap3A_640, %swap3A_641], %swap3A_644 {strides = array<i32>} : memref<64x1024xf32, #tpu.memory_space<vmem>>, vector<1x16xf32>,
      %add3A_645 = arith.constant 32 : i32
      %add3A_646 = arith.addi %add3A_645, %scan3A_288 : i32
      %swap3A_647 = arith.index_cast %add3A_646 : i32 to index
      %swap3A_648 = arith.constant 816 : index
      %swap3A_649 = tpu.vector_load %arg6[%swap3A_647, %swap3A_648] {strides = array<i32>} : memref<64x1024xf32, #tpu.memory_space<vmem>>, vector<1x16xf32>,
      %swap3A_650 = vector.shape_cast %swap3A_649 : vector<1x16xf32> to vector<16xf32>
      %swap3A_651 = vector.shape_cast %broadcast_in_dim3A_12 : vector<16xf32> to vector<1x16xf32>
      tpu.vector_store %arg6[%swap3A_647, %swap3A_648], %swap3A_651 {strides = array<i32>} : memref<64x1024xf32, #tpu.memory_space<vmem>>, vector<1x16xf32>,
      %add3A_652 = arith.constant 32 : i32
      %add3A_653 = arith.addi %add3A_652, %scan3A_288 : i32
      %swap3A_654 = arith.index_cast %add3A_653 : i32 to index
      %swap3A_655 = arith.constant 832 : index
      %swap3A_656 = tpu.vector_load %arg6[%swap3A_654, %swap3A_655] {strides = array<i32>} : memref<64x1024xf32, #tpu.memory_space<vmem>>, vector<1x16xf32>,
      %swap3A_657 = vector.shape_cast %swap3A_656 : vector<1x16xf32> to vector<16xf32>
      %swap3A_658 = vector.shape_cast %broadcast_in_dim3A_12 : vector<16xf32> to vector<1x16xf32>
      tpu.vector_store %arg6[%swap3A_654, %swap3A_655], %swap3A_658 {strides = array<i32>} : memref<64x1024xf32, #tpu.memory_space<vmem>>, vector<1x16xf32>,
      %add3A_659 = arith.constant 32 : i32
      %add3A_660 = arith.addi %add3A_659, %scan3A_288 : i32
      %swap3A_661 = arith.index_cast %add3A_660 : i32 to index
      %swap3A_662 = arith.constant 848 : index
      %swap3A_663 = tpu.vector_load %arg6[%swap3A_661, %swap3A_662] {strides = array<i32>} : memref<64x1024xf32, #tpu.memory_space<vmem>>, vector<1x16xf32>,
      %swap3A_664 = vector.shape_cast %swap3A_663 : vector<1x16xf32> to vector<16xf32>
      %swap3A_665 = vector.shape_cast %broadcast_in_dim3A_12 : vector<16xf32> to vector<1x16xf32>
      tpu.vector_store %arg6[%swap3A_661, %swap3A_662], %swap3A_665 {strides = array<i32>} : memref<64x1024xf32, #tpu.memory_space<vmem>>, vector<1x16xf32>,
      %add3A_666 = arith.constant 32 : i32
      %add3A_667 = arith.addi %add3A_666, %scan3A_288 : i32
      %swap3A_668 = arith.index_cast %add3A_667 : i32 to index
      %swap3A_669 = arith.constant 864 : index
      %swap3A_670 = tpu.vector_load %arg6[%swap3A_668, %swap3A_669] {strides = array<i32>} : memref<64x1024xf32, #tpu.memory_space<vmem>>, vector<1x16xf32>,
      %swap3A_671 = vector.shape_cast %swap3A_670 : vector<1x16xf32> to vector<16xf32>
      %swap3A_672 = vector.shape_cast %broadcast_in_dim3A_12 : vector<16xf32> to vector<1x16xf32>
      tpu.vector_store %arg6[%swap3A_668, %swap3A_669], %swap3A_672 {strides = array<i32>} : memref<64x1024xf32, #tpu.memory_space<vmem>>, vector<1x16xf32>,
      %add3A_673 = arith.constant 32 : i32
      %add3A_674 = arith.addi %add3A_673, %scan3A_288 : i32
      %swap3A_675 = arith.index_cast %add3A_674 : i32 to index
      %swap3A_676 = arith.constant 880 : index
      %swap3A_677 = tpu.vector_load %arg6[%swap3A_675, %swap3A_676] {strides = array<i32>} : memref<64x1024xf32, #tpu.memory_space<vmem>>, vector<1x16xf32>,
      %swap3A_678 = vector.shape_cast %swap3A_677 : vector<1x16xf32> to vector<16xf32>
      %swap3A_679 = vector.shape_cast %broadcast_in_dim3A_12 : vector<16xf32> to vector<1x16xf32>
      tpu.vector_store %arg6[%swap3A_675, %swap3A_676], %swap3A_679 {strides = array<i32>} : memref<64x1024xf32, #tpu.memory_space<vmem>>, vector<1x16xf32>,
      %add3A_680 = arith.constant 32 : i32
      %add3A_681 = arith.addi %add3A_680, %scan3A_288 : i32
      %swap3A_682 = arith.index_cast %add3A_681 : i32 to index
      %swap3A_683 = arith.constant 896 : index
      %swap3A_684 = tpu.vector_load %arg6[%swap3A_682, %swap3A_683] {strides = array<i32>} : memref<64x1024xf32, #tpu.memory_space<vmem>>, vector<1x16xf32>,
      %swap3A_685 = vector.shape_cast %swap3A_684 : vector<1x16xf32> to vector<16xf32>
      %swap3A_686 = vector.shape_cast %broadcast_in_dim3A_12 : vector<16xf32> to vector<1x16xf32>
      tpu.vector_store %arg6[%swap3A_682, %swap3A_683], %swap3A_686 {strides = array<i32>} : memref<64x1024xf32, #tpu.memory_space<vmem>>, vector<1x16xf32>,
      %add3A_687 = arith.constant 32 : i32
      %add3A_688 = arith.addi %add3A_687, %scan3A_288 : i32
      %swap3A_689 = arith.index_cast %add3A_688 : i32 to index
      %swap3A_690 = arith.constant 912 : index
      %swap3A_691 = tpu.vector_load %arg6[%swap3A_689, %swap3A_690] {strides = array<i32>} : memref<64x1024xf32, #tpu.memory_space<vmem>>, vector<1x16xf32>,
      %swap3A_692 = vector.shape_cast %swap3A_691 : vector<1x16xf32> to vector<16xf32>
      %swap3A_693 = vector.shape_cast %broadcast_in_dim3A_12 : vector<16xf32> to vector<1x16xf32>
      tpu.vector_store %arg6[%swap3A_689, %swap3A_690], %swap3A_693 {strides = array<i32>} : memref<64x1024xf32, #tpu.memory_space<vmem>>, vector<1x16xf32>,
      %add3A_694 = arith.constant 32 : i32
      %add3A_695 = arith.addi %add3A_694, %scan3A_288 : i32
      %swap3A_696 = arith.index_cast %add3A_695 : i32 to index
      %swap3A_697 = arith.constant 928 : index
      %swap3A_698 = tpu.vector_load %arg6[%swap3A_696, %swap3A_697] {strides = array<i32>} : memref<64x1024xf32, #tpu.memory_space<vmem>>, vector<1x16xf32>,
      %swap3A_699 = vector.shape_cast %swap3A_698 : vector<1x16xf32> to vector<16xf32>
      %swap3A_700 = vector.shape_cast %broadcast_in_dim3A_12 : vector<16xf32> to vector<1x16xf32>
      tpu.vector_store %arg6[%swap3A_696, %swap3A_697], %swap3A_700 {strides = array<i32>} : memref<64x1024xf32, #tpu.memory_space<vmem>>, vector<1x16xf32>,
      %add3A_701 = arith.constant 32 : i32
      %add3A_702 = arith.addi %add3A_701, %scan3A_288 : i32
      %swap3A_703 = arith.index_cast %add3A_702 : i32 to index
      %swap3A_704 = arith.constant 944 : index
      %swap3A_705 = tpu.vector_load %arg6[%swap3A_703, %swap3A_704] {strides = array<i32>} : memref<64x1024xf32, #tpu.memory_space<vmem>>, vector<1x16xf32>,
      %swap3A_706 = vector.shape_cast %swap3A_705 : vector<1x16xf32> to vector<16xf32>
      %swap3A_707 = vector.shape_cast %broadcast_in_dim3A_12 : vector<16xf32> to vector<1x16xf32>
      tpu.vector_store %arg6[%swap3A_703, %swap3A_704], %swap3A_707 {strides = array<i32>} : memref<64x1024xf32, #tpu.memory_space<vmem>>, vector<1x16xf32>,
      %add3A_708 = arith.constant 32 : i32
      %add3A_709 = arith.addi %add3A_708, %scan3A_288 : i32
      %swap3A_710 = arith.index_cast %add3A_709 : i32 to index
      %swap3A_711 = arith.constant 960 : index
      %swap3A_712 = tpu.vector_load %arg6[%swap3A_710, %swap3A_711] {strides = array<i32>} : memref<64x1024xf32, #tpu.memory_space<vmem>>, vector<1x16xf32>,
      %swap3A_713 = vector.shape_cast %swap3A_712 : vector<1x16xf32> to vector<16xf32>
      %swap3A_714 = vector.shape_cast %broadcast_in_dim3A_12 : vector<16xf32> to vector<1x16xf32>
      tpu.vector_store %arg6[%swap3A_710, %swap3A_711], %swap3A_714 {strides = array<i32>} : memref<64x1024xf32, #tpu.memory_space<vmem>>, vector<1x16xf32>,
      %add3A_715 = arith.constant 32 : i32
      %add3A_716 = arith.addi %add3A_715, %scan3A_288 : i32
      %swap3A_717 = arith.index_cast %add3A_716 : i32 to index
      %swap3A_718 = arith.constant 976 : index
      %swap3A_719 = tpu.vector_load %arg6[%swap3A_717, %swap3A_718] {strides = array<i32>} : memref<64x1024xf32, #tpu.memory_space<vmem>>, vector<1x16xf32>,
      %swap3A_720 = vector.shape_cast %swap3A_719 : vector<1x16xf32> to vector<16xf32>
      %swap3A_721 = vector.shape_cast %broadcast_in_dim3A_12 : vector<16xf32> to vector<1x16xf32>
      tpu.vector_store %arg6[%swap3A_717, %swap3A_718], %swap3A_721 {strides = array<i32>} : memref<64x1024xf32, #tpu.memory_space<vmem>>, vector<1x16xf32>,
      %add3A_722 = arith.constant 32 : i32
      %add3A_723 = arith.addi %add3A_722, %scan3A_288 : i32
      %swap3A_724 = arith.index_cast %add3A_723 : i32 to index
      %swap3A_725 = arith.constant 992 : index
      %swap3A_726 = tpu.vector_load %arg6[%swap3A_724, %swap3A_725] {strides = array<i32>} : memref<64x1024xf32, #tpu.memory_space<vmem>>, vector<1x16xf32>,
      %swap3A_727 = vector.shape_cast %swap3A_726 : vector<1x16xf32> to vector<16xf32>
      %swap3A_728 = vector.shape_cast %broadcast_in_dim3A_12 : vector<16xf32> to vector<1x16xf32>
      tpu.vector_store %arg6[%swap3A_724, %swap3A_725], %swap3A_728 {strides = array<i32>} : memref<64x1024xf32, #tpu.memory_space<vmem>>, vector<1x16xf32>,
      %add3A_729 = arith.constant 32 : i32
      %add3A_730 = arith.addi %add3A_729, %scan3A_288 : i32
      %swap3A_731 = arith.index_cast %add3A_730 : i32 to index
      %swap3A_732 = arith.constant 1008 : index
      %swap3A_733 = tpu.vector_load %arg6[%swap3A_731, %swap3A_732] {strides = array<i32>} : memref<64x1024xf32, #tpu.memory_space<vmem>>, vector<1x16xf32>,
      %swap3A_734 = vector.shape_cast %swap3A_733 : vector<1x16xf32> to vector<16xf32>
      %swap3A_735 = vector.shape_cast %broadcast_in_dim3A_12 : vector<16xf32> to vector<1x16xf32>
      tpu.vector_store %arg6[%swap3A_731, %swap3A_732], %swap3A_735 {strides = array<i32>} : memref<64x1024xf32, #tpu.memory_space<vmem>>, vector<1x16xf32>,
    }
    %scan3A_22 = arith.constant 32 : i32
    %dma_wait3A = arith.constant 0 : i32
    %dma_wait3A_23 = arith.constant 0 : i32
    %dma_wait3A_24 = tpu.memref_slice %arg6[%dma_wait3A, %dma_wait3A_23] : memref<64x1024xf32, #tpu.memory_space<vmem>> -> memref<32x1024xf32, #tpu.memory_space<vmem>>
    %dma_wait3A_25 = arith.constant 0 : i32
    %dma_wait3A_26 = arith.constant 0 : i32
    %dma_wait3A_27 = tpu.memref_slice %arg6[%dma_wait3A_25, %dma_wait3A_26] : memref<64x1024xf32, #tpu.memory_space<vmem>> -> memref<32x1024xf32, #tpu.memory_space<vmem>>
    tpu.wait_dma2 semaphore(%arg7 : memref<!tpu.dma_semaphore, #tpu.memory_space<semaphore_mem>>) src(%arg3 : memref<32x1024xf32, #tpu.memory_space<hbm>>) dst(%dma_wait3A_27 : memref<32x1024xf32, #tpu.memory_space<vmem>>)
    %scan3A_28 = arith.constant 0 : i32
    %scan3A_29 = arith.constant 0 : i32
    %scan3A_30 = arith.constant 32 : i32
    %scan3A_31 = arith.addi %scan3A_29, %scan3A_30 : i32
    %scan3A_32 = arith.constant 1 : i32
    scf.for %scan3A_288 = %scan3A_29 to %scan3A_31 step %scan3A_32  : i32 {
      %add3A_289 = arith.constant 0 : i32
      %add3A_290 = arith.addi %add3A_289, %scan3A_288 : i32
      %add3A_291 = arith.addi %select_n3A_11, %add3A_290 : i32
      %sub3A = arith.constant 33 : i32
      %sub3A_292 = arith.subi %add3A_291, %sub3A : i32
      %jit3A_293 = arith.constant 16 : i32
      %div3A = arith.divsi %sub3A_292, %jit3A_293 : i32
      %sign3A = arith.constant 0 : i32
      %sign3A_294 = arith.cmpi sgt, %sub3A_292, %sign3A : i32
      %sign3A_295 = arith.extui %sign3A_294 : i1 to i32
      %sign3A_296 = arith.constant 0 : i32
      %sign3A_297 = arith.cmpi slt, %sub3A_292, %sign3A_296 : i32
      %sign3A_298 = arith.extui %sign3A_297 : i1 to i32
      %sign3A_299 = arith.subi %sign3A_295, %sign3A_298 : i32
      %sign3A_300 = arith.constant 0 : i32
      %sign3A_301 = arith.cmpi sgt, %jit3A_293, %sign3A_300 : i32
      %sign3A_302 = arith.extui %sign3A_301 : i1 to i32
      %sign3A_303 = arith.constant 0 : i32
      %sign3A_304 = arith.cmpi slt, %jit3A_293, %sign3A_303 : i32
      %sign3A_305 = arith.extui %sign3A_304 : i1 to i32
      %sign3A_306 = arith.subi %sign3A_302, %sign3A_305 : i32
      %ne3A_307 = arith.cmpi ne, %sign3A_299, %sign3A_306 : i32
      %rem3A_308 = arith.remsi %sub3A_292, %jit3A_293 : i32
      %ne3A_309 = arith.constant 0 : i32
      %ne3A_310 = arith.cmpi ne, %rem3A_308, %ne3A_309 : i32
      %and3A_311 = arith.andi %ne3A_307, %ne3A_310 : i1
      %sub3A_312 = arith.constant 1 : i32
      %sub3A_313 = arith.subi %div3A, %sub3A_312 : i32
      %select_n3A_314 = arith.select %and3A_311, %sub3A_313, %div3A : i32
      %mul3A_315 = arith.constant 16 : i32
      %mul3A_316 = arith.muli %select_n3A_314, %mul3A_315 : i32
      %max3A = arith.constant 0 : i32
      %max3A_317 = arith.maxsi %mul3A_316, %max3A : i32
      %min3A = arith.constant 896 : i32
      %min3A_318 = arith.minsi %max3A_317, %min3A : i32
      %multiple_of3A = tpu.assume_multiple %min3A_318, 16 : i32
      %get3A = arith.index_cast %add3A_290 : i32 to index
      %get3A_319 = arith.constant 0 : index
      %get3A_320 = tpu.vector_load %arg5[%get3A, %get3A_319] {strides = array<i32>} : memref<256x128xf32, #tpu.memory_space<vmem>>, vector<1x16xf32>,
      %get3A_321 = vector.shape_cast %get3A_320 : vector<1x16xf32> to vector<16xf32>
      %add3A_322 = arith.constant 0 : i32
      %add3A_323 = arith.addi %add3A_322, %scan3A_288 : i32
      %add3A_324 = arith.constant 0 : i32
      %add3A_325 = arith.addi %multiple_of3A, %add3A_324 : i32
      %swap3A = arith.index_cast %add3A_323 : i32 to index
      %swap3A_326 = arith.index_cast %add3A_325 : i32 to index
      %swap3A_327 = tpu.vector_load %arg6[%swap3A, %swap3A_326] {strides = array<i32>} : memref<64x1024xf32, #tpu.memory_space<vmem>>, vector<1x16xf32>,
      %swap3A_328 = vector.shape_cast %swap3A_327 : vector<1x16xf32> to vector<16xf32>
      %swap3A_329 = vector.shape_cast %get3A_321 : vector<16xf32> to vector<1x16xf32>
      tpu.vector_store %arg6[%swap3A, %swap3A_326], %swap3A_329 {strides = array<i32>} : memref<64x1024xf32, #tpu.memory_space<vmem>>, vector<1x16xf32>,
      %get3A_330 = arith.index_cast %add3A_290 : i32 to index
      %get3A_331 = arith.constant 16 : index
      %get3A_332 = tpu.vector_load %arg5[%get3A_330, %get3A_331] {strides = array<i32>} : memref<256x128xf32, #tpu.memory_space<vmem>>, vector<1x16xf32>,
      %get3A_333 = vector.shape_cast %get3A_332 : vector<1x16xf32> to vector<16xf32>
      %add3A_334 = arith.constant 0 : i32
      %add3A_335 = arith.addi %add3A_334, %scan3A_288 : i32
      %add3A_336 = arith.constant 16 : i32
      %add3A_337 = arith.addi %multiple_of3A, %add3A_336 : i32
      %swap3A_338 = arith.index_cast %add3A_335 : i32 to index
      %swap3A_339 = arith.index_cast %add3A_337 : i32 to index
      %swap3A_340 = tpu.vector_load %arg6[%swap3A_338, %swap3A_339] {strides = array<i32>} : memref<64x1024xf32, #tpu.memory_space<vmem>>, vector<1x16xf32>,
      %swap3A_341 = vector.shape_cast %swap3A_340 : vector<1x16xf32> to vector<16xf32>
      %swap3A_342 = vector.shape_cast %get3A_333 : vector<16xf32> to vector<1x16xf32>
      tpu.vector_store %arg6[%swap3A_338, %swap3A_339], %swap3A_342 {strides = array<i32>} : memref<64x1024xf32, #tpu.memory_space<vmem>>, vector<1x16xf32>,
      %get3A_343 = arith.index_cast %add3A_290 : i32 to index
      %get3A_344 = arith.constant 32 : index
      %get3A_345 = tpu.vector_load %arg5[%get3A_343, %get3A_344] {strides = array<i32>} : memref<256x128xf32, #tpu.memory_space<vmem>>, vector<1x16xf32>,
      %get3A_346 = vector.shape_cast %get3A_345 : vector<1x16xf32> to vector<16xf32>
      %add3A_347 = arith.constant 0 : i32
      %add3A_348 = arith.addi %add3A_347, %scan3A_288 : i32
      %add3A_349 = arith.constant 32 : i32
      %add3A_350 = arith.addi %multiple_of3A, %add3A_349 : i32
      %swap3A_351 = arith.index_cast %add3A_348 : i32 to index
      %swap3A_352 = arith.index_cast %add3A_350 : i32 to index
      %swap3A_353 = tpu.vector_load %arg6[%swap3A_351, %swap3A_352] {strides = array<i32>} : memref<64x1024xf32, #tpu.memory_space<vmem>>, vector<1x16xf32>,
      %swap3A_354 = vector.shape_cast %swap3A_353 : vector<1x16xf32> to vector<16xf32>
      %swap3A_355 = vector.shape_cast %get3A_346 : vector<16xf32> to vector<1x16xf32>
      tpu.vector_store %arg6[%swap3A_351, %swap3A_352], %swap3A_355 {strides = array<i32>} : memref<64x1024xf32, #tpu.memory_space<vmem>>, vector<1x16xf32>,
      %get3A_356 = arith.index_cast %add3A_290 : i32 to index
      %get3A_357 = arith.constant 48 : index
      %get3A_358 = tpu.vector_load %arg5[%get3A_356, %get3A_357] {strides = array<i32>} : memref<256x128xf32, #tpu.memory_space<vmem>>, vector<1x16xf32>,
      %get3A_359 = vector.shape_cast %get3A_358 : vector<1x16xf32> to vector<16xf32>
      %add3A_360 = arith.constant 0 : i32
      %add3A_361 = arith.addi %add3A_360, %scan3A_288 : i32
      %add3A_362 = arith.constant 48 : i32
      %add3A_363 = arith.addi %multiple_of3A, %add3A_362 : i32
      %swap3A_364 = arith.index_cast %add3A_361 : i32 to index
      %swap3A_365 = arith.index_cast %add3A_363 : i32 to index
      %swap3A_366 = tpu.vector_load %arg6[%swap3A_364, %swap3A_365] {strides = array<i32>} : memref<64x1024xf32, #tpu.memory_space<vmem>>, vector<1x16xf32>,
      %swap3A_367 = vector.shape_cast %swap3A_366 : vector<1x16xf32> to vector<16xf32>
      %swap3A_368 = vector.shape_cast %get3A_359 : vector<16xf32> to vector<1x16xf32>
      tpu.vector_store %arg6[%swap3A_364, %swap3A_365], %swap3A_368 {strides = array<i32>} : memref<64x1024xf32, #tpu.memory_space<vmem>>, vector<1x16xf32>,
      %get3A_369 = arith.index_cast %add3A_290 : i32 to index
      %get3A_370 = arith.constant 64 : index
      %get3A_371 = tpu.vector_load %arg5[%get3A_369, %get3A_370] {strides = array<i32>} : memref<256x128xf32, #tpu.memory_space<vmem>>, vector<1x16xf32>,
      %get3A_372 = vector.shape_cast %get3A_371 : vector<1x16xf32> to vector<16xf32>
      %add3A_373 = arith.constant 0 : i32
      %add3A_374 = arith.addi %add3A_373, %scan3A_288 : i32
      %add3A_375 = arith.constant 64 : i32
      %add3A_376 = arith.addi %multiple_of3A, %add3A_375 : i32
      %swap3A_377 = arith.index_cast %add3A_374 : i32 to index
      %swap3A_378 = arith.index_cast %add3A_376 : i32 to index
      %swap3A_379 = tpu.vector_load %arg6[%swap3A_377, %swap3A_378] {strides = array<i32>} : memref<64x1024xf32, #tpu.memory_space<vmem>>, vector<1x16xf32>,
      %swap3A_380 = vector.shape_cast %swap3A_379 : vector<1x16xf32> to vector<16xf32>
      %swap3A_381 = vector.shape_cast %get3A_372 : vector<16xf32> to vector<1x16xf32>
      tpu.vector_store %arg6[%swap3A_377, %swap3A_378], %swap3A_381 {strides = array<i32>} : memref<64x1024xf32, #tpu.memory_space<vmem>>, vector<1x16xf32>,
      %get3A_382 = arith.index_cast %add3A_290 : i32 to index
      %get3A_383 = arith.constant 80 : index
      %get3A_384 = tpu.vector_load %arg5[%get3A_382, %get3A_383] {strides = array<i32>} : memref<256x128xf32, #tpu.memory_space<vmem>>, vector<1x16xf32>,
      %get3A_385 = vector.shape_cast %get3A_384 : vector<1x16xf32> to vector<16xf32>
      %add3A_386 = arith.constant 0 : i32
      %add3A_387 = arith.addi %add3A_386, %scan3A_288 : i32
      %add3A_388 = arith.constant 80 : i32
      %add3A_389 = arith.addi %multiple_of3A, %add3A_388 : i32
      %swap3A_390 = arith.index_cast %add3A_387 : i32 to index
      %swap3A_391 = arith.index_cast %add3A_389 : i32 to index
      %swap3A_392 = tpu.vector_load %arg6[%swap3A_390, %swap3A_391] {strides = array<i32>} : memref<64x1024xf32, #tpu.memory_space<vmem>>, vector<1x16xf32>,
      %swap3A_393 = vector.shape_cast %swap3A_392 : vector<1x16xf32> to vector<16xf32>
      %swap3A_394 = vector.shape_cast %get3A_385 : vector<16xf32> to vector<1x16xf32>
      tpu.vector_store %arg6[%swap3A_390, %swap3A_391], %swap3A_394 {strides = array<i32>} : memref<64x1024xf32, #tpu.memory_space<vmem>>, vector<1x16xf32>,
      %get3A_395 = arith.index_cast %add3A_290 : i32 to index
      %get3A_396 = arith.constant 96 : index
      %get3A_397 = tpu.vector_load %arg5[%get3A_395, %get3A_396] {strides = array<i32>} : memref<256x128xf32, #tpu.memory_space<vmem>>, vector<1x16xf32>,
      %get3A_398 = vector.shape_cast %get3A_397 : vector<1x16xf32> to vector<16xf32>
      %add3A_399 = arith.constant 0 : i32
      %add3A_400 = arith.addi %add3A_399, %scan3A_288 : i32
      %add3A_401 = arith.constant 96 : i32
      %add3A_402 = arith.addi %multiple_of3A, %add3A_401 : i32
      %swap3A_403 = arith.index_cast %add3A_400 : i32 to index
      %swap3A_404 = arith.index_cast %add3A_402 : i32 to index
      %swap3A_405 = tpu.vector_load %arg6[%swap3A_403, %swap3A_404] {strides = array<i32>} : memref<64x1024xf32, #tpu.memory_space<vmem>>, vector<1x16xf32>,
      %swap3A_406 = vector.shape_cast %swap3A_405 : vector<1x16xf32> to vector<16xf32>
      %swap3A_407 = vector.shape_cast %get3A_398 : vector<16xf32> to vector<1x16xf32>
      tpu.vector_store %arg6[%swap3A_403, %swap3A_404], %swap3A_407 {strides = array<i32>} : memref<64x1024xf32, #tpu.memory_space<vmem>>, vector<1x16xf32>,
      %get3A_408 = arith.index_cast %add3A_290 : i32 to index
      %get3A_409 = arith.constant 112 : index
      %get3A_410 = tpu.vector_load %arg5[%get3A_408, %get3A_409] {strides = array<i32>} : memref<256x128xf32, #tpu.memory_space<vmem>>, vector<1x16xf32>,
      %get3A_411 = vector.shape_cast %get3A_410 : vector<1x16xf32> to vector<16xf32>
      %add3A_412 = arith.constant 0 : i32
      %add3A_413 = arith.addi %add3A_412, %scan3A_288 : i32
      %add3A_414 = arith.constant 112 : i32
      %add3A_415 = arith.addi %multiple_of3A, %add3A_414 : i32
      %swap3A_416 = arith.index_cast %add3A_413 : i32 to index
      %swap3A_417 = arith.index_cast %add3A_415 : i32 to index
      %swap3A_418 = tpu.vector_load %arg6[%swap3A_416, %swap3A_417] {strides = array<i32>} : memref<64x1024xf32, #tpu.memory_space<vmem>>, vector<1x16xf32>,
      %swap3A_419 = vector.shape_cast %swap3A_418 : vector<1x16xf32> to vector<16xf32>
      %swap3A_420 = vector.shape_cast %get3A_411 : vector<16xf32> to vector<1x16xf32>
      tpu.vector_store %arg6[%swap3A_416, %swap3A_417], %swap3A_420 {strides = array<i32>} : memref<64x1024xf32, #tpu.memory_space<vmem>>, vector<1x16xf32>,
    }
    %scan3A_33 = arith.constant 32 : i32
    %add3A_34 = arith.constant 0 : i32
    %add3A_35 = arith.addi %mul3A_2, %add3A_34 : i32
    %dma_start3A_36 = arith.constant 0 : i32
    %dma_start3A_37 = arith.constant 0 : i32
    %dma_start3A_38 = tpu.memref_slice %arg6[%dma_start3A_36, %dma_start3A_37] : memref<64x1024xf32, #tpu.memory_space<vmem>> -> memref<32x1024xf32, #tpu.memory_space<vmem>>
    %dma_start3A_39 = arith.constant 0 : i32
    %dma_start3A_40 = tpu.memref_slice %arg4[%add3A_35, %dma_start3A_39] : memref<8192x1024xf32, #tpu.memory_space<hbm>> -> memref<32x1024xf32, #tpu.memory_space<hbm>>
    %dma_start3A_41 = arith.constant 0 : i32
    %dma_start3A_42 = tpu.memref_slice %arg4[%add3A_35, %dma_start3A_41] : memref<8192x1024xf32, #tpu.memory_space<hbm>> -> memref<32x1024xf32, #tpu.memory_space<hbm>>
    %dma_start3A_43 = arith.constant 0 : i32
    %dma_start3A_44 = arith.constant 0 : i32
    %dma_start3A_45 = tpu.memref_slice %arg6[%dma_start3A_43, %dma_start3A_44] : memref<64x1024xf32, #tpu.memory_space<vmem>> -> memref<32x1024xf32, #tpu.memory_space<vmem>>
    tpu.enqueue_dma source(%dma_start3A_45 : memref<32x1024xf32, #tpu.memory_space<vmem>>) target(%dma_start3A_42 : memref<32x1024xf32, #tpu.memory_space<hbm>>) target_semaphore(%arg7 : memref<!tpu.dma_semaphore, #tpu.memory_space<semaphore_mem>>)
    %scan3A_46 = arith.constant 0 : i32
    %scan3A_47 = arith.constant 0 : i32
    %scan3A_48 = arith.constant 32 : i32
    %scan3A_49 = arith.addi %scan3A_47, %scan3A_48 : i32
    %scan3A_50 = arith.constant 1 : i32
    scf.for %scan3A_288 = %scan3A_47 to %scan3A_49 step %scan3A_50  : i32 {
      %add3A_289 = arith.constant 32 : i32
      %add3A_290 = arith.addi %add3A_289, %scan3A_288 : i32
      %add3A_291 = arith.addi %select_n3A_11, %add3A_290 : i32
      %sub3A = arith.constant 33 : i32
      %sub3A_292 = arith.subi %add3A_291, %sub3A : i32
      %jit3A_293 = arith.constant 16 : i32
      %div3A = arith.divsi %sub3A_292, %jit3A_293 : i32
      %sign3A = arith.constant 0 : i32
      %sign3A_294 = arith.cmpi sgt, %sub3A_292, %sign3A : i32
      %sign3A_295 = arith.extui %sign3A_294 : i1 to i32
      %sign3A_296 = arith.constant 0 : i32
      %sign3A_297 = arith.cmpi slt, %sub3A_292, %sign3A_296 : i32
      %sign3A_298 = arith.extui %sign3A_297 : i1 to i32
      %sign3A_299 = arith.subi %sign3A_295, %sign3A_298 : i32
      %sign3A_300 = arith.constant 0 : i32
      %sign3A_301 = arith.cmpi sgt, %jit3A_293, %sign3A_300 : i32
      %sign3A_302 = arith.extui %sign3A_301 : i1 to i32
      %sign3A_303 = arith.constant 0 : i32
      %sign3A_304 = arith.cmpi slt, %jit3A_293, %sign3A_303 : i32
      %sign3A_305 = arith.extui %sign3A_304 : i1 to i32
      %sign3A_306 = arith.subi %sign3A_302, %sign3A_305 : i32
      %ne3A_307 = arith.cmpi ne, %sign3A_299, %sign3A_306 : i32
      %rem3A_308 = arith.remsi %sub3A_292, %jit3A_293 : i32
      %ne3A_309 = arith.constant 0 : i32
      %ne3A_310 = arith.cmpi ne, %rem3A_308, %ne3A_309 : i32
      %and3A_311 = arith.andi %ne3A_307, %ne3A_310 : i1
      %sub3A_312 = arith.constant 1 : i32
      %sub3A_313 = arith.subi %div3A, %sub3A_312 : i32
      %select_n3A_314 = arith.select %and3A_311, %sub3A_313, %div3A : i32
      %mul3A_315 = arith.constant 16 : i32
      %mul3A_316 = arith.muli %select_n3A_314, %mul3A_315 : i32
      %max3A = arith.constant 0 : i32
      %max3A_317 = arith.maxsi %mul3A_316, %max3A : i32
      %min3A = arith.constant 896 : i32
      %min3A_318 = arith.minsi %max3A_317, %min3A : i32
      %multiple_of3A = tpu.assume_multiple %min3A_318, 16 : i32
      %get3A = arith.index_cast %add3A_290 : i32 to index
      %get3A_319 = arith.constant 0 : index
      %get3A_320 = tpu.vector_load %arg5[%get3A, %get3A_319] {strides = array<i32>} : memref<256x128xf32, #tpu.memory_space<vmem>>, vector<1x16xf32>,
      %get3A_321 = vector.shape_cast %get3A_320 : vector<1x16xf32> to vector<16xf32>
      %add3A_322 = arith.constant 32 : i32
      %add3A_323 = arith.addi %add3A_322, %scan3A_288 : i32
      %add3A_324 = arith.constant 0 : i32
      %add3A_325 = arith.addi %multiple_of3A, %add3A_324 : i32
      %swap3A = arith.index_cast %add3A_323 : i32 to index
      %swap3A_326 = arith.index_cast %add3A_325 : i32 to index
      %swap3A_327 = tpu.vector_load %arg6[%swap3A, %swap3A_326] {strides = array<i32>} : memref<64x1024xf32, #tpu.memory_space<vmem>>, vector<1x16xf32>,
      %swap3A_328 = vector.shape_cast %swap3A_327 : vector<1x16xf32> to vector<16xf32>
      %swap3A_329 = vector.shape_cast %get3A_321 : vector<16xf32> to vector<1x16xf32>
      tpu.vector_store %arg6[%swap3A, %swap3A_326], %swap3A_329 {strides = array<i32>} : memref<64x1024xf32, #tpu.memory_space<vmem>>, vector<1x16xf32>,
      %get3A_330 = arith.index_cast %add3A_290 : i32 to index
      %get3A_331 = arith.constant 16 : index
      %get3A_332 = tpu.vector_load %arg5[%get3A_330, %get3A_331] {strides = array<i32>} : memref<256x128xf32, #tpu.memory_space<vmem>>, vector<1x16xf32>,
      %get3A_333 = vector.shape_cast %get3A_332 : vector<1x16xf32> to vector<16xf32>
      %add3A_334 = arith.constant 32 : i32
      %add3A_335 = arith.addi %add3A_334, %scan3A_288 : i32
      %add3A_336 = arith.constant 16 : i32
      %add3A_337 = arith.addi %multiple_of3A, %add3A_336 : i32
      %swap3A_338 = arith.index_cast %add3A_335 : i32 to index
      %swap3A_339 = arith.index_cast %add3A_337 : i32 to index
      %swap3A_340 = tpu.vector_load %arg6[%swap3A_338, %swap3A_339] {strides = array<i32>} : memref<64x1024xf32, #tpu.memory_space<vmem>>, vector<1x16xf32>,
      %swap3A_341 = vector.shape_cast %swap3A_340 : vector<1x16xf32> to vector<16xf32>
      %swap3A_342 = vector.shape_cast %get3A_333 : vector<16xf32> to vector<1x16xf32>
      tpu.vector_store %arg6[%swap3A_338, %swap3A_339], %swap3A_342 {strides = array<i32>} : memref<64x1024xf32, #tpu.memory_space<vmem>>, vector<1x16xf32>,
      %get3A_343 = arith.index_cast %add3A_290 : i32 to index
      %get3A_344 = arith.constant 32 : index
      %get3A_345 = tpu.vector_load %arg5[%get3A_343, %get3A_344] {strides = array<i32>} : memref<256x128xf32, #tpu.memory_space<vmem>>, vector<1x16xf32>,
      %get3A_346 = vector.shape_cast %get3A_345 : vector<1x16xf32> to vector<16xf32>
      %add3A_347 = arith.constant 32 : i32
      %add3A_348 = arith.addi %add3A_347, %scan3A_288 : i32
      %add3A_349 = arith.constant 32 : i32
      %add3A_350 = arith.addi %multiple_of3A, %add3A_349 : i32
      %swap3A_351 = arith.index_cast %add3A_348 : i32 to index
      %swap3A_352 = arith.index_cast %add3A_350 : i32 to index
      %swap3A_353 = tpu.vector_load %arg6[%swap3A_351, %swap3A_352] {strides = array<i32>} : memref<64x1024xf32, #tpu.memory_space<vmem>>, vector<1x16xf32>,
      %swap3A_354 = vector.shape_cast %swap3A_353 : vector<1x16xf32> to vector<16xf32>
      %swap3A_355 = vector.shape_cast %get3A_346 : vector<16xf32> to vector<1x16xf32>
      tpu.vector_store %arg6[%swap3A_351, %swap3A_352], %swap3A_355 {strides = array<i32>} : memref<64x1024xf32, #tpu.memory_space<vmem>>, vector<1x16xf32>,
      %get3A_356 = arith.index_cast %add3A_290 : i32 to index
      %get3A_357 = arith.constant 48 : index
      %get3A_358 = tpu.vector_load %arg5[%get3A_356, %get3A_357] {strides = array<i32>} : memref<256x128xf32, #tpu.memory_space<vmem>>, vector<1x16xf32>,
      %get3A_359 = vector.shape_cast %get3A_358 : vector<1x16xf32> to vector<16xf32>
      %add3A_360 = arith.constant 32 : i32
      %add3A_361 = arith.addi %add3A_360, %scan3A_288 : i32
      %add3A_362 = arith.constant 48 : i32
      %add3A_363 = arith.addi %multiple_of3A, %add3A_362 : i32
      %swap3A_364 = arith.index_cast %add3A_361 : i32 to index
      %swap3A_365 = arith.index_cast %add3A_363 : i32 to index
      %swap3A_366 = tpu.vector_load %arg6[%swap3A_364, %swap3A_365] {strides = array<i32>} : memref<64x1024xf32, #tpu.memory_space<vmem>>, vector<1x16xf32>,
      %swap3A_367 = vector.shape_cast %swap3A_366 : vector<1x16xf32> to vector<16xf32>
      %swap3A_368 = vector.shape_cast %get3A_359 : vector<16xf32> to vector<1x16xf32>
      tpu.vector_store %arg6[%swap3A_364, %swap3A_365], %swap3A_368 {strides = array<i32>} : memref<64x1024xf32, #tpu.memory_space<vmem>>, vector<1x16xf32>,
      %get3A_369 = arith.index_cast %add3A_290 : i32 to index
      %get3A_370 = arith.constant 64 : index
      %get3A_371 = tpu.vector_load %arg5[%get3A_369, %get3A_370] {strides = array<i32>} : memref<256x128xf32, #tpu.memory_space<vmem>>, vector<1x16xf32>,
      %get3A_372 = vector.shape_cast %get3A_371 : vector<1x16xf32> to vector<16xf32>
      %add3A_373 = arith.constant 32 : i32
      %add3A_374 = arith.addi %add3A_373, %scan3A_288 : i32
      %add3A_375 = arith.constant 64 : i32
      %add3A_376 = arith.addi %multiple_of3A, %add3A_375 : i32
      %swap3A_377 = arith.index_cast %add3A_374 : i32 to index
      %swap3A_378 = arith.index_cast %add3A_376 : i32 to index
      %swap3A_379 = tpu.vector_load %arg6[%swap3A_377, %swap3A_378] {strides = array<i32>} : memref<64x1024xf32, #tpu.memory_space<vmem>>, vector<1x16xf32>,
      %swap3A_380 = vector.shape_cast %swap3A_379 : vector<1x16xf32> to vector<16xf32>
      %swap3A_381 = vector.shape_cast %get3A_372 : vector<16xf32> to vector<1x16xf32>
      tpu.vector_store %arg6[%swap3A_377, %swap3A_378], %swap3A_381 {strides = array<i32>} : memref<64x1024xf32, #tpu.memory_space<vmem>>, vector<1x16xf32>,
      %get3A_382 = arith.index_cast %add3A_290 : i32 to index
      %get3A_383 = arith.constant 80 : index
      %get3A_384 = tpu.vector_load %arg5[%get3A_382, %get3A_383] {strides = array<i32>} : memref<256x128xf32, #tpu.memory_space<vmem>>, vector<1x16xf32>,
      %get3A_385 = vector.shape_cast %get3A_384 : vector<1x16xf32> to vector<16xf32>
      %add3A_386 = arith.constant 32 : i32
      %add3A_387 = arith.addi %add3A_386, %scan3A_288 : i32
      %add3A_388 = arith.constant 80 : i32
      %add3A_389 = arith.addi %multiple_of3A, %add3A_388 : i32
      %swap3A_390 = arith.index_cast %add3A_387 : i32 to index
      %swap3A_391 = arith.index_cast %add3A_389 : i32 to index
      %swap3A_392 = tpu.vector_load %arg6[%swap3A_390, %swap3A_391] {strides = array<i32>} : memref<64x1024xf32, #tpu.memory_space<vmem>>, vector<1x16xf32>,
      %swap3A_393 = vector.shape_cast %swap3A_392 : vector<1x16xf32> to vector<16xf32>
      %swap3A_394 = vector.shape_cast %get3A_385 : vector<16xf32> to vector<1x16xf32>
      tpu.vector_store %arg6[%swap3A_390, %swap3A_391], %swap3A_394 {strides = array<i32>} : memref<64x1024xf32, #tpu.memory_space<vmem>>, vector<1x16xf32>,
      %get3A_395 = arith.index_cast %add3A_290 : i32 to index
      %get3A_396 = arith.constant 96 : index
      %get3A_397 = tpu.vector_load %arg5[%get3A_395, %get3A_396] {strides = array<i32>} : memref<256x128xf32, #tpu.memory_space<vmem>>, vector<1x16xf32>,
      %get3A_398 = vector.shape_cast %get3A_397 : vector<1x16xf32> to vector<16xf32>
      %add3A_399 = arith.constant 32 : i32
      %add3A_400 = arith.addi %add3A_399, %scan3A_288 : i32
      %add3A_401 = arith.constant 96 : i32
      %add3A_402 = arith.addi %multiple_of3A, %add3A_401 : i32
      %swap3A_403 = arith.index_cast %add3A_400 : i32 to index
      %swap3A_404 = arith.index_cast %add3A_402 : i32 to index
      %swap3A_405 = tpu.vector_load %arg6[%swap3A_403, %swap3A_404] {strides = array<i32>} : memref<64x1024xf32, #tpu.memory_space<vmem>>, vector<1x16xf32>,
      %swap3A_406 = vector.shape_cast %swap3A_405 : vector<1x16xf32> to vector<16xf32>
      %swap3A_407 = vector.shape_cast %get3A_398 : vector<16xf32> to vector<1x16xf32>
      tpu.vector_store %arg6[%swap3A_403, %swap3A_404], %swap3A_407 {strides = array<i32>} : memref<64x1024xf32, #tpu.memory_space<vmem>>, vector<1x16xf32>,
      %get3A_408 = arith.index_cast %add3A_290 : i32 to index
      %get3A_409 = arith.constant 112 : index
      %get3A_410 = tpu.vector_load %arg5[%get3A_408, %get3A_409] {strides = array<i32>} : memref<256x128xf32, #tpu.memory_space<vmem>>, vector<1x16xf32>,
      %get3A_411 = vector.shape_cast %get3A_410 : vector<1x16xf32> to vector<16xf32>
      %add3A_412 = arith.constant 32 : i32
      %add3A_413 = arith.addi %add3A_412, %scan3A_288 : i32
      %add3A_414 = arith.constant 112 : i32
      %add3A_415 = arith.addi %multiple_of3A, %add3A_414 : i32
      %swap3A_416 = arith.index_cast %add3A_413 : i32 to index
      %swap3A_417 = arith.index_cast %add3A_415 : i32 to index
      %swap3A_418 = tpu.vector_load %arg6[%swap3A_416, %swap3A_417] {strides = array<i32>} : memref<64x1024xf32, #tpu.memory_space<vmem>>, vector<1x16xf32>,
      %swap3A_419 = vector.shape_cast %swap3A_418 : vector<1x16xf32> to vector<16xf32>
      %swap3A_420 = vector.shape_cast %get3A_411 : vector<16xf32> to vector<1x16xf32>
      tpu.vector_store %arg6[%swap3A_416, %swap3A_417], %swap3A_420 {strides = array<i32>} : memref<64x1024xf32, #tpu.memory_space<vmem>>, vector<1x16xf32>,
    }
    %scan3A_51 = arith.constant 32 : i32
    %add3A_52 = arith.constant 32 : i32
    %add3A_53 = arith.addi %mul3A_2, %add3A_52 : i32
    %dma_start3A_54 = arith.constant 32 : i32
    %dma_start3A_55 = arith.constant 0 : i32
    %dma_start3A_56 = tpu.memref_slice %arg6[%dma_start3A_54, %dma_start3A_55] : memref<64x1024xf32, #tpu.memory_space<vmem>> -> memref<32x1024xf32, #tpu.memory_space<vmem>>
    %dma_start3A_57 = arith.constant 0 : i32
    %dma_start3A_58 = tpu.memref_slice %arg4[%add3A_53, %dma_start3A_57] : memref<8192x1024xf32, #tpu.memory_space<hbm>> -> memref<32x1024xf32, #tpu.memory_space<hbm>>
    %dma_start3A_59 = arith.constant 0 : i32
    %dma_start3A_60 = tpu.memref_slice %arg4[%add3A_53, %dma_start3A_59] : memref<8192x1024xf32, #tpu.memory_space<hbm>> -> memref<32x1024xf32, #tpu.memory_space<hbm>>
    %dma_start3A_61 = arith.constant 32 : i32
    %dma_start3A_62 = arith.constant 0 : i32
    %dma_start3A_63 = tpu.memref_slice %arg6[%dma_start3A_61, %dma_start3A_62] : memref<64x1024xf32, #tpu.memory_space<vmem>> -> memref<32x1024xf32, #tpu.memory_space<vmem>>
    tpu.enqueue_dma source(%dma_start3A_63 : memref<32x1024xf32, #tpu.memory_space<vmem>>) target(%dma_start3A_60 : memref<32x1024xf32, #tpu.memory_space<hbm>>) target_semaphore(%arg8 : memref<!tpu.dma_semaphore, #tpu.memory_space<semaphore_mem>>)
    %dma_wait3A_64 = arith.constant 0 : i32
    %dma_wait3A_65 = arith.constant 0 : i32
    %dma_wait3A_66 = tpu.memref_slice %arg6[%dma_wait3A_64, %dma_wait3A_65] : memref<64x1024xf32, #tpu.memory_space<vmem>> -> memref<32x1024xf32, #tpu.memory_space<vmem>>
    %dma_wait3A_67 = arith.constant 0 : i32
    %dma_wait3A_68 = tpu.memref_slice %arg4[%add3A_35, %dma_wait3A_67] : memref<8192x1024xf32, #tpu.memory_space<hbm>> -> memref<32x1024xf32, #tpu.memory_space<hbm>>
    %dma_wait3A_69 = arith.constant 0 : i32
    %dma_wait3A_70 = tpu.memref_slice %arg4[%add3A_35, %dma_wait3A_69] : memref<8192x1024xf32, #tpu.memory_space<hbm>> -> memref<32x1024xf32, #tpu.memory_space<hbm>>
    %dma_wait3A_71 = arith.constant 0 : i32
    %dma_wait3A_72 = arith.constant 0 : i32
    %dma_wait3A_73 = tpu.memref_slice %arg6[%dma_wait3A_71, %dma_wait3A_72] : memref<64x1024xf32, #tpu.memory_space<vmem>> -> memref<32x1024xf32, #tpu.memory_space<vmem>>
    tpu.wait_dma2 semaphore(%arg7 : memref<!tpu.dma_semaphore, #tpu.memory_space<semaphore_mem>>) src(%dma_wait3A_73 : memref<32x1024xf32, #tpu.memory_space<vmem>>) dst(%dma_wait3A_70 : memref<32x1024xf32, #tpu.memory_space<hbm>>)
    %scan3A_74 = arith.constant 0 : i32
    %scan3A_75 = arith.constant 0 : i32
    %scan3A_76 = arith.constant 32 : i32
    %scan3A_77 = arith.addi %scan3A_75, %scan3A_76 : i32
    %scan3A_78 = arith.constant 1 : i32
    scf.for %scan3A_288 = %scan3A_75 to %scan3A_77 step %scan3A_78  : i32 {
      %add3A_289 = arith.constant 0 : i32
      %add3A_290 = arith.addi %add3A_289, %scan3A_288 : i32
      %add3A_291 = arith.addi %select_n3A_11, %add3A_290 : i32
      %sub3A = arith.constant 33 : i32
      %sub3A_292 = arith.subi %add3A_291, %sub3A : i32
      %jit3A_293 = arith.constant 16 : i32
      %div3A = arith.divsi %sub3A_292, %jit3A_293 : i32
      %sign3A = arith.constant 0 : i32
      %sign3A_294 = arith.cmpi sgt, %sub3A_292, %sign3A : i32
      %sign3A_295 = arith.extui %sign3A_294 : i1 to i32
      %sign3A_296 = arith.constant 0 : i32
      %sign3A_297 = arith.cmpi slt, %sub3A_292, %sign3A_296 : i32
      %sign3A_298 = arith.extui %sign3A_297 : i1 to i32
      %sign3A_299 = arith.subi %sign3A_295, %sign3A_298 : i32
      %sign3A_300 = arith.constant 0 : i32
      %sign3A_301 = arith.cmpi sgt, %jit3A_293, %sign3A_300 : i32
      %sign3A_302 = arith.extui %sign3A_301 : i1 to i32
      %sign3A_303 = arith.constant 0 : i32
      %sign3A_304 = arith.cmpi slt, %jit3A_293, %sign3A_303 : i32
      %sign3A_305 = arith.extui %sign3A_304 : i1 to i32
      %sign3A_306 = arith.subi %sign3A_302, %sign3A_305 : i32
      %ne3A_307 = arith.cmpi ne, %sign3A_299, %sign3A_306 : i32
      %rem3A_308 = arith.remsi %sub3A_292, %jit3A_293 : i32
      %ne3A_309 = arith.constant 0 : i32
      %ne3A_310 = arith.cmpi ne, %rem3A_308, %ne3A_309 : i32
      %and3A_311 = arith.andi %ne3A_307, %ne3A_310 : i1
      %sub3A_312 = arith.constant 1 : i32
      %sub3A_313 = arith.subi %div3A, %sub3A_312 : i32
      %select_n3A_314 = arith.select %and3A_311, %sub3A_313, %div3A : i32
      %mul3A_315 = arith.constant 16 : i32
      %mul3A_316 = arith.muli %select_n3A_314, %mul3A_315 : i32
      %max3A = arith.constant 0 : i32
      %max3A_317 = arith.maxsi %mul3A_316, %max3A : i32
      %min3A = arith.constant 896 : i32
      %min3A_318 = arith.minsi %max3A_317, %min3A : i32
      %multiple_of3A = tpu.assume_multiple %min3A_318, 16 : i32
      %add3A_319 = arith.constant 0 : i32
      %add3A_320 = arith.addi %add3A_319, %scan3A_288 : i32
      %add3A_321 = arith.constant 0 : i32
      %add3A_322 = arith.addi %multiple_of3A, %add3A_321 : i32
      %swap3A = arith.index_cast %add3A_320 : i32 to index
      %swap3A_323 = arith.index_cast %add3A_322 : i32 to index
      %swap3A_324 = tpu.vector_load %arg6[%swap3A, %swap3A_323] {strides = array<i32>} : memref<64x1024xf32, #tpu.memory_space<vmem>>, vector<1x16xf32>,
      %swap3A_325 = vector.shape_cast %swap3A_324 : vector<1x16xf32> to vector<16xf32>
      %swap3A_326 = vector.shape_cast %broadcast_in_dim3A_12 : vector<16xf32> to vector<1x16xf32>
      tpu.vector_store %arg6[%swap3A, %swap3A_323], %swap3A_326 {strides = array<i32>} : memref<64x1024xf32, #tpu.memory_space<vmem>>, vector<1x16xf32>,
      %add3A_327 = arith.constant 0 : i32
      %add3A_328 = arith.addi %add3A_327, %scan3A_288 : i32
      %add3A_329 = arith.constant 16 : i32
      %add3A_330 = arith.addi %multiple_of3A, %add3A_329 : i32
      %swap3A_331 = arith.index_cast %add3A_328 : i32 to index
      %swap3A_332 = arith.index_cast %add3A_330 : i32 to index
      %swap3A_333 = tpu.vector_load %arg6[%swap3A_331, %swap3A_332] {strides = array<i32>} : memref<64x1024xf32, #tpu.memory_space<vmem>>, vector<1x16xf32>,
      %swap3A_334 = vector.shape_cast %swap3A_333 : vector<1x16xf32> to vector<16xf32>
      %swap3A_335 = vector.shape_cast %broadcast_in_dim3A_12 : vector<16xf32> to vector<1x16xf32>
      tpu.vector_store %arg6[%swap3A_331, %swap3A_332], %swap3A_335 {strides = array<i32>} : memref<64x1024xf32, #tpu.memory_space<vmem>>, vector<1x16xf32>,
      %add3A_336 = arith.constant 0 : i32
      %add3A_337 = arith.addi %add3A_336, %scan3A_288 : i32
      %add3A_338 = arith.constant 32 : i32
      %add3A_339 = arith.addi %multiple_of3A, %add3A_338 : i32
      %swap3A_340 = arith.index_cast %add3A_337 : i32 to index
      %swap3A_341 = arith.index_cast %add3A_339 : i32 to index
      %swap3A_342 = tpu.vector_load %arg6[%swap3A_340, %swap3A_341] {strides = array<i32>} : memref<64x1024xf32, #tpu.memory_space<vmem>>, vector<1x16xf32>,
      %swap3A_343 = vector.shape_cast %swap3A_342 : vector<1x16xf32> to vector<16xf32>
      %swap3A_344 = vector.shape_cast %broadcast_in_dim3A_12 : vector<16xf32> to vector<1x16xf32>
      tpu.vector_store %arg6[%swap3A_340, %swap3A_341], %swap3A_344 {strides = array<i32>} : memref<64x1024xf32, #tpu.memory_space<vmem>>, vector<1x16xf32>,
      %add3A_345 = arith.constant 0 : i32
      %add3A_346 = arith.addi %add3A_345, %scan3A_288 : i32
      %add3A_347 = arith.constant 48 : i32
      %add3A_348 = arith.addi %multiple_of3A, %add3A_347 : i32
      %swap3A_349 = arith.index_cast %add3A_346 : i32 to index
      %swap3A_350 = arith.index_cast %add3A_348 : i32 to index
      %swap3A_351 = tpu.vector_load %arg6[%swap3A_349, %swap3A_350] {strides = array<i32>} : memref<64x1024xf32, #tpu.memory_space<vmem>>, vector<1x16xf32>,
      %swap3A_352 = vector.shape_cast %swap3A_351 : vector<1x16xf32> to vector<16xf32>
      %swap3A_353 = vector.shape_cast %broadcast_in_dim3A_12 : vector<16xf32> to vector<1x16xf32>
      tpu.vector_store %arg6[%swap3A_349, %swap3A_350], %swap3A_353 {strides = array<i32>} : memref<64x1024xf32, #tpu.memory_space<vmem>>, vector<1x16xf32>,
      %add3A_354 = arith.constant 0 : i32
      %add3A_355 = arith.addi %add3A_354, %scan3A_288 : i32
      %add3A_356 = arith.constant 64 : i32
      %add3A_357 = arith.addi %multiple_of3A, %add3A_356 : i32
      %swap3A_358 = arith.index_cast %add3A_355 : i32 to index
      %swap3A_359 = arith.index_cast %add3A_357 : i32 to index
      %swap3A_360 = tpu.vector_load %arg6[%swap3A_358, %swap3A_359] {strides = array<i32>} : memref<64x1024xf32, #tpu.memory_space<vmem>>, vector<1x16xf32>,
      %swap3A_361 = vector.shape_cast %swap3A_360 : vector<1x16xf32> to vector<16xf32>
      %swap3A_362 = vector.shape_cast %broadcast_in_dim3A_12 : vector<16xf32> to vector<1x16xf32>
      tpu.vector_store %arg6[%swap3A_358, %swap3A_359], %swap3A_362 {strides = array<i32>} : memref<64x1024xf32, #tpu.memory_space<vmem>>, vector<1x16xf32>,
      %add3A_363 = arith.constant 0 : i32
      %add3A_364 = arith.addi %add3A_363, %scan3A_288 : i32
      %add3A_365 = arith.constant 80 : i32
      %add3A_366 = arith.addi %multiple_of3A, %add3A_365 : i32
      %swap3A_367 = arith.index_cast %add3A_364 : i32 to index
      %swap3A_368 = arith.index_cast %add3A_366 : i32 to index
      %swap3A_369 = tpu.vector_load %arg6[%swap3A_367, %swap3A_368] {strides = array<i32>} : memref<64x1024xf32, #tpu.memory_space<vmem>>, vector<1x16xf32>,
      %swap3A_370 = vector.shape_cast %swap3A_369 : vector<1x16xf32> to vector<16xf32>
      %swap3A_371 = vector.shape_cast %broadcast_in_dim3A_12 : vector<16xf32> to vector<1x16xf32>
      tpu.vector_store %arg6[%swap3A_367, %swap3A_368], %swap3A_371 {strides = array<i32>} : memref<64x1024xf32, #tpu.memory_space<vmem>>, vector<1x16xf32>,
      %add3A_372 = arith.constant 0 : i32
      %add3A_373 = arith.addi %add3A_372, %scan3A_288 : i32
      %add3A_374 = arith.constant 96 : i32
      %add3A_375 = arith.addi %multiple_of3A, %add3A_374 : i32
      %swap3A_376 = arith.index_cast %add3A_373 : i32 to index
      %swap3A_377 = arith.index_cast %add3A_375 : i32 to index
      %swap3A_378 = tpu.vector_load %arg6[%swap3A_376, %swap3A_377] {strides = array<i32>} : memref<64x1024xf32, #tpu.memory_space<vmem>>, vector<1x16xf32>,
      %swap3A_379 = vector.shape_cast %swap3A_378 : vector<1x16xf32> to vector<16xf32>
      %swap3A_380 = vector.shape_cast %broadcast_in_dim3A_12 : vector<16xf32> to vector<1x16xf32>
      tpu.vector_store %arg6[%swap3A_376, %swap3A_377], %swap3A_380 {strides = array<i32>} : memref<64x1024xf32, #tpu.memory_space<vmem>>, vector<1x16xf32>,
      %add3A_381 = arith.constant 0 : i32
      %add3A_382 = arith.addi %add3A_381, %scan3A_288 : i32
      %add3A_383 = arith.constant 112 : i32
      %add3A_384 = arith.addi %multiple_of3A, %add3A_383 : i32
      %swap3A_385 = arith.index_cast %add3A_382 : i32 to index
      %swap3A_386 = arith.index_cast %add3A_384 : i32 to index
      %swap3A_387 = tpu.vector_load %arg6[%swap3A_385, %swap3A_386] {strides = array<i32>} : memref<64x1024xf32, #tpu.memory_space<vmem>>, vector<1x16xf32>,
      %swap3A_388 = vector.shape_cast %swap3A_387 : vector<1x16xf32> to vector<16xf32>
      %swap3A_389 = vector.shape_cast %broadcast_in_dim3A_12 : vector<16xf32> to vector<1x16xf32>
      tpu.vector_store %arg6[%swap3A_385, %swap3A_386], %swap3A_389 {strides = array<i32>} : memref<64x1024xf32, #tpu.memory_space<vmem>>, vector<1x16xf32>,
    }
    %scan3A_79 = arith.constant 32 : i32
    %scan3A_80 = arith.constant 0 : i32
    %scan3A_81 = arith.constant 0 : i32
    %scan3A_82 = arith.constant 32 : i32
    %scan3A_83 = arith.addi %scan3A_81, %scan3A_82 : i32
    %scan3A_84 = arith.constant 1 : i32
    scf.for %scan3A_288 = %scan3A_81 to %scan3A_83 step %scan3A_84  : i32 {
      %add3A_289 = arith.constant 64 : i32
      %add3A_290 = arith.addi %add3A_289, %scan3A_288 : i32
      %add3A_291 = arith.addi %select_n3A_11, %add3A_290 : i32
      %sub3A = arith.constant 33 : i32
      %sub3A_292 = arith.subi %add3A_291, %sub3A : i32
      %jit3A_293 = arith.constant 16 : i32
      %div3A = arith.divsi %sub3A_292, %jit3A_293 : i32
      %sign3A = arith.constant 0 : i32
      %sign3A_294 = arith.cmpi sgt, %sub3A_292, %sign3A : i32
      %sign3A_295 = arith.extui %sign3A_294 : i1 to i32
      %sign3A_296 = arith.constant 0 : i32
      %sign3A_297 = arith.cmpi slt, %sub3A_292, %sign3A_296 : i32
      %sign3A_298 = arith.extui %sign3A_297 : i1 to i32
      %sign3A_299 = arith.subi %sign3A_295, %sign3A_298 : i32
      %sign3A_300 = arith.constant 0 : i32
      %sign3A_301 = arith.cmpi sgt, %jit3A_293, %sign3A_300 : i32
      %sign3A_302 = arith.extui %sign3A_301 : i1 to i32
      %sign3A_303 = arith.constant 0 : i32
      %sign3A_304 = arith.cmpi slt, %jit3A_293, %sign3A_303 : i32
      %sign3A_305 = arith.extui %sign3A_304 : i1 to i32
      %sign3A_306 = arith.subi %sign3A_302, %sign3A_305 : i32
      %ne3A_307 = arith.cmpi ne, %sign3A_299, %sign3A_306 : i32
      %rem3A_308 = arith.remsi %sub3A_292, %jit3A_293 : i32
      %ne3A_309 = arith.constant 0 : i32
      %ne3A_310 = arith.cmpi ne, %rem3A_308, %ne3A_309 : i32
      %and3A_311 = arith.andi %ne3A_307, %ne3A_310 : i1
      %sub3A_312 = arith.constant 1 : i32
      %sub3A_313 = arith.subi %div3A, %sub3A_312 : i32
      %select_n3A_314 = arith.select %and3A_311, %sub3A_313, %div3A : i32
      %mul3A_315 = arith.constant 16 : i32
      %mul3A_316 = arith.muli %select_n3A_314, %mul3A_315 : i32
      %max3A = arith.constant 0 : i32
      %max3A_317 = arith.maxsi %mul3A_316, %max3A : i32
      %min3A = arith.constant 896 : i32
      %min3A_318 = arith.minsi %max3A_317, %min3A : i32
      %multiple_of3A = tpu.assume_multiple %min3A_318, 16 : i32
      %get3A = arith.index_cast %add3A_290 : i32 to index
      %get3A_319 = arith.constant 0 : index
      %get3A_320 = tpu.vector_load %arg5[%get3A, %get3A_319] {strides = array<i32>} : memref<256x128xf32, #tpu.memory_space<vmem>>, vector<1x16xf32>,
      %get3A_321 = vector.shape_cast %get3A_320 : vector<1x16xf32> to vector<16xf32>
      %add3A_322 = arith.constant 0 : i32
      %add3A_323 = arith.addi %add3A_322, %scan3A_288 : i32
      %add3A_324 = arith.constant 0 : i32
      %add3A_325 = arith.addi %multiple_of3A, %add3A_324 : i32
      %swap3A = arith.index_cast %add3A_323 : i32 to index
      %swap3A_326 = arith.index_cast %add3A_325 : i32 to index
      %swap3A_327 = tpu.vector_load %arg6[%swap3A, %swap3A_326] {strides = array<i32>} : memref<64x1024xf32, #tpu.memory_space<vmem>>, vector<1x16xf32>,
      %swap3A_328 = vector.shape_cast %swap3A_327 : vector<1x16xf32> to vector<16xf32>
      %swap3A_329 = vector.shape_cast %get3A_321 : vector<16xf32> to vector<1x16xf32>
      tpu.vector_store %arg6[%swap3A, %swap3A_326], %swap3A_329 {strides = array<i32>} : memref<64x1024xf32, #tpu.memory_space<vmem>>, vector<1x16xf32>,
      %get3A_330 = arith.index_cast %add3A_290 : i32 to index
      %get3A_331 = arith.constant 16 : index
      %get3A_332 = tpu.vector_load %arg5[%get3A_330, %get3A_331] {strides = array<i32>} : memref<256x128xf32, #tpu.memory_space<vmem>>, vector<1x16xf32>,
      %get3A_333 = vector.shape_cast %get3A_332 : vector<1x16xf32> to vector<16xf32>
      %add3A_334 = arith.constant 0 : i32
      %add3A_335 = arith.addi %add3A_334, %scan3A_288 : i32
      %add3A_336 = arith.constant 16 : i32
      %add3A_337 = arith.addi %multiple_of3A, %add3A_336 : i32
      %swap3A_338 = arith.index_cast %add3A_335 : i32 to index
      %swap3A_339 = arith.index_cast %add3A_337 : i32 to index
      %swap3A_340 = tpu.vector_load %arg6[%swap3A_338, %swap3A_339] {strides = array<i32>} : memref<64x1024xf32, #tpu.memory_space<vmem>>, vector<1x16xf32>,
      %swap3A_341 = vector.shape_cast %swap3A_340 : vector<1x16xf32> to vector<16xf32>
      %swap3A_342 = vector.shape_cast %get3A_333 : vector<16xf32> to vector<1x16xf32>
      tpu.vector_store %arg6[%swap3A_338, %swap3A_339], %swap3A_342 {strides = array<i32>} : memref<64x1024xf32, #tpu.memory_space<vmem>>, vector<1x16xf32>,
      %get3A_343 = arith.index_cast %add3A_290 : i32 to index
      %get3A_344 = arith.constant 32 : index
      %get3A_345 = tpu.vector_load %arg5[%get3A_343, %get3A_344] {strides = array<i32>} : memref<256x128xf32, #tpu.memory_space<vmem>>, vector<1x16xf32>,
      %get3A_346 = vector.shape_cast %get3A_345 : vector<1x16xf32> to vector<16xf32>
      %add3A_347 = arith.constant 0 : i32
      %add3A_348 = arith.addi %add3A_347, %scan3A_288 : i32
      %add3A_349 = arith.constant 32 : i32
      %add3A_350 = arith.addi %multiple_of3A, %add3A_349 : i32
      %swap3A_351 = arith.index_cast %add3A_348 : i32 to index
      %swap3A_352 = arith.index_cast %add3A_350 : i32 to index
      %swap3A_353 = tpu.vector_load %arg6[%swap3A_351, %swap3A_352] {strides = array<i32>} : memref<64x1024xf32, #tpu.memory_space<vmem>>, vector<1x16xf32>,
      %swap3A_354 = vector.shape_cast %swap3A_353 : vector<1x16xf32> to vector<16xf32>
      %swap3A_355 = vector.shape_cast %get3A_346 : vector<16xf32> to vector<1x16xf32>
      tpu.vector_store %arg6[%swap3A_351, %swap3A_352], %swap3A_355 {strides = array<i32>} : memref<64x1024xf32, #tpu.memory_space<vmem>>, vector<1x16xf32>,
      %get3A_356 = arith.index_cast %add3A_290 : i32 to index
      %get3A_357 = arith.constant 48 : index
      %get3A_358 = tpu.vector_load %arg5[%get3A_356, %get3A_357] {strides = array<i32>} : memref<256x128xf32, #tpu.memory_space<vmem>>, vector<1x16xf32>,
      %get3A_359 = vector.shape_cast %get3A_358 : vector<1x16xf32> to vector<16xf32>
      %add3A_360 = arith.constant 0 : i32
      %add3A_361 = arith.addi %add3A_360, %scan3A_288 : i32
      %add3A_362 = arith.constant 48 : i32
      %add3A_363 = arith.addi %multiple_of3A, %add3A_362 : i32
      %swap3A_364 = arith.index_cast %add3A_361 : i32 to index
      %swap3A_365 = arith.index_cast %add3A_363 : i32 to index
      %swap3A_366 = tpu.vector_load %arg6[%swap3A_364, %swap3A_365] {strides = array<i32>} : memref<64x1024xf32, #tpu.memory_space<vmem>>, vector<1x16xf32>,
      %swap3A_367 = vector.shape_cast %swap3A_366 : vector<1x16xf32> to vector<16xf32>
      %swap3A_368 = vector.shape_cast %get3A_359 : vector<16xf32> to vector<1x16xf32>
      tpu.vector_store %arg6[%swap3A_364, %swap3A_365], %swap3A_368 {strides = array<i32>} : memref<64x1024xf32, #tpu.memory_space<vmem>>, vector<1x16xf32>,
      %get3A_369 = arith.index_cast %add3A_290 : i32 to index
      %get3A_370 = arith.constant 64 : index
      %get3A_371 = tpu.vector_load %arg5[%get3A_369, %get3A_370] {strides = array<i32>} : memref<256x128xf32, #tpu.memory_space<vmem>>, vector<1x16xf32>,
      %get3A_372 = vector.shape_cast %get3A_371 : vector<1x16xf32> to vector<16xf32>
      %add3A_373 = arith.constant 0 : i32
      %add3A_374 = arith.addi %add3A_373, %scan3A_288 : i32
      %add3A_375 = arith.constant 64 : i32
      %add3A_376 = arith.addi %multiple_of3A, %add3A_375 : i32
      %swap3A_377 = arith.index_cast %add3A_374 : i32 to index
      %swap3A_378 = arith.index_cast %add3A_376 : i32 to index
      %swap3A_379 = tpu.vector_load %arg6[%swap3A_377, %swap3A_378] {strides = array<i32>} : memref<64x1024xf32, #tpu.memory_space<vmem>>, vector<1x16xf32>,
      %swap3A_380 = vector.shape_cast %swap3A_379 : vector<1x16xf32> to vector<16xf32>
      %swap3A_381 = vector.shape_cast %get3A_372 : vector<16xf32> to vector<1x16xf32>
      tpu.vector_store %arg6[%swap3A_377, %swap3A_378], %swap3A_381 {strides = array<i32>} : memref<64x1024xf32, #tpu.memory_space<vmem>>, vector<1x16xf32>,
      %get3A_382 = arith.index_cast %add3A_290 : i32 to index
      %get3A_383 = arith.constant 80 : index
      %get3A_384 = tpu.vector_load %arg5[%get3A_382, %get3A_383] {strides = array<i32>} : memref<256x128xf32, #tpu.memory_space<vmem>>, vector<1x16xf32>,
      %get3A_385 = vector.shape_cast %get3A_384 : vector<1x16xf32> to vector<16xf32>
      %add3A_386 = arith.constant 0 : i32
      %add3A_387 = arith.addi %add3A_386, %scan3A_288 : i32
      %add3A_388 = arith.constant 80 : i32
      %add3A_389 = arith.addi %multiple_of3A, %add3A_388 : i32
      %swap3A_390 = arith.index_cast %add3A_387 : i32 to index
      %swap3A_391 = arith.index_cast %add3A_389 : i32 to index
      %swap3A_392 = tpu.vector_load %arg6[%swap3A_390, %swap3A_391] {strides = array<i32>} : memref<64x1024xf32, #tpu.memory_space<vmem>>, vector<1x16xf32>,
      %swap3A_393 = vector.shape_cast %swap3A_392 : vector<1x16xf32> to vector<16xf32>
      %swap3A_394 = vector.shape_cast %get3A_385 : vector<16xf32> to vector<1x16xf32>
      tpu.vector_store %arg6[%swap3A_390, %swap3A_391], %swap3A_394 {strides = array<i32>} : memref<64x1024xf32, #tpu.memory_space<vmem>>, vector<1x16xf32>,
      %get3A_395 = arith.index_cast %add3A_290 : i32 to index
      %get3A_396 = arith.constant 96 : index
      %get3A_397 = tpu.vector_load %arg5[%get3A_395, %get3A_396] {strides = array<i32>} : memref<256x128xf32, #tpu.memory_space<vmem>>, vector<1x16xf32>,
      %get3A_398 = vector.shape_cast %get3A_397 : vector<1x16xf32> to vector<16xf32>
      %add3A_399 = arith.constant 0 : i32
      %add3A_400 = arith.addi %add3A_399, %scan3A_288 : i32
      %add3A_401 = arith.constant 96 : i32
      %add3A_402 = arith.addi %multiple_of3A, %add3A_401 : i32
      %swap3A_403 = arith.index_cast %add3A_400 : i32 to index
      %swap3A_404 = arith.index_cast %add3A_402 : i32 to index
      %swap3A_405 = tpu.vector_load %arg6[%swap3A_403, %swap3A_404] {strides = array<i32>} : memref<64x1024xf32, #tpu.memory_space<vmem>>, vector<1x16xf32>,
      %swap3A_406 = vector.shape_cast %swap3A_405 : vector<1x16xf32> to vector<16xf32>
      %swap3A_407 = vector.shape_cast %get3A_398 : vector<16xf32> to vector<1x16xf32>
      tpu.vector_store %arg6[%swap3A_403, %swap3A_404], %swap3A_407 {strides = array<i32>} : memref<64x1024xf32, #tpu.memory_space<vmem>>, vector<1x16xf32>,
      %get3A_408 = arith.index_cast %add3A_290 : i32 to index
      %get3A_409 = arith.constant 112 : index
      %get3A_410 = tpu.vector_load %arg5[%get3A_408, %get3A_409] {strides = array<i32>} : memref<256x128xf32, #tpu.memory_space<vmem>>, vector<1x16xf32>,
      %get3A_411 = vector.shape_cast %get3A_410 : vector<1x16xf32> to vector<16xf32>
      %add3A_412 = arith.constant 0 : i32
      %add3A_413 = arith.addi %add3A_412, %scan3A_288 : i32
      %add3A_414 = arith.constant 112 : i32
      %add3A_415 = arith.addi %multiple_of3A, %add3A_414 : i32
      %swap3A_416 = arith.index_cast %add3A_413 : i32 to index
      %swap3A_417 = arith.index_cast %add3A_415 : i32 to index
      %swap3A_418 = tpu.vector_load %arg6[%swap3A_416, %swap3A_417] {strides = array<i32>} : memref<64x1024xf32, #tpu.memory_space<vmem>>, vector<1x16xf32>,
      %swap3A_419 = vector.shape_cast %swap3A_418 : vector<1x16xf32> to vector<16xf32>
      %swap3A_420 = vector.shape_cast %get3A_411 : vector<16xf32> to vector<1x16xf32>
      tpu.vector_store %arg6[%swap3A_416, %swap3A_417], %swap3A_420 {strides = array<i32>} : memref<64x1024xf32, #tpu.memory_space<vmem>>, vector<1x16xf32>,
    }
    %scan3A_85 = arith.constant 32 : i32
    %add3A_86 = arith.constant 64 : i32
    %add3A_87 = arith.addi %mul3A_2, %add3A_86 : i32
    %dma_start3A_88 = arith.constant 0 : i32
    %dma_start3A_89 = arith.constant 0 : i32
    %dma_start3A_90 = tpu.memref_slice %arg6[%dma_start3A_88, %dma_start3A_89] : memref<64x1024xf32, #tpu.memory_space<vmem>> -> memref<32x1024xf32, #tpu.memory_space<vmem>>
    %dma_start3A_91 = arith.constant 0 : i32
    %dma_start3A_92 = tpu.memref_slice %arg4[%add3A_87, %dma_start3A_91] : memref<8192x1024xf32, #tpu.memory_space<hbm>> -> memref<32x1024xf32, #tpu.memory_space<hbm>>
    %dma_start3A_93 = arith.constant 0 : i32
    %dma_start3A_94 = tpu.memref_slice %arg4[%add3A_87, %dma_start3A_93] : memref<8192x1024xf32, #tpu.memory_space<hbm>> -> memref<32x1024xf32, #tpu.memory_space<hbm>>
    %dma_start3A_95 = arith.constant 0 : i32
    %dma_start3A_96 = arith.constant 0 : i32
    %dma_start3A_97 = tpu.memref_slice %arg6[%dma_start3A_95, %dma_start3A_96] : memref<64x1024xf32, #tpu.memory_space<vmem>> -> memref<32x1024xf32, #tpu.memory_space<vmem>>
    tpu.enqueue_dma source(%dma_start3A_97 : memref<32x1024xf32, #tpu.memory_space<vmem>>) target(%dma_start3A_94 : memref<32x1024xf32, #tpu.memory_space<hbm>>) target_semaphore(%arg7 : memref<!tpu.dma_semaphore, #tpu.memory_space<semaphore_mem>>)
    %dma_wait3A_98 = arith.constant 32 : i32
    %dma_wait3A_99 = arith.constant 0 : i32
    %dma_wait3A_100 = tpu.memref_slice %arg6[%dma_wait3A_98, %dma_wait3A_99] : memref<64x1024xf32, #tpu.memory_space<vmem>> -> memref<32x1024xf32, #tpu.memory_space<vmem>>
    %dma_wait3A_101 = arith.constant 0 : i32
    %dma_wait3A_102 = tpu.memref_slice %arg4[%add3A_53, %dma_wait3A_101] : memref<8192x1024xf32, #tpu.memory_space<hbm>> -> memref<32x1024xf32, #tpu.memory_space<hbm>>
    %dma_wait3A_103 = arith.constant 0 : i32
    %dma_wait3A_104 = tpu.memref_slice %arg4[%add3A_53, %dma_wait3A_103] : memref<8192x1024xf32, #tpu.memory_space<hbm>> -> memref<32x1024xf32, #tpu.memory_space<hbm>>
    %dma_wait3A_105 = arith.constant 32 : i32
    %dma_wait3A_106 = arith.constant 0 : i32
    %dma_wait3A_107 = tpu.memref_slice %arg6[%dma_wait3A_105, %dma_wait3A_106] : memref<64x1024xf32, #tpu.memory_space<vmem>> -> memref<32x1024xf32, #tpu.memory_space<vmem>>
    tpu.wait_dma2 semaphore(%arg8 : memref<!tpu.dma_semaphore, #tpu.memory_space<semaphore_mem>>) src(%dma_wait3A_107 : memref<32x1024xf32, #tpu.memory_space<vmem>>) dst(%dma_wait3A_104 : memref<32x1024xf32, #tpu.memory_space<hbm>>)
    %scan3A_108 = arith.constant 0 : i32
    %scan3A_109 = arith.constant 0 : i32
    %scan3A_110 = arith.constant 32 : i32
    %scan3A_111 = arith.addi %scan3A_109, %scan3A_110 : i32
    %scan3A_112 = arith.constant 1 : i32
    scf.for %scan3A_288 = %scan3A_109 to %scan3A_111 step %scan3A_112  : i32 {
      %add3A_289 = arith.constant 32 : i32
      %add3A_290 = arith.addi %add3A_289, %scan3A_288 : i32
      %add3A_291 = arith.addi %select_n3A_11, %add3A_290 : i32
      %sub3A = arith.constant 33 : i32
      %sub3A_292 = arith.subi %add3A_291, %sub3A : i32
      %jit3A_293 = arith.constant 16 : i32
      %div3A = arith.divsi %sub3A_292, %jit3A_293 : i32
      %sign3A = arith.constant 0 : i32
      %sign3A_294 = arith.cmpi sgt, %sub3A_292, %sign3A : i32
      %sign3A_295 = arith.extui %sign3A_294 : i1 to i32
      %sign3A_296 = arith.constant 0 : i32
      %sign3A_297 = arith.cmpi slt, %sub3A_292, %sign3A_296 : i32
      %sign3A_298 = arith.extui %sign3A_297 : i1 to i32
      %sign3A_299 = arith.subi %sign3A_295, %sign3A_298 : i32
      %sign3A_300 = arith.constant 0 : i32
      %sign3A_301 = arith.cmpi sgt, %jit3A_293, %sign3A_300 : i32
      %sign3A_302 = arith.extui %sign3A_301 : i1 to i32
      %sign3A_303 = arith.constant 0 : i32
      %sign3A_304 = arith.cmpi slt, %jit3A_293, %sign3A_303 : i32
      %sign3A_305 = arith.extui %sign3A_304 : i1 to i32
      %sign3A_306 = arith.subi %sign3A_302, %sign3A_305 : i32
      %ne3A_307 = arith.cmpi ne, %sign3A_299, %sign3A_306 : i32
      %rem3A_308 = arith.remsi %sub3A_292, %jit3A_293 : i32
      %ne3A_309 = arith.constant 0 : i32
      %ne3A_310 = arith.cmpi ne, %rem3A_308, %ne3A_309 : i32
      %and3A_311 = arith.andi %ne3A_307, %ne3A_310 : i1
      %sub3A_312 = arith.constant 1 : i32
      %sub3A_313 = arith.subi %div3A, %sub3A_312 : i32
      %select_n3A_314 = arith.select %and3A_311, %sub3A_313, %div3A : i32
      %mul3A_315 = arith.constant 16 : i32
      %mul3A_316 = arith.muli %select_n3A_314, %mul3A_315 : i32
      %max3A = arith.constant 0 : i32
      %max3A_317 = arith.maxsi %mul3A_316, %max3A : i32
      %min3A = arith.constant 896 : i32
      %min3A_318 = arith.minsi %max3A_317, %min3A : i32
      %multiple_of3A = tpu.assume_multiple %min3A_318, 16 : i32
      %add3A_319 = arith.constant 32 : i32
      %add3A_320 = arith.addi %add3A_319, %scan3A_288 : i32
      %add3A_321 = arith.constant 0 : i32
      %add3A_322 = arith.addi %multiple_of3A, %add3A_321 : i32
      %swap3A = arith.index_cast %add3A_320 : i32 to index
      %swap3A_323 = arith.index_cast %add3A_322 : i32 to index
      %swap3A_324 = tpu.vector_load %arg6[%swap3A, %swap3A_323] {strides = array<i32>} : memref<64x1024xf32, #tpu.memory_space<vmem>>, vector<1x16xf32>,
      %swap3A_325 = vector.shape_cast %swap3A_324 : vector<1x16xf32> to vector<16xf32>
      %swap3A_326 = vector.shape_cast %broadcast_in_dim3A_12 : vector<16xf32> to vector<1x16xf32>
      tpu.vector_store %arg6[%swap3A, %swap3A_323], %swap3A_326 {strides = array<i32>} : memref<64x1024xf32, #tpu.memory_space<vmem>>, vector<1x16xf32>,
      %add3A_327 = arith.constant 32 : i32
      %add3A_328 = arith.addi %add3A_327, %scan3A_288 : i32
      %add3A_329 = arith.constant 16 : i32
      %add3A_330 = arith.addi %multiple_of3A, %add3A_329 : i32
      %swap3A_331 = arith.index_cast %add3A_328 : i32 to index
      %swap3A_332 = arith.index_cast %add3A_330 : i32 to index
      %swap3A_333 = tpu.vector_load %arg6[%swap3A_331, %swap3A_332] {strides = array<i32>} : memref<64x1024xf32, #tpu.memory_space<vmem>>, vector<1x16xf32>,
      %swap3A_334 = vector.shape_cast %swap3A_333 : vector<1x16xf32> to vector<16xf32>
      %swap3A_335 = vector.shape_cast %broadcast_in_dim3A_12 : vector<16xf32> to vector<1x16xf32>
      tpu.vector_store %arg6[%swap3A_331, %swap3A_332], %swap3A_335 {strides = array<i32>} : memref<64x1024xf32, #tpu.memory_space<vmem>>, vector<1x16xf32>,
      %add3A_336 = arith.constant 32 : i32
      %add3A_337 = arith.addi %add3A_336, %scan3A_288 : i32
      %add3A_338 = arith.constant 32 : i32
      %add3A_339 = arith.addi %multiple_of3A, %add3A_338 : i32
      %swap3A_340 = arith.index_cast %add3A_337 : i32 to index
      %swap3A_341 = arith.index_cast %add3A_339 : i32 to index
      %swap3A_342 = tpu.vector_load %arg6[%swap3A_340, %swap3A_341] {strides = array<i32>} : memref<64x1024xf32, #tpu.memory_space<vmem>>, vector<1x16xf32>,
      %swap3A_343 = vector.shape_cast %swap3A_342 : vector<1x16xf32> to vector<16xf32>
      %swap3A_344 = vector.shape_cast %broadcast_in_dim3A_12 : vector<16xf32> to vector<1x16xf32>
      tpu.vector_store %arg6[%swap3A_340, %swap3A_341], %swap3A_344 {strides = array<i32>} : memref<64x1024xf32, #tpu.memory_space<vmem>>, vector<1x16xf32>,
      %add3A_345 = arith.constant 32 : i32
      %add3A_346 = arith.addi %add3A_345, %scan3A_288 : i32
      %add3A_347 = arith.constant 48 : i32
      %add3A_348 = arith.addi %multiple_of3A, %add3A_347 : i32
      %swap3A_349 = arith.index_cast %add3A_346 : i32 to index
      %swap3A_350 = arith.index_cast %add3A_348 : i32 to index
      %swap3A_351 = tpu.vector_load %arg6[%swap3A_349, %swap3A_350] {strides = array<i32>} : memref<64x1024xf32, #tpu.memory_space<vmem>>, vector<1x16xf32>,
      %swap3A_352 = vector.shape_cast %swap3A_351 : vector<1x16xf32> to vector<16xf32>
      %swap3A_353 = vector.shape_cast %broadcast_in_dim3A_12 : vector<16xf32> to vector<1x16xf32>
      tpu.vector_store %arg6[%swap3A_349, %swap3A_350], %swap3A_353 {strides = array<i32>} : memref<64x1024xf32, #tpu.memory_space<vmem>>, vector<1x16xf32>,
      %add3A_354 = arith.constant 32 : i32
      %add3A_355 = arith.addi %add3A_354, %scan3A_288 : i32
      %add3A_356 = arith.constant 64 : i32
      %add3A_357 = arith.addi %multiple_of3A, %add3A_356 : i32
      %swap3A_358 = arith.index_cast %add3A_355 : i32 to index
      %swap3A_359 = arith.index_cast %add3A_357 : i32 to index
      %swap3A_360 = tpu.vector_load %arg6[%swap3A_358, %swap3A_359] {strides = array<i32>} : memref<64x1024xf32, #tpu.memory_space<vmem>>, vector<1x16xf32>,
      %swap3A_361 = vector.shape_cast %swap3A_360 : vector<1x16xf32> to vector<16xf32>
      %swap3A_362 = vector.shape_cast %broadcast_in_dim3A_12 : vector<16xf32> to vector<1x16xf32>
      tpu.vector_store %arg6[%swap3A_358, %swap3A_359], %swap3A_362 {strides = array<i32>} : memref<64x1024xf32, #tpu.memory_space<vmem>>, vector<1x16xf32>,
      %add3A_363 = arith.constant 32 : i32
      %add3A_364 = arith.addi %add3A_363, %scan3A_288 : i32
      %add3A_365 = arith.constant 80 : i32
      %add3A_366 = arith.addi %multiple_of3A, %add3A_365 : i32
      %swap3A_367 = arith.index_cast %add3A_364 : i32 to index
      %swap3A_368 = arith.index_cast %add3A_366 : i32 to index
      %swap3A_369 = tpu.vector_load %arg6[%swap3A_367, %swap3A_368] {strides = array<i32>} : memref<64x1024xf32, #tpu.memory_space<vmem>>, vector<1x16xf32>,
      %swap3A_370 = vector.shape_cast %swap3A_369 : vector<1x16xf32> to vector<16xf32>
      %swap3A_371 = vector.shape_cast %broadcast_in_dim3A_12 : vector<16xf32> to vector<1x16xf32>
      tpu.vector_store %arg6[%swap3A_367, %swap3A_368], %swap3A_371 {strides = array<i32>} : memref<64x1024xf32, #tpu.memory_space<vmem>>, vector<1x16xf32>,
      %add3A_372 = arith.constant 32 : i32
      %add3A_373 = arith.addi %add3A_372, %scan3A_288 : i32
      %add3A_374 = arith.constant 96 : i32
      %add3A_375 = arith.addi %multiple_of3A, %add3A_374 : i32
      %swap3A_376 = arith.index_cast %add3A_373 : i32 to index
      %swap3A_377 = arith.index_cast %add3A_375 : i32 to index
      %swap3A_378 = tpu.vector_load %arg6[%swap3A_376, %swap3A_377] {strides = array<i32>} : memref<64x1024xf32, #tpu.memory_space<vmem>>, vector<1x16xf32>,
      %swap3A_379 = vector.shape_cast %swap3A_378 : vector<1x16xf32> to vector<16xf32>
      %swap3A_380 = vector.shape_cast %broadcast_in_dim3A_12 : vector<16xf32> to vector<1x16xf32>
      tpu.vector_store %arg6[%swap3A_376, %swap3A_377], %swap3A_380 {strides = array<i32>} : memref<64x1024xf32, #tpu.memory_space<vmem>>, vector<1x16xf32>,
      %add3A_381 = arith.constant 32 : i32
      %add3A_382 = arith.addi %add3A_381, %scan3A_288 : i32
      %add3A_383 = arith.constant 112 : i32
      %add3A_384 = arith.addi %multiple_of3A, %add3A_383 : i32
      %swap3A_385 = arith.index_cast %add3A_382 : i32 to index
      %swap3A_386 = arith.index_cast %add3A_384 : i32 to index
      %swap3A_387 = tpu.vector_load %arg6[%swap3A_385, %swap3A_386] {strides = array<i32>} : memref<64x1024xf32, #tpu.memory_space<vmem>>, vector<1x16xf32>,
      %swap3A_388 = vector.shape_cast %swap3A_387 : vector<1x16xf32> to vector<16xf32>
      %swap3A_389 = vector.shape_cast %broadcast_in_dim3A_12 : vector<16xf32> to vector<1x16xf32>
      tpu.vector_store %arg6[%swap3A_385, %swap3A_386], %swap3A_389 {strides = array<i32>} : memref<64x1024xf32, #tpu.memory_space<vmem>>, vector<1x16xf32>,
    }
    %scan3A_113 = arith.constant 32 : i32
    %scan3A_114 = arith.constant 0 : i32
    %scan3A_115 = arith.constant 0 : i32
    %scan3A_116 = arith.constant 32 : i32
    %scan3A_117 = arith.addi %scan3A_115, %scan3A_116 : i32
    %scan3A_118 = arith.constant 1 : i32
    scf.for %scan3A_288 = %scan3A_115 to %scan3A_117 step %scan3A_118  : i32 {
      %add3A_289 = arith.constant 96 : i32
      %add3A_290 = arith.addi %add3A_289, %scan3A_288 : i32
      %add3A_291 = arith.addi %select_n3A_11, %add3A_290 : i32
      %sub3A = arith.constant 33 : i32
      %sub3A_292 = arith.subi %add3A_291, %sub3A : i32
      %jit3A_293 = arith.constant 16 : i32
      %div3A = arith.divsi %sub3A_292, %jit3A_293 : i32
      %sign3A = arith.constant 0 : i32
      %sign3A_294 = arith.cmpi sgt, %sub3A_292, %sign3A : i32
      %sign3A_295 = arith.extui %sign3A_294 : i1 to i32
      %sign3A_296 = arith.constant 0 : i32
      %sign3A_297 = arith.cmpi slt, %sub3A_292, %sign3A_296 : i32
      %sign3A_298 = arith.extui %sign3A_297 : i1 to i32
      %sign3A_299 = arith.subi %sign3A_295, %sign3A_298 : i32
      %sign3A_300 = arith.constant 0 : i32
      %sign3A_301 = arith.cmpi sgt, %jit3A_293, %sign3A_300 : i32
      %sign3A_302 = arith.extui %sign3A_301 : i1 to i32
      %sign3A_303 = arith.constant 0 : i32
      %sign3A_304 = arith.cmpi slt, %jit3A_293, %sign3A_303 : i32
      %sign3A_305 = arith.extui %sign3A_304 : i1 to i32
      %sign3A_306 = arith.subi %sign3A_302, %sign3A_305 : i32
      %ne3A_307 = arith.cmpi ne, %sign3A_299, %sign3A_306 : i32
      %rem3A_308 = arith.remsi %sub3A_292, %jit3A_293 : i32
      %ne3A_309 = arith.constant 0 : i32
      %ne3A_310 = arith.cmpi ne, %rem3A_308, %ne3A_309 : i32
      %and3A_311 = arith.andi %ne3A_307, %ne3A_310 : i1
      %sub3A_312 = arith.constant 1 : i32
      %sub3A_313 = arith.subi %div3A, %sub3A_312 : i32
      %select_n3A_314 = arith.select %and3A_311, %sub3A_313, %div3A : i32
      %mul3A_315 = arith.constant 16 : i32
      %mul3A_316 = arith.muli %select_n3A_314, %mul3A_315 : i32
      %max3A = arith.constant 0 : i32
      %max3A_317 = arith.maxsi %mul3A_316, %max3A : i32
      %min3A = arith.constant 896 : i32
      %min3A_318 = arith.minsi %max3A_317, %min3A : i32
      %multiple_of3A = tpu.assume_multiple %min3A_318, 16 : i32
      %get3A = arith.index_cast %add3A_290 : i32 to index
      %get3A_319 = arith.constant 0 : index
      %get3A_320 = tpu.vector_load %arg5[%get3A, %get3A_319] {strides = array<i32>} : memref<256x128xf32, #tpu.memory_space<vmem>>, vector<1x16xf32>,
      %get3A_321 = vector.shape_cast %get3A_320 : vector<1x16xf32> to vector<16xf32>
      %add3A_322 = arith.constant 32 : i32
      %add3A_323 = arith.addi %add3A_322, %scan3A_288 : i32
      %add3A_324 = arith.constant 0 : i32
      %add3A_325 = arith.addi %multiple_of3A, %add3A_324 : i32
      %swap3A = arith.index_cast %add3A_323 : i32 to index
      %swap3A_326 = arith.index_cast %add3A_325 : i32 to index
      %swap3A_327 = tpu.vector_load %arg6[%swap3A, %swap3A_326] {strides = array<i32>} : memref<64x1024xf32, #tpu.memory_space<vmem>>, vector<1x16xf32>,
      %swap3A_328 = vector.shape_cast %swap3A_327 : vector<1x16xf32> to vector<16xf32>
      %swap3A_329 = vector.shape_cast %get3A_321 : vector<16xf32> to vector<1x16xf32>
      tpu.vector_store %arg6[%swap3A, %swap3A_326], %swap3A_329 {strides = array<i32>} : memref<64x1024xf32, #tpu.memory_space<vmem>>, vector<1x16xf32>,
      %get3A_330 = arith.index_cast %add3A_290 : i32 to index
      %get3A_331 = arith.constant 16 : index
      %get3A_332 = tpu.vector_load %arg5[%get3A_330, %get3A_331] {strides = array<i32>} : memref<256x128xf32, #tpu.memory_space<vmem>>, vector<1x16xf32>,
      %get3A_333 = vector.shape_cast %get3A_332 : vector<1x16xf32> to vector<16xf32>
      %add3A_334 = arith.constant 32 : i32
      %add3A_335 = arith.addi %add3A_334, %scan3A_288 : i32
      %add3A_336 = arith.constant 16 : i32
      %add3A_337 = arith.addi %multiple_of3A, %add3A_336 : i32
      %swap3A_338 = arith.index_cast %add3A_335 : i32 to index
      %swap3A_339 = arith.index_cast %add3A_337 : i32 to index
      %swap3A_340 = tpu.vector_load %arg6[%swap3A_338, %swap3A_339] {strides = array<i32>} : memref<64x1024xf32, #tpu.memory_space<vmem>>, vector<1x16xf32>,
      %swap3A_341 = vector.shape_cast %swap3A_340 : vector<1x16xf32> to vector<16xf32>
      %swap3A_342 = vector.shape_cast %get3A_333 : vector<16xf32> to vector<1x16xf32>
      tpu.vector_store %arg6[%swap3A_338, %swap3A_339], %swap3A_342 {strides = array<i32>} : memref<64x1024xf32, #tpu.memory_space<vmem>>, vector<1x16xf32>,
      %get3A_343 = arith.index_cast %add3A_290 : i32 to index
      %get3A_344 = arith.constant 32 : index
      %get3A_345 = tpu.vector_load %arg5[%get3A_343, %get3A_344] {strides = array<i32>} : memref<256x128xf32, #tpu.memory_space<vmem>>, vector<1x16xf32>,
      %get3A_346 = vector.shape_cast %get3A_345 : vector<1x16xf32> to vector<16xf32>
      %add3A_347 = arith.constant 32 : i32
      %add3A_348 = arith.addi %add3A_347, %scan3A_288 : i32
      %add3A_349 = arith.constant 32 : i32
      %add3A_350 = arith.addi %multiple_of3A, %add3A_349 : i32
      %swap3A_351 = arith.index_cast %add3A_348 : i32 to index
      %swap3A_352 = arith.index_cast %add3A_350 : i32 to index
      %swap3A_353 = tpu.vector_load %arg6[%swap3A_351, %swap3A_352] {strides = array<i32>} : memref<64x1024xf32, #tpu.memory_space<vmem>>, vector<1x16xf32>,
      %swap3A_354 = vector.shape_cast %swap3A_353 : vector<1x16xf32> to vector<16xf32>
      %swap3A_355 = vector.shape_cast %get3A_346 : vector<16xf32> to vector<1x16xf32>
      tpu.vector_store %arg6[%swap3A_351, %swap3A_352], %swap3A_355 {strides = array<i32>} : memref<64x1024xf32, #tpu.memory_space<vmem>>, vector<1x16xf32>,
      %get3A_356 = arith.index_cast %add3A_290 : i32 to index
      %get3A_357 = arith.constant 48 : index
      %get3A_358 = tpu.vector_load %arg5[%get3A_356, %get3A_357] {strides = array<i32>} : memref<256x128xf32, #tpu.memory_space<vmem>>, vector<1x16xf32>,
      %get3A_359 = vector.shape_cast %get3A_358 : vector<1x16xf32> to vector<16xf32>
      %add3A_360 = arith.constant 32 : i32
      %add3A_361 = arith.addi %add3A_360, %scan3A_288 : i32
      %add3A_362 = arith.constant 48 : i32
      %add3A_363 = arith.addi %multiple_of3A, %add3A_362 : i32
      %swap3A_364 = arith.index_cast %add3A_361 : i32 to index
      %swap3A_365 = arith.index_cast %add3A_363 : i32 to index
      %swap3A_366 = tpu.vector_load %arg6[%swap3A_364, %swap3A_365] {strides = array<i32>} : memref<64x1024xf32, #tpu.memory_space<vmem>>, vector<1x16xf32>,
      %swap3A_367 = vector.shape_cast %swap3A_366 : vector<1x16xf32> to vector<16xf32>
      %swap3A_368 = vector.shape_cast %get3A_359 : vector<16xf32> to vector<1x16xf32>
      tpu.vector_store %arg6[%swap3A_364, %swap3A_365], %swap3A_368 {strides = array<i32>} : memref<64x1024xf32, #tpu.memory_space<vmem>>, vector<1x16xf32>,
      %get3A_369 = arith.index_cast %add3A_290 : i32 to index
      %get3A_370 = arith.constant 64 : index
      %get3A_371 = tpu.vector_load %arg5[%get3A_369, %get3A_370] {strides = array<i32>} : memref<256x128xf32, #tpu.memory_space<vmem>>, vector<1x16xf32>,
      %get3A_372 = vector.shape_cast %get3A_371 : vector<1x16xf32> to vector<16xf32>
      %add3A_373 = arith.constant 32 : i32
      %add3A_374 = arith.addi %add3A_373, %scan3A_288 : i32
      %add3A_375 = arith.constant 64 : i32
      %add3A_376 = arith.addi %multiple_of3A, %add3A_375 : i32
      %swap3A_377 = arith.index_cast %add3A_374 : i32 to index
      %swap3A_378 = arith.index_cast %add3A_376 : i32 to index
      %swap3A_379 = tpu.vector_load %arg6[%swap3A_377, %swap3A_378] {strides = array<i32>} : memref<64x1024xf32, #tpu.memory_space<vmem>>, vector<1x16xf32>,
      %swap3A_380 = vector.shape_cast %swap3A_379 : vector<1x16xf32> to vector<16xf32>
      %swap3A_381 = vector.shape_cast %get3A_372 : vector<16xf32> to vector<1x16xf32>
      tpu.vector_store %arg6[%swap3A_377, %swap3A_378], %swap3A_381 {strides = array<i32>} : memref<64x1024xf32, #tpu.memory_space<vmem>>, vector<1x16xf32>,
      %get3A_382 = arith.index_cast %add3A_290 : i32 to index
      %get3A_383 = arith.constant 80 : index
      %get3A_384 = tpu.vector_load %arg5[%get3A_382, %get3A_383] {strides = array<i32>} : memref<256x128xf32, #tpu.memory_space<vmem>>, vector<1x16xf32>,
      %get3A_385 = vector.shape_cast %get3A_384 : vector<1x16xf32> to vector<16xf32>
      %add3A_386 = arith.constant 32 : i32
      %add3A_387 = arith.addi %add3A_386, %scan3A_288 : i32
      %add3A_388 = arith.constant 80 : i32
      %add3A_389 = arith.addi %multiple_of3A, %add3A_388 : i32
      %swap3A_390 = arith.index_cast %add3A_387 : i32 to index
      %swap3A_391 = arith.index_cast %add3A_389 : i32 to index
      %swap3A_392 = tpu.vector_load %arg6[%swap3A_390, %swap3A_391] {strides = array<i32>} : memref<64x1024xf32, #tpu.memory_space<vmem>>, vector<1x16xf32>,
      %swap3A_393 = vector.shape_cast %swap3A_392 : vector<1x16xf32> to vector<16xf32>
      %swap3A_394 = vector.shape_cast %get3A_385 : vector<16xf32> to vector<1x16xf32>
      tpu.vector_store %arg6[%swap3A_390, %swap3A_391], %swap3A_394 {strides = array<i32>} : memref<64x1024xf32, #tpu.memory_space<vmem>>, vector<1x16xf32>,
      %get3A_395 = arith.index_cast %add3A_290 : i32 to index
      %get3A_396 = arith.constant 96 : index
      %get3A_397 = tpu.vector_load %arg5[%get3A_395, %get3A_396] {strides = array<i32>} : memref<256x128xf32, #tpu.memory_space<vmem>>, vector<1x16xf32>,
      %get3A_398 = vector.shape_cast %get3A_397 : vector<1x16xf32> to vector<16xf32>
      %add3A_399 = arith.constant 32 : i32
      %add3A_400 = arith.addi %add3A_399, %scan3A_288 : i32
      %add3A_401 = arith.constant 96 : i32
      %add3A_402 = arith.addi %multiple_of3A, %add3A_401 : i32
      %swap3A_403 = arith.index_cast %add3A_400 : i32 to index
      %swap3A_404 = arith.index_cast %add3A_402 : i32 to index
      %swap3A_405 = tpu.vector_load %arg6[%swap3A_403, %swap3A_404] {strides = array<i32>} : memref<64x1024xf32, #tpu.memory_space<vmem>>, vector<1x16xf32>,
      %swap3A_406 = vector.shape_cast %swap3A_405 : vector<1x16xf32> to vector<16xf32>
      %swap3A_407 = vector.shape_cast %get3A_398 : vector<16xf32> to vector<1x16xf32>
      tpu.vector_store %arg6[%swap3A_403, %swap3A_404], %swap3A_407 {strides = array<i32>} : memref<64x1024xf32, #tpu.memory_space<vmem>>, vector<1x16xf32>,
      %get3A_408 = arith.index_cast %add3A_290 : i32 to index
      %get3A_409 = arith.constant 112 : index
      %get3A_410 = tpu.vector_load %arg5[%get3A_408, %get3A_409] {strides = array<i32>} : memref<256x128xf32, #tpu.memory_space<vmem>>, vector<1x16xf32>,
      %get3A_411 = vector.shape_cast %get3A_410 : vector<1x16xf32> to vector<16xf32>
      %add3A_412 = arith.constant 32 : i32
      %add3A_413 = arith.addi %add3A_412, %scan3A_288 : i32
      %add3A_414 = arith.constant 112 : i32
      %add3A_415 = arith.addi %multiple_of3A, %add3A_414 : i32
      %swap3A_416 = arith.index_cast %add3A_413 : i32 to index
      %swap3A_417 = arith.index_cast %add3A_415 : i32 to index
      %swap3A_418 = tpu.vector_load %arg6[%swap3A_416, %swap3A_417] {strides = array<i32>} : memref<64x1024xf32, #tpu.memory_space<vmem>>, vector<1x16xf32>,
      %swap3A_419 = vector.shape_cast %swap3A_418 : vector<1x16xf32> to vector<16xf32>
      %swap3A_420 = vector.shape_cast %get3A_411 : vector<16xf32> to vector<1x16xf32>
      tpu.vector_store %arg6[%swap3A_416, %swap3A_417], %swap3A_420 {strides = array<i32>} : memref<64x1024xf32, #tpu.memory_space<vmem>>, vector<1x16xf32>,
    }
    %scan3A_119 = arith.constant 32 : i32
    %add3A_120 = arith.constant 96 : i32
    %add3A_121 = arith.addi %mul3A_2, %add3A_120 : i32
    %dma_start3A_122 = arith.constant 32 : i32
    %dma_start3A_123 = arith.constant 0 : i32
    %dma_start3A_124 = tpu.memref_slice %arg6[%dma_start3A_122, %dma_start3A_123] : memref<64x1024xf32, #tpu.memory_space<vmem>> -> memref<32x1024xf32, #tpu.memory_space<vmem>>
    %dma_start3A_125 = arith.constant 0 : i32
    %dma_start3A_126 = tpu.memref_slice %arg4[%add3A_121, %dma_start3A_125] : memref<8192x1024xf32, #tpu.memory_space<hbm>> -> memref<32x1024xf32, #tpu.memory_space<hbm>>
    %dma_start3A_127 = arith.constant 0 : i32
    %dma_start3A_128 = tpu.memref_slice %arg4[%add3A_121, %dma_start3A_127] : memref<8192x1024xf32, #tpu.memory_space<hbm>> -> memref<32x1024xf32, #tpu.memory_space<hbm>>
    %dma_start3A_129 = arith.constant 32 : i32
    %dma_start3A_130 = arith.constant 0 : i32
    %dma_start3A_131 = tpu.memref_slice %arg6[%dma_start3A_129, %dma_start3A_130] : memref<64x1024xf32, #tpu.memory_space<vmem>> -> memref<32x1024xf32, #tpu.memory_space<vmem>>
    tpu.enqueue_dma source(%dma_start3A_131 : memref<32x1024xf32, #tpu.memory_space<vmem>>) target(%dma_start3A_128 : memref<32x1024xf32, #tpu.memory_space<hbm>>) target_semaphore(%arg8 : memref<!tpu.dma_semaphore, #tpu.memory_space<semaphore_mem>>)
    %dma_wait3A_132 = arith.constant 0 : i32
    %dma_wait3A_133 = arith.constant 0 : i32
    %dma_wait3A_134 = tpu.memref_slice %arg6[%dma_wait3A_132, %dma_wait3A_133] : memref<64x1024xf32, #tpu.memory_space<vmem>> -> memref<32x1024xf32, #tpu.memory_space<vmem>>
    %dma_wait3A_135 = arith.constant 0 : i32
    %dma_wait3A_136 = tpu.memref_slice %arg4[%add3A_87, %dma_wait3A_135] : memref<8192x1024xf32, #tpu.memory_space<hbm>> -> memref<32x1024xf32, #tpu.memory_space<hbm>>
    %dma_wait3A_137 = arith.constant 0 : i32
    %dma_wait3A_138 = tpu.memref_slice %arg4[%add3A_87, %dma_wait3A_137] : memref<8192x1024xf32, #tpu.memory_space<hbm>> -> memref<32x1024xf32, #tpu.memory_space<hbm>>
    %dma_wait3A_139 = arith.constant 0 : i32
    %dma_wait3A_140 = arith.constant 0 : i32
    %dma_wait3A_141 = tpu.memref_slice %arg6[%dma_wait3A_139, %dma_wait3A_140] : memref<64x1024xf32, #tpu.memory_space<vmem>> -> memref<32x1024xf32, #tpu.memory_space<vmem>>
    tpu.wait_dma2 semaphore(%arg7 : memref<!tpu.dma_semaphore, #tpu.memory_space<semaphore_mem>>) src(%dma_wait3A_141 : memref<32x1024xf32, #tpu.memory_space<vmem>>) dst(%dma_wait3A_138 : memref<32x1024xf32, #tpu.memory_space<hbm>>)
    %scan3A_142 = arith.constant 0 : i32
    %scan3A_143 = arith.constant 0 : i32
    %scan3A_144 = arith.constant 32 : i32
    %scan3A_145 = arith.addi %scan3A_143, %scan3A_144 : i32
    %scan3A_146 = arith.constant 1 : i32
    scf.for %scan3A_288 = %scan3A_143 to %scan3A_145 step %scan3A_146  : i32 {
      %add3A_289 = arith.constant 64 : i32
      %add3A_290 = arith.addi %add3A_289, %scan3A_288 : i32
      %add3A_291 = arith.addi %select_n3A_11, %add3A_290 : i32
      %sub3A = arith.constant 33 : i32
      %sub3A_292 = arith.subi %add3A_291, %sub3A : i32
      %jit3A_293 = arith.constant 16 : i32
      %div3A = arith.divsi %sub3A_292, %jit3A_293 : i32
      %sign3A = arith.constant 0 : i32
      %sign3A_294 = arith.cmpi sgt, %sub3A_292, %sign3A : i32
      %sign3A_295 = arith.extui %sign3A_294 : i1 to i32
      %sign3A_296 = arith.constant 0 : i32
      %sign3A_297 = arith.cmpi slt, %sub3A_292, %sign3A_296 : i32
      %sign3A_298 = arith.extui %sign3A_297 : i1 to i32
      %sign3A_299 = arith.subi %sign3A_295, %sign3A_298 : i32
      %sign3A_300 = arith.constant 0 : i32
      %sign3A_301 = arith.cmpi sgt, %jit3A_293, %sign3A_300 : i32
      %sign3A_302 = arith.extui %sign3A_301 : i1 to i32
      %sign3A_303 = arith.constant 0 : i32
      %sign3A_304 = arith.cmpi slt, %jit3A_293, %sign3A_303 : i32
      %sign3A_305 = arith.extui %sign3A_304 : i1 to i32
      %sign3A_306 = arith.subi %sign3A_302, %sign3A_305 : i32
      %ne3A_307 = arith.cmpi ne, %sign3A_299, %sign3A_306 : i32
      %rem3A_308 = arith.remsi %sub3A_292, %jit3A_293 : i32
      %ne3A_309 = arith.constant 0 : i32
      %ne3A_310 = arith.cmpi ne, %rem3A_308, %ne3A_309 : i32
      %and3A_311 = arith.andi %ne3A_307, %ne3A_310 : i1
      %sub3A_312 = arith.constant 1 : i32
      %sub3A_313 = arith.subi %div3A, %sub3A_312 : i32
      %select_n3A_314 = arith.select %and3A_311, %sub3A_313, %div3A : i32
      %mul3A_315 = arith.constant 16 : i32
      %mul3A_316 = arith.muli %select_n3A_314, %mul3A_315 : i32
      %max3A = arith.constant 0 : i32
      %max3A_317 = arith.maxsi %mul3A_316, %max3A : i32
      %min3A = arith.constant 896 : i32
      %min3A_318 = arith.minsi %max3A_317, %min3A : i32
      %multiple_of3A = tpu.assume_multiple %min3A_318, 16 : i32
      %add3A_319 = arith.constant 0 : i32
      %add3A_320 = arith.addi %add3A_319, %scan3A_288 : i32
      %add3A_321 = arith.constant 0 : i32
      %add3A_322 = arith.addi %multiple_of3A, %add3A_321 : i32
      %swap3A = arith.index_cast %add3A_320 : i32 to index
      %swap3A_323 = arith.index_cast %add3A_322 : i32 to index
      %swap3A_324 = tpu.vector_load %arg6[%swap3A, %swap3A_323] {strides = array<i32>} : memref<64x1024xf32, #tpu.memory_space<vmem>>, vector<1x16xf32>,
      %swap3A_325 = vector.shape_cast %swap3A_324 : vector<1x16xf32> to vector<16xf32>
      %swap3A_326 = vector.shape_cast %broadcast_in_dim3A_12 : vector<16xf32> to vector<1x16xf32>
      tpu.vector_store %arg6[%swap3A, %swap3A_323], %swap3A_326 {strides = array<i32>} : memref<64x1024xf32, #tpu.memory_space<vmem>>, vector<1x16xf32>,
      %add3A_327 = arith.constant 0 : i32
      %add3A_328 = arith.addi %add3A_327, %scan3A_288 : i32
      %add3A_329 = arith.constant 16 : i32
      %add3A_330 = arith.addi %multiple_of3A, %add3A_329 : i32
      %swap3A_331 = arith.index_cast %add3A_328 : i32 to index
      %swap3A_332 = arith.index_cast %add3A_330 : i32 to index
      %swap3A_333 = tpu.vector_load %arg6[%swap3A_331, %swap3A_332] {strides = array<i32>} : memref<64x1024xf32, #tpu.memory_space<vmem>>, vector<1x16xf32>,
      %swap3A_334 = vector.shape_cast %swap3A_333 : vector<1x16xf32> to vector<16xf32>
      %swap3A_335 = vector.shape_cast %broadcast_in_dim3A_12 : vector<16xf32> to vector<1x16xf32>
      tpu.vector_store %arg6[%swap3A_331, %swap3A_332], %swap3A_335 {strides = array<i32>} : memref<64x1024xf32, #tpu.memory_space<vmem>>, vector<1x16xf32>,
      %add3A_336 = arith.constant 0 : i32
      %add3A_337 = arith.addi %add3A_336, %scan3A_288 : i32
      %add3A_338 = arith.constant 32 : i32
      %add3A_339 = arith.addi %multiple_of3A, %add3A_338 : i32
      %swap3A_340 = arith.index_cast %add3A_337 : i32 to index
      %swap3A_341 = arith.index_cast %add3A_339 : i32 to index
      %swap3A_342 = tpu.vector_load %arg6[%swap3A_340, %swap3A_341] {strides = array<i32>} : memref<64x1024xf32, #tpu.memory_space<vmem>>, vector<1x16xf32>,
      %swap3A_343 = vector.shape_cast %swap3A_342 : vector<1x16xf32> to vector<16xf32>
      %swap3A_344 = vector.shape_cast %broadcast_in_dim3A_12 : vector<16xf32> to vector<1x16xf32>
      tpu.vector_store %arg6[%swap3A_340, %swap3A_341], %swap3A_344 {strides = array<i32>} : memref<64x1024xf32, #tpu.memory_space<vmem>>, vector<1x16xf32>,
      %add3A_345 = arith.constant 0 : i32
      %add3A_346 = arith.addi %add3A_345, %scan3A_288 : i32
      %add3A_347 = arith.constant 48 : i32
      %add3A_348 = arith.addi %multiple_of3A, %add3A_347 : i32
      %swap3A_349 = arith.index_cast %add3A_346 : i32 to index
      %swap3A_350 = arith.index_cast %add3A_348 : i32 to index
      %swap3A_351 = tpu.vector_load %arg6[%swap3A_349, %swap3A_350] {strides = array<i32>} : memref<64x1024xf32, #tpu.memory_space<vmem>>, vector<1x16xf32>,
      %swap3A_352 = vector.shape_cast %swap3A_351 : vector<1x16xf32> to vector<16xf32>
      %swap3A_353 = vector.shape_cast %broadcast_in_dim3A_12 : vector<16xf32> to vector<1x16xf32>
      tpu.vector_store %arg6[%swap3A_349, %swap3A_350], %swap3A_353 {strides = array<i32>} : memref<64x1024xf32, #tpu.memory_space<vmem>>, vector<1x16xf32>,
      %add3A_354 = arith.constant 0 : i32
      %add3A_355 = arith.addi %add3A_354, %scan3A_288 : i32
      %add3A_356 = arith.constant 64 : i32
      %add3A_357 = arith.addi %multiple_of3A, %add3A_356 : i32
      %swap3A_358 = arith.index_cast %add3A_355 : i32 to index
      %swap3A_359 = arith.index_cast %add3A_357 : i32 to index
      %swap3A_360 = tpu.vector_load %arg6[%swap3A_358, %swap3A_359] {strides = array<i32>} : memref<64x1024xf32, #tpu.memory_space<vmem>>, vector<1x16xf32>,
      %swap3A_361 = vector.shape_cast %swap3A_360 : vector<1x16xf32> to vector<16xf32>
      %swap3A_362 = vector.shape_cast %broadcast_in_dim3A_12 : vector<16xf32> to vector<1x16xf32>
      tpu.vector_store %arg6[%swap3A_358, %swap3A_359], %swap3A_362 {strides = array<i32>} : memref<64x1024xf32, #tpu.memory_space<vmem>>, vector<1x16xf32>,
      %add3A_363 = arith.constant 0 : i32
      %add3A_364 = arith.addi %add3A_363, %scan3A_288 : i32
      %add3A_365 = arith.constant 80 : i32
      %add3A_366 = arith.addi %multiple_of3A, %add3A_365 : i32
      %swap3A_367 = arith.index_cast %add3A_364 : i32 to index
      %swap3A_368 = arith.index_cast %add3A_366 : i32 to index
      %swap3A_369 = tpu.vector_load %arg6[%swap3A_367, %swap3A_368] {strides = array<i32>} : memref<64x1024xf32, #tpu.memory_space<vmem>>, vector<1x16xf32>,
      %swap3A_370 = vector.shape_cast %swap3A_369 : vector<1x16xf32> to vector<16xf32>
      %swap3A_371 = vector.shape_cast %broadcast_in_dim3A_12 : vector<16xf32> to vector<1x16xf32>
      tpu.vector_store %arg6[%swap3A_367, %swap3A_368], %swap3A_371 {strides = array<i32>} : memref<64x1024xf32, #tpu.memory_space<vmem>>, vector<1x16xf32>,
      %add3A_372 = arith.constant 0 : i32
      %add3A_373 = arith.addi %add3A_372, %scan3A_288 : i32
      %add3A_374 = arith.constant 96 : i32
      %add3A_375 = arith.addi %multiple_of3A, %add3A_374 : i32
      %swap3A_376 = arith.index_cast %add3A_373 : i32 to index
      %swap3A_377 = arith.index_cast %add3A_375 : i32 to index
      %swap3A_378 = tpu.vector_load %arg6[%swap3A_376, %swap3A_377] {strides = array<i32>} : memref<64x1024xf32, #tpu.memory_space<vmem>>, vector<1x16xf32>,
      %swap3A_379 = vector.shape_cast %swap3A_378 : vector<1x16xf32> to vector<16xf32>
      %swap3A_380 = vector.shape_cast %broadcast_in_dim3A_12 : vector<16xf32> to vector<1x16xf32>
      tpu.vector_store %arg6[%swap3A_376, %swap3A_377], %swap3A_380 {strides = array<i32>} : memref<64x1024xf32, #tpu.memory_space<vmem>>, vector<1x16xf32>,
      %add3A_381 = arith.constant 0 : i32
      %add3A_382 = arith.addi %add3A_381, %scan3A_288 : i32
      %add3A_383 = arith.constant 112 : i32
      %add3A_384 = arith.addi %multiple_of3A, %add3A_383 : i32
      %swap3A_385 = arith.index_cast %add3A_382 : i32 to index
      %swap3A_386 = arith.index_cast %add3A_384 : i32 to index
      %swap3A_387 = tpu.vector_load %arg6[%swap3A_385, %swap3A_386] {strides = array<i32>} : memref<64x1024xf32, #tpu.memory_space<vmem>>, vector<1x16xf32>,
      %swap3A_388 = vector.shape_cast %swap3A_387 : vector<1x16xf32> to vector<16xf32>
      %swap3A_389 = vector.shape_cast %broadcast_in_dim3A_12 : vector<16xf32> to vector<1x16xf32>
      tpu.vector_store %arg6[%swap3A_385, %swap3A_386], %swap3A_389 {strides = array<i32>} : memref<64x1024xf32, #tpu.memory_space<vmem>>, vector<1x16xf32>,
    }
    %scan3A_147 = arith.constant 32 : i32
    %scan3A_148 = arith.constant 0 : i32
    %scan3A_149 = arith.constant 0 : i32
    %scan3A_150 = arith.constant 32 : i32
    %scan3A_151 = arith.addi %scan3A_149, %scan3A_150 : i32
    %scan3A_152 = arith.constant 1 : i32
    scf.for %scan3A_288 = %scan3A_149 to %scan3A_151 step %scan3A_152  : i32 {
      %add3A_289 = arith.constant 128 : i32
      %add3A_290 = arith.addi %add3A_289, %scan3A_288 : i32
      %add3A_291 = arith.addi %select_n3A_11, %add3A_290 : i32
      %sub3A = arith.constant 33 : i32
      %sub3A_292 = arith.subi %add3A_291, %sub3A : i32
      %jit3A_293 = arith.constant 16 : i32
      %div3A = arith.divsi %sub3A_292, %jit3A_293 : i32
      %sign3A = arith.constant 0 : i32
      %sign3A_294 = arith.cmpi sgt, %sub3A_292, %sign3A : i32
      %sign3A_295 = arith.extui %sign3A_294 : i1 to i32
      %sign3A_296 = arith.constant 0 : i32
      %sign3A_297 = arith.cmpi slt, %sub3A_292, %sign3A_296 : i32
      %sign3A_298 = arith.extui %sign3A_297 : i1 to i32
      %sign3A_299 = arith.subi %sign3A_295, %sign3A_298 : i32
      %sign3A_300 = arith.constant 0 : i32
      %sign3A_301 = arith.cmpi sgt, %jit3A_293, %sign3A_300 : i32
      %sign3A_302 = arith.extui %sign3A_301 : i1 to i32
      %sign3A_303 = arith.constant 0 : i32
      %sign3A_304 = arith.cmpi slt, %jit3A_293, %sign3A_303 : i32
      %sign3A_305 = arith.extui %sign3A_304 : i1 to i32
      %sign3A_306 = arith.subi %sign3A_302, %sign3A_305 : i32
      %ne3A_307 = arith.cmpi ne, %sign3A_299, %sign3A_306 : i32
      %rem3A_308 = arith.remsi %sub3A_292, %jit3A_293 : i32
      %ne3A_309 = arith.constant 0 : i32
      %ne3A_310 = arith.cmpi ne, %rem3A_308, %ne3A_309 : i32
      %and3A_311 = arith.andi %ne3A_307, %ne3A_310 : i1
      %sub3A_312 = arith.constant 1 : i32
      %sub3A_313 = arith.subi %div3A, %sub3A_312 : i32
      %select_n3A_314 = arith.select %and3A_311, %sub3A_313, %div3A : i32
      %mul3A_315 = arith.constant 16 : i32
      %mul3A_316 = arith.muli %select_n3A_314, %mul3A_315 : i32
      %max3A = arith.constant 0 : i32
      %max3A_317 = arith.maxsi %mul3A_316, %max3A : i32
      %min3A = arith.constant 896 : i32
      %min3A_318 = arith.minsi %max3A_317, %min3A : i32
      %multiple_of3A = tpu.assume_multiple %min3A_318, 16 : i32
      %get3A = arith.index_cast %add3A_290 : i32 to index
      %get3A_319 = arith.constant 0 : index
      %get3A_320 = tpu.vector_load %arg5[%get3A, %get3A_319] {strides = array<i32>} : memref<256x128xf32, #tpu.memory_space<vmem>>, vector<1x16xf32>,
      %get3A_321 = vector.shape_cast %get3A_320 : vector<1x16xf32> to vector<16xf32>
      %add3A_322 = arith.constant 0 : i32
      %add3A_323 = arith.addi %add3A_322, %scan3A_288 : i32
      %add3A_324 = arith.constant 0 : i32
      %add3A_325 = arith.addi %multiple_of3A, %add3A_324 : i32
      %swap3A = arith.index_cast %add3A_323 : i32 to index
      %swap3A_326 = arith.index_cast %add3A_325 : i32 to index
      %swap3A_327 = tpu.vector_load %arg6[%swap3A, %swap3A_326] {strides = array<i32>} : memref<64x1024xf32, #tpu.memory_space<vmem>>, vector<1x16xf32>,
      %swap3A_328 = vector.shape_cast %swap3A_327 : vector<1x16xf32> to vector<16xf32>
      %swap3A_329 = vector.shape_cast %get3A_321 : vector<16xf32> to vector<1x16xf32>
      tpu.vector_store %arg6[%swap3A, %swap3A_326], %swap3A_329 {strides = array<i32>} : memref<64x1024xf32, #tpu.memory_space<vmem>>, vector<1x16xf32>,
      %get3A_330 = arith.index_cast %add3A_290 : i32 to index
      %get3A_331 = arith.constant 16 : index
      %get3A_332 = tpu.vector_load %arg5[%get3A_330, %get3A_331] {strides = array<i32>} : memref<256x128xf32, #tpu.memory_space<vmem>>, vector<1x16xf32>,
      %get3A_333 = vector.shape_cast %get3A_332 : vector<1x16xf32> to vector<16xf32>
      %add3A_334 = arith.constant 0 : i32
      %add3A_335 = arith.addi %add3A_334, %scan3A_288 : i32
      %add3A_336 = arith.constant 16 : i32
      %add3A_337 = arith.addi %multiple_of3A, %add3A_336 : i32
      %swap3A_338 = arith.index_cast %add3A_335 : i32 to index
      %swap3A_339 = arith.index_cast %add3A_337 : i32 to index
      %swap3A_340 = tpu.vector_load %arg6[%swap3A_338, %swap3A_339] {strides = array<i32>} : memref<64x1024xf32, #tpu.memory_space<vmem>>, vector<1x16xf32>,
      %swap3A_341 = vector.shape_cast %swap3A_340 : vector<1x16xf32> to vector<16xf32>
      %swap3A_342 = vector.shape_cast %get3A_333 : vector<16xf32> to vector<1x16xf32>
      tpu.vector_store %arg6[%swap3A_338, %swap3A_339], %swap3A_342 {strides = array<i32>} : memref<64x1024xf32, #tpu.memory_space<vmem>>, vector<1x16xf32>,
      %get3A_343 = arith.index_cast %add3A_290 : i32 to index
      %get3A_344 = arith.constant 32 : index
      %get3A_345 = tpu.vector_load %arg5[%get3A_343, %get3A_344] {strides = array<i32>} : memref<256x128xf32, #tpu.memory_space<vmem>>, vector<1x16xf32>,
      %get3A_346 = vector.shape_cast %get3A_345 : vector<1x16xf32> to vector<16xf32>
      %add3A_347 = arith.constant 0 : i32
      %add3A_348 = arith.addi %add3A_347, %scan3A_288 : i32
      %add3A_349 = arith.constant 32 : i32
      %add3A_350 = arith.addi %multiple_of3A, %add3A_349 : i32
      %swap3A_351 = arith.index_cast %add3A_348 : i32 to index
      %swap3A_352 = arith.index_cast %add3A_350 : i32 to index
      %swap3A_353 = tpu.vector_load %arg6[%swap3A_351, %swap3A_352] {strides = array<i32>} : memref<64x1024xf32, #tpu.memory_space<vmem>>, vector<1x16xf32>,
      %swap3A_354 = vector.shape_cast %swap3A_353 : vector<1x16xf32> to vector<16xf32>
      %swap3A_355 = vector.shape_cast %get3A_346 : vector<16xf32> to vector<1x16xf32>
      tpu.vector_store %arg6[%swap3A_351, %swap3A_352], %swap3A_355 {strides = array<i32>} : memref<64x1024xf32, #tpu.memory_space<vmem>>, vector<1x16xf32>,
      %get3A_356 = arith.index_cast %add3A_290 : i32 to index
      %get3A_357 = arith.constant 48 : index
      %get3A_358 = tpu.vector_load %arg5[%get3A_356, %get3A_357] {strides = array<i32>} : memref<256x128xf32, #tpu.memory_space<vmem>>, vector<1x16xf32>,
      %get3A_359 = vector.shape_cast %get3A_358 : vector<1x16xf32> to vector<16xf32>
      %add3A_360 = arith.constant 0 : i32
      %add3A_361 = arith.addi %add3A_360, %scan3A_288 : i32
      %add3A_362 = arith.constant 48 : i32
      %add3A_363 = arith.addi %multiple_of3A, %add3A_362 : i32
      %swap3A_364 = arith.index_cast %add3A_361 : i32 to index
      %swap3A_365 = arith.index_cast %add3A_363 : i32 to index
      %swap3A_366 = tpu.vector_load %arg6[%swap3A_364, %swap3A_365] {strides = array<i32>} : memref<64x1024xf32, #tpu.memory_space<vmem>>, vector<1x16xf32>,
      %swap3A_367 = vector.shape_cast %swap3A_366 : vector<1x16xf32> to vector<16xf32>
      %swap3A_368 = vector.shape_cast %get3A_359 : vector<16xf32> to vector<1x16xf32>
      tpu.vector_store %arg6[%swap3A_364, %swap3A_365], %swap3A_368 {strides = array<i32>} : memref<64x1024xf32, #tpu.memory_space<vmem>>, vector<1x16xf32>,
      %get3A_369 = arith.index_cast %add3A_290 : i32 to index
      %get3A_370 = arith.constant 64 : index
      %get3A_371 = tpu.vector_load %arg5[%get3A_369, %get3A_370] {strides = array<i32>} : memref<256x128xf32, #tpu.memory_space<vmem>>, vector<1x16xf32>,
      %get3A_372 = vector.shape_cast %get3A_371 : vector<1x16xf32> to vector<16xf32>
      %add3A_373 = arith.constant 0 : i32
      %add3A_374 = arith.addi %add3A_373, %scan3A_288 : i32
      %add3A_375 = arith.constant 64 : i32
      %add3A_376 = arith.addi %multiple_of3A, %add3A_375 : i32
      %swap3A_377 = arith.index_cast %add3A_374 : i32 to index
      %swap3A_378 = arith.index_cast %add3A_376 : i32 to index
      %swap3A_379 = tpu.vector_load %arg6[%swap3A_377, %swap3A_378] {strides = array<i32>} : memref<64x1024xf32, #tpu.memory_space<vmem>>, vector<1x16xf32>,
      %swap3A_380 = vector.shape_cast %swap3A_379 : vector<1x16xf32> to vector<16xf32>
      %swap3A_381 = vector.shape_cast %get3A_372 : vector<16xf32> to vector<1x16xf32>
      tpu.vector_store %arg6[%swap3A_377, %swap3A_378], %swap3A_381 {strides = array<i32>} : memref<64x1024xf32, #tpu.memory_space<vmem>>, vector<1x16xf32>,
      %get3A_382 = arith.index_cast %add3A_290 : i32 to index
      %get3A_383 = arith.constant 80 : index
      %get3A_384 = tpu.vector_load %arg5[%get3A_382, %get3A_383] {strides = array<i32>} : memref<256x128xf32, #tpu.memory_space<vmem>>, vector<1x16xf32>,
      %get3A_385 = vector.shape_cast %get3A_384 : vector<1x16xf32> to vector<16xf32>
      %add3A_386 = arith.constant 0 : i32
      %add3A_387 = arith.addi %add3A_386, %scan3A_288 : i32
      %add3A_388 = arith.constant 80 : i32
      %add3A_389 = arith.addi %multiple_of3A, %add3A_388 : i32
      %swap3A_390 = arith.index_cast %add3A_387 : i32 to index
      %swap3A_391 = arith.index_cast %add3A_389 : i32 to index
      %swap3A_392 = tpu.vector_load %arg6[%swap3A_390, %swap3A_391] {strides = array<i32>} : memref<64x1024xf32, #tpu.memory_space<vmem>>, vector<1x16xf32>,
      %swap3A_393 = vector.shape_cast %swap3A_392 : vector<1x16xf32> to vector<16xf32>
      %swap3A_394 = vector.shape_cast %get3A_385 : vector<16xf32> to vector<1x16xf32>
      tpu.vector_store %arg6[%swap3A_390, %swap3A_391], %swap3A_394 {strides = array<i32>} : memref<64x1024xf32, #tpu.memory_space<vmem>>, vector<1x16xf32>,
      %get3A_395 = arith.index_cast %add3A_290 : i32 to index
      %get3A_396 = arith.constant 96 : index
      %get3A_397 = tpu.vector_load %arg5[%get3A_395, %get3A_396] {strides = array<i32>} : memref<256x128xf32, #tpu.memory_space<vmem>>, vector<1x16xf32>,
      %get3A_398 = vector.shape_cast %get3A_397 : vector<1x16xf32> to vector<16xf32>
      %add3A_399 = arith.constant 0 : i32
      %add3A_400 = arith.addi %add3A_399, %scan3A_288 : i32
      %add3A_401 = arith.constant 96 : i32
      %add3A_402 = arith.addi %multiple_of3A, %add3A_401 : i32
      %swap3A_403 = arith.index_cast %add3A_400 : i32 to index
      %swap3A_404 = arith.index_cast %add3A_402 : i32 to index
      %swap3A_405 = tpu.vector_load %arg6[%swap3A_403, %swap3A_404] {strides = array<i32>} : memref<64x1024xf32, #tpu.memory_space<vmem>>, vector<1x16xf32>,
      %swap3A_406 = vector.shape_cast %swap3A_405 : vector<1x16xf32> to vector<16xf32>
      %swap3A_407 = vector.shape_cast %get3A_398 : vector<16xf32> to vector<1x16xf32>
      tpu.vector_store %arg6[%swap3A_403, %swap3A_404], %swap3A_407 {strides = array<i32>} : memref<64x1024xf32, #tpu.memory_space<vmem>>, vector<1x16xf32>,
      %get3A_408 = arith.index_cast %add3A_290 : i32 to index
      %get3A_409 = arith.constant 112 : index
      %get3A_410 = tpu.vector_load %arg5[%get3A_408, %get3A_409] {strides = array<i32>} : memref<256x128xf32, #tpu.memory_space<vmem>>, vector<1x16xf32>,
      %get3A_411 = vector.shape_cast %get3A_410 : vector<1x16xf32> to vector<16xf32>
      %add3A_412 = arith.constant 0 : i32
      %add3A_413 = arith.addi %add3A_412, %scan3A_288 : i32
      %add3A_414 = arith.constant 112 : i32
      %add3A_415 = arith.addi %multiple_of3A, %add3A_414 : i32
      %swap3A_416 = arith.index_cast %add3A_413 : i32 to index
      %swap3A_417 = arith.index_cast %add3A_415 : i32 to index
      %swap3A_418 = tpu.vector_load %arg6[%swap3A_416, %swap3A_417] {strides = array<i32>} : memref<64x1024xf32, #tpu.memory_space<vmem>>, vector<1x16xf32>,
      %swap3A_419 = vector.shape_cast %swap3A_418 : vector<1x16xf32> to vector<16xf32>
      %swap3A_420 = vector.shape_cast %get3A_411 : vector<16xf32> to vector<1x16xf32>
      tpu.vector_store %arg6[%swap3A_416, %swap3A_417], %swap3A_420 {strides = array<i32>} : memref<64x1024xf32, #tpu.memory_space<vmem>>, vector<1x16xf32>,
    }
    %scan3A_153 = arith.constant 32 : i32
    %add3A_154 = arith.constant 128 : i32
    %add3A_155 = arith.addi %mul3A_2, %add3A_154 : i32
    %dma_start3A_156 = arith.constant 0 : i32
    %dma_start3A_157 = arith.constant 0 : i32
    %dma_start3A_158 = tpu.memref_slice %arg6[%dma_start3A_156, %dma_start3A_157] : memref<64x1024xf32, #tpu.memory_space<vmem>> -> memref<32x1024xf32, #tpu.memory_space<vmem>>
    %dma_start3A_159 = arith.constant 0 : i32
    %dma_start3A_160 = tpu.memref_slice %arg4[%add3A_155, %dma_start3A_159] : memref<8192x1024xf32, #tpu.memory_space<hbm>> -> memref<32x1024xf32, #tpu.memory_space<hbm>>
    %dma_start3A_161 = arith.constant 0 : i32
    %dma_start3A_162 = tpu.memref_slice %arg4[%add3A_155, %dma_start3A_161] : memref<8192x1024xf32, #tpu.memory_space<hbm>> -> memref<32x1024xf32, #tpu.memory_space<hbm>>
    %dma_start3A_163 = arith.constant 0 : i32
    %dma_start3A_164 = arith.constant 0 : i32
    %dma_start3A_165 = tpu.memref_slice %arg6[%dma_start3A_163, %dma_start3A_164] : memref<64x1024xf32, #tpu.memory_space<vmem>> -> memref<32x1024xf32, #tpu.memory_space<vmem>>
    tpu.enqueue_dma source(%dma_start3A_165 : memref<32x1024xf32, #tpu.memory_space<vmem>>) target(%dma_start3A_162 : memref<32x1024xf32, #tpu.memory_space<hbm>>) target_semaphore(%arg7 : memref<!tpu.dma_semaphore, #tpu.memory_space<semaphore_mem>>)
    %dma_wait3A_166 = arith.constant 32 : i32
    %dma_wait3A_167 = arith.constant 0 : i32
    %dma_wait3A_168 = tpu.memref_slice %arg6[%dma_wait3A_166, %dma_wait3A_167] : memref<64x1024xf32, #tpu.memory_space<vmem>> -> memref<32x1024xf32, #tpu.memory_space<vmem>>
    %dma_wait3A_169 = arith.constant 0 : i32
    %dma_wait3A_170 = tpu.memref_slice %arg4[%add3A_121, %dma_wait3A_169] : memref<8192x1024xf32, #tpu.memory_space<hbm>> -> memref<32x1024xf32, #tpu.memory_space<hbm>>
    %dma_wait3A_171 = arith.constant 0 : i32
    %dma_wait3A_172 = tpu.memref_slice %arg4[%add3A_121, %dma_wait3A_171] : memref<8192x1024xf32, #tpu.memory_space<hbm>> -> memref<32x1024xf32, #tpu.memory_space<hbm>>
    %dma_wait3A_173 = arith.constant 32 : i32
    %dma_wait3A_174 = arith.constant 0 : i32
    %dma_wait3A_175 = tpu.memref_slice %arg6[%dma_wait3A_173, %dma_wait3A_174] : memref<64x1024xf32, #tpu.memory_space<vmem>> -> memref<32x1024xf32, #tpu.memory_space<vmem>>
    tpu.wait_dma2 semaphore(%arg8 : memref<!tpu.dma_semaphore, #tpu.memory_space<semaphore_mem>>) src(%dma_wait3A_175 : memref<32x1024xf32, #tpu.memory_space<vmem>>) dst(%dma_wait3A_172 : memref<32x1024xf32, #tpu.memory_space<hbm>>)
    %scan3A_176 = arith.constant 0 : i32
    %scan3A_177 = arith.constant 0 : i32
    %scan3A_178 = arith.constant 32 : i32
    %scan3A_179 = arith.addi %scan3A_177, %scan3A_178 : i32
    %scan3A_180 = arith.constant 1 : i32
    scf.for %scan3A_288 = %scan3A_177 to %scan3A_179 step %scan3A_180  : i32 {
      %add3A_289 = arith.constant 96 : i32
      %add3A_290 = arith.addi %add3A_289, %scan3A_288 : i32
      %add3A_291 = arith.addi %select_n3A_11, %add3A_290 : i32
      %sub3A = arith.constant 33 : i32
      %sub3A_292 = arith.subi %add3A_291, %sub3A : i32
      %jit3A_293 = arith.constant 16 : i32
      %div3A = arith.divsi %sub3A_292, %jit3A_293 : i32
      %sign3A = arith.constant 0 : i32
      %sign3A_294 = arith.cmpi sgt, %sub3A_292, %sign3A : i32
      %sign3A_295 = arith.extui %sign3A_294 : i1 to i32
      %sign3A_296 = arith.constant 0 : i32
      %sign3A_297 = arith.cmpi slt, %sub3A_292, %sign3A_296 : i32
      %sign3A_298 = arith.extui %sign3A_297 : i1 to i32
      %sign3A_299 = arith.subi %sign3A_295, %sign3A_298 : i32
      %sign3A_300 = arith.constant 0 : i32
      %sign3A_301 = arith.cmpi sgt, %jit3A_293, %sign3A_300 : i32
      %sign3A_302 = arith.extui %sign3A_301 : i1 to i32
      %sign3A_303 = arith.constant 0 : i32
      %sign3A_304 = arith.cmpi slt, %jit3A_293, %sign3A_303 : i32
      %sign3A_305 = arith.extui %sign3A_304 : i1 to i32
      %sign3A_306 = arith.subi %sign3A_302, %sign3A_305 : i32
      %ne3A_307 = arith.cmpi ne, %sign3A_299, %sign3A_306 : i32
      %rem3A_308 = arith.remsi %sub3A_292, %jit3A_293 : i32
      %ne3A_309 = arith.constant 0 : i32
      %ne3A_310 = arith.cmpi ne, %rem3A_308, %ne3A_309 : i32
      %and3A_311 = arith.andi %ne3A_307, %ne3A_310 : i1
      %sub3A_312 = arith.constant 1 : i32
      %sub3A_313 = arith.subi %div3A, %sub3A_312 : i32
      %select_n3A_314 = arith.select %and3A_311, %sub3A_313, %div3A : i32
      %mul3A_315 = arith.constant 16 : i32
      %mul3A_316 = arith.muli %select_n3A_314, %mul3A_315 : i32
      %max3A = arith.constant 0 : i32
      %max3A_317 = arith.maxsi %mul3A_316, %max3A : i32
      %min3A = arith.constant 896 : i32
      %min3A_318 = arith.minsi %max3A_317, %min3A : i32
      %multiple_of3A = tpu.assume_multiple %min3A_318, 16 : i32
      %add3A_319 = arith.constant 32 : i32
      %add3A_320 = arith.addi %add3A_319, %scan3A_288 : i32
      %add3A_321 = arith.constant 0 : i32
      %add3A_322 = arith.addi %multiple_of3A, %add3A_321 : i32
      %swap3A = arith.index_cast %add3A_320 : i32 to index
      %swap3A_323 = arith.index_cast %add3A_322 : i32 to index
      %swap3A_324 = tpu.vector_load %arg6[%swap3A, %swap3A_323] {strides = array<i32>} : memref<64x1024xf32, #tpu.memory_space<vmem>>, vector<1x16xf32>,
      %swap3A_325 = vector.shape_cast %swap3A_324 : vector<1x16xf32> to vector<16xf32>
      %swap3A_326 = vector.shape_cast %broadcast_in_dim3A_12 : vector<16xf32> to vector<1x16xf32>
      tpu.vector_store %arg6[%swap3A, %swap3A_323], %swap3A_326 {strides = array<i32>} : memref<64x1024xf32, #tpu.memory_space<vmem>>, vector<1x16xf32>,
      %add3A_327 = arith.constant 32 : i32
      %add3A_328 = arith.addi %add3A_327, %scan3A_288 : i32
      %add3A_329 = arith.constant 16 : i32
      %add3A_330 = arith.addi %multiple_of3A, %add3A_329 : i32
      %swap3A_331 = arith.index_cast %add3A_328 : i32 to index
      %swap3A_332 = arith.index_cast %add3A_330 : i32 to index
      %swap3A_333 = tpu.vector_load %arg6[%swap3A_331, %swap3A_332] {strides = array<i32>} : memref<64x1024xf32, #tpu.memory_space<vmem>>, vector<1x16xf32>,
      %swap3A_334 = vector.shape_cast %swap3A_333 : vector<1x16xf32> to vector<16xf32>
      %swap3A_335 = vector.shape_cast %broadcast_in_dim3A_12 : vector<16xf32> to vector<1x16xf32>
      tpu.vector_store %arg6[%swap3A_331, %swap3A_332], %swap3A_335 {strides = array<i32>} : memref<64x1024xf32, #tpu.memory_space<vmem>>, vector<1x16xf32>,
      %add3A_336 = arith.constant 32 : i32
      %add3A_337 = arith.addi %add3A_336, %scan3A_288 : i32
      %add3A_338 = arith.constant 32 : i32
      %add3A_339 = arith.addi %multiple_of3A, %add3A_338 : i32
      %swap3A_340 = arith.index_cast %add3A_337 : i32 to index
      %swap3A_341 = arith.index_cast %add3A_339 : i32 to index
      %swap3A_342 = tpu.vector_load %arg6[%swap3A_340, %swap3A_341] {strides = array<i32>} : memref<64x1024xf32, #tpu.memory_space<vmem>>, vector<1x16xf32>,
      %swap3A_343 = vector.shape_cast %swap3A_342 : vector<1x16xf32> to vector<16xf32>
      %swap3A_344 = vector.shape_cast %broadcast_in_dim3A_12 : vector<16xf32> to vector<1x16xf32>
      tpu.vector_store %arg6[%swap3A_340, %swap3A_341], %swap3A_344 {strides = array<i32>} : memref<64x1024xf32, #tpu.memory_space<vmem>>, vector<1x16xf32>,
      %add3A_345 = arith.constant 32 : i32
      %add3A_346 = arith.addi %add3A_345, %scan3A_288 : i32
      %add3A_347 = arith.constant 48 : i32
      %add3A_348 = arith.addi %multiple_of3A, %add3A_347 : i32
      %swap3A_349 = arith.index_cast %add3A_346 : i32 to index
      %swap3A_350 = arith.index_cast %add3A_348 : i32 to index
      %swap3A_351 = tpu.vector_load %arg6[%swap3A_349, %swap3A_350] {strides = array<i32>} : memref<64x1024xf32, #tpu.memory_space<vmem>>, vector<1x16xf32>,
      %swap3A_352 = vector.shape_cast %swap3A_351 : vector<1x16xf32> to vector<16xf32>
      %swap3A_353 = vector.shape_cast %broadcast_in_dim3A_12 : vector<16xf32> to vector<1x16xf32>
      tpu.vector_store %arg6[%swap3A_349, %swap3A_350], %swap3A_353 {strides = array<i32>} : memref<64x1024xf32, #tpu.memory_space<vmem>>, vector<1x16xf32>,
      %add3A_354 = arith.constant 32 : i32
      %add3A_355 = arith.addi %add3A_354, %scan3A_288 : i32
      %add3A_356 = arith.constant 64 : i32
      %add3A_357 = arith.addi %multiple_of3A, %add3A_356 : i32
      %swap3A_358 = arith.index_cast %add3A_355 : i32 to index
      %swap3A_359 = arith.index_cast %add3A_357 : i32 to index
      %swap3A_360 = tpu.vector_load %arg6[%swap3A_358, %swap3A_359] {strides = array<i32>} : memref<64x1024xf32, #tpu.memory_space<vmem>>, vector<1x16xf32>,
      %swap3A_361 = vector.shape_cast %swap3A_360 : vector<1x16xf32> to vector<16xf32>
      %swap3A_362 = vector.shape_cast %broadcast_in_dim3A_12 : vector<16xf32> to vector<1x16xf32>
      tpu.vector_store %arg6[%swap3A_358, %swap3A_359], %swap3A_362 {strides = array<i32>} : memref<64x1024xf32, #tpu.memory_space<vmem>>, vector<1x16xf32>,
      %add3A_363 = arith.constant 32 : i32
      %add3A_364 = arith.addi %add3A_363, %scan3A_288 : i32
      %add3A_365 = arith.constant 80 : i32
      %add3A_366 = arith.addi %multiple_of3A, %add3A_365 : i32
      %swap3A_367 = arith.index_cast %add3A_364 : i32 to index
      %swap3A_368 = arith.index_cast %add3A_366 : i32 to index
      %swap3A_369 = tpu.vector_load %arg6[%swap3A_367, %swap3A_368] {strides = array<i32>} : memref<64x1024xf32, #tpu.memory_space<vmem>>, vector<1x16xf32>,
      %swap3A_370 = vector.shape_cast %swap3A_369 : vector<1x16xf32> to vector<16xf32>
      %swap3A_371 = vector.shape_cast %broadcast_in_dim3A_12 : vector<16xf32> to vector<1x16xf32>
      tpu.vector_store %arg6[%swap3A_367, %swap3A_368], %swap3A_371 {strides = array<i32>} : memref<64x1024xf32, #tpu.memory_space<vmem>>, vector<1x16xf32>,
      %add3A_372 = arith.constant 32 : i32
      %add3A_373 = arith.addi %add3A_372, %scan3A_288 : i32
      %add3A_374 = arith.constant 96 : i32
      %add3A_375 = arith.addi %multiple_of3A, %add3A_374 : i32
      %swap3A_376 = arith.index_cast %add3A_373 : i32 to index
      %swap3A_377 = arith.index_cast %add3A_375 : i32 to index
      %swap3A_378 = tpu.vector_load %arg6[%swap3A_376, %swap3A_377] {strides = array<i32>} : memref<64x1024xf32, #tpu.memory_space<vmem>>, vector<1x16xf32>,
      %swap3A_379 = vector.shape_cast %swap3A_378 : vector<1x16xf32> to vector<16xf32>
      %swap3A_380 = vector.shape_cast %broadcast_in_dim3A_12 : vector<16xf32> to vector<1x16xf32>
      tpu.vector_store %arg6[%swap3A_376, %swap3A_377], %swap3A_380 {strides = array<i32>} : memref<64x1024xf32, #tpu.memory_space<vmem>>, vector<1x16xf32>,
      %add3A_381 = arith.constant 32 : i32
      %add3A_382 = arith.addi %add3A_381, %scan3A_288 : i32
      %add3A_383 = arith.constant 112 : i32
      %add3A_384 = arith.addi %multiple_of3A, %add3A_383 : i32
      %swap3A_385 = arith.index_cast %add3A_382 : i32 to index
      %swap3A_386 = arith.index_cast %add3A_384 : i32 to index
      %swap3A_387 = tpu.vector_load %arg6[%swap3A_385, %swap3A_386] {strides = array<i32>} : memref<64x1024xf32, #tpu.memory_space<vmem>>, vector<1x16xf32>,
      %swap3A_388 = vector.shape_cast %swap3A_387 : vector<1x16xf32> to vector<16xf32>
      %swap3A_389 = vector.shape_cast %broadcast_in_dim3A_12 : vector<16xf32> to vector<1x16xf32>
      tpu.vector_store %arg6[%swap3A_385, %swap3A_386], %swap3A_389 {strides = array<i32>} : memref<64x1024xf32, #tpu.memory_space<vmem>>, vector<1x16xf32>,
    }
    %scan3A_181 = arith.constant 32 : i32
    %scan3A_182 = arith.constant 0 : i32
    %scan3A_183 = arith.constant 0 : i32
    %scan3A_184 = arith.constant 32 : i32
    %scan3A_185 = arith.addi %scan3A_183, %scan3A_184 : i32
    %scan3A_186 = arith.constant 1 : i32
    scf.for %scan3A_288 = %scan3A_183 to %scan3A_185 step %scan3A_186  : i32 {
      %add3A_289 = arith.constant 160 : i32
      %add3A_290 = arith.addi %add3A_289, %scan3A_288 : i32
      %add3A_291 = arith.addi %select_n3A_11, %add3A_290 : i32
      %sub3A = arith.constant 33 : i32
      %sub3A_292 = arith.subi %add3A_291, %sub3A : i32
      %jit3A_293 = arith.constant 16 : i32
      %div3A = arith.divsi %sub3A_292, %jit3A_293 : i32
      %sign3A = arith.constant 0 : i32
      %sign3A_294 = arith.cmpi sgt, %sub3A_292, %sign3A : i32
      %sign3A_295 = arith.extui %sign3A_294 : i1 to i32
      %sign3A_296 = arith.constant 0 : i32
      %sign3A_297 = arith.cmpi slt, %sub3A_292, %sign3A_296 : i32
      %sign3A_298 = arith.extui %sign3A_297 : i1 to i32
      %sign3A_299 = arith.subi %sign3A_295, %sign3A_298 : i32
      %sign3A_300 = arith.constant 0 : i32
      %sign3A_301 = arith.cmpi sgt, %jit3A_293, %sign3A_300 : i32
      %sign3A_302 = arith.extui %sign3A_301 : i1 to i32
      %sign3A_303 = arith.constant 0 : i32
      %sign3A_304 = arith.cmpi slt, %jit3A_293, %sign3A_303 : i32
      %sign3A_305 = arith.extui %sign3A_304 : i1 to i32
      %sign3A_306 = arith.subi %sign3A_302, %sign3A_305 : i32
      %ne3A_307 = arith.cmpi ne, %sign3A_299, %sign3A_306 : i32
      %rem3A_308 = arith.remsi %sub3A_292, %jit3A_293 : i32
      %ne3A_309 = arith.constant 0 : i32
      %ne3A_310 = arith.cmpi ne, %rem3A_308, %ne3A_309 : i32
      %and3A_311 = arith.andi %ne3A_307, %ne3A_310 : i1
      %sub3A_312 = arith.constant 1 : i32
      %sub3A_313 = arith.subi %div3A, %sub3A_312 : i32
      %select_n3A_314 = arith.select %and3A_311, %sub3A_313, %div3A : i32
      %mul3A_315 = arith.constant 16 : i32
      %mul3A_316 = arith.muli %select_n3A_314, %mul3A_315 : i32
      %max3A = arith.constant 0 : i32
      %max3A_317 = arith.maxsi %mul3A_316, %max3A : i32
      %min3A = arith.constant 896 : i32
      %min3A_318 = arith.minsi %max3A_317, %min3A : i32
      %multiple_of3A = tpu.assume_multiple %min3A_318, 16 : i32
      %get3A = arith.index_cast %add3A_290 : i32 to index
      %get3A_319 = arith.constant 0 : index
      %get3A_320 = tpu.vector_load %arg5[%get3A, %get3A_319] {strides = array<i32>} : memref<256x128xf32, #tpu.memory_space<vmem>>, vector<1x16xf32>,
      %get3A_321 = vector.shape_cast %get3A_320 : vector<1x16xf32> to vector<16xf32>
      %add3A_322 = arith.constant 32 : i32
      %add3A_323 = arith.addi %add3A_322, %scan3A_288 : i32
      %add3A_324 = arith.constant 0 : i32
      %add3A_325 = arith.addi %multiple_of3A, %add3A_324 : i32
      %swap3A = arith.index_cast %add3A_323 : i32 to index
      %swap3A_326 = arith.index_cast %add3A_325 : i32 to index
      %swap3A_327 = tpu.vector_load %arg6[%swap3A, %swap3A_326] {strides = array<i32>} : memref<64x1024xf32, #tpu.memory_space<vmem>>, vector<1x16xf32>,
      %swap3A_328 = vector.shape_cast %swap3A_327 : vector<1x16xf32> to vector<16xf32>
      %swap3A_329 = vector.shape_cast %get3A_321 : vector<16xf32> to vector<1x16xf32>
      tpu.vector_store %arg6[%swap3A, %swap3A_326], %swap3A_329 {strides = array<i32>} : memref<64x1024xf32, #tpu.memory_space<vmem>>, vector<1x16xf32>,
      %get3A_330 = arith.index_cast %add3A_290 : i32 to index
      %get3A_331 = arith.constant 16 : index
      %get3A_332 = tpu.vector_load %arg5[%get3A_330, %get3A_331] {strides = array<i32>} : memref<256x128xf32, #tpu.memory_space<vmem>>, vector<1x16xf32>,
      %get3A_333 = vector.shape_cast %get3A_332 : vector<1x16xf32> to vector<16xf32>
      %add3A_334 = arith.constant 32 : i32
      %add3A_335 = arith.addi %add3A_334, %scan3A_288 : i32
      %add3A_336 = arith.constant 16 : i32
      %add3A_337 = arith.addi %multiple_of3A, %add3A_336 : i32
      %swap3A_338 = arith.index_cast %add3A_335 : i32 to index
      %swap3A_339 = arith.index_cast %add3A_337 : i32 to index
      %swap3A_340 = tpu.vector_load %arg6[%swap3A_338, %swap3A_339] {strides = array<i32>} : memref<64x1024xf32, #tpu.memory_space<vmem>>, vector<1x16xf32>,
      %swap3A_341 = vector.shape_cast %swap3A_340 : vector<1x16xf32> to vector<16xf32>
      %swap3A_342 = vector.shape_cast %get3A_333 : vector<16xf32> to vector<1x16xf32>
      tpu.vector_store %arg6[%swap3A_338, %swap3A_339], %swap3A_342 {strides = array<i32>} : memref<64x1024xf32, #tpu.memory_space<vmem>>, vector<1x16xf32>,
      %get3A_343 = arith.index_cast %add3A_290 : i32 to index
      %get3A_344 = arith.constant 32 : index
      %get3A_345 = tpu.vector_load %arg5[%get3A_343, %get3A_344] {strides = array<i32>} : memref<256x128xf32, #tpu.memory_space<vmem>>, vector<1x16xf32>,
      %get3A_346 = vector.shape_cast %get3A_345 : vector<1x16xf32> to vector<16xf32>
      %add3A_347 = arith.constant 32 : i32
      %add3A_348 = arith.addi %add3A_347, %scan3A_288 : i32
      %add3A_349 = arith.constant 32 : i32
      %add3A_350 = arith.addi %multiple_of3A, %add3A_349 : i32
      %swap3A_351 = arith.index_cast %add3A_348 : i32 to index
      %swap3A_352 = arith.index_cast %add3A_350 : i32 to index
      %swap3A_353 = tpu.vector_load %arg6[%swap3A_351, %swap3A_352] {strides = array<i32>} : memref<64x1024xf32, #tpu.memory_space<vmem>>, vector<1x16xf32>,
      %swap3A_354 = vector.shape_cast %swap3A_353 : vector<1x16xf32> to vector<16xf32>
      %swap3A_355 = vector.shape_cast %get3A_346 : vector<16xf32> to vector<1x16xf32>
      tpu.vector_store %arg6[%swap3A_351, %swap3A_352], %swap3A_355 {strides = array<i32>} : memref<64x1024xf32, #tpu.memory_space<vmem>>, vector<1x16xf32>,
      %get3A_356 = arith.index_cast %add3A_290 : i32 to index
      %get3A_357 = arith.constant 48 : index
      %get3A_358 = tpu.vector_load %arg5[%get3A_356, %get3A_357] {strides = array<i32>} : memref<256x128xf32, #tpu.memory_space<vmem>>, vector<1x16xf32>,
      %get3A_359 = vector.shape_cast %get3A_358 : vector<1x16xf32> to vector<16xf32>
      %add3A_360 = arith.constant 32 : i32
      %add3A_361 = arith.addi %add3A_360, %scan3A_288 : i32
      %add3A_362 = arith.constant 48 : i32
      %add3A_363 = arith.addi %multiple_of3A, %add3A_362 : i32
      %swap3A_364 = arith.index_cast %add3A_361 : i32 to index
      %swap3A_365 = arith.index_cast %add3A_363 : i32 to index
      %swap3A_366 = tpu.vector_load %arg6[%swap3A_364, %swap3A_365] {strides = array<i32>} : memref<64x1024xf32, #tpu.memory_space<vmem>>, vector<1x16xf32>,
      %swap3A_367 = vector.shape_cast %swap3A_366 : vector<1x16xf32> to vector<16xf32>
      %swap3A_368 = vector.shape_cast %get3A_359 : vector<16xf32> to vector<1x16xf32>
      tpu.vector_store %arg6[%swap3A_364, %swap3A_365], %swap3A_368 {strides = array<i32>} : memref<64x1024xf32, #tpu.memory_space<vmem>>, vector<1x16xf32>,
      %get3A_369 = arith.index_cast %add3A_290 : i32 to index
      %get3A_370 = arith.constant 64 : index
      %get3A_371 = tpu.vector_load %arg5[%get3A_369, %get3A_370] {strides = array<i32>} : memref<256x128xf32, #tpu.memory_space<vmem>>, vector<1x16xf32>,
      %get3A_372 = vector.shape_cast %get3A_371 : vector<1x16xf32> to vector<16xf32>
      %add3A_373 = arith.constant 32 : i32
      %add3A_374 = arith.addi %add3A_373, %scan3A_288 : i32
      %add3A_375 = arith.constant 64 : i32
      %add3A_376 = arith.addi %multiple_of3A, %add3A_375 : i32
      %swap3A_377 = arith.index_cast %add3A_374 : i32 to index
      %swap3A_378 = arith.index_cast %add3A_376 : i32 to index
      %swap3A_379 = tpu.vector_load %arg6[%swap3A_377, %swap3A_378] {strides = array<i32>} : memref<64x1024xf32, #tpu.memory_space<vmem>>, vector<1x16xf32>,
      %swap3A_380 = vector.shape_cast %swap3A_379 : vector<1x16xf32> to vector<16xf32>
      %swap3A_381 = vector.shape_cast %get3A_372 : vector<16xf32> to vector<1x16xf32>
      tpu.vector_store %arg6[%swap3A_377, %swap3A_378], %swap3A_381 {strides = array<i32>} : memref<64x1024xf32, #tpu.memory_space<vmem>>, vector<1x16xf32>,
      %get3A_382 = arith.index_cast %add3A_290 : i32 to index
      %get3A_383 = arith.constant 80 : index
      %get3A_384 = tpu.vector_load %arg5[%get3A_382, %get3A_383] {strides = array<i32>} : memref<256x128xf32, #tpu.memory_space<vmem>>, vector<1x16xf32>,
      %get3A_385 = vector.shape_cast %get3A_384 : vector<1x16xf32> to vector<16xf32>
      %add3A_386 = arith.constant 32 : i32
      %add3A_387 = arith.addi %add3A_386, %scan3A_288 : i32
      %add3A_388 = arith.constant 80 : i32
      %add3A_389 = arith.addi %multiple_of3A, %add3A_388 : i32
      %swap3A_390 = arith.index_cast %add3A_387 : i32 to index
      %swap3A_391 = arith.index_cast %add3A_389 : i32 to index
      %swap3A_392 = tpu.vector_load %arg6[%swap3A_390, %swap3A_391] {strides = array<i32>} : memref<64x1024xf32, #tpu.memory_space<vmem>>, vector<1x16xf32>,
      %swap3A_393 = vector.shape_cast %swap3A_392 : vector<1x16xf32> to vector<16xf32>
      %swap3A_394 = vector.shape_cast %get3A_385 : vector<16xf32> to vector<1x16xf32>
      tpu.vector_store %arg6[%swap3A_390, %swap3A_391], %swap3A_394 {strides = array<i32>} : memref<64x1024xf32, #tpu.memory_space<vmem>>, vector<1x16xf32>,
      %get3A_395 = arith.index_cast %add3A_290 : i32 to index
      %get3A_396 = arith.constant 96 : index
      %get3A_397 = tpu.vector_load %arg5[%get3A_395, %get3A_396] {strides = array<i32>} : memref<256x128xf32, #tpu.memory_space<vmem>>, vector<1x16xf32>,
      %get3A_398 = vector.shape_cast %get3A_397 : vector<1x16xf32> to vector<16xf32>
      %add3A_399 = arith.constant 32 : i32
      %add3A_400 = arith.addi %add3A_399, %scan3A_288 : i32
      %add3A_401 = arith.constant 96 : i32
      %add3A_402 = arith.addi %multiple_of3A, %add3A_401 : i32
      %swap3A_403 = arith.index_cast %add3A_400 : i32 to index
      %swap3A_404 = arith.index_cast %add3A_402 : i32 to index
      %swap3A_405 = tpu.vector_load %arg6[%swap3A_403, %swap3A_404] {strides = array<i32>} : memref<64x1024xf32, #tpu.memory_space<vmem>>, vector<1x16xf32>,
      %swap3A_406 = vector.shape_cast %swap3A_405 : vector<1x16xf32> to vector<16xf32>
      %swap3A_407 = vector.shape_cast %get3A_398 : vector<16xf32> to vector<1x16xf32>
      tpu.vector_store %arg6[%swap3A_403, %swap3A_404], %swap3A_407 {strides = array<i32>} : memref<64x1024xf32, #tpu.memory_space<vmem>>, vector<1x16xf32>,
      %get3A_408 = arith.index_cast %add3A_290 : i32 to index
      %get3A_409 = arith.constant 112 : index
      %get3A_410 = tpu.vector_load %arg5[%get3A_408, %get3A_409] {strides = array<i32>} : memref<256x128xf32, #tpu.memory_space<vmem>>, vector<1x16xf32>,
      %get3A_411 = vector.shape_cast %get3A_410 : vector<1x16xf32> to vector<16xf32>
      %add3A_412 = arith.constant 32 : i32
      %add3A_413 = arith.addi %add3A_412, %scan3A_288 : i32
      %add3A_414 = arith.constant 112 : i32
      %add3A_415 = arith.addi %multiple_of3A, %add3A_414 : i32
      %swap3A_416 = arith.index_cast %add3A_413 : i32 to index
      %swap3A_417 = arith.index_cast %add3A_415 : i32 to index
      %swap3A_418 = tpu.vector_load %arg6[%swap3A_416, %swap3A_417] {strides = array<i32>} : memref<64x1024xf32, #tpu.memory_space<vmem>>, vector<1x16xf32>,
      %swap3A_419 = vector.shape_cast %swap3A_418 : vector<1x16xf32> to vector<16xf32>
      %swap3A_420 = vector.shape_cast %get3A_411 : vector<16xf32> to vector<1x16xf32>
      tpu.vector_store %arg6[%swap3A_416, %swap3A_417], %swap3A_420 {strides = array<i32>} : memref<64x1024xf32, #tpu.memory_space<vmem>>, vector<1x16xf32>,
    }
    %scan3A_187 = arith.constant 32 : i32
    %add3A_188 = arith.constant 160 : i32
    %add3A_189 = arith.addi %mul3A_2, %add3A_188 : i32
    %dma_start3A_190 = arith.constant 32 : i32
    %dma_start3A_191 = arith.constant 0 : i32
    %dma_start3A_192 = tpu.memref_slice %arg6[%dma_start3A_190, %dma_start3A_191] : memref<64x1024xf32, #tpu.memory_space<vmem>> -> memref<32x1024xf32, #tpu.memory_space<vmem>>
    %dma_start3A_193 = arith.constant 0 : i32
    %dma_start3A_194 = tpu.memref_slice %arg4[%add3A_189, %dma_start3A_193] : memref<8192x1024xf32, #tpu.memory_space<hbm>> -> memref<32x1024xf32, #tpu.memory_space<hbm>>
    %dma_start3A_195 = arith.constant 0 : i32
    %dma_start3A_196 = tpu.memref_slice %arg4[%add3A_189, %dma_start3A_195] : memref<8192x1024xf32, #tpu.memory_space<hbm>> -> memref<32x1024xf32, #tpu.memory_space<hbm>>
    %dma_start3A_197 = arith.constant 32 : i32
    %dma_start3A_198 = arith.constant 0 : i32
    %dma_start3A_199 = tpu.memref_slice %arg6[%dma_start3A_197, %dma_start3A_198] : memref<64x1024xf32, #tpu.memory_space<vmem>> -> memref<32x1024xf32, #tpu.memory_space<vmem>>
    tpu.enqueue_dma source(%dma_start3A_199 : memref<32x1024xf32, #tpu.memory_space<vmem>>) target(%dma_start3A_196 : memref<32x1024xf32, #tpu.memory_space<hbm>>) target_semaphore(%arg8 : memref<!tpu.dma_semaphore, #tpu.memory_space<semaphore_mem>>)
    %dma_wait3A_200 = arith.constant 0 : i32
    %dma_wait3A_201 = arith.constant 0 : i32
    %dma_wait3A_202 = tpu.memref_slice %arg6[%dma_wait3A_200, %dma_wait3A_201] : memref<64x1024xf32, #tpu.memory_space<vmem>> -> memref<32x1024xf32, #tpu.memory_space<vmem>>
    %dma_wait3A_203 = arith.constant 0 : i32
    %dma_wait3A_204 = tpu.memref_slice %arg4[%add3A_155, %dma_wait3A_203] : memref<8192x1024xf32, #tpu.memory_space<hbm>> -> memref<32x1024xf32, #tpu.memory_space<hbm>>
    %dma_wait3A_205 = arith.constant 0 : i32
    %dma_wait3A_206 = tpu.memref_slice %arg4[%add3A_155, %dma_wait3A_205] : memref<8192x1024xf32, #tpu.memory_space<hbm>> -> memref<32x1024xf32, #tpu.memory_space<hbm>>
    %dma_wait3A_207 = arith.constant 0 : i32
    %dma_wait3A_208 = arith.constant 0 : i32
    %dma_wait3A_209 = tpu.memref_slice %arg6[%dma_wait3A_207, %dma_wait3A_208] : memref<64x1024xf32, #tpu.memory_space<vmem>> -> memref<32x1024xf32, #tpu.memory_space<vmem>>
    tpu.wait_dma2 semaphore(%arg7 : memref<!tpu.dma_semaphore, #tpu.memory_space<semaphore_mem>>) src(%dma_wait3A_209 : memref<32x1024xf32, #tpu.memory_space<vmem>>) dst(%dma_wait3A_206 : memref<32x1024xf32, #tpu.memory_space<hbm>>)
    %scan3A_210 = arith.constant 0 : i32
    %scan3A_211 = arith.constant 0 : i32
    %scan3A_212 = arith.constant 32 : i32
    %scan3A_213 = arith.addi %scan3A_211, %scan3A_212 : i32
    %scan3A_214 = arith.constant 1 : i32
    scf.for %scan3A_288 = %scan3A_211 to %scan3A_213 step %scan3A_214  : i32 {
      %add3A_289 = arith.constant 128 : i32
      %add3A_290 = arith.addi %add3A_289, %scan3A_288 : i32
      %add3A_291 = arith.addi %select_n3A_11, %add3A_290 : i32
      %sub3A = arith.constant 33 : i32
      %sub3A_292 = arith.subi %add3A_291, %sub3A : i32
      %jit3A_293 = arith.constant 16 : i32
      %div3A = arith.divsi %sub3A_292, %jit3A_293 : i32
      %sign3A = arith.constant 0 : i32
      %sign3A_294 = arith.cmpi sgt, %sub3A_292, %sign3A : i32
      %sign3A_295 = arith.extui %sign3A_294 : i1 to i32
      %sign3A_296 = arith.constant 0 : i32
      %sign3A_297 = arith.cmpi slt, %sub3A_292, %sign3A_296 : i32
      %sign3A_298 = arith.extui %sign3A_297 : i1 to i32
      %sign3A_299 = arith.subi %sign3A_295, %sign3A_298 : i32
      %sign3A_300 = arith.constant 0 : i32
      %sign3A_301 = arith.cmpi sgt, %jit3A_293, %sign3A_300 : i32
      %sign3A_302 = arith.extui %sign3A_301 : i1 to i32
      %sign3A_303 = arith.constant 0 : i32
      %sign3A_304 = arith.cmpi slt, %jit3A_293, %sign3A_303 : i32
      %sign3A_305 = arith.extui %sign3A_304 : i1 to i32
      %sign3A_306 = arith.subi %sign3A_302, %sign3A_305 : i32
      %ne3A_307 = arith.cmpi ne, %sign3A_299, %sign3A_306 : i32
      %rem3A_308 = arith.remsi %sub3A_292, %jit3A_293 : i32
      %ne3A_309 = arith.constant 0 : i32
      %ne3A_310 = arith.cmpi ne, %rem3A_308, %ne3A_309 : i32
      %and3A_311 = arith.andi %ne3A_307, %ne3A_310 : i1
      %sub3A_312 = arith.constant 1 : i32
      %sub3A_313 = arith.subi %div3A, %sub3A_312 : i32
      %select_n3A_314 = arith.select %and3A_311, %sub3A_313, %div3A : i32
      %mul3A_315 = arith.constant 16 : i32
      %mul3A_316 = arith.muli %select_n3A_314, %mul3A_315 : i32
      %max3A = arith.constant 0 : i32
      %max3A_317 = arith.maxsi %mul3A_316, %max3A : i32
      %min3A = arith.constant 896 : i32
      %min3A_318 = arith.minsi %max3A_317, %min3A : i32
      %multiple_of3A = tpu.assume_multiple %min3A_318, 16 : i32
      %add3A_319 = arith.constant 0 : i32
      %add3A_320 = arith.addi %add3A_319, %scan3A_288 : i32
      %add3A_321 = arith.constant 0 : i32
      %add3A_322 = arith.addi %multiple_of3A, %add3A_321 : i32
      %swap3A = arith.index_cast %add3A_320 : i32 to index
      %swap3A_323 = arith.index_cast %add3A_322 : i32 to index
      %swap3A_324 = tpu.vector_load %arg6[%swap3A, %swap3A_323] {strides = array<i32>} : memref<64x1024xf32, #tpu.memory_space<vmem>>, vector<1x16xf32>,
      %swap3A_325 = vector.shape_cast %swap3A_324 : vector<1x16xf32> to vector<16xf32>
      %swap3A_326 = vector.shape_cast %broadcast_in_dim3A_12 : vector<16xf32> to vector<1x16xf32>
      tpu.vector_store %arg6[%swap3A, %swap3A_323], %swap3A_326 {strides = array<i32>} : memref<64x1024xf32, #tpu.memory_space<vmem>>, vector<1x16xf32>,
      %add3A_327 = arith.constant 0 : i32
      %add3A_328 = arith.addi %add3A_327, %scan3A_288 : i32
      %add3A_329 = arith.constant 16 : i32
      %add3A_330 = arith.addi %multiple_of3A, %add3A_329 : i32
      %swap3A_331 = arith.index_cast %add3A_328 : i32 to index
      %swap3A_332 = arith.index_cast %add3A_330 : i32 to index
      %swap3A_333 = tpu.vector_load %arg6[%swap3A_331, %swap3A_332] {strides = array<i32>} : memref<64x1024xf32, #tpu.memory_space<vmem>>, vector<1x16xf32>,
      %swap3A_334 = vector.shape_cast %swap3A_333 : vector<1x16xf32> to vector<16xf32>
      %swap3A_335 = vector.shape_cast %broadcast_in_dim3A_12 : vector<16xf32> to vector<1x16xf32>
      tpu.vector_store %arg6[%swap3A_331, %swap3A_332], %swap3A_335 {strides = array<i32>} : memref<64x1024xf32, #tpu.memory_space<vmem>>, vector<1x16xf32>,
      %add3A_336 = arith.constant 0 : i32
      %add3A_337 = arith.addi %add3A_336, %scan3A_288 : i32
      %add3A_338 = arith.constant 32 : i32
      %add3A_339 = arith.addi %multiple_of3A, %add3A_338 : i32
      %swap3A_340 = arith.index_cast %add3A_337 : i32 to index
      %swap3A_341 = arith.index_cast %add3A_339 : i32 to index
      %swap3A_342 = tpu.vector_load %arg6[%swap3A_340, %swap3A_341] {strides = array<i32>} : memref<64x1024xf32, #tpu.memory_space<vmem>>, vector<1x16xf32>,
      %swap3A_343 = vector.shape_cast %swap3A_342 : vector<1x16xf32> to vector<16xf32>
      %swap3A_344 = vector.shape_cast %broadcast_in_dim3A_12 : vector<16xf32> to vector<1x16xf32>
      tpu.vector_store %arg6[%swap3A_340, %swap3A_341], %swap3A_344 {strides = array<i32>} : memref<64x1024xf32, #tpu.memory_space<vmem>>, vector<1x16xf32>,
      %add3A_345 = arith.constant 0 : i32
      %add3A_346 = arith.addi %add3A_345, %scan3A_288 : i32
      %add3A_347 = arith.constant 48 : i32
      %add3A_348 = arith.addi %multiple_of3A, %add3A_347 : i32
      %swap3A_349 = arith.index_cast %add3A_346 : i32 to index
      %swap3A_350 = arith.index_cast %add3A_348 : i32 to index
      %swap3A_351 = tpu.vector_load %arg6[%swap3A_349, %swap3A_350] {strides = array<i32>} : memref<64x1024xf32, #tpu.memory_space<vmem>>, vector<1x16xf32>,
      %swap3A_352 = vector.shape_cast %swap3A_351 : vector<1x16xf32> to vector<16xf32>
      %swap3A_353 = vector.shape_cast %broadcast_in_dim3A_12 : vector<16xf32> to vector<1x16xf32>
      tpu.vector_store %arg6[%swap3A_349, %swap3A_350], %swap3A_353 {strides = array<i32>} : memref<64x1024xf32, #tpu.memory_space<vmem>>, vector<1x16xf32>,
      %add3A_354 = arith.constant 0 : i32
      %add3A_355 = arith.addi %add3A_354, %scan3A_288 : i32
      %add3A_356 = arith.constant 64 : i32
      %add3A_357 = arith.addi %multiple_of3A, %add3A_356 : i32
      %swap3A_358 = arith.index_cast %add3A_355 : i32 to index
      %swap3A_359 = arith.index_cast %add3A_357 : i32 to index
      %swap3A_360 = tpu.vector_load %arg6[%swap3A_358, %swap3A_359] {strides = array<i32>} : memref<64x1024xf32, #tpu.memory_space<vmem>>, vector<1x16xf32>,
      %swap3A_361 = vector.shape_cast %swap3A_360 : vector<1x16xf32> to vector<16xf32>
      %swap3A_362 = vector.shape_cast %broadcast_in_dim3A_12 : vector<16xf32> to vector<1x16xf32>
      tpu.vector_store %arg6[%swap3A_358, %swap3A_359], %swap3A_362 {strides = array<i32>} : memref<64x1024xf32, #tpu.memory_space<vmem>>, vector<1x16xf32>,
      %add3A_363 = arith.constant 0 : i32
      %add3A_364 = arith.addi %add3A_363, %scan3A_288 : i32
      %add3A_365 = arith.constant 80 : i32
      %add3A_366 = arith.addi %multiple_of3A, %add3A_365 : i32
      %swap3A_367 = arith.index_cast %add3A_364 : i32 to index
      %swap3A_368 = arith.index_cast %add3A_366 : i32 to index
      %swap3A_369 = tpu.vector_load %arg6[%swap3A_367, %swap3A_368] {strides = array<i32>} : memref<64x1024xf32, #tpu.memory_space<vmem>>, vector<1x16xf32>,
      %swap3A_370 = vector.shape_cast %swap3A_369 : vector<1x16xf32> to vector<16xf32>
      %swap3A_371 = vector.shape_cast %broadcast_in_dim3A_12 : vector<16xf32> to vector<1x16xf32>
      tpu.vector_store %arg6[%swap3A_367, %swap3A_368], %swap3A_371 {strides = array<i32>} : memref<64x1024xf32, #tpu.memory_space<vmem>>, vector<1x16xf32>,
      %add3A_372 = arith.constant 0 : i32
      %add3A_373 = arith.addi %add3A_372, %scan3A_288 : i32
      %add3A_374 = arith.constant 96 : i32
      %add3A_375 = arith.addi %multiple_of3A, %add3A_374 : i32
      %swap3A_376 = arith.index_cast %add3A_373 : i32 to index
      %swap3A_377 = arith.index_cast %add3A_375 : i32 to index
      %swap3A_378 = tpu.vector_load %arg6[%swap3A_376, %swap3A_377] {strides = array<i32>} : memref<64x1024xf32, #tpu.memory_space<vmem>>, vector<1x16xf32>,
      %swap3A_379 = vector.shape_cast %swap3A_378 : vector<1x16xf32> to vector<16xf32>
      %swap3A_380 = vector.shape_cast %broadcast_in_dim3A_12 : vector<16xf32> to vector<1x16xf32>
      tpu.vector_store %arg6[%swap3A_376, %swap3A_377], %swap3A_380 {strides = array<i32>} : memref<64x1024xf32, #tpu.memory_space<vmem>>, vector<1x16xf32>,
      %add3A_381 = arith.constant 0 : i32
      %add3A_382 = arith.addi %add3A_381, %scan3A_288 : i32
      %add3A_383 = arith.constant 112 : i32
      %add3A_384 = arith.addi %multiple_of3A, %add3A_383 : i32
      %swap3A_385 = arith.index_cast %add3A_382 : i32 to index
      %swap3A_386 = arith.index_cast %add3A_384 : i32 to index
      %swap3A_387 = tpu.vector_load %arg6[%swap3A_385, %swap3A_386] {strides = array<i32>} : memref<64x1024xf32, #tpu.memory_space<vmem>>, vector<1x16xf32>,
      %swap3A_388 = vector.shape_cast %swap3A_387 : vector<1x16xf32> to vector<16xf32>
      %swap3A_389 = vector.shape_cast %broadcast_in_dim3A_12 : vector<16xf32> to vector<1x16xf32>
      tpu.vector_store %arg6[%swap3A_385, %swap3A_386], %swap3A_389 {strides = array<i32>} : memref<64x1024xf32, #tpu.memory_space<vmem>>, vector<1x16xf32>,
    }
    %scan3A_215 = arith.constant 32 : i32
    %scan3A_216 = arith.constant 0 : i32
    %scan3A_217 = arith.constant 0 : i32
    %scan3A_218 = arith.constant 32 : i32
    %scan3A_219 = arith.addi %scan3A_217, %scan3A_218 : i32
    %scan3A_220 = arith.constant 1 : i32
    scf.for %scan3A_288 = %scan3A_217 to %scan3A_219 step %scan3A_220  : i32 {
      %add3A_289 = arith.constant 192 : i32
      %add3A_290 = arith.addi %add3A_289, %scan3A_288 : i32
      %add3A_291 = arith.addi %select_n3A_11, %add3A_290 : i32
      %sub3A = arith.constant 33 : i32
      %sub3A_292 = arith.subi %add3A_291, %sub3A : i32
      %jit3A_293 = arith.constant 16 : i32
      %div3A = arith.divsi %sub3A_292, %jit3A_293 : i32
      %sign3A = arith.constant 0 : i32
      %sign3A_294 = arith.cmpi sgt, %sub3A_292, %sign3A : i32
      %sign3A_295 = arith.extui %sign3A_294 : i1 to i32
      %sign3A_296 = arith.constant 0 : i32
      %sign3A_297 = arith.cmpi slt, %sub3A_292, %sign3A_296 : i32
      %sign3A_298 = arith.extui %sign3A_297 : i1 to i32
      %sign3A_299 = arith.subi %sign3A_295, %sign3A_298 : i32
      %sign3A_300 = arith.constant 0 : i32
      %sign3A_301 = arith.cmpi sgt, %jit3A_293, %sign3A_300 : i32
      %sign3A_302 = arith.extui %sign3A_301 : i1 to i32
      %sign3A_303 = arith.constant 0 : i32
      %sign3A_304 = arith.cmpi slt, %jit3A_293, %sign3A_303 : i32
      %sign3A_305 = arith.extui %sign3A_304 : i1 to i32
      %sign3A_306 = arith.subi %sign3A_302, %sign3A_305 : i32
      %ne3A_307 = arith.cmpi ne, %sign3A_299, %sign3A_306 : i32
      %rem3A_308 = arith.remsi %sub3A_292, %jit3A_293 : i32
      %ne3A_309 = arith.constant 0 : i32
      %ne3A_310 = arith.cmpi ne, %rem3A_308, %ne3A_309 : i32
      %and3A_311 = arith.andi %ne3A_307, %ne3A_310 : i1
      %sub3A_312 = arith.constant 1 : i32
      %sub3A_313 = arith.subi %div3A, %sub3A_312 : i32
      %select_n3A_314 = arith.select %and3A_311, %sub3A_313, %div3A : i32
      %mul3A_315 = arith.constant 16 : i32
      %mul3A_316 = arith.muli %select_n3A_314, %mul3A_315 : i32
      %max3A = arith.constant 0 : i32
      %max3A_317 = arith.maxsi %mul3A_316, %max3A : i32
      %min3A = arith.constant 896 : i32
      %min3A_318 = arith.minsi %max3A_317, %min3A : i32
      %multiple_of3A = tpu.assume_multiple %min3A_318, 16 : i32
      %get3A = arith.index_cast %add3A_290 : i32 to index
      %get3A_319 = arith.constant 0 : index
      %get3A_320 = tpu.vector_load %arg5[%get3A, %get3A_319] {strides = array<i32>} : memref<256x128xf32, #tpu.memory_space<vmem>>, vector<1x16xf32>,
      %get3A_321 = vector.shape_cast %get3A_320 : vector<1x16xf32> to vector<16xf32>
      %add3A_322 = arith.constant 0 : i32
      %add3A_323 = arith.addi %add3A_322, %scan3A_288 : i32
      %add3A_324 = arith.constant 0 : i32
      %add3A_325 = arith.addi %multiple_of3A, %add3A_324 : i32
      %swap3A = arith.index_cast %add3A_323 : i32 to index
      %swap3A_326 = arith.index_cast %add3A_325 : i32 to index
      %swap3A_327 = tpu.vector_load %arg6[%swap3A, %swap3A_326] {strides = array<i32>} : memref<64x1024xf32, #tpu.memory_space<vmem>>, vector<1x16xf32>,
      %swap3A_328 = vector.shape_cast %swap3A_327 : vector<1x16xf32> to vector<16xf32>
      %swap3A_329 = vector.shape_cast %get3A_321 : vector<16xf32> to vector<1x16xf32>
      tpu.vector_store %arg6[%swap3A, %swap3A_326], %swap3A_329 {strides = array<i32>} : memref<64x1024xf32, #tpu.memory_space<vmem>>, vector<1x16xf32>,
      %get3A_330 = arith.index_cast %add3A_290 : i32 to index
      %get3A_331 = arith.constant 16 : index
      %get3A_332 = tpu.vector_load %arg5[%get3A_330, %get3A_331] {strides = array<i32>} : memref<256x128xf32, #tpu.memory_space<vmem>>, vector<1x16xf32>,
      %get3A_333 = vector.shape_cast %get3A_332 : vector<1x16xf32> to vector<16xf32>
      %add3A_334 = arith.constant 0 : i32
      %add3A_335 = arith.addi %add3A_334, %scan3A_288 : i32
      %add3A_336 = arith.constant 16 : i32
      %add3A_337 = arith.addi %multiple_of3A, %add3A_336 : i32
      %swap3A_338 = arith.index_cast %add3A_335 : i32 to index
      %swap3A_339 = arith.index_cast %add3A_337 : i32 to index
      %swap3A_340 = tpu.vector_load %arg6[%swap3A_338, %swap3A_339] {strides = array<i32>} : memref<64x1024xf32, #tpu.memory_space<vmem>>, vector<1x16xf32>,
      %swap3A_341 = vector.shape_cast %swap3A_340 : vector<1x16xf32> to vector<16xf32>
      %swap3A_342 = vector.shape_cast %get3A_333 : vector<16xf32> to vector<1x16xf32>
      tpu.vector_store %arg6[%swap3A_338, %swap3A_339], %swap3A_342 {strides = array<i32>} : memref<64x1024xf32, #tpu.memory_space<vmem>>, vector<1x16xf32>,
      %get3A_343 = arith.index_cast %add3A_290 : i32 to index
      %get3A_344 = arith.constant 32 : index
      %get3A_345 = tpu.vector_load %arg5[%get3A_343, %get3A_344] {strides = array<i32>} : memref<256x128xf32, #tpu.memory_space<vmem>>, vector<1x16xf32>,
      %get3A_346 = vector.shape_cast %get3A_345 : vector<1x16xf32> to vector<16xf32>
      %add3A_347 = arith.constant 0 : i32
      %add3A_348 = arith.addi %add3A_347, %scan3A_288 : i32
      %add3A_349 = arith.constant 32 : i32
      %add3A_350 = arith.addi %multiple_of3A, %add3A_349 : i32
      %swap3A_351 = arith.index_cast %add3A_348 : i32 to index
      %swap3A_352 = arith.index_cast %add3A_350 : i32 to index
      %swap3A_353 = tpu.vector_load %arg6[%swap3A_351, %swap3A_352] {strides = array<i32>} : memref<64x1024xf32, #tpu.memory_space<vmem>>, vector<1x16xf32>,
      %swap3A_354 = vector.shape_cast %swap3A_353 : vector<1x16xf32> to vector<16xf32>
      %swap3A_355 = vector.shape_cast %get3A_346 : vector<16xf32> to vector<1x16xf32>
      tpu.vector_store %arg6[%swap3A_351, %swap3A_352], %swap3A_355 {strides = array<i32>} : memref<64x1024xf32, #tpu.memory_space<vmem>>, vector<1x16xf32>,
      %get3A_356 = arith.index_cast %add3A_290 : i32 to index
      %get3A_357 = arith.constant 48 : index
      %get3A_358 = tpu.vector_load %arg5[%get3A_356, %get3A_357] {strides = array<i32>} : memref<256x128xf32, #tpu.memory_space<vmem>>, vector<1x16xf32>,
      %get3A_359 = vector.shape_cast %get3A_358 : vector<1x16xf32> to vector<16xf32>
      %add3A_360 = arith.constant 0 : i32
      %add3A_361 = arith.addi %add3A_360, %scan3A_288 : i32
      %add3A_362 = arith.constant 48 : i32
      %add3A_363 = arith.addi %multiple_of3A, %add3A_362 : i32
      %swap3A_364 = arith.index_cast %add3A_361 : i32 to index
      %swap3A_365 = arith.index_cast %add3A_363 : i32 to index
      %swap3A_366 = tpu.vector_load %arg6[%swap3A_364, %swap3A_365] {strides = array<i32>} : memref<64x1024xf32, #tpu.memory_space<vmem>>, vector<1x16xf32>,
      %swap3A_367 = vector.shape_cast %swap3A_366 : vector<1x16xf32> to vector<16xf32>
      %swap3A_368 = vector.shape_cast %get3A_359 : vector<16xf32> to vector<1x16xf32>
      tpu.vector_store %arg6[%swap3A_364, %swap3A_365], %swap3A_368 {strides = array<i32>} : memref<64x1024xf32, #tpu.memory_space<vmem>>, vector<1x16xf32>,
      %get3A_369 = arith.index_cast %add3A_290 : i32 to index
      %get3A_370 = arith.constant 64 : index
      %get3A_371 = tpu.vector_load %arg5[%get3A_369, %get3A_370] {strides = array<i32>} : memref<256x128xf32, #tpu.memory_space<vmem>>, vector<1x16xf32>,
      %get3A_372 = vector.shape_cast %get3A_371 : vector<1x16xf32> to vector<16xf32>
      %add3A_373 = arith.constant 0 : i32
      %add3A_374 = arith.addi %add3A_373, %scan3A_288 : i32
      %add3A_375 = arith.constant 64 : i32
      %add3A_376 = arith.addi %multiple_of3A, %add3A_375 : i32
      %swap3A_377 = arith.index_cast %add3A_374 : i32 to index
      %swap3A_378 = arith.index_cast %add3A_376 : i32 to index
      %swap3A_379 = tpu.vector_load %arg6[%swap3A_377, %swap3A_378] {strides = array<i32>} : memref<64x1024xf32, #tpu.memory_space<vmem>>, vector<1x16xf32>,
      %swap3A_380 = vector.shape_cast %swap3A_379 : vector<1x16xf32> to vector<16xf32>
      %swap3A_381 = vector.shape_cast %get3A_372 : vector<16xf32> to vector<1x16xf32>
      tpu.vector_store %arg6[%swap3A_377, %swap3A_378], %swap3A_381 {strides = array<i32>} : memref<64x1024xf32, #tpu.memory_space<vmem>>, vector<1x16xf32>,
      %get3A_382 = arith.index_cast %add3A_290 : i32 to index
      %get3A_383 = arith.constant 80 : index
      %get3A_384 = tpu.vector_load %arg5[%get3A_382, %get3A_383] {strides = array<i32>} : memref<256x128xf32, #tpu.memory_space<vmem>>, vector<1x16xf32>,
      %get3A_385 = vector.shape_cast %get3A_384 : vector<1x16xf32> to vector<16xf32>
      %add3A_386 = arith.constant 0 : i32
      %add3A_387 = arith.addi %add3A_386, %scan3A_288 : i32
      %add3A_388 = arith.constant 80 : i32
      %add3A_389 = arith.addi %multiple_of3A, %add3A_388 : i32
      %swap3A_390 = arith.index_cast %add3A_387 : i32 to index
      %swap3A_391 = arith.index_cast %add3A_389 : i32 to index
      %swap3A_392 = tpu.vector_load %arg6[%swap3A_390, %swap3A_391] {strides = array<i32>} : memref<64x1024xf32, #tpu.memory_space<vmem>>, vector<1x16xf32>,
      %swap3A_393 = vector.shape_cast %swap3A_392 : vector<1x16xf32> to vector<16xf32>
      %swap3A_394 = vector.shape_cast %get3A_385 : vector<16xf32> to vector<1x16xf32>
      tpu.vector_store %arg6[%swap3A_390, %swap3A_391], %swap3A_394 {strides = array<i32>} : memref<64x1024xf32, #tpu.memory_space<vmem>>, vector<1x16xf32>,
      %get3A_395 = arith.index_cast %add3A_290 : i32 to index
      %get3A_396 = arith.constant 96 : index
      %get3A_397 = tpu.vector_load %arg5[%get3A_395, %get3A_396] {strides = array<i32>} : memref<256x128xf32, #tpu.memory_space<vmem>>, vector<1x16xf32>,
      %get3A_398 = vector.shape_cast %get3A_397 : vector<1x16xf32> to vector<16xf32>
      %add3A_399 = arith.constant 0 : i32
      %add3A_400 = arith.addi %add3A_399, %scan3A_288 : i32
      %add3A_401 = arith.constant 96 : i32
      %add3A_402 = arith.addi %multiple_of3A, %add3A_401 : i32
      %swap3A_403 = arith.index_cast %add3A_400 : i32 to index
      %swap3A_404 = arith.index_cast %add3A_402 : i32 to index
      %swap3A_405 = tpu.vector_load %arg6[%swap3A_403, %swap3A_404] {strides = array<i32>} : memref<64x1024xf32, #tpu.memory_space<vmem>>, vector<1x16xf32>,
      %swap3A_406 = vector.shape_cast %swap3A_405 : vector<1x16xf32> to vector<16xf32>
      %swap3A_407 = vector.shape_cast %get3A_398 : vector<16xf32> to vector<1x16xf32>
      tpu.vector_store %arg6[%swap3A_403, %swap3A_404], %swap3A_407 {strides = array<i32>} : memref<64x1024xf32, #tpu.memory_space<vmem>>, vector<1x16xf32>,
      %get3A_408 = arith.index_cast %add3A_290 : i32 to index
      %get3A_409 = arith.constant 112 : index
      %get3A_410 = tpu.vector_load %arg5[%get3A_408, %get3A_409] {strides = array<i32>} : memref<256x128xf32, #tpu.memory_space<vmem>>, vector<1x16xf32>,
      %get3A_411 = vector.shape_cast %get3A_410 : vector<1x16xf32> to vector<16xf32>
      %add3A_412 = arith.constant 0 : i32
      %add3A_413 = arith.addi %add3A_412, %scan3A_288 : i32
      %add3A_414 = arith.constant 112 : i32
      %add3A_415 = arith.addi %multiple_of3A, %add3A_414 : i32
      %swap3A_416 = arith.index_cast %add3A_413 : i32 to index
      %swap3A_417 = arith.index_cast %add3A_415 : i32 to index
      %swap3A_418 = tpu.vector_load %arg6[%swap3A_416, %swap3A_417] {strides = array<i32>} : memref<64x1024xf32, #tpu.memory_space<vmem>>, vector<1x16xf32>,
      %swap3A_419 = vector.shape_cast %swap3A_418 : vector<1x16xf32> to vector<16xf32>
      %swap3A_420 = vector.shape_cast %get3A_411 : vector<16xf32> to vector<1x16xf32>
      tpu.vector_store %arg6[%swap3A_416, %swap3A_417], %swap3A_420 {strides = array<i32>} : memref<64x1024xf32, #tpu.memory_space<vmem>>, vector<1x16xf32>,
    }
    %scan3A_221 = arith.constant 32 : i32
    %add3A_222 = arith.constant 192 : i32
    %add3A_223 = arith.addi %mul3A_2, %add3A_222 : i32
    %dma_start3A_224 = arith.constant 0 : i32
    %dma_start3A_225 = arith.constant 0 : i32
    %dma_start3A_226 = tpu.memref_slice %arg6[%dma_start3A_224, %dma_start3A_225] : memref<64x1024xf32, #tpu.memory_space<vmem>> -> memref<32x1024xf32, #tpu.memory_space<vmem>>
    %dma_start3A_227 = arith.constant 0 : i32
    %dma_start3A_228 = tpu.memref_slice %arg4[%add3A_223, %dma_start3A_227] : memref<8192x1024xf32, #tpu.memory_space<hbm>> -> memref<32x1024xf32, #tpu.memory_space<hbm>>
    %dma_start3A_229 = arith.constant 0 : i32
    %dma_start3A_230 = tpu.memref_slice %arg4[%add3A_223, %dma_start3A_229] : memref<8192x1024xf32, #tpu.memory_space<hbm>> -> memref<32x1024xf32, #tpu.memory_space<hbm>>
    %dma_start3A_231 = arith.constant 0 : i32
    %dma_start3A_232 = arith.constant 0 : i32
    %dma_start3A_233 = tpu.memref_slice %arg6[%dma_start3A_231, %dma_start3A_232] : memref<64x1024xf32, #tpu.memory_space<vmem>> -> memref<32x1024xf32, #tpu.memory_space<vmem>>
    tpu.enqueue_dma source(%dma_start3A_233 : memref<32x1024xf32, #tpu.memory_space<vmem>>) target(%dma_start3A_230 : memref<32x1024xf32, #tpu.memory_space<hbm>>) target_semaphore(%arg7 : memref<!tpu.dma_semaphore, #tpu.memory_space<semaphore_mem>>)
    %dma_wait3A_234 = arith.constant 32 : i32
    %dma_wait3A_235 = arith.constant 0 : i32
    %dma_wait3A_236 = tpu.memref_slice %arg6[%dma_wait3A_234, %dma_wait3A_235] : memref<64x1024xf32, #tpu.memory_space<vmem>> -> memref<32x1024xf32, #tpu.memory_space<vmem>>
    %dma_wait3A_237 = arith.constant 0 : i32
    %dma_wait3A_238 = tpu.memref_slice %arg4[%add3A_189, %dma_wait3A_237] : memref<8192x1024xf32, #tpu.memory_space<hbm>> -> memref<32x1024xf32, #tpu.memory_space<hbm>>
    %dma_wait3A_239 = arith.constant 0 : i32
    %dma_wait3A_240 = tpu.memref_slice %arg4[%add3A_189, %dma_wait3A_239] : memref<8192x1024xf32, #tpu.memory_space<hbm>> -> memref<32x1024xf32, #tpu.memory_space<hbm>>
    %dma_wait3A_241 = arith.constant 32 : i32
    %dma_wait3A_242 = arith.constant 0 : i32
    %dma_wait3A_243 = tpu.memref_slice %arg6[%dma_wait3A_241, %dma_wait3A_242] : memref<64x1024xf32, #tpu.memory_space<vmem>> -> memref<32x1024xf32, #tpu.memory_space<vmem>>
    tpu.wait_dma2 semaphore(%arg8 : memref<!tpu.dma_semaphore, #tpu.memory_space<semaphore_mem>>) src(%dma_wait3A_243 : memref<32x1024xf32, #tpu.memory_space<vmem>>) dst(%dma_wait3A_240 : memref<32x1024xf32, #tpu.memory_space<hbm>>)
    %scan3A_244 = arith.constant 0 : i32
    %scan3A_245 = arith.constant 0 : i32
    %scan3A_246 = arith.constant 32 : i32
    %scan3A_247 = arith.addi %scan3A_245, %scan3A_246 : i32
    %scan3A_248 = arith.constant 1 : i32
    scf.for %scan3A_288 = %scan3A_245 to %scan3A_247 step %scan3A_248  : i32 {
      %add3A_289 = arith.constant 160 : i32
      %add3A_290 = arith.addi %add3A_289, %scan3A_288 : i32
      %add3A_291 = arith.addi %select_n3A_11, %add3A_290 : i32
      %sub3A = arith.constant 33 : i32
      %sub3A_292 = arith.subi %add3A_291, %sub3A : i32
      %jit3A_293 = arith.constant 16 : i32
      %div3A = arith.divsi %sub3A_292, %jit3A_293 : i32
      %sign3A = arith.constant 0 : i32
      %sign3A_294 = arith.cmpi sgt, %sub3A_292, %sign3A : i32
      %sign3A_295 = arith.extui %sign3A_294 : i1 to i32
      %sign3A_296 = arith.constant 0 : i32
      %sign3A_297 = arith.cmpi slt, %sub3A_292, %sign3A_296 : i32
      %sign3A_298 = arith.extui %sign3A_297 : i1 to i32
      %sign3A_299 = arith.subi %sign3A_295, %sign3A_298 : i32
      %sign3A_300 = arith.constant 0 : i32
      %sign3A_301 = arith.cmpi sgt, %jit3A_293, %sign3A_300 : i32
      %sign3A_302 = arith.extui %sign3A_301 : i1 to i32
      %sign3A_303 = arith.constant 0 : i32
      %sign3A_304 = arith.cmpi slt, %jit3A_293, %sign3A_303 : i32
      %sign3A_305 = arith.extui %sign3A_304 : i1 to i32
      %sign3A_306 = arith.subi %sign3A_302, %sign3A_305 : i32
      %ne3A_307 = arith.cmpi ne, %sign3A_299, %sign3A_306 : i32
      %rem3A_308 = arith.remsi %sub3A_292, %jit3A_293 : i32
      %ne3A_309 = arith.constant 0 : i32
      %ne3A_310 = arith.cmpi ne, %rem3A_308, %ne3A_309 : i32
      %and3A_311 = arith.andi %ne3A_307, %ne3A_310 : i1
      %sub3A_312 = arith.constant 1 : i32
      %sub3A_313 = arith.subi %div3A, %sub3A_312 : i32
      %select_n3A_314 = arith.select %and3A_311, %sub3A_313, %div3A : i32
      %mul3A_315 = arith.constant 16 : i32
      %mul3A_316 = arith.muli %select_n3A_314, %mul3A_315 : i32
      %max3A = arith.constant 0 : i32
      %max3A_317 = arith.maxsi %mul3A_316, %max3A : i32
      %min3A = arith.constant 896 : i32
      %min3A_318 = arith.minsi %max3A_317, %min3A : i32
      %multiple_of3A = tpu.assume_multiple %min3A_318, 16 : i32
      %add3A_319 = arith.constant 32 : i32
      %add3A_320 = arith.addi %add3A_319, %scan3A_288 : i32
      %add3A_321 = arith.constant 0 : i32
      %add3A_322 = arith.addi %multiple_of3A, %add3A_321 : i32
      %swap3A = arith.index_cast %add3A_320 : i32 to index
      %swap3A_323 = arith.index_cast %add3A_322 : i32 to index
      %swap3A_324 = tpu.vector_load %arg6[%swap3A, %swap3A_323] {strides = array<i32>} : memref<64x1024xf32, #tpu.memory_space<vmem>>, vector<1x16xf32>,
      %swap3A_325 = vector.shape_cast %swap3A_324 : vector<1x16xf32> to vector<16xf32>
      %swap3A_326 = vector.shape_cast %broadcast_in_dim3A_12 : vector<16xf32> to vector<1x16xf32>
      tpu.vector_store %arg6[%swap3A, %swap3A_323], %swap3A_326 {strides = array<i32>} : memref<64x1024xf32, #tpu.memory_space<vmem>>, vector<1x16xf32>,
      %add3A_327 = arith.constant 32 : i32
      %add3A_328 = arith.addi %add3A_327, %scan3A_288 : i32
      %add3A_329 = arith.constant 16 : i32
      %add3A_330 = arith.addi %multiple_of3A, %add3A_329 : i32
      %swap3A_331 = arith.index_cast %add3A_328 : i32 to index
      %swap3A_332 = arith.index_cast %add3A_330 : i32 to index
      %swap3A_333 = tpu.vector_load %arg6[%swap3A_331, %swap3A_332] {strides = array<i32>} : memref<64x1024xf32, #tpu.memory_space<vmem>>, vector<1x16xf32>,
      %swap3A_334 = vector.shape_cast %swap3A_333 : vector<1x16xf32> to vector<16xf32>
      %swap3A_335 = vector.shape_cast %broadcast_in_dim3A_12 : vector<16xf32> to vector<1x16xf32>
      tpu.vector_store %arg6[%swap3A_331, %swap3A_332], %swap3A_335 {strides = array<i32>} : memref<64x1024xf32, #tpu.memory_space<vmem>>, vector<1x16xf32>,
      %add3A_336 = arith.constant 32 : i32
      %add3A_337 = arith.addi %add3A_336, %scan3A_288 : i32
      %add3A_338 = arith.constant 32 : i32
      %add3A_339 = arith.addi %multiple_of3A, %add3A_338 : i32
      %swap3A_340 = arith.index_cast %add3A_337 : i32 to index
      %swap3A_341 = arith.index_cast %add3A_339 : i32 to index
      %swap3A_342 = tpu.vector_load %arg6[%swap3A_340, %swap3A_341] {strides = array<i32>} : memref<64x1024xf32, #tpu.memory_space<vmem>>, vector<1x16xf32>,
      %swap3A_343 = vector.shape_cast %swap3A_342 : vector<1x16xf32> to vector<16xf32>
      %swap3A_344 = vector.shape_cast %broadcast_in_dim3A_12 : vector<16xf32> to vector<1x16xf32>
      tpu.vector_store %arg6[%swap3A_340, %swap3A_341], %swap3A_344 {strides = array<i32>} : memref<64x1024xf32, #tpu.memory_space<vmem>>, vector<1x16xf32>,
      %add3A_345 = arith.constant 32 : i32
      %add3A_346 = arith.addi %add3A_345, %scan3A_288 : i32
      %add3A_347 = arith.constant 48 : i32
      %add3A_348 = arith.addi %multiple_of3A, %add3A_347 : i32
      %swap3A_349 = arith.index_cast %add3A_346 : i32 to index
      %swap3A_350 = arith.index_cast %add3A_348 : i32 to index
      %swap3A_351 = tpu.vector_load %arg6[%swap3A_349, %swap3A_350] {strides = array<i32>} : memref<64x1024xf32, #tpu.memory_space<vmem>>, vector<1x16xf32>,
      %swap3A_352 = vector.shape_cast %swap3A_351 : vector<1x16xf32> to vector<16xf32>
      %swap3A_353 = vector.shape_cast %broadcast_in_dim3A_12 : vector<16xf32> to vector<1x16xf32>
      tpu.vector_store %arg6[%swap3A_349, %swap3A_350], %swap3A_353 {strides = array<i32>} : memref<64x1024xf32, #tpu.memory_space<vmem>>, vector<1x16xf32>,
      %add3A_354 = arith.constant 32 : i32
      %add3A_355 = arith.addi %add3A_354, %scan3A_288 : i32
      %add3A_356 = arith.constant 64 : i32
      %add3A_357 = arith.addi %multiple_of3A, %add3A_356 : i32
      %swap3A_358 = arith.index_cast %add3A_355 : i32 to index
      %swap3A_359 = arith.index_cast %add3A_357 : i32 to index
      %swap3A_360 = tpu.vector_load %arg6[%swap3A_358, %swap3A_359] {strides = array<i32>} : memref<64x1024xf32, #tpu.memory_space<vmem>>, vector<1x16xf32>,
      %swap3A_361 = vector.shape_cast %swap3A_360 : vector<1x16xf32> to vector<16xf32>
      %swap3A_362 = vector.shape_cast %broadcast_in_dim3A_12 : vector<16xf32> to vector<1x16xf32>
      tpu.vector_store %arg6[%swap3A_358, %swap3A_359], %swap3A_362 {strides = array<i32>} : memref<64x1024xf32, #tpu.memory_space<vmem>>, vector<1x16xf32>,
      %add3A_363 = arith.constant 32 : i32
      %add3A_364 = arith.addi %add3A_363, %scan3A_288 : i32
      %add3A_365 = arith.constant 80 : i32
      %add3A_366 = arith.addi %multiple_of3A, %add3A_365 : i32
      %swap3A_367 = arith.index_cast %add3A_364 : i32 to index
      %swap3A_368 = arith.index_cast %add3A_366 : i32 to index
      %swap3A_369 = tpu.vector_load %arg6[%swap3A_367, %swap3A_368] {strides = array<i32>} : memref<64x1024xf32, #tpu.memory_space<vmem>>, vector<1x16xf32>,
      %swap3A_370 = vector.shape_cast %swap3A_369 : vector<1x16xf32> to vector<16xf32>
      %swap3A_371 = vector.shape_cast %broadcast_in_dim3A_12 : vector<16xf32> to vector<1x16xf32>
      tpu.vector_store %arg6[%swap3A_367, %swap3A_368], %swap3A_371 {strides = array<i32>} : memref<64x1024xf32, #tpu.memory_space<vmem>>, vector<1x16xf32>,
      %add3A_372 = arith.constant 32 : i32
      %add3A_373 = arith.addi %add3A_372, %scan3A_288 : i32
      %add3A_374 = arith.constant 96 : i32
      %add3A_375 = arith.addi %multiple_of3A, %add3A_374 : i32
      %swap3A_376 = arith.index_cast %add3A_373 : i32 to index
      %swap3A_377 = arith.index_cast %add3A_375 : i32 to index
      %swap3A_378 = tpu.vector_load %arg6[%swap3A_376, %swap3A_377] {strides = array<i32>} : memref<64x1024xf32, #tpu.memory_space<vmem>>, vector<1x16xf32>,
      %swap3A_379 = vector.shape_cast %swap3A_378 : vector<1x16xf32> to vector<16xf32>
      %swap3A_380 = vector.shape_cast %broadcast_in_dim3A_12 : vector<16xf32> to vector<1x16xf32>
      tpu.vector_store %arg6[%swap3A_376, %swap3A_377], %swap3A_380 {strides = array<i32>} : memref<64x1024xf32, #tpu.memory_space<vmem>>, vector<1x16xf32>,
      %add3A_381 = arith.constant 32 : i32
      %add3A_382 = arith.addi %add3A_381, %scan3A_288 : i32
      %add3A_383 = arith.constant 112 : i32
      %add3A_384 = arith.addi %multiple_of3A, %add3A_383 : i32
      %swap3A_385 = arith.index_cast %add3A_382 : i32 to index
      %swap3A_386 = arith.index_cast %add3A_384 : i32 to index
      %swap3A_387 = tpu.vector_load %arg6[%swap3A_385, %swap3A_386] {strides = array<i32>} : memref<64x1024xf32, #tpu.memory_space<vmem>>, vector<1x16xf32>,
      %swap3A_388 = vector.shape_cast %swap3A_387 : vector<1x16xf32> to vector<16xf32>
      %swap3A_389 = vector.shape_cast %broadcast_in_dim3A_12 : vector<16xf32> to vector<1x16xf32>
      tpu.vector_store %arg6[%swap3A_385, %swap3A_386], %swap3A_389 {strides = array<i32>} : memref<64x1024xf32, #tpu.memory_space<vmem>>, vector<1x16xf32>,
    }
    %scan3A_249 = arith.constant 32 : i32
    %scan3A_250 = arith.constant 0 : i32
    %scan3A_251 = arith.constant 0 : i32
    %scan3A_252 = arith.constant 32 : i32
    %scan3A_253 = arith.addi %scan3A_251, %scan3A_252 : i32
    %scan3A_254 = arith.constant 1 : i32
    scf.for %scan3A_288 = %scan3A_251 to %scan3A_253 step %scan3A_254  : i32 {
      %add3A_289 = arith.constant 224 : i32
      %add3A_290 = arith.addi %add3A_289, %scan3A_288 : i32
      %add3A_291 = arith.addi %select_n3A_11, %add3A_290 : i32
      %sub3A = arith.constant 33 : i32
      %sub3A_292 = arith.subi %add3A_291, %sub3A : i32
      %jit3A_293 = arith.constant 16 : i32
      %div3A = arith.divsi %sub3A_292, %jit3A_293 : i32
      %sign3A = arith.constant 0 : i32
      %sign3A_294 = arith.cmpi sgt, %sub3A_292, %sign3A : i32
      %sign3A_295 = arith.extui %sign3A_294 : i1 to i32
      %sign3A_296 = arith.constant 0 : i32
      %sign3A_297 = arith.cmpi slt, %sub3A_292, %sign3A_296 : i32
      %sign3A_298 = arith.extui %sign3A_297 : i1 to i32
      %sign3A_299 = arith.subi %sign3A_295, %sign3A_298 : i32
      %sign3A_300 = arith.constant 0 : i32
      %sign3A_301 = arith.cmpi sgt, %jit3A_293, %sign3A_300 : i32
      %sign3A_302 = arith.extui %sign3A_301 : i1 to i32
      %sign3A_303 = arith.constant 0 : i32
      %sign3A_304 = arith.cmpi slt, %jit3A_293, %sign3A_303 : i32
      %sign3A_305 = arith.extui %sign3A_304 : i1 to i32
      %sign3A_306 = arith.subi %sign3A_302, %sign3A_305 : i32
      %ne3A_307 = arith.cmpi ne, %sign3A_299, %sign3A_306 : i32
      %rem3A_308 = arith.remsi %sub3A_292, %jit3A_293 : i32
      %ne3A_309 = arith.constant 0 : i32
      %ne3A_310 = arith.cmpi ne, %rem3A_308, %ne3A_309 : i32
      %and3A_311 = arith.andi %ne3A_307, %ne3A_310 : i1
      %sub3A_312 = arith.constant 1 : i32
      %sub3A_313 = arith.subi %div3A, %sub3A_312 : i32
      %select_n3A_314 = arith.select %and3A_311, %sub3A_313, %div3A : i32
      %mul3A_315 = arith.constant 16 : i32
      %mul3A_316 = arith.muli %select_n3A_314, %mul3A_315 : i32
      %max3A = arith.constant 0 : i32
      %max3A_317 = arith.maxsi %mul3A_316, %max3A : i32
      %min3A = arith.constant 896 : i32
      %min3A_318 = arith.minsi %max3A_317, %min3A : i32
      %multiple_of3A = tpu.assume_multiple %min3A_318, 16 : i32
      %get3A = arith.index_cast %add3A_290 : i32 to index
      %get3A_319 = arith.constant 0 : index
      %get3A_320 = tpu.vector_load %arg5[%get3A, %get3A_319] {strides = array<i32>} : memref<256x128xf32, #tpu.memory_space<vmem>>, vector<1x16xf32>,
      %get3A_321 = vector.shape_cast %get3A_320 : vector<1x16xf32> to vector<16xf32>
      %add3A_322 = arith.constant 32 : i32
      %add3A_323 = arith.addi %add3A_322, %scan3A_288 : i32
      %add3A_324 = arith.constant 0 : i32
      %add3A_325 = arith.addi %multiple_of3A, %add3A_324 : i32
      %swap3A = arith.index_cast %add3A_323 : i32 to index
      %swap3A_326 = arith.index_cast %add3A_325 : i32 to index
      %swap3A_327 = tpu.vector_load %arg6[%swap3A, %swap3A_326] {strides = array<i32>} : memref<64x1024xf32, #tpu.memory_space<vmem>>, vector<1x16xf32>,
      %swap3A_328 = vector.shape_cast %swap3A_327 : vector<1x16xf32> to vector<16xf32>
      %swap3A_329 = vector.shape_cast %get3A_321 : vector<16xf32> to vector<1x16xf32>
      tpu.vector_store %arg6[%swap3A, %swap3A_326], %swap3A_329 {strides = array<i32>} : memref<64x1024xf32, #tpu.memory_space<vmem>>, vector<1x16xf32>,
      %get3A_330 = arith.index_cast %add3A_290 : i32 to index
      %get3A_331 = arith.constant 16 : index
      %get3A_332 = tpu.vector_load %arg5[%get3A_330, %get3A_331] {strides = array<i32>} : memref<256x128xf32, #tpu.memory_space<vmem>>, vector<1x16xf32>,
      %get3A_333 = vector.shape_cast %get3A_332 : vector<1x16xf32> to vector<16xf32>
      %add3A_334 = arith.constant 32 : i32
      %add3A_335 = arith.addi %add3A_334, %scan3A_288 : i32
      %add3A_336 = arith.constant 16 : i32
      %add3A_337 = arith.addi %multiple_of3A, %add3A_336 : i32
      %swap3A_338 = arith.index_cast %add3A_335 : i32 to index
      %swap3A_339 = arith.index_cast %add3A_337 : i32 to index
      %swap3A_340 = tpu.vector_load %arg6[%swap3A_338, %swap3A_339] {strides = array<i32>} : memref<64x1024xf32, #tpu.memory_space<vmem>>, vector<1x16xf32>,
      %swap3A_341 = vector.shape_cast %swap3A_340 : vector<1x16xf32> to vector<16xf32>
      %swap3A_342 = vector.shape_cast %get3A_333 : vector<16xf32> to vector<1x16xf32>
      tpu.vector_store %arg6[%swap3A_338, %swap3A_339], %swap3A_342 {strides = array<i32>} : memref<64x1024xf32, #tpu.memory_space<vmem>>, vector<1x16xf32>,
      %get3A_343 = arith.index_cast %add3A_290 : i32 to index
      %get3A_344 = arith.constant 32 : index
      %get3A_345 = tpu.vector_load %arg5[%get3A_343, %get3A_344] {strides = array<i32>} : memref<256x128xf32, #tpu.memory_space<vmem>>, vector<1x16xf32>,
      %get3A_346 = vector.shape_cast %get3A_345 : vector<1x16xf32> to vector<16xf32>
      %add3A_347 = arith.constant 32 : i32
      %add3A_348 = arith.addi %add3A_347, %scan3A_288 : i32
      %add3A_349 = arith.constant 32 : i32
      %add3A_350 = arith.addi %multiple_of3A, %add3A_349 : i32
      %swap3A_351 = arith.index_cast %add3A_348 : i32 to index
      %swap3A_352 = arith.index_cast %add3A_350 : i32 to index
      %swap3A_353 = tpu.vector_load %arg6[%swap3A_351, %swap3A_352] {strides = array<i32>} : memref<64x1024xf32, #tpu.memory_space<vmem>>, vector<1x16xf32>,
      %swap3A_354 = vector.shape_cast %swap3A_353 : vector<1x16xf32> to vector<16xf32>
      %swap3A_355 = vector.shape_cast %get3A_346 : vector<16xf32> to vector<1x16xf32>
      tpu.vector_store %arg6[%swap3A_351, %swap3A_352], %swap3A_355 {strides = array<i32>} : memref<64x1024xf32, #tpu.memory_space<vmem>>, vector<1x16xf32>,
      %get3A_356 = arith.index_cast %add3A_290 : i32 to index
      %get3A_357 = arith.constant 48 : index
      %get3A_358 = tpu.vector_load %arg5[%get3A_356, %get3A_357] {strides = array<i32>} : memref<256x128xf32, #tpu.memory_space<vmem>>, vector<1x16xf32>,
      %get3A_359 = vector.shape_cast %get3A_358 : vector<1x16xf32> to vector<16xf32>
      %add3A_360 = arith.constant 32 : i32
      %add3A_361 = arith.addi %add3A_360, %scan3A_288 : i32
      %add3A_362 = arith.constant 48 : i32
      %add3A_363 = arith.addi %multiple_of3A, %add3A_362 : i32
      %swap3A_364 = arith.index_cast %add3A_361 : i32 to index
      %swap3A_365 = arith.index_cast %add3A_363 : i32 to index
      %swap3A_366 = tpu.vector_load %arg6[%swap3A_364, %swap3A_365] {strides = array<i32>} : memref<64x1024xf32, #tpu.memory_space<vmem>>, vector<1x16xf32>,
      %swap3A_367 = vector.shape_cast %swap3A_366 : vector<1x16xf32> to vector<16xf32>
      %swap3A_368 = vector.shape_cast %get3A_359 : vector<16xf32> to vector<1x16xf32>
      tpu.vector_store %arg6[%swap3A_364, %swap3A_365], %swap3A_368 {strides = array<i32>} : memref<64x1024xf32, #tpu.memory_space<vmem>>, vector<1x16xf32>,
      %get3A_369 = arith.index_cast %add3A_290 : i32 to index
      %get3A_370 = arith.constant 64 : index
      %get3A_371 = tpu.vector_load %arg5[%get3A_369, %get3A_370] {strides = array<i32>} : memref<256x128xf32, #tpu.memory_space<vmem>>, vector<1x16xf32>,
      %get3A_372 = vector.shape_cast %get3A_371 : vector<1x16xf32> to vector<16xf32>
      %add3A_373 = arith.constant 32 : i32
      %add3A_374 = arith.addi %add3A_373, %scan3A_288 : i32
      %add3A_375 = arith.constant 64 : i32
      %add3A_376 = arith.addi %multiple_of3A, %add3A_375 : i32
      %swap3A_377 = arith.index_cast %add3A_374 : i32 to index
      %swap3A_378 = arith.index_cast %add3A_376 : i32 to index
      %swap3A_379 = tpu.vector_load %arg6[%swap3A_377, %swap3A_378] {strides = array<i32>} : memref<64x1024xf32, #tpu.memory_space<vmem>>, vector<1x16xf32>,
      %swap3A_380 = vector.shape_cast %swap3A_379 : vector<1x16xf32> to vector<16xf32>
      %swap3A_381 = vector.shape_cast %get3A_372 : vector<16xf32> to vector<1x16xf32>
      tpu.vector_store %arg6[%swap3A_377, %swap3A_378], %swap3A_381 {strides = array<i32>} : memref<64x1024xf32, #tpu.memory_space<vmem>>, vector<1x16xf32>,
      %get3A_382 = arith.index_cast %add3A_290 : i32 to index
      %get3A_383 = arith.constant 80 : index
      %get3A_384 = tpu.vector_load %arg5[%get3A_382, %get3A_383] {strides = array<i32>} : memref<256x128xf32, #tpu.memory_space<vmem>>, vector<1x16xf32>,
      %get3A_385 = vector.shape_cast %get3A_384 : vector<1x16xf32> to vector<16xf32>
      %add3A_386 = arith.constant 32 : i32
      %add3A_387 = arith.addi %add3A_386, %scan3A_288 : i32
      %add3A_388 = arith.constant 80 : i32
      %add3A_389 = arith.addi %multiple_of3A, %add3A_388 : i32
      %swap3A_390 = arith.index_cast %add3A_387 : i32 to index
      %swap3A_391 = arith.index_cast %add3A_389 : i32 to index
      %swap3A_392 = tpu.vector_load %arg6[%swap3A_390, %swap3A_391] {strides = array<i32>} : memref<64x1024xf32, #tpu.memory_space<vmem>>, vector<1x16xf32>,
      %swap3A_393 = vector.shape_cast %swap3A_392 : vector<1x16xf32> to vector<16xf32>
      %swap3A_394 = vector.shape_cast %get3A_385 : vector<16xf32> to vector<1x16xf32>
      tpu.vector_store %arg6[%swap3A_390, %swap3A_391], %swap3A_394 {strides = array<i32>} : memref<64x1024xf32, #tpu.memory_space<vmem>>, vector<1x16xf32>,
      %get3A_395 = arith.index_cast %add3A_290 : i32 to index
      %get3A_396 = arith.constant 96 : index
      %get3A_397 = tpu.vector_load %arg5[%get3A_395, %get3A_396] {strides = array<i32>} : memref<256x128xf32, #tpu.memory_space<vmem>>, vector<1x16xf32>,
      %get3A_398 = vector.shape_cast %get3A_397 : vector<1x16xf32> to vector<16xf32>
      %add3A_399 = arith.constant 32 : i32
      %add3A_400 = arith.addi %add3A_399, %scan3A_288 : i32
      %add3A_401 = arith.constant 96 : i32
      %add3A_402 = arith.addi %multiple_of3A, %add3A_401 : i32
      %swap3A_403 = arith.index_cast %add3A_400 : i32 to index
      %swap3A_404 = arith.index_cast %add3A_402 : i32 to index
      %swap3A_405 = tpu.vector_load %arg6[%swap3A_403, %swap3A_404] {strides = array<i32>} : memref<64x1024xf32, #tpu.memory_space<vmem>>, vector<1x16xf32>,
      %swap3A_406 = vector.shape_cast %swap3A_405 : vector<1x16xf32> to vector<16xf32>
      %swap3A_407 = vector.shape_cast %get3A_398 : vector<16xf32> to vector<1x16xf32>
      tpu.vector_store %arg6[%swap3A_403, %swap3A_404], %swap3A_407 {strides = array<i32>} : memref<64x1024xf32, #tpu.memory_space<vmem>>, vector<1x16xf32>,
      %get3A_408 = arith.index_cast %add3A_290 : i32 to index
      %get3A_409 = arith.constant 112 : index
      %get3A_410 = tpu.vector_load %arg5[%get3A_408, %get3A_409] {strides = array<i32>} : memref<256x128xf32, #tpu.memory_space<vmem>>, vector<1x16xf32>,
      %get3A_411 = vector.shape_cast %get3A_410 : vector<1x16xf32> to vector<16xf32>
      %add3A_412 = arith.constant 32 : i32
      %add3A_413 = arith.addi %add3A_412, %scan3A_288 : i32
      %add3A_414 = arith.constant 112 : i32
      %add3A_415 = arith.addi %multiple_of3A, %add3A_414 : i32
      %swap3A_416 = arith.index_cast %add3A_413 : i32 to index
      %swap3A_417 = arith.index_cast %add3A_415 : i32 to index
      %swap3A_418 = tpu.vector_load %arg6[%swap3A_416, %swap3A_417] {strides = array<i32>} : memref<64x1024xf32, #tpu.memory_space<vmem>>, vector<1x16xf32>,
      %swap3A_419 = vector.shape_cast %swap3A_418 : vector<1x16xf32> to vector<16xf32>
      %swap3A_420 = vector.shape_cast %get3A_411 : vector<16xf32> to vector<1x16xf32>
      tpu.vector_store %arg6[%swap3A_416, %swap3A_417], %swap3A_420 {strides = array<i32>} : memref<64x1024xf32, #tpu.memory_space<vmem>>, vector<1x16xf32>,
    }
    %scan3A_255 = arith.constant 32 : i32
    %add3A_256 = arith.constant 224 : i32
    %add3A_257 = arith.addi %mul3A_2, %add3A_256 : i32
    %dma_start3A_258 = arith.constant 32 : i32
    %dma_start3A_259 = arith.constant 0 : i32
    %dma_start3A_260 = tpu.memref_slice %arg6[%dma_start3A_258, %dma_start3A_259] : memref<64x1024xf32, #tpu.memory_space<vmem>> -> memref<32x1024xf32, #tpu.memory_space<vmem>>
    %dma_start3A_261 = arith.constant 0 : i32
    %dma_start3A_262 = tpu.memref_slice %arg4[%add3A_257, %dma_start3A_261] : memref<8192x1024xf32, #tpu.memory_space<hbm>> -> memref<32x1024xf32, #tpu.memory_space<hbm>>
    %dma_start3A_263 = arith.constant 0 : i32
    %dma_start3A_264 = tpu.memref_slice %arg4[%add3A_257, %dma_start3A_263] : memref<8192x1024xf32, #tpu.memory_space<hbm>> -> memref<32x1024xf32, #tpu.memory_space<hbm>>
    %dma_start3A_265 = arith.constant 32 : i32
    %dma_start3A_266 = arith.constant 0 : i32
    %dma_start3A_267 = tpu.memref_slice %arg6[%dma_start3A_265, %dma_start3A_266] : memref<64x1024xf32, #tpu.memory_space<vmem>> -> memref<32x1024xf32, #tpu.memory_space<vmem>>
    tpu.enqueue_dma source(%dma_start3A_267 : memref<32x1024xf32, #tpu.memory_space<vmem>>) target(%dma_start3A_264 : memref<32x1024xf32, #tpu.memory_space<hbm>>) target_semaphore(%arg8 : memref<!tpu.dma_semaphore, #tpu.memory_space<semaphore_mem>>)
    %dma_wait3A_268 = arith.constant 0 : i32
    %dma_wait3A_269 = arith.constant 0 : i32
    %dma_wait3A_270 = tpu.memref_slice %arg6[%dma_wait3A_268, %dma_wait3A_269] : memref<64x1024xf32, #tpu.memory_space<vmem>> -> memref<32x1024xf32, #tpu.memory_space<vmem>>
    %dma_wait3A_271 = arith.constant 0 : i32
    %dma_wait3A_272 = tpu.memref_slice %arg4[%add3A_223, %dma_wait3A_271] : memref<8192x1024xf32, #tpu.memory_space<hbm>> -> memref<32x1024xf32, #tpu.memory_space<hbm>>
    %dma_wait3A_273 = arith.constant 0 : i32
    %dma_wait3A_274 = tpu.memref_slice %arg4[%add3A_223, %dma_wait3A_273] : memref<8192x1024xf32, #tpu.memory_space<hbm>> -> memref<32x1024xf32, #tpu.memory_space<hbm>>
    %dma_wait3A_275 = arith.constant 0 : i32
    %dma_wait3A_276 = arith.constant 0 : i32
    %dma_wait3A_277 = tpu.memref_slice %arg6[%dma_wait3A_275, %dma_wait3A_276] : memref<64x1024xf32, #tpu.memory_space<vmem>> -> memref<32x1024xf32, #tpu.memory_space<vmem>>
    tpu.wait_dma2 semaphore(%arg7 : memref<!tpu.dma_semaphore, #tpu.memory_space<semaphore_mem>>) src(%dma_wait3A_277 : memref<32x1024xf32, #tpu.memory_space<vmem>>) dst(%dma_wait3A_274 : memref<32x1024xf32, #tpu.memory_space<hbm>>)
    %dma_wait3A_278 = arith.constant 32 : i32
    %dma_wait3A_279 = arith.constant 0 : i32
    %dma_wait3A_280 = tpu.memref_slice %arg6[%dma_wait3A_278, %dma_wait3A_279] : memref<64x1024xf32, #tpu.memory_space<vmem>> -> memref<32x1024xf32, #tpu.memory_space<vmem>>
    %dma_wait3A_281 = arith.constant 0 : i32
    %dma_wait3A_282 = tpu.memref_slice %arg4[%add3A_257, %dma_wait3A_281] : memref<8192x1024xf32, #tpu.memory_space<hbm>> -> memref<32x1024xf32, #tpu.memory_space<hbm>>
    %dma_wait3A_283 = arith.constant 0 : i32
    %dma_wait3A_284 = tpu.memref_slice %arg4[%add3A_257, %dma_wait3A_283] : memref<8192x1024xf32, #tpu.memory_space<hbm>> -> memref<32x1024xf32, #tpu.memory_space<hbm>>
    %dma_wait3A_285 = arith.constant 32 : i32
    %dma_wait3A_286 = arith.constant 0 : i32
    %dma_wait3A_287 = tpu.memref_slice %arg6[%dma_wait3A_285, %dma_wait3A_286] : memref<64x1024xf32, #tpu.memory_space<vmem>> -> memref<32x1024xf32, #tpu.memory_space<vmem>>
    tpu.wait_dma2 semaphore(%arg8 : memref<!tpu.dma_semaphore, #tpu.memory_space<semaphore_mem>>) src(%dma_wait3A_287 : memref<32x1024xf32, #tpu.memory_space<vmem>>) dst(%dma_wait3A_284 : memref<32x1024xf32, #tpu.memory_space<hbm>>)
    return
  }
}

module attributes {stable_mosaic.version = 14 : i64} {
  func.func @_attn_body(%arg0: i32, %arg1: memref<1x384x1024xf32, #tpu.memory_space<vmem>>, %arg2: memref<48x384xf32, #tpu.memory_space<vmem>>, %arg3: memref<48x1xf32, #tpu.memory_space<vmem>>, %arg4: memref<48x384xf32, #tpu.memory_space<vmem>>, %arg5: memref<48x1xf32, #tpu.memory_space<vmem>>, %arg6: memref<16x16xf32, #tpu.memory_space<vmem>>, %arg7: memref<1x16x1024xf32, #tpu.memory_space<vmem>>, %arg8: memref<1x1024x128xf32, #tpu.memory_space<vmem>>) attributes {dimension_semantics = [#tpu.dimension_semantics<arbitrary>], iteration_bounds = array<i64: 8>, scalar_prefetch = 0 : i64, scratch_operands = 0 : i64, tpu.core_type = #tpu.core_type<tc>, window_params = [{transform_indices = @transform_0, window_bounds = array<i64: 1, 384, 1024>}, {pipeline_mode = #tpu.pipeline_mode<synchronous>, transform_indices = @transform_1, window_bounds = array<i64: 48, 384>}, {pipeline_mode = #tpu.pipeline_mode<synchronous>, transform_indices = @transform_2, window_bounds = array<i64: 48, 1>}, {pipeline_mode = #tpu.pipeline_mode<synchronous>, transform_indices = @transform_3, window_bounds = array<i64: 48, 384>}, {pipeline_mode = #tpu.pipeline_mode<synchronous>, transform_indices = @transform_4, window_bounds = array<i64: 48, 1>}, {pipeline_mode = #tpu.pipeline_mode<synchronous>, transform_indices = @transform_5, window_bounds = array<i64: 16, 16>}, {transform_indices = @transform_6, window_bounds = array<i64: 1, 16, 1024>}, {transform_indices = @transform_7, window_bounds = array<i64: 1, 1024, 128>}]} {
    %get3A = arith.constant 0 : index
    %get3A_0 = arith.constant 0 : index
    %get3A_1 = arith.constant 0 : index
    %get3A_2 = vector.load %arg1[%get3A, %get3A_0, %get3A_1] : memref<1x384x1024xf32, #tpu.memory_space<vmem>>, vector<1x384x1024xf32>
    %get3A_3 = vector.shape_cast %get3A_2 : vector<1x384x1024xf32> to vector<384x1024xf32>
    %get3A_4 = arith.constant 0 : index
    %get3A_5 = arith.constant 0 : index
    %get3A_6 = vector.load %arg2[%get3A_4, %get3A_5] : memref<48x384xf32, #tpu.memory_space<vmem>>, vector<48x384xf32>
    %dot_general3A = arith.constant dense<0.000000e+00> : vector<48x1024xf32>
    %dot_general3A_7 = tpu.matmul %get3A_6, %get3A_3, %dot_general3A {dimension_numbers = #tpu.dot_dimension_numbers<[1], [0], [0], [1], [0, 0, 1, 1], [], []>, transpose_lhs_hint = false} : vector<48x384xf32>, vector<384x1024xf32>, vector<48x1024xf32> -> vector<48x1024xf32>
    %get3A_8 = arith.constant 0 : index
    %get3A_9 = arith.constant 0 : index
    %get3A_10 = vector.load %arg3[%get3A_8, %get3A_9] : memref<48x1xf32, #tpu.memory_space<vmem>>, vector<48x1xf32>
    %add3A = vector.broadcast %get3A_10 : vector<48x1xf32> to vector<48x1024xf32>
    %add3A_11 = arith.addf %dot_general3A_7, %add3A : vector<48x1024xf32>
    %get3A_12 = arith.constant 0 : index
    %get3A_13 = arith.constant 0 : index
    %get3A_14 = vector.load %arg4[%get3A_12, %get3A_13] : memref<48x384xf32, #tpu.memory_space<vmem>>, vector<48x384xf32>
    %dot_general3A_15 = arith.constant dense<0.000000e+00> : vector<48x1024xf32>
    %dot_general3A_16 = tpu.matmul %get3A_14, %get3A_3, %dot_general3A_15 {dimension_numbers = #tpu.dot_dimension_numbers<[1], [0], [0], [1], [0, 0, 1, 1], [], []>, transpose_lhs_hint = false} : vector<48x384xf32>, vector<384x1024xf32>, vector<48x1024xf32> -> vector<48x1024xf32>
    %get3A_17 = arith.constant 0 : index
    %get3A_18 = arith.constant 0 : index
    %get3A_19 = vector.load %arg5[%get3A_17, %get3A_18] : memref<48x1xf32, #tpu.memory_space<vmem>>, vector<48x1xf32>
    %add3A_20 = vector.broadcast %get3A_19 : vector<48x1xf32> to vector<48x1024xf32>
    %add3A_21 = arith.addf %dot_general3A_16, %add3A_20 : vector<48x1024xf32>
    %iota3A = tpu.iota {dimensions = array<i32: 1>} : vector<1x1024xi32>
    %jit3A = arith.constant 32 : i32
    %div3A = vector.broadcast %jit3A : i32 to vector<1x1024xi32>
    %div3A_22 = arith.divsi %iota3A, %div3A : vector<1x1024xi32>
    %sign3A = arith.constant 0 : i32
    %sign3A_23 = vector.broadcast %sign3A : i32 to vector<1x1024xi32>
    %sign3A_24 = arith.cmpi sgt, %iota3A, %sign3A_23 : vector<1x1024xi32>
    %sign3A_25 = arith.extui %sign3A_24 : vector<1x1024xi1> to vector<1x1024xi32>
    %sign3A_26 = arith.constant 0 : i32
    %sign3A_27 = vector.broadcast %sign3A_26 : i32 to vector<1x1024xi32>
    %sign3A_28 = arith.cmpi slt, %iota3A, %sign3A_27 : vector<1x1024xi32>
    %sign3A_29 = arith.extui %sign3A_28 : vector<1x1024xi1> to vector<1x1024xi32>
    %sign3A_30 = arith.subi %sign3A_25, %sign3A_29 : vector<1x1024xi32>
    %sign3A_31 = arith.constant 0 : i32
    %sign3A_32 = arith.cmpi sgt, %jit3A, %sign3A_31 : i32
    %sign3A_33 = arith.extui %sign3A_32 : i1 to i32
    %sign3A_34 = arith.constant 0 : i32
    %sign3A_35 = arith.cmpi slt, %jit3A, %sign3A_34 : i32
    %sign3A_36 = arith.extui %sign3A_35 : i1 to i32
    %sign3A_37 = arith.subi %sign3A_33, %sign3A_36 : i32
    %ne3A = vector.broadcast %sign3A_37 : i32 to vector<1x1024xi32>
    %ne3A_38 = arith.cmpi ne, %sign3A_30, %ne3A : vector<1x1024xi32>
    %rem3A = vector.broadcast %jit3A : i32 to vector<1x1024xi32>
    %rem3A_39 = arith.remsi %iota3A, %rem3A : vector<1x1024xi32>
    %ne3A_40 = arith.constant 0 : i32
    %ne3A_41 = vector.broadcast %ne3A_40 : i32 to vector<1x1024xi32>
    %ne3A_42 = arith.cmpi ne, %rem3A_39, %ne3A_41 : vector<1x1024xi32>
    %and3A = arith.andi %ne3A_38, %ne3A_42 : vector<1x1024xi1>
    %sub3A = arith.constant 1 : i32
    %sub3A_43 = vector.broadcast %sub3A : i32 to vector<1x1024xi32>
    %sub3A_44 = arith.subi %div3A_22, %sub3A_43 : vector<1x1024xi32>
    %select_n3A = arith.select %and3A, %sub3A_44, %div3A_22 : vector<1x1024xi1>, vector<1x1024xi32>
    %jit3A_45 = arith.constant 32 : i32
    %eq3A = arith.constant 0 : i32
    %eq3A_46 = arith.cmpi eq, %jit3A_45, %eq3A : i32
    %jit3A_47 = arith.constant 1 : i32
    %select_n3A_48 = arith.select %eq3A_46, %jit3A_47, %jit3A_45 : i32
    %rem3A_49 = vector.broadcast %select_n3A_48 : i32 to vector<1x1024xi32>
    %rem3A_50 = arith.remsi %iota3A, %rem3A_49 : vector<1x1024xi32>
    %ne3A_51 = arith.constant 0 : i32
    %ne3A_52 = vector.broadcast %ne3A_51 : i32 to vector<1x1024xi32>
    %ne3A_53 = arith.cmpi ne, %rem3A_50, %ne3A_52 : vector<1x1024xi32>
    %lt3A = arith.constant 0 : i32
    %lt3A_54 = vector.broadcast %lt3A : i32 to vector<1x1024xi32>
    %lt3A_55 = arith.cmpi slt, %rem3A_50, %lt3A_54 : vector<1x1024xi32>
    %lt3A_56 = arith.constant 0 : i32
    %lt3A_57 = arith.cmpi slt, %select_n3A_48, %lt3A_56 : i32
    %ne3A_58 = vector.broadcast %lt3A_57 : i1 to vector<1x1024xi1>
    %ne3A_59 = vector.broadcast %ne3A_58 : vector<1x1024xi1> to vector<1x1024xi1>
    %ne3A_60 = arith.xori %lt3A_55, %ne3A_59 : vector<1x1024xi1>
    %and3A_61 = arith.andi %ne3A_60, %ne3A_53 : vector<1x1024xi1>
    %add3A_62 = vector.broadcast %select_n3A_48 : i32 to vector<1x1024xi32>
    %add3A_63 = arith.addi %rem3A_50, %add3A_62 : vector<1x1024xi32>
    %select_n3A_64 = arith.select %and3A_61, %add3A_63, %rem3A_50 : vector<1x1024xi1>, vector<1x1024xi32>
    %slice3A = vector.extract_strided_slice %add3A_21 {offsets = [0, 991], sizes = [48, 33], strides = [1, 1]} : vector<48x1024xf32> to vector<48x33xf32>
    %slice3A_65 = vector.extract_strided_slice %add3A_21 {offsets = [0, 0], sizes = [48, 991], strides = [1, 1]} : vector<48x1024xf32> to vector<48x991xf32>
    %concatenate3A = tpu.concatenate %slice3A, %slice3A_65 in 1 : vector<48x33xf32>, vector<48x991xf32> -> vector<48x1024xf32>
    %mul3A = arith.mulf %add3A_11, %concatenate3A : vector<48x1024xf32>
    %reduce_sum3A = arith.constant dense<0.000000e+00> : vector<1024xf32>
    %reduce_sum3A_66 = vector.multi_reduction <add>, %mul3A, %reduce_sum3A [0] : vector<48x1024xf32> to vector<1024xf32>
    %broadcast_in_dim3A = vector.shape_cast %reduce_sum3A_66 : vector<1024xf32> to vector<1x1024xf32>
    %add3A_67 = arith.constant -1 : i32
    %add3A_68 = vector.broadcast %add3A_67 : i32 to vector<1x1024xi32>
    %add3A_69 = arith.addi %select_n3A, %add3A_68 : vector<1x1024xi32>
    %ge3A = arith.constant 0 : i32
    %ge3A_70 = vector.broadcast %ge3A : i32 to vector<1x1024xi32>
    %ge3A_71 = arith.cmpi sge, %add3A_69, %ge3A_70 : vector<1x1024xi32>
    %add3A_72 = arith.constant -1 : i32
    %add3A_73 = vector.broadcast %add3A_72 : i32 to vector<1x1024xi32>
    %add3A_74 = arith.addi %select_n3A, %add3A_73 : vector<1x1024xi32>
    %lt3A_75 = arith.constant 32 : i32
    %lt3A_76 = vector.broadcast %lt3A_75 : i32 to vector<1x1024xi32>
    %lt3A_77 = arith.cmpi slt, %add3A_74, %lt3A_76 : vector<1x1024xi32>
    %and3A_78 = arith.andi %ge3A_71, %lt3A_77 : vector<1x1024xi1>
    %add3A_79 = arith.constant -1 : i32
    %add3A_80 = vector.broadcast %add3A_79 : i32 to vector<1x1024xi32>
    %add3A_81 = arith.addi %select_n3A_64, %add3A_80 : vector<1x1024xi32>
    %ge3A_82 = arith.constant 0 : i32
    %ge3A_83 = vector.broadcast %ge3A_82 : i32 to vector<1x1024xi32>
    %ge3A_84 = arith.cmpi sge, %add3A_81, %ge3A_83 : vector<1x1024xi32>
    %and3A_85 = arith.andi %and3A_78, %ge3A_84 : vector<1x1024xi1>
    %add3A_86 = arith.constant -1 : i32
    %add3A_87 = vector.broadcast %add3A_86 : i32 to vector<1x1024xi32>
    %add3A_88 = arith.addi %select_n3A_64, %add3A_87 : vector<1x1024xi32>
    %lt3A_89 = arith.constant 32 : i32
    %lt3A_90 = vector.broadcast %lt3A_89 : i32 to vector<1x1024xi32>
    %lt3A_91 = arith.cmpi slt, %add3A_88, %lt3A_90 : vector<1x1024xi32>
    %and3A_92 = arith.andi %and3A_85, %lt3A_91 : vector<1x1024xi1>
    %jit3A_93 = arith.constant -1.000000e+30 : f32
    %broadcast_in_dim3A_94 = vector.broadcast %jit3A_93 : f32 to vector<1x1024xf32>
    %select_n3A_95 = arith.select %and3A_92, %broadcast_in_dim3A, %broadcast_in_dim3A_94 : vector<1x1024xi1>, vector<1x1024xf32>
    %slice3A_96 = vector.extract_strided_slice %add3A_21 {offsets = [0, 992], sizes = [48, 32], strides = [1, 1]} : vector<48x1024xf32> to vector<48x32xf32>
    %slice3A_97 = vector.extract_strided_slice %add3A_21 {offsets = [0, 0], sizes = [48, 992], strides = [1, 1]} : vector<48x1024xf32> to vector<48x992xf32>
    %concatenate3A_98 = tpu.concatenate %slice3A_96, %slice3A_97 in 1 : vector<48x32xf32>, vector<48x992xf32> -> vector<48x1024xf32>
    %mul3A_99 = arith.mulf %add3A_11, %concatenate3A_98 : vector<48x1024xf32>
    %reduce_sum3A_100 = arith.constant dense<0.000000e+00> : vector<1024xf32>
    %reduce_sum3A_101 = vector.multi_reduction <add>, %mul3A_99, %reduce_sum3A_100 [0] : vector<48x1024xf32> to vector<1024xf32>
    %broadcast_in_dim3A_102 = vector.shape_cast %reduce_sum3A_101 : vector<1024xf32> to vector<1x1024xf32>
    %add3A_103 = arith.constant -1 : i32
    %add3A_104 = vector.broadcast %add3A_103 : i32 to vector<1x1024xi32>
    %add3A_105 = arith.addi %select_n3A, %add3A_104 : vector<1x1024xi32>
    %ge3A_106 = arith.constant 0 : i32
    %ge3A_107 = vector.broadcast %ge3A_106 : i32 to vector<1x1024xi32>
    %ge3A_108 = arith.cmpi sge, %add3A_105, %ge3A_107 : vector<1x1024xi32>
    %add3A_109 = arith.constant -1 : i32
    %add3A_110 = vector.broadcast %add3A_109 : i32 to vector<1x1024xi32>
    %add3A_111 = arith.addi %select_n3A, %add3A_110 : vector<1x1024xi32>
    %lt3A_112 = arith.constant 32 : i32
    %lt3A_113 = vector.broadcast %lt3A_112 : i32 to vector<1x1024xi32>
    %lt3A_114 = arith.cmpi slt, %add3A_111, %lt3A_113 : vector<1x1024xi32>
    %and3A_115 = arith.andi %ge3A_108, %lt3A_114 : vector<1x1024xi1>
    %add3A_116 = arith.constant 0 : i32
    %add3A_117 = vector.broadcast %add3A_116 : i32 to vector<1x1024xi32>
    %add3A_118 = arith.addi %select_n3A_64, %add3A_117 : vector<1x1024xi32>
    %ge3A_119 = arith.constant 0 : i32
    %ge3A_120 = vector.broadcast %ge3A_119 : i32 to vector<1x1024xi32>
    %ge3A_121 = arith.cmpi sge, %add3A_118, %ge3A_120 : vector<1x1024xi32>
    %and3A_122 = arith.andi %and3A_115, %ge3A_121 : vector<1x1024xi1>
    %add3A_123 = arith.constant 0 : i32
    %add3A_124 = vector.broadcast %add3A_123 : i32 to vector<1x1024xi32>
    %add3A_125 = arith.addi %select_n3A_64, %add3A_124 : vector<1x1024xi32>
    %lt3A_126 = arith.constant 32 : i32
    %lt3A_127 = vector.broadcast %lt3A_126 : i32 to vector<1x1024xi32>
    %lt3A_128 = arith.cmpi slt, %add3A_125, %lt3A_127 : vector<1x1024xi32>
    %and3A_129 = arith.andi %and3A_122, %lt3A_128 : vector<1x1024xi1>
    %jit3A_130 = arith.constant -1.000000e+30 : f32
    %broadcast_in_dim3A_131 = vector.broadcast %jit3A_130 : f32 to vector<1x1024xf32>
    %select_n3A_132 = arith.select %and3A_129, %broadcast_in_dim3A_102, %broadcast_in_dim3A_131 : vector<1x1024xi1>, vector<1x1024xf32>
    %slice3A_133 = vector.extract_strided_slice %add3A_21 {offsets = [0, 993], sizes = [48, 31], strides = [1, 1]} : vector<48x1024xf32> to vector<48x31xf32>
    %slice3A_134 = vector.extract_strided_slice %add3A_21 {offsets = [0, 0], sizes = [48, 993], strides = [1, 1]} : vector<48x1024xf32> to vector<48x993xf32>
    %concatenate3A_135 = tpu.concatenate %slice3A_133, %slice3A_134 in 1 : vector<48x31xf32>, vector<48x993xf32> -> vector<48x1024xf32>
    %mul3A_136 = arith.mulf %add3A_11, %concatenate3A_135 : vector<48x1024xf32>
    %reduce_sum3A_137 = arith.constant dense<0.000000e+00> : vector<1024xf32>
    %reduce_sum3A_138 = vector.multi_reduction <add>, %mul3A_136, %reduce_sum3A_137 [0] : vector<48x1024xf32> to vector<1024xf32>
    %broadcast_in_dim3A_139 = vector.shape_cast %reduce_sum3A_138 : vector<1024xf32> to vector<1x1024xf32>
    %add3A_140 = arith.constant -1 : i32
    %add3A_141 = vector.broadcast %add3A_140 : i32 to vector<1x1024xi32>
    %add3A_142 = arith.addi %select_n3A, %add3A_141 : vector<1x1024xi32>
    %ge3A_143 = arith.constant 0 : i32
    %ge3A_144 = vector.broadcast %ge3A_143 : i32 to vector<1x1024xi32>
    %ge3A_145 = arith.cmpi sge, %add3A_142, %ge3A_144 : vector<1x1024xi32>
    %add3A_146 = arith.constant -1 : i32
    %add3A_147 = vector.broadcast %add3A_146 : i32 to vector<1x1024xi32>
    %add3A_148 = arith.addi %select_n3A, %add3A_147 : vector<1x1024xi32>
    %lt3A_149 = arith.constant 32 : i32
    %lt3A_150 = vector.broadcast %lt3A_149 : i32 to vector<1x1024xi32>
    %lt3A_151 = arith.cmpi slt, %add3A_148, %lt3A_150 : vector<1x1024xi32>
    %and3A_152 = arith.andi %ge3A_145, %lt3A_151 : vector<1x1024xi1>
    %add3A_153 = arith.constant 1 : i32
    %add3A_154 = vector.broadcast %add3A_153 : i32 to vector<1x1024xi32>
    %add3A_155 = arith.addi %select_n3A_64, %add3A_154 : vector<1x1024xi32>
    %ge3A_156 = arith.constant 0 : i32
    %ge3A_157 = vector.broadcast %ge3A_156 : i32 to vector<1x1024xi32>
    %ge3A_158 = arith.cmpi sge, %add3A_155, %ge3A_157 : vector<1x1024xi32>
    %and3A_159 = arith.andi %and3A_152, %ge3A_158 : vector<1x1024xi1>
    %add3A_160 = arith.constant 1 : i32
    %add3A_161 = vector.broadcast %add3A_160 : i32 to vector<1x1024xi32>
    %add3A_162 = arith.addi %select_n3A_64, %add3A_161 : vector<1x1024xi32>
    %lt3A_163 = arith.constant 32 : i32
    %lt3A_164 = vector.broadcast %lt3A_163 : i32 to vector<1x1024xi32>
    %lt3A_165 = arith.cmpi slt, %add3A_162, %lt3A_164 : vector<1x1024xi32>
    %and3A_166 = arith.andi %and3A_159, %lt3A_165 : vector<1x1024xi1>
    %jit3A_167 = arith.constant -1.000000e+30 : f32
    %broadcast_in_dim3A_168 = vector.broadcast %jit3A_167 : f32 to vector<1x1024xf32>
    %select_n3A_169 = arith.select %and3A_166, %broadcast_in_dim3A_139, %broadcast_in_dim3A_168 : vector<1x1024xi1>, vector<1x1024xf32>
    %slice3A_170 = vector.extract_strided_slice %add3A_21 {offsets = [0, 1023], sizes = [48, 1], strides = [1, 1]} : vector<48x1024xf32> to vector<48x1xf32>
    %slice3A_171 = vector.extract_strided_slice %add3A_21 {offsets = [0, 0], sizes = [48, 1023], strides = [1, 1]} : vector<48x1024xf32> to vector<48x1023xf32>
    %concatenate3A_172 = tpu.concatenate %slice3A_170, %slice3A_171 in 1 : vector<48x1xf32>, vector<48x1023xf32> -> vector<48x1024xf32>
    %mul3A_173 = arith.mulf %add3A_11, %concatenate3A_172 : vector<48x1024xf32>
    %reduce_sum3A_174 = arith.constant dense<0.000000e+00> : vector<1024xf32>
    %reduce_sum3A_175 = vector.multi_reduction <add>, %mul3A_173, %reduce_sum3A_174 [0] : vector<48x1024xf32> to vector<1024xf32>
    %broadcast_in_dim3A_176 = vector.shape_cast %reduce_sum3A_175 : vector<1024xf32> to vector<1x1024xf32>
    %add3A_177 = arith.constant 0 : i32
    %add3A_178 = vector.broadcast %add3A_177 : i32 to vector<1x1024xi32>
    %add3A_179 = arith.addi %select_n3A, %add3A_178 : vector<1x1024xi32>
    %ge3A_180 = arith.constant 0 : i32
    %ge3A_181 = vector.broadcast %ge3A_180 : i32 to vector<1x1024xi32>
    %ge3A_182 = arith.cmpi sge, %add3A_179, %ge3A_181 : vector<1x1024xi32>
    %add3A_183 = arith.constant 0 : i32
    %add3A_184 = vector.broadcast %add3A_183 : i32 to vector<1x1024xi32>
    %add3A_185 = arith.addi %select_n3A, %add3A_184 : vector<1x1024xi32>
    %lt3A_186 = arith.constant 32 : i32
    %lt3A_187 = vector.broadcast %lt3A_186 : i32 to vector<1x1024xi32>
    %lt3A_188 = arith.cmpi slt, %add3A_185, %lt3A_187 : vector<1x1024xi32>
    %and3A_189 = arith.andi %ge3A_182, %lt3A_188 : vector<1x1024xi1>
    %add3A_190 = arith.constant -1 : i32
    %add3A_191 = vector.broadcast %add3A_190 : i32 to vector<1x1024xi32>
    %add3A_192 = arith.addi %select_n3A_64, %add3A_191 : vector<1x1024xi32>
    %ge3A_193 = arith.constant 0 : i32
    %ge3A_194 = vector.broadcast %ge3A_193 : i32 to vector<1x1024xi32>
    %ge3A_195 = arith.cmpi sge, %add3A_192, %ge3A_194 : vector<1x1024xi32>
    %and3A_196 = arith.andi %and3A_189, %ge3A_195 : vector<1x1024xi1>
    %add3A_197 = arith.constant -1 : i32
    %add3A_198 = vector.broadcast %add3A_197 : i32 to vector<1x1024xi32>
    %add3A_199 = arith.addi %select_n3A_64, %add3A_198 : vector<1x1024xi32>
    %lt3A_200 = arith.constant 32 : i32
    %lt3A_201 = vector.broadcast %lt3A_200 : i32 to vector<1x1024xi32>
    %lt3A_202 = arith.cmpi slt, %add3A_199, %lt3A_201 : vector<1x1024xi32>
    %and3A_203 = arith.andi %and3A_196, %lt3A_202 : vector<1x1024xi1>
    %jit3A_204 = arith.constant -1.000000e+30 : f32
    %broadcast_in_dim3A_205 = vector.broadcast %jit3A_204 : f32 to vector<1x1024xf32>
    %select_n3A_206 = arith.select %and3A_203, %broadcast_in_dim3A_176, %broadcast_in_dim3A_205 : vector<1x1024xi1>, vector<1x1024xf32>
    %mul3A_207 = arith.mulf %add3A_11, %add3A_21 : vector<48x1024xf32>
    %reduce_sum3A_208 = arith.constant dense<0.000000e+00> : vector<1024xf32>
    %reduce_sum3A_209 = vector.multi_reduction <add>, %mul3A_207, %reduce_sum3A_208 [0] : vector<48x1024xf32> to vector<1024xf32>
    %broadcast_in_dim3A_210 = vector.shape_cast %reduce_sum3A_209 : vector<1024xf32> to vector<1x1024xf32>
    %add3A_211 = arith.constant 0 : i32
    %add3A_212 = vector.broadcast %add3A_211 : i32 to vector<1x1024xi32>
    %add3A_213 = arith.addi %select_n3A, %add3A_212 : vector<1x1024xi32>
    %ge3A_214 = arith.constant 0 : i32
    %ge3A_215 = vector.broadcast %ge3A_214 : i32 to vector<1x1024xi32>
    %ge3A_216 = arith.cmpi sge, %add3A_213, %ge3A_215 : vector<1x1024xi32>
    %add3A_217 = arith.constant 0 : i32
    %add3A_218 = vector.broadcast %add3A_217 : i32 to vector<1x1024xi32>
    %add3A_219 = arith.addi %select_n3A, %add3A_218 : vector<1x1024xi32>
    %lt3A_220 = arith.constant 32 : i32
    %lt3A_221 = vector.broadcast %lt3A_220 : i32 to vector<1x1024xi32>
    %lt3A_222 = arith.cmpi slt, %add3A_219, %lt3A_221 : vector<1x1024xi32>
    %and3A_223 = arith.andi %ge3A_216, %lt3A_222 : vector<1x1024xi1>
    %add3A_224 = arith.constant 0 : i32
    %add3A_225 = vector.broadcast %add3A_224 : i32 to vector<1x1024xi32>
    %add3A_226 = arith.addi %select_n3A_64, %add3A_225 : vector<1x1024xi32>
    %ge3A_227 = arith.constant 0 : i32
    %ge3A_228 = vector.broadcast %ge3A_227 : i32 to vector<1x1024xi32>
    %ge3A_229 = arith.cmpi sge, %add3A_226, %ge3A_228 : vector<1x1024xi32>
    %and3A_230 = arith.andi %and3A_223, %ge3A_229 : vector<1x1024xi1>
    %add3A_231 = arith.constant 0 : i32
    %add3A_232 = vector.broadcast %add3A_231 : i32 to vector<1x1024xi32>
    %add3A_233 = arith.addi %select_n3A_64, %add3A_232 : vector<1x1024xi32>
    %lt3A_234 = arith.constant 32 : i32
    %lt3A_235 = vector.broadcast %lt3A_234 : i32 to vector<1x1024xi32>
    %lt3A_236 = arith.cmpi slt, %add3A_233, %lt3A_235 : vector<1x1024xi32>
    %and3A_237 = arith.andi %and3A_230, %lt3A_236 : vector<1x1024xi1>
    %jit3A_238 = arith.constant -1.000000e+30 : f32
    %broadcast_in_dim3A_239 = vector.broadcast %jit3A_238 : f32 to vector<1x1024xf32>
    %select_n3A_240 = arith.select %and3A_237, %broadcast_in_dim3A_210, %broadcast_in_dim3A_239 : vector<1x1024xi1>, vector<1x1024xf32>
    %slice3A_241 = vector.extract_strided_slice %add3A_21 {offsets = [0, 1], sizes = [48, 1023], strides = [1, 1]} : vector<48x1024xf32> to vector<48x1023xf32>
    %slice3A_242 = vector.extract_strided_slice %add3A_21 {offsets = [0, 0], sizes = [48, 1], strides = [1, 1]} : vector<48x1024xf32> to vector<48x1xf32>
    %concatenate3A_243 = tpu.concatenate %slice3A_241, %slice3A_242 in 1 : vector<48x1023xf32>, vector<48x1xf32> -> vector<48x1024xf32>
    %mul3A_244 = arith.mulf %add3A_11, %concatenate3A_243 : vector<48x1024xf32>
    %reduce_sum3A_245 = arith.constant dense<0.000000e+00> : vector<1024xf32>
    %reduce_sum3A_246 = vector.multi_reduction <add>, %mul3A_244, %reduce_sum3A_245 [0] : vector<48x1024xf32> to vector<1024xf32>
    %broadcast_in_dim3A_247 = vector.shape_cast %reduce_sum3A_246 : vector<1024xf32> to vector<1x1024xf32>
    %add3A_248 = arith.constant 0 : i32
    %add3A_249 = vector.broadcast %add3A_248 : i32 to vector<1x1024xi32>
    %add3A_250 = arith.addi %select_n3A, %add3A_249 : vector<1x1024xi32>
    %ge3A_251 = arith.constant 0 : i32
    %ge3A_252 = vector.broadcast %ge3A_251 : i32 to vector<1x1024xi32>
    %ge3A_253 = arith.cmpi sge, %add3A_250, %ge3A_252 : vector<1x1024xi32>
    %add3A_254 = arith.constant 0 : i32
    %add3A_255 = vector.broadcast %add3A_254 : i32 to vector<1x1024xi32>
    %add3A_256 = arith.addi %select_n3A, %add3A_255 : vector<1x1024xi32>
    %lt3A_257 = arith.constant 32 : i32
    %lt3A_258 = vector.broadcast %lt3A_257 : i32 to vector<1x1024xi32>
    %lt3A_259 = arith.cmpi slt, %add3A_256, %lt3A_258 : vector<1x1024xi32>
    %and3A_260 = arith.andi %ge3A_253, %lt3A_259 : vector<1x1024xi1>
    %add3A_261 = arith.constant 1 : i32
    %add3A_262 = vector.broadcast %add3A_261 : i32 to vector<1x1024xi32>
    %add3A_263 = arith.addi %select_n3A_64, %add3A_262 : vector<1x1024xi32>
    %ge3A_264 = arith.constant 0 : i32
    %ge3A_265 = vector.broadcast %ge3A_264 : i32 to vector<1x1024xi32>
    %ge3A_266 = arith.cmpi sge, %add3A_263, %ge3A_265 : vector<1x1024xi32>
    %and3A_267 = arith.andi %and3A_260, %ge3A_266 : vector<1x1024xi1>
    %add3A_268 = arith.constant 1 : i32
    %add3A_269 = vector.broadcast %add3A_268 : i32 to vector<1x1024xi32>
    %add3A_270 = arith.addi %select_n3A_64, %add3A_269 : vector<1x1024xi32>
    %lt3A_271 = arith.constant 32 : i32
    %lt3A_272 = vector.broadcast %lt3A_271 : i32 to vector<1x1024xi32>
    %lt3A_273 = arith.cmpi slt, %add3A_270, %lt3A_272 : vector<1x1024xi32>
    %and3A_274 = arith.andi %and3A_267, %lt3A_273 : vector<1x1024xi1>
    %jit3A_275 = arith.constant -1.000000e+30 : f32
    %broadcast_in_dim3A_276 = vector.broadcast %jit3A_275 : f32 to vector<1x1024xf32>
    %select_n3A_277 = arith.select %and3A_274, %broadcast_in_dim3A_247, %broadcast_in_dim3A_276 : vector<1x1024xi1>, vector<1x1024xf32>
    %slice3A_278 = vector.extract_strided_slice %add3A_21 {offsets = [0, 31], sizes = [48, 993], strides = [1, 1]} : vector<48x1024xf32> to vector<48x993xf32>
    %slice3A_279 = vector.extract_strided_slice %add3A_21 {offsets = [0, 0], sizes = [48, 31], strides = [1, 1]} : vector<48x1024xf32> to vector<48x31xf32>
    %concatenate3A_280 = tpu.concatenate %slice3A_278, %slice3A_279 in 1 : vector<48x993xf32>, vector<48x31xf32> -> vector<48x1024xf32>
    %mul3A_281 = arith.mulf %add3A_11, %concatenate3A_280 : vector<48x1024xf32>
    %reduce_sum3A_282 = arith.constant dense<0.000000e+00> : vector<1024xf32>
    %reduce_sum3A_283 = vector.multi_reduction <add>, %mul3A_281, %reduce_sum3A_282 [0] : vector<48x1024xf32> to vector<1024xf32>
    %broadcast_in_dim3A_284 = vector.shape_cast %reduce_sum3A_283 : vector<1024xf32> to vector<1x1024xf32>
    %add3A_285 = arith.constant 1 : i32
    %add3A_286 = vector.broadcast %add3A_285 : i32 to vector<1x1024xi32>
    %add3A_287 = arith.addi %select_n3A, %add3A_286 : vector<1x1024xi32>
    %ge3A_288 = arith.constant 0 : i32
    %ge3A_289 = vector.broadcast %ge3A_288 : i32 to vector<1x1024xi32>
    %ge3A_290 = arith.cmpi sge, %add3A_287, %ge3A_289 : vector<1x1024xi32>
    %add3A_291 = arith.constant 1 : i32
    %add3A_292 = vector.broadcast %add3A_291 : i32 to vector<1x1024xi32>
    %add3A_293 = arith.addi %select_n3A, %add3A_292 : vector<1x1024xi32>
    %lt3A_294 = arith.constant 32 : i32
    %lt3A_295 = vector.broadcast %lt3A_294 : i32 to vector<1x1024xi32>
    %lt3A_296 = arith.cmpi slt, %add3A_293, %lt3A_295 : vector<1x1024xi32>
    %and3A_297 = arith.andi %ge3A_290, %lt3A_296 : vector<1x1024xi1>
    %add3A_298 = arith.constant -1 : i32
    %add3A_299 = vector.broadcast %add3A_298 : i32 to vector<1x1024xi32>
    %add3A_300 = arith.addi %select_n3A_64, %add3A_299 : vector<1x1024xi32>
    %ge3A_301 = arith.constant 0 : i32
    %ge3A_302 = vector.broadcast %ge3A_301 : i32 to vector<1x1024xi32>
    %ge3A_303 = arith.cmpi sge, %add3A_300, %ge3A_302 : vector<1x1024xi32>
    %and3A_304 = arith.andi %and3A_297, %ge3A_303 : vector<1x1024xi1>
    %add3A_305 = arith.constant -1 : i32
    %add3A_306 = vector.broadcast %add3A_305 : i32 to vector<1x1024xi32>
    %add3A_307 = arith.addi %select_n3A_64, %add3A_306 : vector<1x1024xi32>
    %lt3A_308 = arith.constant 32 : i32
    %lt3A_309 = vector.broadcast %lt3A_308 : i32 to vector<1x1024xi32>
    %lt3A_310 = arith.cmpi slt, %add3A_307, %lt3A_309 : vector<1x1024xi32>
    %and3A_311 = arith.andi %and3A_304, %lt3A_310 : vector<1x1024xi1>
    %jit3A_312 = arith.constant -1.000000e+30 : f32
    %broadcast_in_dim3A_313 = vector.broadcast %jit3A_312 : f32 to vector<1x1024xf32>
    %select_n3A_314 = arith.select %and3A_311, %broadcast_in_dim3A_284, %broadcast_in_dim3A_313 : vector<1x1024xi1>, vector<1x1024xf32>
    %slice3A_315 = vector.extract_strided_slice %add3A_21 {offsets = [0, 32], sizes = [48, 992], strides = [1, 1]} : vector<48x1024xf32> to vector<48x992xf32>
    %slice3A_316 = vector.extract_strided_slice %add3A_21 {offsets = [0, 0], sizes = [48, 32], strides = [1, 1]} : vector<48x1024xf32> to vector<48x32xf32>
    %concatenate3A_317 = tpu.concatenate %slice3A_315, %slice3A_316 in 1 : vector<48x992xf32>, vector<48x32xf32> -> vector<48x1024xf32>
    %mul3A_318 = arith.mulf %add3A_11, %concatenate3A_317 : vector<48x1024xf32>
    %reduce_sum3A_319 = arith.constant dense<0.000000e+00> : vector<1024xf32>
    %reduce_sum3A_320 = vector.multi_reduction <add>, %mul3A_318, %reduce_sum3A_319 [0] : vector<48x1024xf32> to vector<1024xf32>
    %broadcast_in_dim3A_321 = vector.shape_cast %reduce_sum3A_320 : vector<1024xf32> to vector<1x1024xf32>
    %add3A_322 = arith.constant 1 : i32
    %add3A_323 = vector.broadcast %add3A_322 : i32 to vector<1x1024xi32>
    %add3A_324 = arith.addi %select_n3A, %add3A_323 : vector<1x1024xi32>
    %ge3A_325 = arith.constant 0 : i32
    %ge3A_326 = vector.broadcast %ge3A_325 : i32 to vector<1x1024xi32>
    %ge3A_327 = arith.cmpi sge, %add3A_324, %ge3A_326 : vector<1x1024xi32>
    %add3A_328 = arith.constant 1 : i32
    %add3A_329 = vector.broadcast %add3A_328 : i32 to vector<1x1024xi32>
    %add3A_330 = arith.addi %select_n3A, %add3A_329 : vector<1x1024xi32>
    %lt3A_331 = arith.constant 32 : i32
    %lt3A_332 = vector.broadcast %lt3A_331 : i32 to vector<1x1024xi32>
    %lt3A_333 = arith.cmpi slt, %add3A_330, %lt3A_332 : vector<1x1024xi32>
    %and3A_334 = arith.andi %ge3A_327, %lt3A_333 : vector<1x1024xi1>
    %add3A_335 = arith.constant 0 : i32
    %add3A_336 = vector.broadcast %add3A_335 : i32 to vector<1x1024xi32>
    %add3A_337 = arith.addi %select_n3A_64, %add3A_336 : vector<1x1024xi32>
    %ge3A_338 = arith.constant 0 : i32
    %ge3A_339 = vector.broadcast %ge3A_338 : i32 to vector<1x1024xi32>
    %ge3A_340 = arith.cmpi sge, %add3A_337, %ge3A_339 : vector<1x1024xi32>
    %and3A_341 = arith.andi %and3A_334, %ge3A_340 : vector<1x1024xi1>
    %add3A_342 = arith.constant 0 : i32
    %add3A_343 = vector.broadcast %add3A_342 : i32 to vector<1x1024xi32>
    %add3A_344 = arith.addi %select_n3A_64, %add3A_343 : vector<1x1024xi32>
    %lt3A_345 = arith.constant 32 : i32
    %lt3A_346 = vector.broadcast %lt3A_345 : i32 to vector<1x1024xi32>
    %lt3A_347 = arith.cmpi slt, %add3A_344, %lt3A_346 : vector<1x1024xi32>
    %and3A_348 = arith.andi %and3A_341, %lt3A_347 : vector<1x1024xi1>
    %jit3A_349 = arith.constant -1.000000e+30 : f32
    %broadcast_in_dim3A_350 = vector.broadcast %jit3A_349 : f32 to vector<1x1024xf32>
    %select_n3A_351 = arith.select %and3A_348, %broadcast_in_dim3A_321, %broadcast_in_dim3A_350 : vector<1x1024xi1>, vector<1x1024xf32>
    %slice3A_352 = vector.extract_strided_slice %add3A_21 {offsets = [0, 33], sizes = [48, 991], strides = [1, 1]} : vector<48x1024xf32> to vector<48x991xf32>
    %slice3A_353 = vector.extract_strided_slice %add3A_21 {offsets = [0, 0], sizes = [48, 33], strides = [1, 1]} : vector<48x1024xf32> to vector<48x33xf32>
    %concatenate3A_354 = tpu.concatenate %slice3A_352, %slice3A_353 in 1 : vector<48x991xf32>, vector<48x33xf32> -> vector<48x1024xf32>
    %mul3A_355 = arith.mulf %add3A_11, %concatenate3A_354 : vector<48x1024xf32>
    %reduce_sum3A_356 = arith.constant dense<0.000000e+00> : vector<1024xf32>
    %reduce_sum3A_357 = vector.multi_reduction <add>, %mul3A_355, %reduce_sum3A_356 [0] : vector<48x1024xf32> to vector<1024xf32>
    %broadcast_in_dim3A_358 = vector.shape_cast %reduce_sum3A_357 : vector<1024xf32> to vector<1x1024xf32>
    %add3A_359 = arith.constant 1 : i32
    %add3A_360 = vector.broadcast %add3A_359 : i32 to vector<1x1024xi32>
    %add3A_361 = arith.addi %select_n3A, %add3A_360 : vector<1x1024xi32>
    %ge3A_362 = arith.constant 0 : i32
    %ge3A_363 = vector.broadcast %ge3A_362 : i32 to vector<1x1024xi32>
    %ge3A_364 = arith.cmpi sge, %add3A_361, %ge3A_363 : vector<1x1024xi32>
    %add3A_365 = arith.constant 1 : i32
    %add3A_366 = vector.broadcast %add3A_365 : i32 to vector<1x1024xi32>
    %add3A_367 = arith.addi %select_n3A, %add3A_366 : vector<1x1024xi32>
    %lt3A_368 = arith.constant 32 : i32
    %lt3A_369 = vector.broadcast %lt3A_368 : i32 to vector<1x1024xi32>
    %lt3A_370 = arith.cmpi slt, %add3A_367, %lt3A_369 : vector<1x1024xi32>
    %and3A_371 = arith.andi %ge3A_364, %lt3A_370 : vector<1x1024xi1>
    %add3A_372 = arith.constant 1 : i32
    %add3A_373 = vector.broadcast %add3A_372 : i32 to vector<1x1024xi32>
    %add3A_374 = arith.addi %select_n3A_64, %add3A_373 : vector<1x1024xi32>
    %ge3A_375 = arith.constant 0 : i32
    %ge3A_376 = vector.broadcast %ge3A_375 : i32 to vector<1x1024xi32>
    %ge3A_377 = arith.cmpi sge, %add3A_374, %ge3A_376 : vector<1x1024xi32>
    %and3A_378 = arith.andi %and3A_371, %ge3A_377 : vector<1x1024xi1>
    %add3A_379 = arith.constant 1 : i32
    %add3A_380 = vector.broadcast %add3A_379 : i32 to vector<1x1024xi32>
    %add3A_381 = arith.addi %select_n3A_64, %add3A_380 : vector<1x1024xi32>
    %lt3A_382 = arith.constant 32 : i32
    %lt3A_383 = vector.broadcast %lt3A_382 : i32 to vector<1x1024xi32>
    %lt3A_384 = arith.cmpi slt, %add3A_381, %lt3A_383 : vector<1x1024xi32>
    %and3A_385 = arith.andi %and3A_378, %lt3A_384 : vector<1x1024xi1>
    %jit3A_386 = arith.constant -1.000000e+30 : f32
    %broadcast_in_dim3A_387 = vector.broadcast %jit3A_386 : f32 to vector<1x1024xf32>
    %select_n3A_388 = arith.select %and3A_385, %broadcast_in_dim3A_358, %broadcast_in_dim3A_387 : vector<1x1024xi1>, vector<1x1024xf32>
    %concatenate3A_389 = tpu.concatenate %select_n3A_95, %select_n3A_132, %select_n3A_169, %select_n3A_206, %select_n3A_240, %select_n3A_277, %select_n3A_314, %select_n3A_351, %select_n3A_388 in 0 : vector<1x1024xf32>, vector<1x1024xf32>, vector<1x1024xf32>, vector<1x1024xf32>, vector<1x1024xf32>, vector<1x1024xf32>, vector<1x1024xf32>, vector<1x1024xf32>, vector<1x1024xf32> -> vector<9x1024xf32>
    %reduce_max3A = arith.constant dense<0xFF800000> : vector<1024xf32>
    %reduce_max3A_390 = vector.multi_reduction <maximumf>, %concatenate3A_389, %reduce_max3A [0] : vector<9x1024xf32> to vector<1024xf32>
    %broadcast_in_dim3A_391 = vector.shape_cast %reduce_max3A_390 : vector<1024xf32> to vector<1x1024xf32>
    %sub3A_392 = vector.broadcast %broadcast_in_dim3A_391 : vector<1x1024xf32> to vector<9x1024xf32>
    %sub3A_393 = arith.subf %concatenate3A_389, %sub3A_392 : vector<9x1024xf32>
    %exp3A = math.exp %sub3A_393 : vector<9x1024xf32>
    %reduce_sum3A_394 = arith.constant dense<0.000000e+00> : vector<1024xf32>
    %reduce_sum3A_395 = vector.multi_reduction <add>, %exp3A, %reduce_sum3A_394 [0] : vector<9x1024xf32> to vector<1024xf32>
    %broadcast_in_dim3A_396 = vector.shape_cast %reduce_sum3A_395 : vector<1024xf32> to vector<1x1024xf32>
    %div3A_397 = vector.broadcast %broadcast_in_dim3A_396 : vector<1x1024xf32> to vector<9x1024xf32>
    %div3A_398 = arith.divf %exp3A, %div3A_397 : vector<9x1024xf32>
    %broadcast_in_dim3A_399 = arith.constant 0.000000e+00 : f32
    %broadcast_in_dim3A_400 = vector.broadcast %broadcast_in_dim3A_399 : f32 to vector<7x1024xf32>
    %concatenate3A_401 = tpu.concatenate %div3A_398, %broadcast_in_dim3A_400 in 0 : vector<9x1024xf32>, vector<7x1024xf32> -> vector<16x1024xf32>
    %swap3A = arith.constant 0 : index
    %swap3A_402 = arith.constant 0 : index
    %swap3A_403 = arith.constant 0 : index
    %swap3A_404 = vector.load %arg7[%swap3A, %swap3A_402, %swap3A_403] : memref<1x16x1024xf32, #tpu.memory_space<vmem>>, vector<1x16x1024xf32>
    %swap3A_405 = vector.shape_cast %swap3A_404 : vector<1x16x1024xf32> to vector<16x1024xf32>
    %swap3A_406 = vector.shape_cast %concatenate3A_401 : vector<16x1024xf32> to vector<1x16x1024xf32>
    tpu.vector_store %arg7[%swap3A, %swap3A_402, %swap3A_403], %swap3A_406 {strides = array<i32>} : memref<1x16x1024xf32, #tpu.memory_space<vmem>>, vector<1x16x1024xf32>,
    %get3A_407 = arith.constant 0 : index
    %get3A_408 = arith.constant 0 : index
    %get3A_409 = vector.load %arg6[%get3A_407, %get3A_408] : memref<16x16xf32, #tpu.memory_space<vmem>>, vector<16x16xf32>
    %dot_general3A_410 = arith.constant dense<0.000000e+00> : vector<1024x16xf32>
    %dot_general3A_411 = tpu.matmul %concatenate3A_401, %get3A_409, %dot_general3A_410 {dimension_numbers = #tpu.dot_dimension_numbers<[0], [0], [1], [1], [0, 1, 1, 1], [], []>, transpose_lhs_hint = false} : vector<16x1024xf32>, vector<16x16xf32>, vector<1024x16xf32> -> vector<1024x16xf32>
    %iota3A_412 = tpu.iota {dimensions = array<i32: 0>} : vector<1024x128xi32>
    %iota3A_413 = tpu.iota {dimensions = array<i32: 1>} : vector<1024x128xi32>
    %sub3A_414 = arith.constant 33 : i32
    %sub3A_415 = vector.broadcast %sub3A_414 : i32 to vector<1024x128xi32>
    %sub3A_416 = arith.subi %iota3A_412, %sub3A_415 : vector<1024x128xi32>
    %jit3A_417 = arith.constant 16 : i32
    %div3A_418 = vector.broadcast %jit3A_417 : i32 to vector<1024x128xi32>
    %div3A_419 = arith.divsi %sub3A_416, %div3A_418 : vector<1024x128xi32>
    %sign3A_420 = arith.constant 0 : i32
    %sign3A_421 = vector.broadcast %sign3A_420 : i32 to vector<1024x128xi32>
    %sign3A_422 = arith.cmpi sgt, %sub3A_416, %sign3A_421 : vector<1024x128xi32>
    %sign3A_423 = arith.extui %sign3A_422 : vector<1024x128xi1> to vector<1024x128xi32>
    %sign3A_424 = arith.constant 0 : i32
    %sign3A_425 = vector.broadcast %sign3A_424 : i32 to vector<1024x128xi32>
    %sign3A_426 = arith.cmpi slt, %sub3A_416, %sign3A_425 : vector<1024x128xi32>
    %sign3A_427 = arith.extui %sign3A_426 : vector<1024x128xi1> to vector<1024x128xi32>
    %sign3A_428 = arith.subi %sign3A_423, %sign3A_427 : vector<1024x128xi32>
    %sign3A_429 = arith.constant 0 : i32
    %sign3A_430 = arith.cmpi sgt, %jit3A_417, %sign3A_429 : i32
    %sign3A_431 = arith.extui %sign3A_430 : i1 to i32
    %sign3A_432 = arith.constant 0 : i32
    %sign3A_433 = arith.cmpi slt, %jit3A_417, %sign3A_432 : i32
    %sign3A_434 = arith.extui %sign3A_433 : i1 to i32
    %sign3A_435 = arith.subi %sign3A_431, %sign3A_434 : i32
    %ne3A_436 = vector.broadcast %sign3A_435 : i32 to vector<1024x128xi32>
    %ne3A_437 = arith.cmpi ne, %sign3A_428, %ne3A_436 : vector<1024x128xi32>
    %rem3A_438 = vector.broadcast %jit3A_417 : i32 to vector<1024x128xi32>
    %rem3A_439 = arith.remsi %sub3A_416, %rem3A_438 : vector<1024x128xi32>
    %ne3A_440 = arith.constant 0 : i32
    %ne3A_441 = vector.broadcast %ne3A_440 : i32 to vector<1024x128xi32>
    %ne3A_442 = arith.cmpi ne, %rem3A_439, %ne3A_441 : vector<1024x128xi32>
    %and3A_443 = arith.andi %ne3A_437, %ne3A_442 : vector<1024x128xi1>
    %sub3A_444 = arith.constant 1 : i32
    %sub3A_445 = vector.broadcast %sub3A_444 : i32 to vector<1024x128xi32>
    %sub3A_446 = arith.subi %div3A_419, %sub3A_445 : vector<1024x128xi32>
    %select_n3A_447 = arith.select %and3A_443, %sub3A_446, %div3A_419 : vector<1024x128xi1>, vector<1024x128xi32>
    %mul3A_448 = arith.constant 16 : i32
    %mul3A_449 = vector.broadcast %mul3A_448 : i32 to vector<1024x128xi32>
    %mul3A_450 = arith.muli %select_n3A_447, %mul3A_449 : vector<1024x128xi32>
    %max3A = arith.constant 0 : i32
    %max3A_451 = vector.broadcast %max3A : i32 to vector<1024x128xi32>
    %max3A_452 = arith.maxsi %mul3A_450, %max3A_451 : vector<1024x128xi32>
    %min3A = arith.constant 896 : i32
    %min3A_453 = vector.broadcast %min3A : i32 to vector<1024x128xi32>
    %min3A_454 = arith.minsi %max3A_452, %min3A_453 : vector<1024x128xi32>
    %add3A_455 = arith.addi %iota3A_413, %min3A_454 : vector<1024x128xi32>
    %sub3A_456 = arith.subi %add3A_455, %iota3A_412 : vector<1024x128xi32>
    %broadcast_in_dim3A_457 = arith.constant 0.000000e+00 : f32
    %broadcast_in_dim3A_458 = vector.broadcast %broadcast_in_dim3A_457 : f32 to vector<1024x128xf32>
    %eq3A_459 = arith.constant -33 : i32
    %eq3A_460 = vector.broadcast %eq3A_459 : i32 to vector<1024x128xi32>
    %eq3A_461 = arith.cmpi eq, %sub3A_456, %eq3A_460 : vector<1024x128xi32>
    %slice3A_462 = vector.extract_strided_slice %dot_general3A_411 {offsets = [0, 0], sizes = [1024, 1], strides = [1, 1]} : vector<1024x16xf32> to vector<1024x1xf32>
    %broadcast_in_dim3A_463 = vector.shape_cast %slice3A_462 : vector<1024x1xf32> to vector<1024x1xf32>
    %broadcast_in_dim3A_464 = vector.broadcast %broadcast_in_dim3A_463 : vector<1024x1xf32> to vector<1024x128xf32>
    %select_n3A_465 = arith.select %eq3A_461, %broadcast_in_dim3A_464, %broadcast_in_dim3A_458 : vector<1024x128xi1>, vector<1024x128xf32>
    %eq3A_466 = arith.constant -32 : i32
    %eq3A_467 = vector.broadcast %eq3A_466 : i32 to vector<1024x128xi32>
    %eq3A_468 = arith.cmpi eq, %sub3A_456, %eq3A_467 : vector<1024x128xi32>
    %slice3A_469 = vector.extract_strided_slice %dot_general3A_411 {offsets = [0, 1], sizes = [1024, 1], strides = [1, 1]} : vector<1024x16xf32> to vector<1024x1xf32>
    %broadcast_in_dim3A_470 = vector.shape_cast %slice3A_469 : vector<1024x1xf32> to vector<1024x1xf32>
    %broadcast_in_dim3A_471 = vector.broadcast %broadcast_in_dim3A_470 : vector<1024x1xf32> to vector<1024x128xf32>
    %select_n3A_472 = arith.select %eq3A_468, %broadcast_in_dim3A_471, %select_n3A_465 : vector<1024x128xi1>, vector<1024x128xf32>
    %eq3A_473 = arith.constant -31 : i32
    %eq3A_474 = vector.broadcast %eq3A_473 : i32 to vector<1024x128xi32>
    %eq3A_475 = arith.cmpi eq, %sub3A_456, %eq3A_474 : vector<1024x128xi32>
    %slice3A_476 = vector.extract_strided_slice %dot_general3A_411 {offsets = [0, 2], sizes = [1024, 1], strides = [1, 1]} : vector<1024x16xf32> to vector<1024x1xf32>
    %broadcast_in_dim3A_477 = vector.shape_cast %slice3A_476 : vector<1024x1xf32> to vector<1024x1xf32>
    %broadcast_in_dim3A_478 = vector.broadcast %broadcast_in_dim3A_477 : vector<1024x1xf32> to vector<1024x128xf32>
    %select_n3A_479 = arith.select %eq3A_475, %broadcast_in_dim3A_478, %select_n3A_472 : vector<1024x128xi1>, vector<1024x128xf32>
    %eq3A_480 = arith.constant -1 : i32
    %eq3A_481 = vector.broadcast %eq3A_480 : i32 to vector<1024x128xi32>
    %eq3A_482 = arith.cmpi eq, %sub3A_456, %eq3A_481 : vector<1024x128xi32>
    %slice3A_483 = vector.extract_strided_slice %dot_general3A_411 {offsets = [0, 3], sizes = [1024, 1], strides = [1, 1]} : vector<1024x16xf32> to vector<1024x1xf32>
    %broadcast_in_dim3A_484 = vector.shape_cast %slice3A_483 : vector<1024x1xf32> to vector<1024x1xf32>
    %broadcast_in_dim3A_485 = vector.broadcast %broadcast_in_dim3A_484 : vector<1024x1xf32> to vector<1024x128xf32>
    %select_n3A_486 = arith.select %eq3A_482, %broadcast_in_dim3A_485, %select_n3A_479 : vector<1024x128xi1>, vector<1024x128xf32>
    %eq3A_487 = arith.constant 0 : i32
    %eq3A_488 = vector.broadcast %eq3A_487 : i32 to vector<1024x128xi32>
    %eq3A_489 = arith.cmpi eq, %sub3A_456, %eq3A_488 : vector<1024x128xi32>
    %slice3A_490 = vector.extract_strided_slice %dot_general3A_411 {offsets = [0, 4], sizes = [1024, 1], strides = [1, 1]} : vector<1024x16xf32> to vector<1024x1xf32>
    %broadcast_in_dim3A_491 = vector.shape_cast %slice3A_490 : vector<1024x1xf32> to vector<1024x1xf32>
    %broadcast_in_dim3A_492 = vector.broadcast %broadcast_in_dim3A_491 : vector<1024x1xf32> to vector<1024x128xf32>
    %select_n3A_493 = arith.select %eq3A_489, %broadcast_in_dim3A_492, %select_n3A_486 : vector<1024x128xi1>, vector<1024x128xf32>
    %eq3A_494 = arith.constant 1 : i32
    %eq3A_495 = vector.broadcast %eq3A_494 : i32 to vector<1024x128xi32>
    %eq3A_496 = arith.cmpi eq, %sub3A_456, %eq3A_495 : vector<1024x128xi32>
    %slice3A_497 = vector.extract_strided_slice %dot_general3A_411 {offsets = [0, 5], sizes = [1024, 1], strides = [1, 1]} : vector<1024x16xf32> to vector<1024x1xf32>
    %broadcast_in_dim3A_498 = vector.shape_cast %slice3A_497 : vector<1024x1xf32> to vector<1024x1xf32>
    %broadcast_in_dim3A_499 = vector.broadcast %broadcast_in_dim3A_498 : vector<1024x1xf32> to vector<1024x128xf32>
    %select_n3A_500 = arith.select %eq3A_496, %broadcast_in_dim3A_499, %select_n3A_493 : vector<1024x128xi1>, vector<1024x128xf32>
    %eq3A_501 = arith.constant 31 : i32
    %eq3A_502 = vector.broadcast %eq3A_501 : i32 to vector<1024x128xi32>
    %eq3A_503 = arith.cmpi eq, %sub3A_456, %eq3A_502 : vector<1024x128xi32>
    %slice3A_504 = vector.extract_strided_slice %dot_general3A_411 {offsets = [0, 6], sizes = [1024, 1], strides = [1, 1]} : vector<1024x16xf32> to vector<1024x1xf32>
    %broadcast_in_dim3A_505 = vector.shape_cast %slice3A_504 : vector<1024x1xf32> to vector<1024x1xf32>
    %broadcast_in_dim3A_506 = vector.broadcast %broadcast_in_dim3A_505 : vector<1024x1xf32> to vector<1024x128xf32>
    %select_n3A_507 = arith.select %eq3A_503, %broadcast_in_dim3A_506, %select_n3A_500 : vector<1024x128xi1>, vector<1024x128xf32>
    %eq3A_508 = arith.constant 32 : i32
    %eq3A_509 = vector.broadcast %eq3A_508 : i32 to vector<1024x128xi32>
    %eq3A_510 = arith.cmpi eq, %sub3A_456, %eq3A_509 : vector<1024x128xi32>
    %slice3A_511 = vector.extract_strided_slice %dot_general3A_411 {offsets = [0, 7], sizes = [1024, 1], strides = [1, 1]} : vector<1024x16xf32> to vector<1024x1xf32>
    %broadcast_in_dim3A_512 = vector.shape_cast %slice3A_511 : vector<1024x1xf32> to vector<1024x1xf32>
    %broadcast_in_dim3A_513 = vector.broadcast %broadcast_in_dim3A_512 : vector<1024x1xf32> to vector<1024x128xf32>
    %select_n3A_514 = arith.select %eq3A_510, %broadcast_in_dim3A_513, %select_n3A_507 : vector<1024x128xi1>, vector<1024x128xf32>
    %eq3A_515 = arith.constant 33 : i32
    %eq3A_516 = vector.broadcast %eq3A_515 : i32 to vector<1024x128xi32>
    %eq3A_517 = arith.cmpi eq, %sub3A_456, %eq3A_516 : vector<1024x128xi32>
    %slice3A_518 = vector.extract_strided_slice %dot_general3A_411 {offsets = [0, 8], sizes = [1024, 1], strides = [1, 1]} : vector<1024x16xf32> to vector<1024x1xf32>
    %broadcast_in_dim3A_519 = vector.shape_cast %slice3A_518 : vector<1024x1xf32> to vector<1024x1xf32>
    %broadcast_in_dim3A_520 = vector.broadcast %broadcast_in_dim3A_519 : vector<1024x1xf32> to vector<1024x128xf32>
    %select_n3A_521 = arith.select %eq3A_517, %broadcast_in_dim3A_520, %select_n3A_514 : vector<1024x128xi1>, vector<1024x128xf32>
    %swap3A_522 = arith.constant 0 : index
    %swap3A_523 = arith.constant 0 : index
    %swap3A_524 = arith.constant 0 : index
    %swap3A_525 = vector.load %arg8[%swap3A_522, %swap3A_523, %swap3A_524] : memref<1x1024x128xf32, #tpu.memory_space<vmem>>, vector<1x1024x128xf32>
    %swap3A_526 = vector.shape_cast %swap3A_525 : vector<1x1024x128xf32> to vector<1024x128xf32>
    %swap3A_527 = vector.shape_cast %select_n3A_521 : vector<1024x128xf32> to vector<1x1024x128xf32>
    tpu.vector_store %arg8[%swap3A_522, %swap3A_523, %swap3A_524], %swap3A_527 {strides = array<i32>} : memref<1x1024x128xf32, #tpu.memory_space<vmem>>, vector<1x1024x128xf32>,
    return
  }
  func.func @transform_0(%arg0: i32) -> (i32, i32, i32) {
    %c0_i32 = arith.constant 0 : i32
    %c0_i32_0 = arith.constant 0 : i32
    %c0_i32_1 = arith.constant 0 : i32
    return %arg0, %c0_i32, %c0_i32_0 : i32, i32, i32
  }
  func.func @transform_1(%arg0: i32) -> (i32, i32) {
    %c0_i32 = arith.constant 0 : i32
    %c0_i32_0 = arith.constant 0 : i32
    %c0_i32_1 = arith.constant 0 : i32
    return %c0_i32, %c0_i32_0 : i32, i32
  }
  func.func @transform_2(%arg0: i32) -> (i32, i32) {
    %c0_i32 = arith.constant 0 : i32
    %c0_i32_0 = arith.constant 0 : i32
    %c0_i32_1 = arith.constant 0 : i32
    return %c0_i32, %c0_i32_0 : i32, i32
  }
  func.func @transform_3(%arg0: i32) -> (i32, i32) {
    %c0_i32 = arith.constant 0 : i32
    %c0_i32_0 = arith.constant 0 : i32
    %c0_i32_1 = arith.constant 0 : i32
    return %c0_i32, %c0_i32_0 : i32, i32
  }
  func.func @transform_4(%arg0: i32) -> (i32, i32) {
    %c0_i32 = arith.constant 0 : i32
    %c0_i32_0 = arith.constant 0 : i32
    %c0_i32_1 = arith.constant 0 : i32
    return %c0_i32, %c0_i32_0 : i32, i32
  }
  func.func @transform_5(%arg0: i32) -> (i32, i32) {
    %c0_i32 = arith.constant 0 : i32
    %c0_i32_0 = arith.constant 0 : i32
    %c0_i32_1 = arith.constant 0 : i32
    return %c0_i32, %c0_i32_0 : i32, i32
  }
  func.func @transform_6(%arg0: i32) -> (i32, i32, i32) {
    %c0_i32 = arith.constant 0 : i32
    %c0_i32_0 = arith.constant 0 : i32
    %c0_i32_1 = arith.constant 0 : i32
    return %arg0, %c0_i32, %c0_i32_0 : i32, i32, i32
  }
  func.func @transform_7(%arg0: i32) -> (i32, i32, i32) {
    %c0_i32 = arith.constant 0 : i32
    %c0_i32_0 = arith.constant 0 : i32
    %c0_i32_1 = arith.constant 0 : i32
    return %arg0, %c0_i32, %c0_i32_0 : i32, i32, i32
  }
}

module attributes {stable_mosaic.version = 14 : i64} {
  func.func @_out_body(%arg0: i32, %arg1: memref<1x384x1024xf32, #tpu.memory_space<vmem>>, %arg2: memref<1x16x1024xf32, #tpu.memory_space<vmem>>, %arg3: memref<384x384xf32, #tpu.memory_space<vmem>>, %arg4: memref<384x1xf32, #tpu.memory_space<vmem>>, %arg5: memref<1x1xf32, #tpu.memory_space<vmem>>, %arg6: memref<1x384x1024xf32, #tpu.memory_space<vmem>>) attributes {dimension_semantics = [#tpu.dimension_semantics<arbitrary>], iteration_bounds = array<i64: 8>, scalar_prefetch = 0 : i64, scratch_operands = 0 : i64, tpu.core_type = #tpu.core_type<tc>, window_params = [{transform_indices = @transform_0, window_bounds = array<i64: 1, 384, 1024>}, {transform_indices = @transform_1, window_bounds = array<i64: 1, 16, 1024>}, {pipeline_mode = #tpu.pipeline_mode<synchronous>, transform_indices = @transform_2, window_bounds = array<i64: 384, 384>}, {pipeline_mode = #tpu.pipeline_mode<synchronous>, transform_indices = @transform_3, window_bounds = array<i64: 384, 1>}, {pipeline_mode = #tpu.pipeline_mode<synchronous>, transform_indices = @transform_4, window_bounds = array<i64: 1, 1>}, {transform_indices = @transform_5, window_bounds = array<i64: 1, 384, 1024>}]} {
    %get3A = arith.constant 0 : index
    %get3A_0 = arith.constant 0 : index
    %get3A_1 = arith.constant 0 : index
    %get3A_2 = vector.load %arg1[%get3A, %get3A_0, %get3A_1] : memref<1x384x1024xf32, #tpu.memory_space<vmem>>, vector<1x384x1024xf32>
    %get3A_3 = vector.shape_cast %get3A_2 : vector<1x384x1024xf32> to vector<384x1024xf32>
    %get3A_4 = arith.constant 0 : index
    %get3A_5 = arith.constant 0 : index
    %get3A_6 = vector.load %arg3[%get3A_4, %get3A_5] : memref<384x384xf32, #tpu.memory_space<vmem>>, vector<384x384xf32>
    %dot_general3A = arith.constant dense<0.000000e+00> : vector<384x1024xf32>
    %dot_general3A_7 = tpu.matmul %get3A_6, %get3A_3, %dot_general3A {dimension_numbers = #tpu.dot_dimension_numbers<[1], [0], [0], [1], [0, 0, 1, 1], [], []>, transpose_lhs_hint = false} : vector<384x384xf32>, vector<384x1024xf32>, vector<384x1024xf32> -> vector<384x1024xf32>
    %get3A_8 = arith.constant 0 : index
    %get3A_9 = arith.constant 0 : index
    %get3A_10 = vector.load %arg4[%get3A_8, %get3A_9] : memref<384x1xf32, #tpu.memory_space<vmem>>, vector<384x1xf32>
    %add3A = vector.broadcast %get3A_10 : vector<384x1xf32> to vector<384x1024xf32>
    %add3A_11 = arith.addf %dot_general3A_7, %add3A : vector<384x1024xf32>
    %get3A_12 = arith.constant 0 : index
    %get3A_13 = arith.constant 0 : index
    %get3A_14 = arith.constant 0 : index
    %get3A_15 = vector.load %arg2[%get3A_12, %get3A_13, %get3A_14] : memref<1x16x1024xf32, #tpu.memory_space<vmem>>, vector<1x16x1024xf32>
    %get3A_16 = vector.shape_cast %get3A_15 : vector<1x16x1024xf32> to vector<16x1024xf32>
    %slice3A = vector.extract_strided_slice %add3A_11 {offsets = [0, 1023], sizes = [384, 1], strides = [1, 1]} : vector<384x1024xf32> to vector<384x1xf32>
    %slice3A_17 = vector.extract_strided_slice %add3A_11 {offsets = [0, 0], sizes = [384, 1023], strides = [1, 1]} : vector<384x1024xf32> to vector<384x1023xf32>
    %concatenate3A = tpu.concatenate %slice3A, %slice3A_17 in 1 : vector<384x1xf32>, vector<384x1023xf32> -> vector<384x1024xf32>
    %slice3A_18 = vector.extract_strided_slice %add3A_11 {offsets = [0, 1], sizes = [384, 1023], strides = [1, 1]} : vector<384x1024xf32> to vector<384x1023xf32>
    %slice3A_19 = vector.extract_strided_slice %add3A_11 {offsets = [0, 0], sizes = [384, 1], strides = [1, 1]} : vector<384x1024xf32> to vector<384x1xf32>
    %concatenate3A_20 = tpu.concatenate %slice3A_18, %slice3A_19 in 1 : vector<384x1023xf32>, vector<384x1xf32> -> vector<384x1024xf32>
    %broadcast_in_dim3A = arith.constant 0.000000e+00 : f32
    %broadcast_in_dim3A_21 = vector.broadcast %broadcast_in_dim3A : f32 to vector<384x1024xf32>
    %broadcast_in_dim3A_22 = arith.constant 0.000000e+00 : f32
    %broadcast_in_dim3A_23 = vector.broadcast %broadcast_in_dim3A_22 : f32 to vector<384x1024xf32>
    %slice3A_24 = vector.extract_strided_slice %get3A_16 {offsets = [0, 0], sizes = [1, 1024], strides = [1, 1]} : vector<16x1024xf32> to vector<1x1024xf32>
    %slice3A_25 = vector.extract_strided_slice %slice3A_24 {offsets = [0, 32], sizes = [1, 992], strides = [1, 1]} : vector<1x1024xf32> to vector<1x992xf32>
    %slice3A_26 = vector.extract_strided_slice %slice3A_24 {offsets = [0, 0], sizes = [1, 32], strides = [1, 1]} : vector<1x1024xf32> to vector<1x32xf32>
    %concatenate3A_27 = tpu.concatenate %slice3A_25, %slice3A_26 in 1 : vector<1x992xf32>, vector<1x32xf32> -> vector<1x1024xf32>
    %mul3A = vector.broadcast %concatenate3A_27 : vector<1x1024xf32> to vector<384x1024xf32>
    %mul3A_28 = arith.mulf %mul3A, %concatenate3A : vector<384x1024xf32>
    %add3A_29 = arith.addf %broadcast_in_dim3A_23, %mul3A_28 : vector<384x1024xf32>
    %slice3A_30 = vector.extract_strided_slice %get3A_16 {offsets = [1, 0], sizes = [1, 1024], strides = [1, 1]} : vector<16x1024xf32> to vector<1x1024xf32>
    %slice3A_31 = vector.extract_strided_slice %slice3A_30 {offsets = [0, 32], sizes = [1, 992], strides = [1, 1]} : vector<1x1024xf32> to vector<1x992xf32>
    %slice3A_32 = vector.extract_strided_slice %slice3A_30 {offsets = [0, 0], sizes = [1, 32], strides = [1, 1]} : vector<1x1024xf32> to vector<1x32xf32>
    %concatenate3A_33 = tpu.concatenate %slice3A_31, %slice3A_32 in 1 : vector<1x992xf32>, vector<1x32xf32> -> vector<1x1024xf32>
    %mul3A_34 = vector.broadcast %concatenate3A_33 : vector<1x1024xf32> to vector<384x1024xf32>
    %mul3A_35 = arith.mulf %mul3A_34, %add3A_11 : vector<384x1024xf32>
    %add3A_36 = arith.addf %add3A_29, %mul3A_35 : vector<384x1024xf32>
    %slice3A_37 = vector.extract_strided_slice %get3A_16 {offsets = [2, 0], sizes = [1, 1024], strides = [1, 1]} : vector<16x1024xf32> to vector<1x1024xf32>
    %slice3A_38 = vector.extract_strided_slice %slice3A_37 {offsets = [0, 32], sizes = [1, 992], strides = [1, 1]} : vector<1x1024xf32> to vector<1x992xf32>
    %slice3A_39 = vector.extract_strided_slice %slice3A_37 {offsets = [0, 0], sizes = [1, 32], strides = [1, 1]} : vector<1x1024xf32> to vector<1x32xf32>
    %concatenate3A_40 = tpu.concatenate %slice3A_38, %slice3A_39 in 1 : vector<1x992xf32>, vector<1x32xf32> -> vector<1x1024xf32>
    %mul3A_41 = vector.broadcast %concatenate3A_40 : vector<1x1024xf32> to vector<384x1024xf32>
    %mul3A_42 = arith.mulf %mul3A_41, %concatenate3A_20 : vector<384x1024xf32>
    %add3A_43 = arith.addf %add3A_36, %mul3A_42 : vector<384x1024xf32>
    %slice3A_44 = vector.extract_strided_slice %add3A_43 {offsets = [0, 992], sizes = [384, 32], strides = [1, 1]} : vector<384x1024xf32> to vector<384x32xf32>
    %slice3A_45 = vector.extract_strided_slice %add3A_43 {offsets = [0, 0], sizes = [384, 992], strides = [1, 1]} : vector<384x1024xf32> to vector<384x992xf32>
    %concatenate3A_46 = tpu.concatenate %slice3A_44, %slice3A_45 in 1 : vector<384x32xf32>, vector<384x992xf32> -> vector<384x1024xf32>
    %add3A_47 = arith.addf %broadcast_in_dim3A_21, %concatenate3A_46 : vector<384x1024xf32>
    %broadcast_in_dim3A_48 = arith.constant 0.000000e+00 : f32
    %broadcast_in_dim3A_49 = vector.broadcast %broadcast_in_dim3A_48 : f32 to vector<384x1024xf32>
    %slice3A_50 = vector.extract_strided_slice %get3A_16 {offsets = [3, 0], sizes = [1, 1024], strides = [1, 1]} : vector<16x1024xf32> to vector<1x1024xf32>
    %mul3A_51 = vector.broadcast %slice3A_50 : vector<1x1024xf32> to vector<384x1024xf32>
    %mul3A_52 = arith.mulf %mul3A_51, %concatenate3A : vector<384x1024xf32>
    %add3A_53 = arith.addf %broadcast_in_dim3A_49, %mul3A_52 : vector<384x1024xf32>
    %slice3A_54 = vector.extract_strided_slice %get3A_16 {offsets = [4, 0], sizes = [1, 1024], strides = [1, 1]} : vector<16x1024xf32> to vector<1x1024xf32>
    %mul3A_55 = vector.broadcast %slice3A_54 : vector<1x1024xf32> to vector<384x1024xf32>
    %mul3A_56 = arith.mulf %mul3A_55, %add3A_11 : vector<384x1024xf32>
    %add3A_57 = arith.addf %add3A_53, %mul3A_56 : vector<384x1024xf32>
    %slice3A_58 = vector.extract_strided_slice %get3A_16 {offsets = [5, 0], sizes = [1, 1024], strides = [1, 1]} : vector<16x1024xf32> to vector<1x1024xf32>
    %mul3A_59 = vector.broadcast %slice3A_58 : vector<1x1024xf32> to vector<384x1024xf32>
    %mul3A_60 = arith.mulf %mul3A_59, %concatenate3A_20 : vector<384x1024xf32>
    %add3A_61 = arith.addf %add3A_57, %mul3A_60 : vector<384x1024xf32>
    %add3A_62 = arith.addf %add3A_47, %add3A_61 : vector<384x1024xf32>
    %broadcast_in_dim3A_63 = arith.constant 0.000000e+00 : f32
    %broadcast_in_dim3A_64 = vector.broadcast %broadcast_in_dim3A_63 : f32 to vector<384x1024xf32>
    %slice3A_65 = vector.extract_strided_slice %get3A_16 {offsets = [6, 0], sizes = [1, 1024], strides = [1, 1]} : vector<16x1024xf32> to vector<1x1024xf32>
    %slice3A_66 = vector.extract_strided_slice %slice3A_65 {offsets = [0, 992], sizes = [1, 32], strides = [1, 1]} : vector<1x1024xf32> to vector<1x32xf32>
    %slice3A_67 = vector.extract_strided_slice %slice3A_65 {offsets = [0, 0], sizes = [1, 992], strides = [1, 1]} : vector<1x1024xf32> to vector<1x992xf32>
    %concatenate3A_68 = tpu.concatenate %slice3A_66, %slice3A_67 in 1 : vector<1x32xf32>, vector<1x992xf32> -> vector<1x1024xf32>
    %mul3A_69 = vector.broadcast %concatenate3A_68 : vector<1x1024xf32> to vector<384x1024xf32>
    %mul3A_70 = arith.mulf %mul3A_69, %concatenate3A : vector<384x1024xf32>
    %add3A_71 = arith.addf %broadcast_in_dim3A_64, %mul3A_70 : vector<384x1024xf32>
    %slice3A_72 = vector.extract_strided_slice %get3A_16 {offsets = [7, 0], sizes = [1, 1024], strides = [1, 1]} : vector<16x1024xf32> to vector<1x1024xf32>
    %slice3A_73 = vector.extract_strided_slice %slice3A_72 {offsets = [0, 992], sizes = [1, 32], strides = [1, 1]} : vector<1x1024xf32> to vector<1x32xf32>
    %slice3A_74 = vector.extract_strided_slice %slice3A_72 {offsets = [0, 0], sizes = [1, 992], strides = [1, 1]} : vector<1x1024xf32> to vector<1x992xf32>
    %concatenate3A_75 = tpu.concatenate %slice3A_73, %slice3A_74 in 1 : vector<1x32xf32>, vector<1x992xf32> -> vector<1x1024xf32>
    %mul3A_76 = vector.broadcast %concatenate3A_75 : vector<1x1024xf32> to vector<384x1024xf32>
    %mul3A_77 = arith.mulf %mul3A_76, %add3A_11 : vector<384x1024xf32>
    %add3A_78 = arith.addf %add3A_71, %mul3A_77 : vector<384x1024xf32>
    %slice3A_79 = vector.extract_strided_slice %get3A_16 {offsets = [8, 0], sizes = [1, 1024], strides = [1, 1]} : vector<16x1024xf32> to vector<1x1024xf32>
    %slice3A_80 = vector.extract_strided_slice %slice3A_79 {offsets = [0, 992], sizes = [1, 32], strides = [1, 1]} : vector<1x1024xf32> to vector<1x32xf32>
    %slice3A_81 = vector.extract_strided_slice %slice3A_79 {offsets = [0, 0], sizes = [1, 992], strides = [1, 1]} : vector<1x1024xf32> to vector<1x992xf32>
    %concatenate3A_82 = tpu.concatenate %slice3A_80, %slice3A_81 in 1 : vector<1x32xf32>, vector<1x992xf32> -> vector<1x1024xf32>
    %mul3A_83 = vector.broadcast %concatenate3A_82 : vector<1x1024xf32> to vector<384x1024xf32>
    %mul3A_84 = arith.mulf %mul3A_83, %concatenate3A_20 : vector<384x1024xf32>
    %add3A_85 = arith.addf %add3A_78, %mul3A_84 : vector<384x1024xf32>
    %slice3A_86 = vector.extract_strided_slice %add3A_85 {offsets = [0, 32], sizes = [384, 992], strides = [1, 1]} : vector<384x1024xf32> to vector<384x992xf32>
    %slice3A_87 = vector.extract_strided_slice %add3A_85 {offsets = [0, 0], sizes = [384, 32], strides = [1, 1]} : vector<384x1024xf32> to vector<384x32xf32>
    %concatenate3A_88 = tpu.concatenate %slice3A_86, %slice3A_87 in 1 : vector<384x992xf32>, vector<384x32xf32> -> vector<384x1024xf32>
    %add3A_89 = arith.addf %add3A_62, %concatenate3A_88 : vector<384x1024xf32>
    %get3A_90 = arith.constant 0 : index
    %get3A_91 = arith.constant 0 : index
    %get3A_92 = vector.load %arg5[%get3A_90, %get3A_91] : memref<1x1xf32, #tpu.memory_space<vmem>>, vector<1x1xf32>
    %get3A_93 = vector.extract %get3A_92[0, 0] : f32 from vector<1x1xf32>
    %mul3A_94 = vector.broadcast %get3A_93 : f32 to vector<384x1024xf32>
    %mul3A_95 = arith.mulf %mul3A_94, %add3A_89 : vector<384x1024xf32>
    %add3A_96 = arith.addf %mul3A_95, %get3A_3 : vector<384x1024xf32>
    %swap3A = arith.constant 0 : index
    %swap3A_97 = arith.constant 0 : index
    %swap3A_98 = arith.constant 0 : index
    %swap3A_99 = vector.load %arg6[%swap3A, %swap3A_97, %swap3A_98] : memref<1x384x1024xf32, #tpu.memory_space<vmem>>, vector<1x384x1024xf32>
    %swap3A_100 = vector.shape_cast %swap3A_99 : vector<1x384x1024xf32> to vector<384x1024xf32>
    %swap3A_101 = vector.shape_cast %add3A_96 : vector<384x1024xf32> to vector<1x384x1024xf32>
    tpu.vector_store %arg6[%swap3A, %swap3A_97, %swap3A_98], %swap3A_101 {strides = array<i32>} : memref<1x384x1024xf32, #tpu.memory_space<vmem>>, vector<1x384x1024xf32>,
    return
  }
  func.func @transform_0(%arg0: i32) -> (i32, i32, i32) {
    %c0_i32 = arith.constant 0 : i32
    %c0_i32_0 = arith.constant 0 : i32
    %c0_i32_1 = arith.constant 0 : i32
    return %arg0, %c0_i32, %c0_i32_0 : i32, i32, i32
  }
  func.func @transform_1(%arg0: i32) -> (i32, i32, i32) {
    %c0_i32 = arith.constant 0 : i32
    %c0_i32_0 = arith.constant 0 : i32
    %c0_i32_1 = arith.constant 0 : i32
    return %arg0, %c0_i32, %c0_i32_0 : i32, i32, i32
  }
  func.func @transform_2(%arg0: i32) -> (i32, i32) {
    %c0_i32 = arith.constant 0 : i32
    %c0_i32_0 = arith.constant 0 : i32
    %c0_i32_1 = arith.constant 0 : i32
    return %c0_i32, %c0_i32_0 : i32, i32
  }
  func.func @transform_3(%arg0: i32) -> (i32, i32) {
    %c0_i32 = arith.constant 0 : i32
    %c0_i32_0 = arith.constant 0 : i32
    %c0_i32_1 = arith.constant 0 : i32
    return %c0_i32, %c0_i32_0 : i32, i32
  }
  func.func @transform_4(%arg0: i32) -> (i32, i32) {
    %c0_i32 = arith.constant 0 : i32
    %c0_i32_0 = arith.constant 0 : i32
    %c0_i32_1 = arith.constant 0 : i32
    return %c0_i32, %c0_i32_0 : i32, i32
  }
  func.func @transform_5(%arg0: i32) -> (i32, i32, i32) {
    %c0_i32 = arith.constant 0 : i32
    %c0_i32_0 = arith.constant 0 : i32
    %c0_i32_1 = arith.constant 0 : i32
    return %arg0, %c0_i32, %c0_i32_0 : i32, i32, i32
  }
}

</mosaic_0001>

<sc_bundles>
// kernel: kernel.5.cloned.1.call-start
scs
__scs_entry_jumppad:
0x0: {  	(pc) =	sbr.rel $0x88, $3  }
0x1: {  	(tag) =	ssettag $0x0;
	lr =	simm.s32 $0x1  }
0x2: {  	[smem:$0x3F99] =	sst lr;
	_ =	strace $0xD0000000  }
0x3: {  	_ = 	snop  }
0x4: {  	_ = 	snop  }
0x5: {  	_ = 	snop  }
0x6: {  	_ = 	snop  }
0x7: {  	_ = 	snop  }
__scs_overlays_trampoline_lowered:
0x8: {  	[smem:$0x3FA8] =	sst s0  }
0x9: {  	[smem:$0x3FA9] =	sst s1  }
0xa: {  	[smem:$0x3FAA] =	sst s2  }
0xb: {  	[smem:$0x3FAB] =	sst s3  }
0xc: {  	[smem:$0x3FAC] =	sst s4  }
0xd: {  	[smem:$0x3FAD] =	sst s5  }
0xe: {  	[smem:$0x3FAE] =	sst s6  }
0xf: {  	[smem:$0x3FAF] =	sst s7  }
0x10: {  	[smem:$0x3FB0] =	sst s8  }
0x11: {  	[smem:$0x3FB1] =	sst s9;
	s0 =	simm.s32 @!p0 $0x0  }
0x12: {  	s1 =	sld [smem:$0x3F97];
	s0 =	simm.s32 @p0 $0x1  }
0x13: {  	[smem:$0x3FB2] =	sst s0;
	s0 =	simm.s32 @!p1 $0x0  }
0x14: {  	s2 =	sld [smem:$0x3F96];
	s0 =	simm.s32 @p1 $0x1  }
0x15: {  	[smem:$0x3FB3] =	sst s0;
	s0 =	simm.s32 @!p2 $0x0  }
0x16: {  	s3 =	sld [smem:$0x3FDB];
	s0 =	simm.s32 @p2 $0x1  }
0x17: {  	s4 =	simm.s32 $0x1BF5;
	[smem:$0x3FB5] =	sst s0  }
0x18: {  	s0 =	sld [smem:$0x3F98];
	_ =	swait.ge [sflag:s4], $0x0  }
0x19: {  	s7 =	sld [smem:$0x3F99]  }
0x1a: {  	s8 =	sadd.s32 $0xFFFFE003, lr  }
0x1b: {  	s9 =	sadd.s32 $0xFFFFFEF7, lr;
	s5 =	simm.s32 $0xFFFFFFFF;
	p2 =	slt.u32 s8, $0xFFFFF086  }
0x1c: {  	p1 =	slt.u32 s9, $0xF7A;
	s5 =	simm.s32 @!p2 $0x0  }
0x1d: {  	s5 =	simm.s32 @p1 $0x1;
	p0 =	seq.s32 s7, s2  }
0x1e: {  	s7 =	smul.u32 @!p0 $0xF7A, s2;
	p2 =	seq.s32 @!p0 s5, $0x0  }
0x1f: {  	s9 =	smul.u32 $0xF7A, s1;
	s8 =	simm.s32 @!p0 $0x1BF5;
	p2 =	por !p2, p0  }
0x20: {  	[sflag:s8] =	ssyncset.s32 @!p0 $0xFFFFF086;
	s6 =	sadd.s32 @!p0 s3, s7;
	s7 =	simm.s32 @!p0 $0x108  }
0x21: {  	s3 =	sadd.s32 s3, s9;
	s6 =	sadd.s32 @!p0 $0x88, s6;
	s7 =	simm.s32 @p2 $0x1082  }
0x22: {  	[simem:s7], [sflag:s8] =	dma.local @!p0 [hbm:s6], $0xF7A  }
0x23: {  	s9 =	sor.u32 $0xD0000000, s2;
	s6 =	simm.s32 $0x108;
	_ =	swait.ge @!p0 [sflag:s8], $0x0  }
0x24: {  	s3 =	sadd.s32 $0x88, s3;
	s6 =	simm.s32 @!p1 $0x1082;
	[sflag:s4] =	ssyncset.s32 $0xFFFFF086  }
0x25: {  	[simem:s6], [sflag:s4] =	dma.local [hbm:s3], $0xF7A  }
0x26: {  	[smem:$0x3F99] =	sst s1;
	(tag) =	ssettag s2;
	_ =	strace s9  }
0x27: {  	s1 =	sld [smem:$0x3FA9]  }
0x28: {  	s2 =	sld [smem:$0x3FAA]  }
0x29: {  	s4 =	sld [smem:$0x3FAC]  }
0x2a: {  	p0 =	seq.s32 s5, $0x0;
	s5 =	sld [smem:$0x3FAD]  }
0x2b: {  	s6 =	sld [smem:$0x3FAE]  }
0x2c: {  	s7 =	sld [smem:$0x3FAF]  }
0x2d: {  	s3 =	simm.s32 $0x108;
	s8 =	sld [smem:$0x3FB0]  }
0x2e: {  	s3 =	simm.s32 @!p0 $0x1082;
	s9 =	sld [smem:$0x3FB1]  }
0x2f: {  	lr =	sadd.s32 s0, s3;
	s0 =	sld [smem:$0x3FA8]  }
0x30: {  	s3 =	sld [smem:$0x3FAB]  }
0x31: {  	[smem:$0x3FB4] =	sst s10  }
0x32: {  	s10 =	sld [smem:$0x3FB2];
	_ =	sdelay $0x3  }
0x33: {  	p0 =	seq.s32 s10, $0x1;
	s10 =	sld [smem:$0x3FB4];
	_ =	sdelay $0x3  }
0x34: {  	[smem:$0x3FB4] =	sst s10  }
0x35: {  	s10 =	sld [smem:$0x3FB3];
	_ =	sdelay $0x3  }
0x36: {  	p1 =	seq.s32 s10, $0x1;
	s10 =	sld [smem:$0x3FB4];
	_ =	sdelay $0x3  }
0x37: {  	[smem:$0x3FB4] =	sst s10  }
0x38: {  	s10 =	sld [smem:$0x3FB5]  }
0x39: {  	_ = 	snop;
	(pc) =	sbr.ind lr, $3  }
0x3a: {  	_ = 	snop  }
0x3b: {  	_ = 	snop  }
0x3c: {  	p2 =	seq.s32 s10, $0x1;
	s10 =	sld [smem:$0x3FB4]  }
0x3d: {  	_ =	shalt  }
0x3e: {  	_ =	shalt  }
0x3f: {  	_ =	shalt  }
0x40: {  	_ =	shalt  }
0x41: {  	_ =	shalt  }
0x42: {  	_ =	shalt  }
0x43: {  	_ =	shalt  }
0x44: {  	_ =	shalt  }
0x45: {  	_ =	shalt  }
0x46: {  	_ =	shalt  }
0x47: {  	_ =	shalt  }
0x48: {  	_ =	shalt  }
0x49: {  	_ =	shalt  }
0x4a: {  	_ =	shalt  }
0x4b: {  	_ =	shalt  }
0x4c: {  	_ =	shalt  }
0x4d: {  	_ =	shalt  }
0x4e: {  	_ =	shalt  }
0x4f: {  	_ =	shalt  }
0x50: {  	_ =	shalt  }
0x51: {  	_ =	shalt  }
0x52: {  	_ =	shalt  }
0x53: {  	_ =	shalt  }
0x54: {  	_ =	shalt  }
0x55: {  	_ =	shalt  }
0x56: {  	_ =	shalt  }
0x57: {  	_ =	shalt  }
0x58: {  	_ =	shalt  }
0x59: {  	_ =	shalt  }
0x5a: {  	_ =	shalt  }
0x5b: {  	_ =	shalt  }
0x5c: {  	_ =	shalt  }
0x5d: {  	_ =	shalt  }
0x5e: {  	_ =	shalt  }
0x5f: {  	_ =	shalt  }
0x60: {  	_ =	shalt  }
0x61: {  	_ =	shalt  }
0x62: {  	_ =	shalt  }
0x63: {  	_ =	shalt  }
0x64: {  	_ =	shalt  }
0x65: {  	_ =	shalt  }
0x66: {  	_ =	shalt  }
0x67: {  	_ =	shalt  }
0x68: {  	_ =	shalt  }
0x69: {  	_ =	shalt  }
0x6a: {  	_ =	shalt  }
0x6b: {  	_ =	shalt  }
0x6c: {  	_ =	shalt  }
0x6d: {  	_ =	shalt  }
0x6e: {  	_ =	shalt  }
0x6f: {  	_ =	shalt  }
0x70: {  	_ =	shalt  }
0x71: {  	_ =	shalt  }
0x72: {  	_ =	shalt  }
0x73: {  	_ =	shalt  }
0x74: {  	_ =	shalt  }
0x75: {  	_ =	shalt  }
0x76: {  	_ =	shalt  }
0x77: {  	_ =	shalt  }
0x78: {  	_ =	shalt  }
0x79: {  	_ =	shalt  }
0x7a: {  	_ =	shalt  }
0x7b: {  	_ =	shalt  }
0x7c: {  	_ =	shalt  }
0x7d: {  	_ =	shalt  }
0x7e: {  	_ =	shalt  }
0x7f: {  	_ =	shalt  }
0x80: {  	_ =	shalt  }
0x81: {  	_ =	shalt  }
0x82: {  	_ =	shalt  }
0x83: {  	_ =	shalt  }
0x84: {  	_ =	shalt  }
0x85: {  	_ =	shalt  }
0x86: {  	_ =	shalt  }
0x87: {  	_ =	shalt  }
.Lfunc_end0:
.L_simem_size_0:
called_computation_lowered:
.L_overlay_start_0:
0x88: {  	s2 =	sld [smem:$0x3FD9]  }
0x89: {  	s3 =	sld [smem:$0x3FFE];
	_ =	sdelay $0x1  }
0x8a: {  	s1 =	srdreg.scid  }
0x8b: {  	s0 =	sand.u32 $0x1, s1  }
0x8c: {  	s14 =	sshll.u32 s0, $0xA;
	s2 =	sadd.s32 s3, s2  }
0x8d: {  	s2 =	sadd.s32 s2, s14  }
0x8e: {  	[smem:$0x3FC0] =	sst s2  }
0x8f: {  	_ = 	snop  }
0x90: {  	s2 =	sld [smem:$0x3FD0];
	_ =	sdelay $0x2  }
0x91: {  	s15 =	simm.s32 $0xA;
	s4 =	simm.s32 $0x10  }
0x92: {  	[smem:s4], [sflag:s15] =	dma.local [hbm:s2], $0x1  }
0x93: {  	_ =	swait.eq [sflag:s15], $0x1  }
0x94: {  	[sflag:s15] =	ssyncset.done $0x0  }
0x95: {  	[sflag:s15] =	ssyncadd.s32 $0xFFFFFFFF  }
0x96: {  	s16 =	sld [smem:$0x11];
	(tm) =	ssettm $0x1  }
0x97: {  	s17 =	sld [smem:$0x3FFB];
	_ =	sdelay $0x3  }
0x98: {  	_ =	strace s17  }
0x99: {  	s3 =	sld [smem:$0x3FFC];
	_ =	sdelay $0x3  }
0x9a: {  	_ =	strace s3  }
0x9b: {  	s3 =	sld [smem:$0x3FFD];
	_ =	sdelay $0x3  }
0x9c: {  	_ =	strace s3  }
0x9d: {  	_ =	strace $0x8FFFFFFF  }
0x9e: {  	s18 =	sld [smem:$0x3FDB];
	_ =	sdelay $0x1  }
0x9f: {  	s19 =	simm.s32 $_scs_section_size  }
0xa0: {  	s5 =	simm.s32 $_size__tile_overlayer_lowered;
	s6 =	simm.s32 $_tile_overlayer_lowered  }
0xa1: {  	s22 =	simm.s32 $0x1BFF;
	s21 =	sshll.u32 s6, $0x1;
	s3 =	sadd.s32 s19, s18  }
0xa2: {  	s7 =	simm.s32 $0x0;
	s20 =	sshll.u32 s5, $0x1;
	s5 =	sadd.s32 s21, s3  }
0xa3: {  	[timem:s7], [sflag:s22] =	dma.local [hbm:s5], s20  }
0xa4: {  	_ =	swait.ge [sflag:s22], s20  }
0xa5: {  	s4 =	ssub.s32 $0x0, s20;
	[sflag:s22] =	ssyncset.done $0x0  }
0xa6: {  	[sflag:s22] =	ssyncadd.s32 s4;
	_ =	sdelay $0x1  }
0xa7: {  	s23 =	simm.s32 $0x1B8B  }
0xa8: {  	_ =	swait.ge [sflag:s23], $0x1  }
0xa9: {  	[sflag:s23] =	ssyncset.done $0x0  }
0xaa: {  	s25 =	simm.s32 $0x1B8E;
	s24 =	sld [smem:$0x3FFE];
	[sflag:s23] =	ssyncadd.s32 $0xFFFFFFFF  }
0xab: {  	s26 =	simm.s32 $execute0_lowered;
	[smem:$0x3FD2] =	sst s25  }
0xac: {  	s5 =	sshll.u32 s26, $0x1;
	_ =	strace $0x80000046;
	[dreg:$0x1] =	wrdreg $0xFFFFFFFF  }
0xad: {  	s28 =	simm.s32 $_size_execute0_lowered;
	s3 =	sadd.s32 s3, s5;
	[dreg:$0x0] =	wrdreg $0x0  }
0xae: {  	s5 =	sshll.u32 s28, $0x1;
	[dreg:$0x2] =	wrdreg s3  }
0xaf: {  	[dreg:$0x3] =	wrdreg s5  }
0xb0: {  	[dreg:$0x4] =	wrdreg $0xC0  }
0xb1: {  	_ =	task [dreg:s7], $0x5FFFF  }
0xb2: {  	[dreg:$0x1] =	wrdreg $0xFFFFFFFF  }
0xb3: {  	[dreg:$0x0] =	wrdreg $0x60  }
0xb4: {  	[dreg:$0x2] =	wrdreg s24  }
0xb5: {  	[dreg:$0x3] =	wrdreg s16  }
0xb6: {  	[dreg:$0x4] =	wrdreg $0x9  }
0xb7: {  	_ =	task.clear_ibuf [dreg:s7], $0x5FFFF;
	_ =	strace $0x90000046  }
0xb8: {  	s29 =	simm.s32 $0x9;
	_ =	strace $0x80000048  }
0xb9: {  	_ =	swait.ge [sflag:s29], $0x1  }
0xba: {  	[sflag:s29] =	ssyncadd.s32 $0xFFFFFFFF  }
0xbb: {  	_ =	strace $0x90000048  }
0xbc: {  	_ =	sfence  }
0xbd: {  	s30 =	sld [smem:$0x0];
	_ =	sdelay $0x2  }
0xbe: {  	s31 =	sshll.u32 s1, $0xD;
	s1 =	sshrl.u32 s1, $0x2  }
0xbf: {  	s3 =	sand.u32 $0x4000, s31;
	s1 =	sadd.s32 s1, s30  }
0xc0: {  	s0 =	sor.u32 s3, s0;
	s1 =	sshll.u32 s1, $0x11  }
0xc1: {  	s0 =	sor.u32 s1, s0  }
0xc2: {  	s0 =	sadd.s32 $0x8F2B, s0  }
0xc3: {  	[sflag:s0] =	ssyncadd.remote.s32 $0x1  }
0xc4: {  	_ =	sfence.sel $0xFFFF  }
0xc5: {  	[dreg:$0x0] =	wrdreg $0xFFFFFFFF;
	(pc) =	sbr.abs _section_cstart, $3  }
0xc6: {  	[dreg:$0x1] =	wrdreg $0xFFFFFFFF  }
0xc7: {  	_ =	task.clear_ibuf [dreg:s7], $0x2FFFF;
	_ =	strace $0x9FFFFFFF  }
0xc8: {  	(tm) =	ssettm $0x7FFFFFFF  }
0xc9: {  	_ =	shalt  }
tec
execute0_lowered:
.L_overlay_start_1:
0x0: {  	(tag) =	ssettag $0x1  }
0x1: {  	s0 =	srdreg.scid  }
0x2: {  	s3 =	stileid.u32;
	s0 =	sand.u32 $0x1, s0  }
0x3: {  	s1 =	rddreg [dreg:$0x0];
	s3 =	sshll.u32 s3, $0x9;
	s4 =	sshll.u32 s0, $0x8  }
0x4: {  	s2 =	rddreg [dreg:$0x1];
	s6 =	simm.s32 $0x0;
	s3 =	sor.u32 s4, s3  }
0x5: {  	[smem:$0x7FF] =	sst s6;
	s25 =	sadd.s32 $0x41F, s3  }
0x6: {  	_ =	strace $0x80000047;
	s26 =	sadd.s32 $0x43F, s3;
	[dreg:$0x10] =	wrdreg s25  }
0x7: {  	s0 =	ssub.s32 $0x2, s0;
	s28 =	sadd.s32 $0x45F, s3;
	[dreg:$0x12] =	wrdreg s26  }
0x8: {  	s15 =	sshrl.u32 s0, $0x1;
	s29 =	sadd.s32 $0x47F, s3;
	[dreg:$0x13] =	wrdreg s28  }
0x9: {  	s4 =	sshll.u32 s3, $0x4;
	s30 =	sadd.s32 $0x49F, s3;
	[dreg:$0x14] =	wrdreg s29  }
0xa: {  	s5 =	sshll.u32 s3, $0x7;
	s31 =	sadd.s32 $0x4BF, s3;
	[dreg:$0x15] =	wrdreg s30  }
0xb: {  	s4 =	sadd.s32 s4, s1;
	s1 =	sadd.s32 $0x21200, s1;
	[dreg:$0x16] =	wrdreg s31  }
0xc: {  	s0 =	ssub.s32 s0, s15;
	s17 =	sadd.s32 s2, s5;
	[dreg:$0x3] =	wrdreg s1  }
0xd: {  	s23 =	sand.u32 $0x300, s3;
	s0 =	smax.u32 s0, $0x1;
	[dreg:$0x5] =	wrdreg s17  }
0xe: {  	s24 =	sadd.s32 $0xFFFFFFFF, s23;
	[dreg:$0xd] =	wrdreg s0  }
0xf: {  	s14 =	sadd.s32 $0xFFFFFFDF, s23;
	[dreg:$0xf] =	wrdreg s24  }
0x10: {  	s16 =	sadd.s32 $0x1200, s4;
	[dreg:$0xe] =	wrdreg s14  }
0x11: {  	s2 =	sadd.s32 $0x1000, s17;
	[dreg:$0x4] =	wrdreg s16  }
0x12: {  	s18 =	sadd.s32 $0x2000, s17;
	[dreg:$0x6] =	wrdreg s2  }
0x13: {  	s19 =	sadd.s32 $0x3000, s17;
	[dreg:$0x7] =	wrdreg s18  }
0x14: {  	s20 =	sadd.s32 $0x4000, s17;
	[dreg:$0x8] =	wrdreg s19  }
0x15: {  	s21 =	sadd.s32 $0x5000, s17;
	[dreg:$0x9] =	wrdreg s20  }
0x16: {  	s22 =	sadd.s32 $0x6000, s17;
	[dreg:$0xa] =	wrdreg s21  }
0x17: {  	s15 =	simm.s32 $0x1;
	s1 =	sadd.s32 $0x7000, s17;
	[dreg:$0xb] =	wrdreg s22  }
0x18: {  	s26 =	simm.s32 $0x2;
	s0 =	sor.u32 $0x20, s23;
	[dreg:$0xc] =	wrdreg s1  }
0x19: {  	v0 =	vimm.f32 $0.0e+00;
	[dreg:$0x11] =	wrdreg s0;
	s16 =	simm.s32 $0x10000;
	s1 =	simm.s32 $0x0  }
.LBB2_1:
0x1a: {  	[dreg:$0x17] =	wrdreg s1  }
0x1b: {  	s0 =	rddreg [dreg:$0x3];
	s25 =	simm.s32 $0x8000  }
0x1c: {  	[tilespmem:s25], [sflag:$0x1] =	stream.linear.gather [hbm4b:s0+s6], $0x8000, $0x38;
	[tilespmem:$0x18000] =	vst v63  }
0x1d: {  	s28 =	rddreg [dreg:$0x4];
	s2 =	simm.s32 $0x3  }
0x1e: {  	[tilespmem:s6], [sflag:$0x3] =	stream.linear.gather [hbm4b:s28+s6], $0x8000, $0x38;
	[tilespmem:$0x18000] =	vst v63  }
0x1f: {  	_ =	swait.ge [sflag:s2], $0x8000  }
0x20: {  	s29 =	sand.u32 $0x6000, s6;
	s30 =	sand.u32 $0x380, s6;
	[sflag:s2] =	ssyncset.done $0x0  }
0x21: {  	s1 =	sor.u32 s30, s29;
	[sflag:s2] =	ssyncadd.s32 $0xFFFF8000  }
0x22: {  	[tilespmem:s1+$0x10840] =	vst v0  }
0x23: {  	[tilespmem:s1+$0x10870] =	vst v0  }
0x24: {  	[tilespmem:s1+$0x10040] =	vst v0  }
0x25: {  	[tilespmem:s1+$0x10440] =	vst v0  }
0x26: {  	[tilespmem:s1+$0x10860] =	vst v0  }
0x27: {  	[tilespmem:s1+$0x10850] =	vst v0  }
0x28: {  	[tilespmem:s1+$0x10830] =	vst v0  }
0x29: {  	[tilespmem:s1+$0x10820] =	vst v0  }
0x2a: {  	[tilespmem:s1+$0x10810] =	vst v0  }
0x2b: {  	[tilespmem:s1+$0x10800] =	vst v0  }
0x2c: {  	[tilespmem:s1+$0x10470] =	vst v0  }
0x2d: {  	[tilespmem:s1+$0x10460] =	vst v0  }
0x2e: {  	[tilespmem:s1+$0x10420] =	vst v0  }
0x2f: {  	[tilespmem:s1+$0x10410] =	vst v0  }
0x30: {  	[tilespmem:s1+$0x10400] =	vst v0  }
0x31: {  	[tilespmem:s1+$0x10070] =	vst v0  }
0x32: {  	[tilespmem:s1+$0x10060] =	vst v0  }
0x33: {  	[tilespmem:s1+$0x10050] =	vst v0  }
0x34: {  	[tilespmem:s1+$0x10450] =	vst v0  }
0x35: {  	[tilespmem:s1+$0x10030] =	vst v0  }
0x36: {  	[tilespmem:s1+$0x10020] =	vst v0  }
0x37: {  	[tilespmem:s1+$0x10010] =	vst v0  }
0x38: {  	s0 =	sor.u32 s29, s6;
	[tilespmem:s1+$0x10430] =	vst v0  }
0x39: {  	s0 =	sor.u32 $0x8C00, s0;
	[tilespmem:s1+$0x10000] =	vst v0  }
0x3a: {  	[tilespmem:s0+$0x8070] =	vst v0  }
0x3b: {  	[tilespmem:s0+$0x8020] =	vst v0  }
0x3c: {  	[tilespmem:s0+$0x8060] =	vst v0  }
0x3d: {  	[tilespmem:s0+$0x8010] =	vst v0  }
0x3e: {  	[tilespmem:s0+$0x8050] =	vst v0  }
0x3f: {  	[tilespmem:s0+$0x8030] =	vst v0  }
0x40: {  	[tilespmem:s0+$0x8000] =	vst v0  }
0x41: {  	[tilespmem:s0+$0x8040] =	vst v0  }
0x42: {  	[tilespmem:s1+$0x11840] =	vst v0  }
0x43: {  	[tilespmem:s1+$0x11870] =	vst v0  }
0x44: {  	[tilespmem:s1+$0x11440] =	vst v0  }
0x45: {  	[tilespmem:s1+$0x11860] =	vst v0  }
0x46: {  	[tilespmem:s1+$0x11850] =	vst v0  }
0x47: {  	[tilespmem:s1+$0x11820] =	vst v0  }
0x48: {  	[tilespmem:s1+$0x11830] =	vst v0  }
0x49: {  	[tilespmem:s1+$0x11800] =	vst v0  }
0x4a: {  	[tilespmem:s1+$0x11810] =	vst v0  }
0x4b: {  	[tilespmem:s1+$0x11040] =	vst v0  }
0x4c: {  	[tilespmem:s1+$0x11470] =	vst v0  }
0x4d: {  	[tilespmem:s1+$0x11460] =	vst v0  }
0x4e: {  	[tilespmem:s1+$0x11450] =	vst v0  }
0x4f: {  	[tilespmem:s1+$0x11430] =	vst v0  }
0x50: {  	[tilespmem:s1+$0x11420] =	vst v0  }
0x51: {  	[tilespmem:s1+$0x11410] =	vst v0  }
0x52: {  	[tilespmem:s1+$0x11400] =	vst v0  }
0x53: {  	[tilespmem:s1+$0x11070] =	vst v0  }
0x54: {  	[tilespmem:s1+$0x11050] =	vst v0  }
0x55: {  	[tilespmem:s1+$0x11030] =	vst v0  }
0x56: {  	[tilespmem:s1+$0x11020] =	vst v0  }
0x57: {  	[tilespmem:s1+$0x11010] =	vst v0  }
0x58: {  	s31 =	sor.u32 s6, s6;
	[tilespmem:s1+$0x11060] =	vst v0  }
0x59: {  	s2 =	sor.u32 $0x9C00, s31;
	[tilespmem:s1+$0x11000] =	vst v0  }
0x5a: {  	[tilespmem:s2+$0x8060] =	vst v0  }
0x5b: {  	[tilespmem:s2+$0x8050] =	vst v0  }
0x5c: {  	[tilespmem:s2+$0x8040] =	vst v0  }
0x5d: {  	[tilespmem:s2+$0x8030] =	vst v0  }
0x5e: {  	[tilespmem:s2+$0x8020] =	vst v0  }
0x5f: {  	s5 =	simm.s32 $0x400;
	s0 =	simm.s32 $0x80;
	[tilespmem:s2+$0x8010] =	vst v0  }
.LBB2_2:
0x60: {  	s6 =	sand.u32 $0x6000, s5  }
0x61: {  	s4 =	sand.u32 $0x380, s0;
	[tilespmem:s2+$0x8000] =	vst v0;
	s3 =	smov.u32 s5;
	s1 =	sadd.s32 $0x400, s5  }
0x62: {  	p0 =	sne.s32 s5, $0x7C00;
	s4 =	sor.u32 s4, s6;
	s6 =	sor.u32 s6, s0;
	[tilespmem:s2+$0x8070] =	vst v0  }
0x63: {  	[tilespmem:s4+$0x10840] =	vst v0  }
0x64: {  	[tilespmem:s4+$0x10870] =	vst v0  }
0x65: {  	[tilespmem:s4+$0x10040] =	vst v0  }
0x66: {  	[tilespmem:s4+$0x10440] =	vst v0  }
0x67: {  	[tilespmem:s4+$0x10860] =	vst v0  }
0x68: {  	[tilespmem:s4+$0x10850] =	vst v0  }
0x69: {  	[tilespmem:s4+$0x10830] =	vst v0  }
0x6a: {  	[tilespmem:s4+$0x10820] =	vst v0  }
0x6b: {  	[tilespmem:s4+$0x10810] =	vst v0  }
0x6c: {  	[tilespmem:s4+$0x10800] =	vst v0  }
0x6d: {  	[tilespmem:s4+$0x10470] =	vst v0  }
0x6e: {  	[tilespmem:s4+$0x10460] =	vst v0  }
0x6f: {  	[tilespmem:s4+$0x10420] =	vst v0  }
0x70: {  	[tilespmem:s4+$0x10410] =	vst v0  }
0x71: {  	[tilespmem:s4+$0x10400] =	vst v0  }
0x72: {  	[tilespmem:s4+$0x10070] =	vst v0  }
0x73: {  	[tilespmem:s4+$0x10060] =	vst v0  }
0x74: {  	[tilespmem:s4+$0x10050] =	vst v0  }
0x75: {  	[tilespmem:s4+$0x10450] =	vst v0  }
0x76: {  	[tilespmem:s4+$0x10030] =	vst v0  }
0x77: {  	[tilespmem:s4+$0x10020] =	vst v0  }
0x78: {  	[tilespmem:s4+$0x10010] =	vst v0  }
0x79: {  	[tilespmem:s4+$0x10430] =	vst v0  }
0x7a: {  	s2 =	sor.u32 $0x8C00, s6;
	[tilespmem:s4+$0x10000] =	vst v0  }
0x7b: {  	[tilespmem:s2+$0x8070] =	vst v0  }
0x7c: {  	[tilespmem:s2+$0x8020] =	vst v0  }
0x7d: {  	[tilespmem:s2+$0x8060] =	vst v0  }
0x7e: {  	[tilespmem:s2+$0x8010] =	vst v0  }
0x7f: {  	[tilespmem:s2+$0x8050] =	vst v0  }
0x80: {  	[tilespmem:s2+$0x8030] =	vst v0  }
0x81: {  	[tilespmem:s2+$0x8000] =	vst v0  }
0x82: {  	[tilespmem:s2+$0x8040] =	vst v0  }
0x83: {  	[tilespmem:s4+$0x11840] =	vst v0  }
0x84: {  	[tilespmem:s4+$0x11870] =	vst v0  }
0x85: {  	[tilespmem:s4+$0x11440] =	vst v0  }
0x86: {  	[tilespmem:s4+$0x11860] =	vst v0  }
0x87: {  	[tilespmem:s4+$0x11850] =	vst v0  }
0x88: {  	[tilespmem:s4+$0x11820] =	vst v0  }
0x89: {  	[tilespmem:s4+$0x11830] =	vst v0  }
0x8a: {  	[tilespmem:s4+$0x11800] =	vst v0  }
0x8b: {  	[tilespmem:s4+$0x11810] =	vst v0  }
0x8c: {  	[tilespmem:s4+$0x11040] =	vst v0  }
0x8d: {  	[tilespmem:s4+$0x11470] =	vst v0  }
0x8e: {  	[tilespmem:s4+$0x11460] =	vst v0  }
0x8f: {  	[tilespmem:s4+$0x11450] =	vst v0  }
0x90: {  	[tilespmem:s4+$0x11430] =	vst v0  }
0x91: {  	[tilespmem:s4+$0x11420] =	vst v0  }
0x92: {  	[tilespmem:s4+$0x11410] =	vst v0  }
0x93: {  	[tilespmem:s4+$0x11400] =	vst v0  }
0x94: {  	[tilespmem:s4+$0x11070] =	vst v0  }
0x95: {  	[tilespmem:s4+$0x11050] =	vst v0  }
0x96: {  	[tilespmem:s4+$0x11030] =	vst v0  }
0x97: {  	[tilespmem:s4+$0x11020] =	vst v0  }
0x98: {  	[tilespmem:s4+$0x11010] =	vst v0  }
0x99: {  	s2 =	sor.u32 s3, s0;
	[tilespmem:s4+$0x11060] =	vst v0  }
0x9a: {  	s2 =	sor.u32 $0x9C00, s2;
	[tilespmem:s4+$0x11000] =	vst v0  }
0x9b: {  	[tilespmem:s2+$0x8060] =	vst v0  }
.Ltmp0:
0x9c: {  	[tilespmem:s2+$0x8050] =	vst v0;
	(pc) =	sbr.rel @p0 .LBB2_2-.Ltmp0, $4  }
0x9d: {  	[tilespmem:s2+$0x8040] =	vst v0  }
0x9e: {  	[tilespmem:s2+$0x8030] =	vst v0  }
0x9f: {  	[tilespmem:s2+$0x8020] =	vst v0  }
0xa0: {  	s5 =	smov.u32 s1;
	s0 =	sadd.s32 $0x80, s0;
	[tilespmem:s2+$0x8010] =	vst v0  }
0xa1: {  	s0 =	sadd.s32 $0x21, s14;
	s1 =	sand.u32 $0xF, s14  }
0xa2: {  	s3 =	sshra.s32 s14, $0x1F;
	p0 =	slt.u32 s0, $0x22;
	p1 =	sne.s32 s1, $0x0  }
0xa3: {  	s19 =	sshrl.u32 s3, $0x1C;
	p0 =	por !p0, !p1  }
0xa4: {  	s1 =	simm.s32 $0x1;
	s0 =	sadd.s32 s19, s14;
	p0 =	por !p0, !p0  }
0xa5: {  	s0 =	sshrl.u32 s0, $0x4;
	s1 =	simm.s32 @!p0 $0x0  }
0xa6: {  	[tilespmem:s2+$0x8000] =	vst v0;
	s0 =	ssub.s32 s0, s1  }
0xa7: {  	[tilespmem:s2+$0x8070] =	vst v0;
	s0 =	sshll.u32 s0, $0x4  }
0xa8: {  	_ =	swait.ge [sflag:s15], $0x8000;
	p0 =	sgt.s32 s0, $0x0  }
0xa9: {  	[sflag:s15] =	ssyncset.done $0x0;
	s0 =	simm.s32 @!p0 $0x0  }
0xaa: {  	s3 =	simm.s32 $0x40;
	[sflag:s15] =	ssyncadd.s32 $0xFFFF8000;
	s6 =	smin.u32 s0, $0x380  }
0xab: {  	v1 =	vld [tilespmem:s3+$0xFFFFFFC0];
	s1 =	simm.s32 $0x0;
	s20 =	sshll.u32 s6, $0x3  }
0xac: {  	s4 =	sand.u32 $0x6000, s1;
	s2 =	sor.u32 s6, s20  }
0xad: {  	s5 =	sor.u32 $0x8000, s4;
	s2 =	sand.u32 $0x1C70, s2  }
0xae: {  	s4 =	sand.u32 $0x380, s1;
	s2 =	sor.u32 s2, s5  }
0xaf: {  	s2 =	sor.u32 s4, s2  }
0xb0: {  	s21 =	sadd.s32 $0x10, s6;
	[tilespmem:s2+$0x0] =	vst v1  }
0xb1: {  	s7 =	sshll.u32 s21, $0x3;
	v1 =	vld [tilespmem:s3+$0xFFFFFFD0]  }
0xb2: {  	s7 =	sand.u32 $0x3C00, s7  }
0xb3: {  	s7 =	sadd.s32 s7, s5;
	s2 =	sand.u32 $0x70, s21  }
0xb4: {  	s2 =	sor.u32 s2, s7  }
0xb5: {  	s2 =	sor.u32 s4, s2  }
0xb6: {  	s22 =	sadd.s32 $0x20, s6;
	[tilespmem:s2+$0x0] =	vst v1  }
0xb7: {  	s23 =	sshll.u32 s22, $0x3;
	v1 =	vld [tilespmem:s3+$0xFFFFFFE0]  }
0xb8: {  	s7 =	sand.u32 $0x3C00, s23  }
0xb9: {  	s7 =	sadd.s32 s7, s5;
	s2 =	sand.u32 $0x70, s22  }
0xba: {  	s2 =	sor.u32 s2, s7  }
0xbb: {  	s2 =	sor.u32 s4, s2  }
0xbc: {  	s24 =	sadd.s32 $0x30, s6;
	[tilespmem:s2+$0x0] =	vst v1  }
0xbd: {  	s25 =	sshll.u32 s24, $0x3;
	v1 =	vld [tilespmem:s3+$0xFFFFFFF0]  }
0xbe: {  	s7 =	sand.u32 $0x3C00, s25  }
0xbf: {  	s7 =	sadd.s32 s7, s5;
	s2 =	sand.u32 $0x70, s24  }
0xc0: {  	s2 =	sor.u32 s2, s7  }
0xc1: {  	s2 =	sor.u32 s4, s2  }
0xc2: {  	s28 =	sadd.s32 $0x40, s6;
	[tilespmem:s2+$0x0] =	vst v1  }
0xc3: {  	s29 =	sshll.u32 s28, $0x3;
	v1 =	vld [tilespmem:s3+$0x0]  }
0xc4: {  	s7 =	sand.u32 $0x3C00, s29  }
0xc5: {  	s7 =	sadd.s32 s7, s5;
	s2 =	sand.u32 $0x70, s28  }
0xc6: {  	s2 =	sor.u32 s2, s7  }
0xc7: {  	s2 =	sor.u32 s4, s2  }
0xc8: {  	s30 =	sadd.s32 $0x50, s6;
	[tilespmem:s2+$0x0] =	vst v1  }
0xc9: {  	s31 =	sshll.u32 s30, $0x3;
	v1 =	vld [tilespmem:s3+$0x10]  }
0xca: {  	s2 =	sand.u32 $0x3C00, s31  }
0xcb: {  	s11 =	sadd.s32 $0x60, s6;
	s8 =	sand.u32 $0x70, s30;
	s2 =	sadd.s32 s2, s5  }
0xcc: {  	s12 =	sshll.u32 s11, $0x3;
	s2 =	sor.u32 s8, s2  }
0xcd: {  	s12 =	sand.u32 $0x3C00, s12;
	s9 =	sor.u32 s4, s2  }
0xce: {  	s11 =	sand.u32 $0x70, s11;
	s12 =	sadd.s32 s12, s5;
	s8 =	sadd.s32 $0x1, s14;
	[tilespmem:s9+$0x0] =	vst v1  }
0xcf: {  	s7 =	simm.s32 $0x80;
	s10 =	sadd.s32 $0x21, s8;
	s2 =	sshra.s32 s8, $0x1F;
	v1 =	vld [tilespmem:s3+$0x20]  }
0xd0: {  	p1 =	slt.u32 s10, $0x22;
	s10 =	sand.u32 $0xF, s8;
	s9 =	simm.s32 $0x100  }
.LBB2_4:
0xd1: {  	p0 =	sne.s32 s9, $0xF80  }
0xd2: {  	p2 =	sne.s32 s10, $0x0;
	s10 =	sor.u32 s11, s12;
	s2 =	sshrl.u32 s2, $0x1C  }
0xd3: {  	s6 =	sadd.s32 $0x70, s6;
	p1 =	por !p1, !p2;
	s10 =	sor.u32 s4, s10  }
0xd4: {  	s2 =	sadd.s32 s2, s8;
	p1 =	por !p1, !p1;
	[tilespmem:s10+$0x0] =	vst v1;
	s10 =	simm.s32 $0x1  }
0xd5: {  	s11 =	sshll.u32 s6, $0x3;
	s2 =	sshrl.u32 s2, $0x4;
	s10 =	simm.s32 @!p1 $0x0;
	v1 =	vld [tilespmem:s3+$0x30]  }
0xd6: {  	s2 =	ssub.s32 s2, s10;
	s10 =	sand.u32 $0x3C00, s11  }
0xd7: {  	s6 =	sand.u32 $0x70, s6;
	s2 =	sshll.u32 s2, $0x4;
	s5 =	sadd.s32 s10, s5  }
0xd8: {  	p1 =	sgt.s32 s2, $0x0;
	s5 =	sor.u32 s6, s5  }
0xd9: {  	s2 =	simm.s32 @!p1 $0x0;
	s4 =	sor.u32 s4, s5  }
0xda: {  	s3 =	sadd.s32 $0x80, s3;
	s6 =	smin.u32 s2, $0x380;
	[tilespmem:s4+$0x0] =	vst v1  }
0xdb: {  	s1 =	sadd.s32 $0x400, s1;
	v1 =	vld [tilespmem:s3+$0xFFFFFFC0];
	s2 =	sshll.u32 s6, $0x3  }
0xdc: {  	s4 =	sand.u32 $0x6000, s1;
	s2 =	sor.u32 s6, s2  }
0xdd: {  	s5 =	sor.u32 $0x8000, s4;
	s2 =	sand.u32 $0x1C70, s2  }
0xde: {  	s4 =	sand.u32 $0x380, s7;
	s7 =	smov.u32 s9;
	s2 =	sor.u32 s2, s5  }
0xdf: {  	s2 =	sor.u32 s4, s2  }
0xe0: {  	[tilespmem:s2+$0x0] =	vst v1;
	s2 =	sadd.s32 $0x10, s6  }
0xe1: {  	v1 =	vld [tilespmem:s3+$0xFFFFFFD0];
	s10 =	sshll.u32 s2, $0x3  }
0xe2: {  	s10 =	sand.u32 $0x3C00, s10  }
0xe3: {  	s2 =	sand.u32 $0x70, s2;
	s10 =	sadd.s32 s10, s5  }
0xe4: {  	s2 =	sor.u32 s2, s10  }
0xe5: {  	s2 =	sor.u32 s4, s2  }
0xe6: {  	[tilespmem:s2+$0x0] =	vst v1;
	s2 =	sadd.s32 $0x20, s6  }
0xe7: {  	v1 =	vld [tilespmem:s3+$0xFFFFFFE0];
	s10 =	sshll.u32 s2, $0x3  }
0xe8: {  	s10 =	sand.u32 $0x3C00, s10  }
0xe9: {  	s2 =	sand.u32 $0x70, s2;
	s10 =	sadd.s32 s10, s5  }
0xea: {  	s2 =	sor.u32 s2, s10  }
0xeb: {  	s2 =	sor.u32 s4, s2  }
0xec: {  	[tilespmem:s2+$0x0] =	vst v1;
	s2 =	sadd.s32 $0x30, s6  }
0xed: {  	v1 =	vld [tilespmem:s3+$0xFFFFFFF0];
	s10 =	sshll.u32 s2, $0x3  }
0xee: {  	s10 =	sand.u32 $0x3C00, s10  }
0xef: {  	s2 =	sand.u32 $0x70, s2;
	s10 =	sadd.s32 s10, s5  }
0xf0: {  	s2 =	sor.u32 s2, s10  }
0xf1: {  	s2 =	sor.u32 s4, s2  }
0xf2: {  	[tilespmem:s2+$0x0] =	vst v1;
	s2 =	sadd.s32 $0x40, s6  }
0xf3: {  	v1 =	vld [tilespmem:s3+$0x0];
	s10 =	sshll.u32 s2, $0x3  }
0xf4: {  	s10 =	sand.u32 $0x3C00, s10  }
0xf5: {  	s2 =	sand.u32 $0x70, s2;
	s10 =	sadd.s32 s10, s5  }
0xf6: {  	s2 =	sor.u32 s2, s10  }
0xf7: {  	s2 =	sor.u32 s4, s2  }
0xf8: {  	[tilespmem:s2+$0x0] =	vst v1;
	s2 =	sadd.s32 $0x50, s6  }
0xf9: {  	v1 =	vld [tilespmem:s3+$0x10];
	s10 =	sshll.u32 s2, $0x3  }
0xfa: {  	s10 =	sand.u32 $0x3C00, s10  }
0xfb: {  	s2 =	sand.u32 $0x70, s2;
	s10 =	sadd.s32 s10, s5  }
0xfc: {  	s2 =	sor.u32 s2, s10  }
.Ltmp1:
0xfd: {  	s2 =	sor.u32 s4, s2;
	(pc) =	sbr.rel @p0 .LBB2_4-.Ltmp1, $4  }
0xfe: {  	s8 =	sadd.s32 $0x1, s8;
	s11 =	sadd.s32 $0x60, s6;
	[tilespmem:s2+$0x0] =	vst v1  }
0xff: {  	s12 =	sshll.u32 s11, $0x3;
	s10 =	sadd.s32 $0x21, s8;
	s2 =	sshra.s32 s8, $0x1F;
	v1 =	vld [tilespmem:s3+$0x20]  }
0x100: {  	s12 =	sand.u32 $0x3C00, s12;
	p1 =	slt.u32 s10, $0x22;
	s10 =	sand.u32 $0xF, s8  }
0x101: {  	s9 =	sadd.s32 $0x80, s9;
	s11 =	sand.u32 $0x70, s11;
	s12 =	sadd.s32 s12, s5  }
0x102: {  	p0 =	sne.s32 s10, $0x0;
	s9 =	sor.u32 s11, s12;
	s2 =	sshrl.u32 s2, $0x1C  }
0x103: {  	s6 =	sadd.s32 $0x70, s6;
	p0 =	por !p1, !p0;
	s9 =	sor.u32 s4, s9  }
0x104: {  	s2 =	sadd.s32 s2, s8;
	s8 =	simm.s32 $0x1;
	p0 =	por !p0, !p0;
	[tilespmem:s9+$0x0] =	vst v1  }
0x105: {  	s28 =	sshll.u32 s6, $0x3;
	s2 =	sshrl.u32 s2, $0x4;
	s8 =	simm.s32 @!p0 $0x0;
	v1 =	vld [tilespmem:s3+$0x30]  }
0x106: {  	s29 =	sand.u32 $0x3C00, s28;
	s2 =	ssub.s32 s2, s8  }
0x107: {  	s6 =	sand.u32 $0x70, s6;
	s5 =	sadd.s32 s29, s5;
	s2 =	sshll.u32 s2, $0x4  }
0x108: {  	s5 =	sor.u32 s6, s5;
	p0 =	sgt.s32 s2, $0x0  }
0x109: {  	s30 =	sor.u32 s4, s5;
	s2 =	simm.s32 @!p0 $0x0  }
0x10a: {  	s31 =	sadd.s32 $0x80, s3;
	s2 =	smin.u32 s2, $0x380;
	[tilespmem:s30+$0x0] =	vst v1  }
0x10b: {  	s1 =	sadd.s32 $0x400, s1;
	v1 =	vld [tilespmem:s31+$0xFFFFFFC0];
	s6 =	sshll.u32 s2, $0x3  }
0x10c: {  	s1 =	sand.u32 $0x6000, s1;
	s4 =	sor.u32 s2, s6  }
0x10d: {  	s9 =	sor.u32 $0x8000, s1;
	s8 =	sand.u32 $0x1C70, s4  }
0x10e: {  	s10 =	sand.u32 $0x380, s7;
	s5 =	sor.u32 s8, s9  }
0x10f: {  	s5 =	sor.u32 s10, s5  }
0x110: {  	s11 =	sadd.s32 $0x10, s2;
	[tilespmem:s5+$0x0] =	vst v1  }
0x111: {  	s12 =	sshll.u32 s11, $0x3;
	v1 =	vld [tilespmem:s31+$0xFFFFFFD0]  }
0x112: {  	s6 =	sand.u32 $0x3C00, s12  }
0x113: {  	s6 =	sadd.s32 s6, s9;
	s5 =	sand.u32 $0x70, s11  }
0x114: {  	s5 =	sor.u32 s5, s6  }
0x115: {  	s5 =	sor.u32 s10, s5  }
0x116: {  	s13 =	sadd.s32 $0x20, s2;
	[tilespmem:s5+$0x0] =	vst v1  }
0x117: {  	s17 =	sshll.u32 s13, $0x3;
	v1 =	vld [tilespmem:s31+$0xFFFFFFE0]  }
0x118: {  	s6 =	sand.u32 $0x3C00, s17  }
0x119: {  	s6 =	sadd.s32 s6, s9;
	s5 =	sand.u32 $0x70, s13  }
0x11a: {  	s5 =	sor.u32 s5, s6  }
0x11b: {  	s5 =	sor.u32 s10, s5  }
0x11c: {  	s18 =	sadd.s32 $0x30, s2;
	[tilespmem:s5+$0x0] =	vst v1  }
0x11d: {  	s19 =	sshll.u32 s18, $0x3;
	v1 =	vld [tilespmem:s31+$0xFFFFFFF0]  }
0x11e: {  	s6 =	sand.u32 $0x3C00, s19  }
0x11f: {  	s6 =	sadd.s32 s6, s9;
	s5 =	sand.u32 $0x70, s18  }
0x120: {  	s5 =	sor.u32 s5, s6  }
0x121: {  	s5 =	sor.u32 s10, s5  }
0x122: {  	s20 =	sadd.s32 $0x40, s2;
	[tilespmem:s5+$0x0] =	vst v1  }
0x123: {  	s21 =	sshll.u32 s20, $0x3;
	v1 =	vld [tilespmem:s31+$0x0]  }
0x124: {  	s6 =	sand.u32 $0x3C00, s21  }
0x125: {  	s6 =	sadd.s32 s6, s9;
	s5 =	sand.u32 $0x70, s20  }
0x126: {  	s5 =	sor.u32 s5, s6  }
0x127: {  	s5 =	sor.u32 s10, s5  }
0x128: {  	s22 =	sadd.s32 $0x50, s2;
	[tilespmem:s5+$0x0] =	vst v1  }
0x129: {  	s23 =	sshll.u32 s22, $0x3;
	v1 =	vld [tilespmem:s31+$0x10]  }
0x12a: {  	s6 =	sand.u32 $0x3C00, s23  }
0x12b: {  	s6 =	sadd.s32 s6, s9;
	s5 =	sand.u32 $0x70, s22  }
0x12c: {  	s5 =	sor.u32 s5, s6  }
0x12d: {  	s5 =	sor.u32 s10, s5  }
0x12e: {  	s24 =	sadd.s32 $0x60, s2;
	[tilespmem:s5+$0x0] =	vst v1  }
0x12f: {  	s25 =	sshll.u32 s24, $0x3;
	v1 =	vld [tilespmem:s31+$0x20]  }
0x130: {  	s6 =	sand.u32 $0x3C00, s25  }
0x131: {  	s6 =	sadd.s32 s6, s9;
	s5 =	sand.u32 $0x70, s24  }
0x132: {  	s5 =	sor.u32 s5, s6  }
0x133: {  	s29 =	simm.s32 $0x8000;
	s2 =	sadd.s32 $0x70, s2;
	s5 =	sor.u32 s10, s5  }
0x134: {  	s30 =	rddreg [dreg:$0x5];
	s28 =	sshll.u32 s2, $0x3;
	s2 =	sand.u32 $0x70, s2;
	[tilespmem:s5+$0x0] =	vst v1  }
0x135: {  	s4 =	simm.s32 $0x1;
	s3 =	sand.u32 $0x3C00, s28;
	v1 =	vld [tilespmem:s31+$0x30];
	s31 =	rddreg [dreg:$0xf]  }
0x136: {  	s3 =	sadd.s32 s3, s9;
	s7 =	sadd.s32 $0x21, s31;
	s8 =	sand.u32 $0xF, s31  }
0x137: {  	s9 =	sshra.s32 s31, $0x1F;
	p5 =	slt.u32 s7, $0x22;
	p6 =	sne.s32 s8, $0x0  }
0x138: {  	s2 =	sor.u32 s2, s3;
	s11 =	sshrl.u32 s9, $0x1C;
	p0 =	por !p5, !p6  }
0x139: {  	s1 =	sor.u32 s10, s2;
	s3 =	sadd.s32 s11, s31;
	p0 =	por !p0, !p0  }
0x13a: {  	s3 =	sshrl.u32 s3, $0x4;
	[tilespmem:s1+$0x0] =	vst v1;
	s1 =	simm.s32 $0x0;
	s4 =	simm.s32 @!p0 $0x0  }
0x13b: {  	[hbm4b:s30+s1] =	stream.linear.scatter [tilespmem:s29], [sflag:$0x1], $0x8000, $0x38;
	[tilespmem:$0x18000] =	vst v63  }
0x13c: {  	s3 =	ssub.s32 s3, s4  }
0x13d: {  	s4 =	sshll.u32 s3, $0x4  }
0x13e: {  	p0 =	sgt.s32 s4, $0x0  }
0x13f: {  	s4 =	simm.s32 @!p0 $0x0  }
0x140: {  	s3 =	simm.s32 $0x1070;
	s6 =	smin.u32 s4, $0x380  }
0x141: {  	v1 =	vld [tilespmem:s3+$0xFFFFFF90];
	s4 =	sshll.u32 s6, $0x3  }
0x142: {  	s2 =	sand.u32 $0xE000, s29;
	s4 =	sor.u32 s6, s4  }
0x143: {  	s5 =	sadd.s32 $0x8000, s2;
	s12 =	sand.u32 $0x1C70, s4  }
0x144: {  	s4 =	sand.u32 $0x380, s1;
	s2 =	sor.u32 s12, s5  }
0x145: {  	s2 =	sor.u32 s4, s2  }
0x146: {  	s13 =	sadd.s32 $0x10, s6;
	[tilespmem:s2+$0x0] =	vst v1  }
0x147: {  	s17 =	sshll.u32 s13, $0x3;
	v1 =	vld [tilespmem:s3+$0xFFFFFFA0]  }
0x148: {  	s7 =	sand.u32 $0x3C00, s17  }
0x149: {  	s7 =	sadd.s32 s7, s5;
	s2 =	sand.u32 $0x70, s13  }
0x14a: {  	s2 =	sor.u32 s2, s7  }
0x14b: {  	s2 =	sor.u32 s4, s2  }
0x14c: {  	s18 =	sadd.s32 $0x20, s6;
	[tilespmem:s2+$0x0] =	vst v1  }
0x14d: {  	s19 =	sshll.u32 s18, $0x3;
	v1 =	vld [tilespmem:s3+$0xFFFFFFB0]  }
0x14e: {  	s7 =	sand.u32 $0x3C00, s19  }
0x14f: {  	s7 =	sadd.s32 s7, s5;
	s2 =	sand.u32 $0x70, s18  }
0x150: {  	s2 =	sor.u32 s2, s7  }
0x151: {  	s2 =	sor.u32 s4, s2  }
0x152: {  	s20 =	sadd.s32 $0x30, s6;
	[tilespmem:s2+$0x0] =	vst v1  }
0x153: {  	s21 =	sshll.u32 s20, $0x3;
	v1 =	vld [tilespmem:s3+$0xFFFFFFC0]  }
0x154: {  	s7 =	sand.u32 $0x3C00, s21  }
0x155: {  	s7 =	sadd.s32 s7, s5;
	s2 =	sand.u32 $0x70, s20  }
0x156: {  	s2 =	sor.u32 s2, s7  }
0x157: {  	s2 =	sor.u32 s4, s2  }
0x158: {  	s22 =	sadd.s32 $0x40, s6;
	[tilespmem:s2+$0x0] =	vst v1  }
0x159: {  	s23 =	sshll.u32 s22, $0x3;
	v1 =	vld [tilespmem:s3+$0xFFFFFFD0]  }
0x15a: {  	s7 =	sand.u32 $0x3C00, s23  }
0x15b: {  	s7 =	sadd.s32 s7, s5;
	s2 =	sand.u32 $0x70, s22  }
0x15c: {  	s2 =	sor.u32 s2, s7  }
0x15d: {  	s2 =	sor.u32 s4, s2  }
0x15e: {  	s24 =	sadd.s32 $0x50, s6;
	[tilespmem:s2+$0x0] =	vst v1  }
0x15f: {  	s25 =	sshll.u32 s24, $0x3;
	v1 =	vld [tilespmem:s3+$0xFFFFFFE0]  }
0x160: {  	s2 =	sand.u32 $0x3C00, s25  }
0x161: {  	s28 =	sand.u32 $0x70, s24;
	s2 =	sadd.s32 s2, s5  }
0x162: {  	s8 =	sadd.s32 $0x1, s31;
	s2 =	sor.u32 s28, s2  }
0x163: {  	s10 =	sadd.s32 $0x21, s8;
	s30 =	sadd.s32 $0x60, s6;
	s29 =	sor.u32 s4, s2  }
0x164: {  	s9 =	simm.s32 $0x8800;
	p1 =	slt.u32 s10, $0x22;
	s31 =	sshll.u32 s30, $0x3;
	[tilespmem:s29+$0x0] =	vst v1  }
0x165: {  	s10 =	sand.u32 $0xF, s8;
	s11 =	sand.u32 $0x70, s30;
	s12 =	sand.u32 $0x3C00, s31;
	v1 =	vld [tilespmem:s3+$0xFFFFFFF0]  }
0x166: {  	s12 =	sadd.s32 s12, s5;
	s7 =	simm.s32 $0x8400;
	s2 =	sshra.s32 s8, $0x1F  }
.LBB2_6:
0x167: {  	p0 =	sne.s32 s9, $0xFC00  }
0x168: {  	p2 =	sne.s32 s10, $0x0;
	s10 =	sor.u32 s11, s12;
	s2 =	sshrl.u32 s2, $0x1C  }
0x169: {  	s6 =	sadd.s32 $0x70, s6;
	p1 =	por !p1, !p2;
	s10 =	sor.u32 s4, s10  }
0x16a: {  	s2 =	sadd.s32 s2, s8;
	p1 =	por !p1, !p1;
	[tilespmem:s10+$0x0] =	vst v1;
	s10 =	simm.s32 $0x1  }
0x16b: {  	s11 =	sshll.u32 s6, $0x3;
	s2 =	sshrl.u32 s2, $0x4;
	s10 =	simm.s32 @!p1 $0x0;
	v1 =	vld [tilespmem:s3+$0x0]  }
0x16c: {  	s2 =	ssub.s32 s2, s10;
	s10 =	sand.u32 $0x3C00, s11  }
0x16d: {  	s6 =	sand.u32 $0x70, s6;
	s2 =	sshll.u32 s2, $0x4;
	s5 =	sadd.s32 s10, s5  }
0x16e: {  	p1 =	sgt.s32 s2, $0x0;
	s5 =	sor.u32 s6, s5  }
0x16f: {  	s2 =	simm.s32 @!p1 $0x0;
	s4 =	sor.u32 s4, s5  }
0x170: {  	s3 =	sadd.s32 $0x80, s3;
	s6 =	smin.u32 s2, $0x380;
	[tilespmem:s4+$0x0] =	vst v1  }
0x171: {  	v1 =	vld [tilespmem:s3+$0xFFFFFF90];
	s2 =	sshll.u32 s6, $0x3  }
0x172: {  	s4 =	sand.u32 $0xE000, s7;
	s7 =	smov.u32 s9;
	s2 =	sor.u32 s6, s2  }
0x173: {  	s1 =	sadd.s32 $0x80, s1;
	s5 =	sadd.s32 $0x8000, s4;
	s2 =	sand.u32 $0x1C70, s2  }
0x174: {  	s4 =	sand.u32 $0x380, s1;
	s2 =	sor.u32 s2, s5  }
0x175: {  	s2 =	sor.u32 s4, s2  }
0x176: {  	[tilespmem:s2+$0x0] =	vst v1;
	s2 =	sadd.s32 $0x10, s6  }
0x177: {  	v1 =	vld [tilespmem:s3+$0xFFFFFFA0];
	s10 =	sshll.u32 s2, $0x3  }
0x178: {  	s10 =	sand.u32 $0x3C00, s10  }
0x179: {  	s2 =	sand.u32 $0x70, s2;
	s10 =	sadd.s32 s10, s5  }
0x17a: {  	s2 =	sor.u32 s2, s10  }
0x17b: {  	s2 =	sor.u32 s4, s2  }
0x17c: {  	[tilespmem:s2+$0x0] =	vst v1;
	s2 =	sadd.s32 $0x20, s6  }
0x17d: {  	v1 =	vld [tilespmem:s3+$0xFFFFFFB0];
	s10 =	sshll.u32 s2, $0x3  }
0x17e: {  	s10 =	sand.u32 $0x3C00, s10  }
0x17f: {  	s2 =	sand.u32 $0x70, s2;
	s10 =	sadd.s32 s10, s5  }
0x180: {  	s2 =	sor.u32 s2, s10  }
0x181: {  	s2 =	sor.u32 s4, s2  }
0x182: {  	[tilespmem:s2+$0x0] =	vst v1;
	s2 =	sadd.s32 $0x30, s6  }
0x183: {  	v1 =	vld [tilespmem:s3+$0xFFFFFFC0];
	s10 =	sshll.u32 s2, $0x3  }
0x184: {  	s10 =	sand.u32 $0x3C00, s10  }
0x185: {  	s2 =	sand.u32 $0x70, s2;
	s10 =	sadd.s32 s10, s5  }
0x186: {  	s2 =	sor.u32 s2, s10  }
0x187: {  	s2 =	sor.u32 s4, s2  }
0x188: {  	[tilespmem:s2+$0x0] =	vst v1;
	s2 =	sadd.s32 $0x40, s6  }
0x189: {  	v1 =	vld [tilespmem:s3+$0xFFFFFFD0];
	s10 =	sshll.u32 s2, $0x3  }
0x18a: {  	s10 =	sand.u32 $0x3C00, s10  }
0x18b: {  	s2 =	sand.u32 $0x70, s2;
	s10 =	sadd.s32 s10, s5  }
0x18c: {  	s2 =	sor.u32 s2, s10  }
0x18d: {  	s2 =	sor.u32 s4, s2  }
0x18e: {  	[tilespmem:s2+$0x0] =	vst v1;
	s2 =	sadd.s32 $0x50, s6  }
0x18f: {  	v1 =	vld [tilespmem:s3+$0xFFFFFFE0];
	s10 =	sshll.u32 s2, $0x3  }
0x190: {  	s10 =	sand.u32 $0x3C00, s10  }
0x191: {  	s2 =	sand.u32 $0x70, s2;
	s10 =	sadd.s32 s10, s5  }
0x192: {  	s2 =	sor.u32 s2, s10  }
.Ltmp2:
0x193: {  	s2 =	sor.u32 s4, s2;
	(pc) =	sbr.rel @p0 .LBB2_6-.Ltmp2, $4  }
0x194: {  	s8 =	sadd.s32 $0x1, s8;
	s11 =	sadd.s32 $0x60, s6;
	[tilespmem:s2+$0x0] =	vst v1  }
0x195: {  	s12 =	sshll.u32 s11, $0x3;
	s10 =	sadd.s32 $0x21, s8;
	s2 =	sshra.s32 s8, $0x1F;
	v1 =	vld [tilespmem:s3+$0xFFFFFFF0]  }
0x196: {  	s12 =	sand.u32 $0x3C00, s12;
	p1 =	slt.u32 s10, $0x22;
	s10 =	sand.u32 $0xF, s8  }
0x197: {  	s9 =	sadd.s32 $0x400, s9;
	s11 =	sand.u32 $0x70, s11;
	s12 =	sadd.s32 s12, s5  }
0x198: {  	p0 =	sne.s32 s10, $0x0;
	s9 =	sor.u32 s11, s12;
	s2 =	sshrl.u32 s2, $0x1C  }
0x199: {  	s6 =	sadd.s32 $0x70, s6;
	p0 =	por !p1, !p0;
	s9 =	sor.u32 s4, s9  }
0x19a: {  	s2 =	sadd.s32 s2, s8;
	s8 =	simm.s32 $0x1;
	p0 =	por !p0, !p0;
	[tilespmem:s9+$0x0] =	vst v1  }
0x19b: {  	s28 =	sshll.u32 s6, $0x3;
	s2 =	sshrl.u32 s2, $0x4;
	s8 =	simm.s32 @!p0 $0x0;
	v1 =	vld [tilespmem:s3+$0x0]  }
0x19c: {  	s29 =	sand.u32 $0x3C00, s28;
	s2 =	ssub.s32 s2, s8  }
0x19d: {  	s6 =	sand.u32 $0x70, s6;
	s5 =	sadd.s32 s29, s5;
	s2 =	sshll.u32 s2, $0x4  }
0x19e: {  	s5 =	sor.u32 s6, s5;
	p0 =	sgt.s32 s2, $0x0  }
0x19f: {  	s30 =	sor.u32 s4, s5;
	s2 =	simm.s32 @!p0 $0x0  }
0x1a0: {  	s31 =	sadd.s32 $0x80, s3;
	s2 =	smin.u32 s2, $0x380;
	[tilespmem:s30+$0x0] =	vst v1  }
0x1a1: {  	v1 =	vld [tilespmem:s31+$0xFFFFFF90];
	s8 =	sshll.u32 s2, $0x3  }
0x1a2: {  	s9 =	sand.u32 $0xE000, s7;
	s4 =	sor.u32 s2, s8  }
0x1a3: {  	s1 =	sadd.s32 $0x80, s1;
	s11 =	sadd.s32 $0x8000, s9;
	s10 =	sand.u32 $0x1C70, s4  }
0x1a4: {  	s1 =	sand.u32 $0x380, s1;
	s5 =	sor.u32 s10, s11  }
0x1a5: {  	s5 =	sor.u32 s1, s5  }
0x1a6: {  	s12 =	sadd.s32 $0x10, s2;
	[tilespmem:s5+$0x0] =	vst v1  }
0x1a7: {  	s13 =	sshll.u32 s12, $0x3;
	v1 =	vld [tilespmem:s31+$0xFFFFFFA0]  }
0x1a8: {  	s6 =	sand.u32 $0x3C00, s13  }
0x1a9: {  	s6 =	sadd.s32 s6, s11;
	s5 =	sand.u32 $0x70, s12  }
0x1aa: {  	s5 =	sor.u32 s5, s6  }
0x1ab: {  	s5 =	sor.u32 s1, s5  }
0x1ac: {  	s17 =	sadd.s32 $0x20, s2;
	[tilespmem:s5+$0x0] =	vst v1  }
0x1ad: {  	s18 =	sshll.u32 s17, $0x3;
	v1 =	vld [tilespmem:s31+$0xFFFFFFB0]  }
0x1ae: {  	s6 =	sand.u32 $0x3C00, s18  }
0x1af: {  	s6 =	sadd.s32 s6, s11;
	s5 =	sand.u32 $0x70, s17  }
0x1b0: {  	s5 =	sor.u32 s5, s6  }
0x1b1: {  	s5 =	sor.u32 s1, s5  }
0x1b2: {  	s19 =	sadd.s32 $0x30, s2;
	[tilespmem:s5+$0x0] =	vst v1  }
0x1b3: {  	s20 =	sshll.u32 s19, $0x3;
	v1 =	vld [tilespmem:s31+$0xFFFFFFC0]  }
0x1b4: {  	s6 =	sand.u32 $0x3C00, s20  }
0x1b5: {  	s6 =	sadd.s32 s6, s11;
	s5 =	sand.u32 $0x70, s19  }
0x1b6: {  	s5 =	sor.u32 s5, s6  }
0x1b7: {  	s5 =	sor.u32 s1, s5  }
0x1b8: {  	s21 =	sadd.s32 $0x40, s2;
	[tilespmem:s5+$0x0] =	vst v1  }
0x1b9: {  	s22 =	sshll.u32 s21, $0x3;
	v1 =	vld [tilespmem:s31+$0xFFFFFFD0]  }
0x1ba: {  	s6 =	sand.u32 $0x3C00, s22  }
0x1bb: {  	s6 =	sadd.s32 s6, s11;
	s5 =	sand.u32 $0x70, s21  }
0x1bc: {  	s5 =	sor.u32 s5, s6  }
0x1bd: {  	s5 =	sor.u32 s1, s5  }
0x1be: {  	s23 =	sadd.s32 $0x50, s2;
	[tilespmem:s5+$0x0] =	vst v1  }
0x1bf: {  	s24 =	sshll.u32 s23, $0x3;
	v1 =	vld [tilespmem:s31+$0xFFFFFFE0]  }
0x1c0: {  	s6 =	sand.u32 $0x3C00, s24  }
0x1c1: {  	s6 =	sadd.s32 s6, s11;
	s5 =	sand.u32 $0x70, s23  }
0x1c2: {  	s5 =	sor.u32 s5, s6  }
0x1c3: {  	s5 =	sor.u32 s1, s5  }
0x1c4: {  	s25 =	sadd.s32 $0x60, s2;
	[tilespmem:s5+$0x0] =	vst v1  }
0x1c5: {  	s28 =	sshll.u32 s25, $0x3;
	v1 =	vld [tilespmem:s31+$0xFFFFFFF0]  }
0x1c6: {  	s2 =	sadd.s32 $0x70, s2;
	s6 =	sand.u32 $0x3C00, s28  }
0x1c7: {  	s29 =	sshll.u32 s2, $0x3;
	s6 =	sadd.s32 s6, s11;
	s5 =	sand.u32 $0x70, s25  }
0x1c8: {  	s30 =	rddreg [dreg:$0x6];
	s3 =	sand.u32 $0x3C00, s29;
	s5 =	sor.u32 s5, s6  }
0x1c9: {  	s2 =	sand.u32 $0x70, s2;
	s3 =	sadd.s32 s3, s11;
	s5 =	sor.u32 s1, s5  }
0x1ca: {  	s13 =	simm.s32 $0x0;
	s4 =	simm.s32 $0x80;
	s2 =	sor.u32 s2, s3;
	[tilespmem:s5+$0x0] =	vst v1  }
0x1cb: {  	s3 =	simm.s32 $0x400;
	s1 =	sor.u32 s1, s2;
	v1 =	vld [tilespmem:s31+$0x0];
	s31 =	smin.u32 s0, $0x380  }
0x1cc: {  	s5 =	sadd.s32 $0x1, s14;
	s0 =	sand.u32 $0x6000, s13;
	s20 =	sshll.u32 s31, $0x3  }
0x1cd: {  	s6 =	sor.u32 $0x8000, s0;
	s21 =	sadd.s32 $0x20, s31;
	s14 =	sadd.s32 $0x30, s31  }
0x1ce: {  	s8 =	sadd.s32 $0x70, s31;
	s22 =	sadd.s32 $0x10, s31;
	s17 =	sadd.s32 $0x50, s31  }
0x1cf: {  	s29 =	sadd.s32 $0x40, s31;
	s2 =	sor.u32 s31, s20;
	s7 =	sand.u32 $0x70, s8  }
0x1d0: {  	s24 =	sshll.u32 s14, $0x3;
	s25 =	sshll.u32 s21, $0x3;
	s19 =	sshll.u32 s22, $0x3  }
0x1d1: {  	s20 =	sshll.u32 s17, $0x3;
	s28 =	sand.u32 $0x70, s22;
	s12 =	sand.u32 $0x70, s29  }
0x1d2: {  	s14 =	sand.u32 $0x70, s14;
	s2 =	sand.u32 $0x1C70, s2;
	s9 =	sand.u32 $0x3C00, s25  }
0x1d3: {  	s19 =	sand.u32 $0x3C00, s19;
	s10 =	sand.u32 $0x3C00, s20;
	s23 =	sor.u32 s2, s6  }
0x1d4: {  	s2 =	sadd.s32 $0x60, s31;
	s11 =	sadd.s32 s9, s6;
	s9 =	sand.u32 $0x70, s17  }
0x1d5: {  	s17 =	sshll.u32 s29, $0x3;
	[tilespmem:s1+$0x0] =	vst v1;
	s1 =	sand.u32 $0x380, s13;
	s31 =	sshll.u32 s2, $0x3  }
0x1d6: {  	[hbm4b:s30+s13] =	stream.linear.scatter [tilespmem:s16], [sflag:$0x2], $0x8000, $0x38;
	[tilespmem:$0x18000] =	vst v63  }
0x1d7: {  	s18 =	sor.u32 s1, s23;
	s16 =	sand.u32 $0x3C00, s24;
	_ =	swait.ge [sflag:s15], $0x8000  }
0x1d8: {  	s30 =	sadd.s32 s19, s6;
	s16 =	sadd.s32 s16, s6;
	[sflag:s15] =	ssyncset.done $0x0  }
0x1d9: {  	[sflag:s15] =	ssyncadd.s32 $0xFFFF8000;
	s15 =	sand.u32 $0x70, s21;
	s21 =	sor.u32 s28, s30  }
0x1da: {  	s16 =	sor.u32 s14, s16;
	s14 =	sand.u32 $0x3C00, s31;
	[tilespmem:s18+$0x0] =	vst v0;
	s18 =	sor.u32 s1, s21  }
.LBB2_8:
0x1db: {  	s11 =	sor.u32 s15, s11;
	s15 =	sand.u32 $0x3C00, s17;
	s8 =	sshll.u32 s8, $0x3  }
0x1dc: {  	[tilespmem:s18+$0x0] =	vst v0;
	s17 =	smov.u32 s3;
	s18 =	smov.u32 s4;
	s16 =	sor.u32 s1, s16  }
0x1dd: {  	s10 =	sadd.s32 s10, s6;
	s11 =	sor.u32 s1, s11;
	s8 =	sand.u32 $0x3C00, s8  }
0x1de: {  	s2 =	sand.u32 $0x70, s2;
	[tilespmem:s11+$0x0] =	vst v0;
	s11 =	sadd.s32 s15, s6;
	s8 =	sadd.s32 s8, s6  }
0x1df: {  	s9 =	sor.u32 s9, s10;
	s10 =	sshra.s32 s5, $0x1F;
	[tilespmem:s16+$0x0] =	vst v0;
	s11 =	sor.u32 s12, s11  }
0x1e0: {  	s6 =	sadd.s32 s14, s6;
	s14 =	sand.u32 $0xF, s5;
	s11 =	sor.u32 s1, s11  }
0x1e1: {  	s12 =	sadd.s32 $0x21, s5;
	s7 =	sor.u32 s7, s8;
	p1 =	sne.s32 s14, $0x0;
	[tilespmem:s11+$0x0] =	vst v0  }
0x1e2: {  	s2 =	sor.u32 s2, s6;
	s6 =	sshrl.u32 s10, $0x1C;
	p0 =	slt.u32 s12, $0x22  }
0x1e3: {  	s8 =	sor.u32 s1, s9;
	s6 =	sadd.s32 s6, s5;
	p0 =	por !p0, !p1  }
0x1e4: {  	s2 =	sor.u32 s1, s2;
	p0 =	por !p0, !p0;
	[tilespmem:s8+$0x0] =	vst v0;
	s8 =	simm.s32 $0x1  }
0x1e5: {  	s1 =	sor.u32 s1, s7;
	s6 =	sshrl.u32 s6, $0x4;
	s8 =	simm.s32 @!p0 $0x0;
	[tilespmem:s2+$0x0] =	vst v0  }
0x1e6: {  	p0 =	sne.s32 s3, $0x7C00;
	s3 =	sadd.s32 $0x400, s3;
	s2 =	ssub.s32 s6, s8;
	[tilespmem:s1+$0x0] =	vst v0  }
0x1e7: {  	s1 =	sshll.u32 s2, $0x4  }
0x1e8: {  	s4 =	sadd.s32 $0x80, s4;
	p1 =	sgt.s32 s1, $0x0  }
0x1e9: {  	s5 =	sadd.s32 $0x1, s5;
	s2 =	sand.u32 $0x6000, s17;
	s1 =	simm.s32 @!p1 $0x0  }
0x1ea: {  	s6 =	sor.u32 $0x8000, s2;
	s12 =	smin.u32 s1, $0x380;
	s1 =	sand.u32 $0x380, s18  }
0x1eb: {  	s7 =	sshll.u32 s12, $0x3;
	s10 =	sadd.s32 $0x20, s12;
	s14 =	sadd.s32 $0x30, s12  }
0x1ec: {  	s8 =	sadd.s32 $0x70, s12;
	s15 =	sadd.s32 $0x10, s12;
	s2 =	sor.u32 s12, s7  }
0x1ed: {  	s17 =	sadd.s32 $0x50, s12;
	s7 =	sand.u32 $0x70, s8;
	s2 =	sand.u32 $0x1C70, s2  }
0x1ee: {  	s16 =	sshll.u32 s14, $0x3;
	s9 =	sor.u32 s2, s6;
	s2 =	sadd.s32 $0x60, s12  }
0x1ef: {  	s11 =	sshll.u32 s10, $0x3;
	s18 =	sshll.u32 s15, $0x3;
	s9 =	sor.u32 s1, s9  }
0x1f0: {  	s19 =	sshll.u32 s17, $0x3;
	s16 =	sand.u32 $0x3C00, s16;
	[tilespmem:s9+$0x0] =	vst v0;
	s9 =	sand.u32 $0x3C00, s11  }
0x1f1: {  	s11 =	sadd.s32 s9, s6;
	s9 =	sand.u32 $0x70, s17;
	s17 =	sand.u32 $0x70, s15  }
.Ltmp3:
0x1f2: {  	s15 =	sand.u32 $0x70, s10;
	s10 =	sand.u32 $0x3C00, s19;
	(pc) =	sbr.rel @p0 .LBB2_8-.Ltmp3, $4  }
0x1f3: {  	s18 =	sand.u32 $0x3C00, s18;
	s20 =	sshll.u32 s2, $0x3;
	s19 =	sadd.s32 $0x40, s12  }
0x1f4: {  	s18 =	sadd.s32 s18, s6;
	s16 =	sadd.s32 s16, s6;
	s12 =	sand.u32 $0x70, s19  }
0x1f5: {  	s14 =	sand.u32 $0x70, s14;
	s18 =	sor.u32 s17, s18;
	s17 =	sshll.u32 s19, $0x3  }
0x1f6: {  	s16 =	sor.u32 s14, s16;
	s14 =	sand.u32 $0x3C00, s20;
	s18 =	sor.u32 s1, s18  }
0x1f7: {  	s3 =	sor.u32 s15, s11  }
0x1f8: {  	s4 =	sand.u32 $0x3C00, s17;
	s5 =	sshll.u32 s8, $0x3;
	s20 =	sor.u32 s1, s16  }
0x1f9: {  	[tilespmem:s18+$0x0] =	vst v0;
	s10 =	sadd.s32 s10, s6;
	s3 =	sor.u32 s1, s3;
	s4 =	sadd.s32 s4, s6  }
0x1fa: {  	s2 =	sand.u32 $0x70, s2;
	s23 =	sadd.s32 s14, s6;
	[tilespmem:s3+$0x0] =	vst v0;
	s21 =	sor.u32 s12, s4  }
0x1fb: {  	s5 =	sand.u32 $0x3C00, s5;
	s22 =	sor.u32 s9, s10;
	[tilespmem:s20+$0x0] =	vst v0;
	s3 =	sor.u32 s1, s21  }
0x1fc: {  	s2 =	sor.u32 s2, s23;
	s5 =	sadd.s32 s5, s6;
	s24 =	sor.u32 s1, s22;
	[tilespmem:s3+$0x0] =	vst v0  }
0x1fd: {  	s2 =	sor.u32 s1, s2;
	s25 =	sor.u32 s7, s5;
	[tilespmem:s24+$0x0] =	vst v0  }
0x1fe: {  	s28 =	sor.u32 s1, s25;
	[tilespmem:s2+$0x0] =	vst v0  }
0x1ff: {  	s23 =	simm.s32 $0x2070;
	s21 =	rddreg [dreg:$0x10];
	[tilespmem:s28+$0x0] =	vst v0  }
0x200: {  	s29 =	sshll.u32 s21, $0x3;
	v1 =	vld [tilespmem:s23+$0xFFFFFF90]  }
0x201: {  	s30 =	sand.u32 $0x30, s21;
	s1 =	sand.u32 $0x1800, s29  }
0x202: {  	s1 =	sor.u32 s30, s1;
	s2 =	sor.u32 $0x8000, s0  }
0x203: {  	s14 =	sand.u32 $0x380, s13;
	s0 =	sor.u32 s1, s2  }
0x204: {  	s31 =	sand.u32 $0x330, s21;
	s0 =	sor.u32 s14, s0  }
0x205: {  	s11 =	sadd.s32 $0x10, s31;
	[tilespmem:s0+$0x0] =	vst v1  }
0x206: {  	s12 =	sshll.u32 s11, $0x3;
	v1 =	vld [tilespmem:s23+$0xFFFFFFA0]  }
0x207: {  	s5 =	sand.u32 $0x1800, s12  }
0x208: {  	s3 =	sand.u32 $0x70, s11;
	s15 =	sor.u32 s5, s2  }
0x209: {  	s6 =	sor.u32 s3, s15  }
0x20a: {  	s6 =	sor.u32 s14, s6  }
0x20b: {  	s16 =	sadd.s32 $0x20, s31;
	[tilespmem:s6+$0x0] =	vst v1  }
0x20c: {  	s17 =	sshll.u32 s16, $0x3;
	v1 =	vld [tilespmem:s23+$0xFFFFFFB0]  }
0x20d: {  	s8 =	sand.u32 $0x1800, s17  }
0x20e: {  	s18 =	sor.u32 s8, s2;
	s6 =	sand.u32 $0x70, s16  }
0x20f: {  	s7 =	sor.u32 s6, s18  }
0x210: {  	s7 =	sor.u32 s14, s7  }
0x211: {  	s19 =	sadd.s32 $0x30, s31;
	[tilespmem:s7+$0x0] =	vst v1  }
0x212: {  	s20 =	sshll.u32 s19, $0x3;
	v1 =	vld [tilespmem:s23+$0xFFFFFFC0]  }
0x213: {  	s10 =	sand.u32 $0x1800, s20  }
0x214: {  	s9 =	sand.u32 $0x70, s19;
	s7 =	sor.u32 s10, s2  }
0x215: {  	s7 =	sor.u32 s9, s7  }
0x216: {  	s7 =	sor.u32 s14, s7  }
0x217: {  	[tilespmem:s7+$0x0] =	vst v1  }
0x218: {  	v1 =	vld [tilespmem:s23+$0xFFFFFFD0];
	_ =	sdelay $0x4  }
0x219: {  	s22 =	sadd.s32 $0x50, s31;
	[tilespmem:s0+$0x40] =	vst v1  }
0x21a: {  	s24 =	sshll.u32 s22, $0x3;
	v1 =	vld [tilespmem:s23+$0xFFFFFFE0]  }
0x21b: {  	s12 =	sand.u32 $0x1C00, s24  }
0x21c: {  	s11 =	sand.u32 $0x70, s22;
	s0 =	sor.u32 s12, s2  }
0x21d: {  	s0 =	sor.u32 s11, s0  }
0x21e: {  	s0 =	sor.u32 s14, s0  }
0x21f: {  	s25 =	sadd.s32 $0x60, s31;
	[tilespmem:s0+$0x0] =	vst v1  }
0x220: {  	s28 =	sshll.u32 s25, $0x3;
	v1 =	vld [tilespmem:s23+$0xFFFFFFF0]  }
0x221: {  	s7 =	sand.u32 $0x1C00, s28;
	s0 =	sadd.s32 $0x70, s31  }
0x222: {  	s4 =	sand.u32 $0x70, s25;
	s30 =	sor.u32 s7, s2;
	s29 =	sshll.u32 s0, $0x3  }
0x223: {  	s15 =	sor.u32 s4, s30;
	s16 =	sand.u32 $0x1C00, s29  }
0x224: {  	s15 =	sor.u32 s14, s15;
	s31 =	sand.u32 $0x70, s0;
	s2 =	sor.u32 s16, s2  }
0x225: {  	s2 =	sor.u32 s31, s2;
	[tilespmem:s15+$0x0] =	vst v1  }
0x226: {  	s17 =	simm.s32 $0x400;
	s14 =	sor.u32 s14, s2;
	v1 =	vld [tilespmem:s23+$0x0]  }
.LBB2_10:
0x227: {  	_ =	sdelay $0x2  }
0x228: {  	s13 =	sadd.s32 $0x80, s13  }
0x229: {  	s21 =	sadd.s32 $0x1, s21;
	s23 =	sadd.s32 $0x80, s23;
	s2 =	smov.u32 s17;
	[tilespmem:s14+$0x0] =	vst v1  }
0x22a: {  	p0 =	sne.s32 s17, $0x7C00;
	s17 =	sadd.s32 $0x400, s17;
	s14 =	sshll.u32 s21, $0x3;
	v1 =	vld [tilespmem:s23+$0xFFFFFF90]  }
0x22b: {  	s15 =	sand.u32 $0x30, s21;
	s2 =	sand.u32 $0x6000, s2;
	s14 =	sand.u32 $0x1800, s14  }
0x22c: {  	s16 =	sor.u32 $0x8000, s2;
	s14 =	sor.u32 s15, s14  }
0x22d: {  	s15 =	sand.u32 $0x380, s13;
	s2 =	sor.u32 s14, s16  }
0x22e: {  	s14 =	sand.u32 $0x330, s21;
	s2 =	sor.u32 s15, s2  }
0x22f: {  	s18 =	sadd.s32 $0x10, s14;
	s19 =	sadd.s32 $0x20, s14;
	s20 =	sadd.s32 $0x30, s14;
	[tilespmem:s2+$0x0] =	vst v1  }
0x230: {  	s22 =	sshll.u32 s18, $0x3;
	s24 =	sand.u32 $0x70, s19;
	s19 =	sshll.u32 s19, $0x3;
	v1 =	vld [tilespmem:s23+$0xFFFFFFA0]  }
0x231: {  	s25 =	sshll.u32 s20, $0x3;
	s22 =	sand.u32 $0x1800, s22;
	s19 =	sand.u32 $0x1800, s19  }
0x232: {  	s18 =	sand.u32 $0x70, s18;
	s25 =	sand.u32 $0x1800, s25;
	s22 =	sor.u32 s22, s16  }
0x233: {  	s19 =	sor.u32 s19, s16;
	s18 =	sor.u32 s18, s22;
	s22 =	sadd.s32 $0x50, s14  }
0x234: {  	s20 =	sand.u32 $0x70, s20;
	s25 =	sor.u32 s25, s16;
	s18 =	sor.u32 s15, s18  }
0x235: {  	[tilespmem:s18+$0x0] =	vst v1;
	s18 =	sor.u32 s24, s19;
	s19 =	sor.u32 s20, s25;
	s20 =	sshll.u32 s22, $0x3  }
0x236: {  	v1 =	vld [tilespmem:s23+$0xFFFFFFB0];
	s18 =	sor.u32 s15, s18;
	s19 =	sor.u32 s15, s19;
	s20 =	sand.u32 $0x1C00, s20  }
0x237: {  	s22 =	sand.u32 $0x70, s22;
	s24 =	sadd.s32 $0x60, s14;
	s20 =	sor.u32 s20, s16  }
0x238: {  	s14 =	sadd.s32 $0x70, s14;
	s20 =	sor.u32 s22, s20;
	s22 =	sshll.u32 s24, $0x3  }
0x239: {  	s25 =	sshll.u32 s14, $0x3;
	s20 =	sor.u32 s15, s20;
	s22 =	sand.u32 $0x1C00, s22  }
0x23a: {  	s25 =	sand.u32 $0x1C00, s25;
	s24 =	sand.u32 $0x70, s24;
	s22 =	sor.u32 s22, s16  }
0x23b: {  	s14 =	sand.u32 $0x70, s14;
	s16 =	sor.u32 s25, s16;
	[tilespmem:s18+$0x0] =	vst v1;
	s18 =	sor.u32 s24, s22  }
0x23c: {  	s14 =	sor.u32 s14, s16;
	v1 =	vld [tilespmem:s23+$0xFFFFFFC0];
	s18 =	sor.u32 s15, s18  }
0x23d: {  	s14 =	sor.u32 s15, s14;
	_ =	sdelay $0x3  }
0x23e: {  	[tilespmem:s19+$0x0] =	vst v1  }
0x23f: {  	v1 =	vld [tilespmem:s23+$0xFFFFFFD0];
	_ =	sdelay $0x4  }
0x240: {  	[tilespmem:s2+$0x40] =	vst v1  }
0x241: {  	v1 =	vld [tilespmem:s23+$0xFFFFFFE0];
	_ =	sdelay $0x4  }
0x242: {  	[tilespmem:s20+$0x0] =	vst v1  }
0x243: {  	v1 =	vld [tilespmem:s23+$0xFFFFFFF0];
	_ =	sdelay $0x1  }
.Ltmp4:
0x244: {  	(pc) =	sbr.rel @p0 .LBB2_10-.Ltmp4, $3  }
0x245: {  	_ =	sdelay $0x1  }
0x246: {  	[tilespmem:s18+$0x0] =	vst v1  }
0x247: {  	v1 =	vld [tilespmem:s23+$0x0]  }
0x248: {  	_ =	sdelay $0x3  }
0x249: {  	s13 =	simm.s32 $0x0;
	s2 =	simm.s32 $0x8000;
	s17 =	rddreg [dreg:$0x7];
	[tilespmem:s14+$0x0] =	vst v1  }
0x24a: {  	[hbm4b:s17+s13] =	stream.linear.scatter [tilespmem:s2], [sflag:$0x1], $0x8000, $0x38;
	[tilespmem:$0x18000] =	vst v63  }
0x24b: {  	s17 =	rddreg [dreg:$0x11]  }
0x24c: {  	s18 =	sadd.s32 $0xFFFFFFDF, s17  }
0x24d: {  	s15 =	sand.u32 $0xF, s18  }
0x24e: {  	p0 =	slt.u32 s17, $0x22;
	s16 =	sshra.s32 s18, $0x1F;
	p1 =	sne.s32 s15, $0x0  }
0x24f: {  	s19 =	sshrl.u32 s16, $0x1C;
	p0 =	por !p0, !p1  }
0x250: {  	s15 =	simm.s32 $0x1;
	s14 =	sadd.s32 s19, s18;
	p0 =	por !p0, !p0  }
0x251: {  	s14 =	sshrl.u32 s14, $0x4;
	s15 =	simm.s32 @!p0 $0x0  }
0x252: {  	s14 =	ssub.s32 s14, s15  }
0x253: {  	s24 =	simm.s32 $0x8400;
	s30 =	simm.s32 $0x80;
	s14 =	sshll.u32 s14, $0x4  }
0x254: {  	s23 =	sand.u32 $0x380, s13;
	s2 =	sand.u32 $0xE000, s2;
	p0 =	sgt.s32 s14, $0x0  }
0x255: {  	_ =	swait.ge [sflag:s26], $0x8000;
	s31 =	sadd.s32 $0x1, s17;
	s14 =	simm.s32 @!p0 $0x0  }
0x256: {  	s17 =	sadd.s32 $0x8000, s2;
	[sflag:s26] =	ssyncset.done $0x0;
	s15 =	smin.u32 s14, $0x380  }
0x257: {  	[sflag:s26] =	ssyncadd.s32 $0xFFFF8000;
	s14 =	sshll.u32 s15, $0x3;
	s20 =	sadd.s32 $0x10, s15  }
0x258: {  	s18 =	sadd.s32 $0x70, s15;
	s16 =	sadd.s32 $0x60, s15;
	s22 =	sor.u32 s15, s14  }
0x259: {  	s25 =	sshll.u32 s20, $0x3;
	s21 =	sand.u32 $0x70, s18;
	s26 =	sand.u32 $0x70, s20  }
0x25a: {  	s20 =	sadd.s32 $0x30, s15;
	s2 =	sand.u32 $0x1C70, s22;
	s14 =	sand.u32 $0x3C00, s25  }
0x25b: {  	s22 =	sshll.u32 s20, $0x3;
	s25 =	sadd.s32 $0x40, s15;
	s20 =	sand.u32 $0x70, s20  }
0x25c: {  	s19 =	sor.u32 s2, s17;
	s14 =	sadd.s32 s14, s17;
	s2 =	sshll.u32 s18, $0x3  }
0x25d: {  	s22 =	sand.u32 $0x3C00, s22;
	s29 =	sshll.u32 s25, $0x3;
	s18 =	sor.u32 s23, s19  }
0x25e: {  	s19 =	sor.u32 s26, s14;
	s14 =	sadd.s32 $0x50, s15;
	s22 =	sadd.s32 s22, s17  }
0x25f: {  	s15 =	sadd.s32 $0x20, s15;
	s26 =	sand.u32 $0x3C00, s29;
	s28 =	sor.u32 s20, s22  }
0x260: {  	s20 =	sand.u32 $0x70, s15;
	s19 =	sor.u32 s23, s19;
	s22 =	sadd.s32 s26, s17  }
0x261: {  	[tilespmem:s18+$0x0] =	vst v0;
	s29 =	sshll.u32 s15, $0x3;
	s18 =	sshll.u32 s14, $0x3;
	s26 =	sshll.u32 s16, $0x3  }
0x262: {  	s15 =	sor.u32 s23, s28;
	s28 =	sand.u32 $0x70, s25;
	[tilespmem:s19+$0x0] =	vst v0;
	s19 =	sand.u32 $0x3C00, s29  }
.LBB2_12:
0x263: {  	s19 =	sadd.s32 s19, s17;
	s14 =	sand.u32 $0x70, s14;
	s16 =	sand.u32 $0x70, s16  }
0x264: {  	s25 =	smov.u32 s24;
	s29 =	smov.u32 s30;
	s18 =	sand.u32 $0x3C00, s18  }
0x265: {  	s2 =	sand.u32 $0x3C00, s2;
	p0 =	slt.u32 s31, $0x22;
	s19 =	sor.u32 s20, s19  }
0x266: {  	s20 =	sor.u32 s28, s22;
	s18 =	sadd.s32 s18, s17;
	s2 =	sadd.s32 s2, s17  }
0x267: {  	s19 =	sor.u32 s23, s19;
	s20 =	sor.u32 s23, s20;
	s14 =	sor.u32 s14, s18  }
0x268: {  	s22 =	sand.u32 $0x3C00, s26;
	s18 =	sadd.s32 $0xFFFFFFDF, s31;
	s14 =	sor.u32 s23, s14  }
0x269: {  	s17 =	sadd.s32 s22, s17;
	s26 =	sshra.s32 s18, $0x1F;
	s28 =	sand.u32 $0xF, s18  }
0x26a: {  	s2 =	sor.u32 s21, s2;
	s22 =	sshrl.u32 s26, $0x1C;
	p1 =	sne.s32 s28, $0x0;
	[tilespmem:s19+$0x0] =	vst v0  }
0x26b: {  	s16 =	sor.u32 s16, s17;
	s18 =	sadd.s32 s22, s18;
	p0 =	por !p0, !p1;
	[tilespmem:s15+$0x0] =	vst v0  }
0x26c: {  	s17 =	simm.s32 $0x1;
	p0 =	por !p0, !p0;
	s15 =	sshrl.u32 s18, $0x4;
	[tilespmem:s20+$0x0] =	vst v0  }
0x26d: {  	s17 =	simm.s32 @!p0 $0x0;
	p0 =	sne.s32 s24, $0xFC00;
	[tilespmem:s14+$0x0] =	vst v0;
	s14 =	sor.u32 s23, s16  }
0x26e: {  	s2 =	sor.u32 s23, s2;
	s24 =	sadd.s32 $0x400, s24;
	s15 =	ssub.s32 s15, s17;
	[tilespmem:s14+$0x0] =	vst v0  }
0x26f: {  	s14 =	sshll.u32 s15, $0x4;
	[tilespmem:s2+$0x0] =	vst v0  }
0x270: {  	s30 =	sadd.s32 $0x80, s30;
	p1 =	sgt.s32 s14, $0x0  }
0x271: {  	s31 =	sadd.s32 $0x1, s31;
	s2 =	sand.u32 $0xE000, s25;
	s14 =	simm.s32 @!p1 $0x0  }
0x272: {  	s23 =	sand.u32 $0x380, s29;
	s17 =	sadd.s32 $0x8000, s2;
	s15 =	smin.u32 s14, $0x380  }
0x273: {  	s14 =	sshll.u32 s15, $0x3;
	s16 =	sadd.s32 $0x10, s15;
	s18 =	sadd.s32 $0x70, s15  }
0x274: {  	s25 =	sadd.s32 $0x40, s15;
	s2 =	sor.u32 s15, s14;
	s14 =	sshll.u32 s16, $0x3  }
0x275: {  	s21 =	sand.u32 $0x70, s18;
	s2 =	sand.u32 $0x1C70, s2;
	s14 =	sand.u32 $0x3C00, s14  }
0x276: {  	s19 =	sor.u32 s2, s17;
	s14 =	sadd.s32 s14, s17;
	s2 =	sshll.u32 s18, $0x3  }
0x277: {  	s18 =	sor.u32 s23, s19;
	s19 =	sand.u32 $0x70, s16;
	s16 =	sadd.s32 $0x60, s15  }
0x278: {  	[tilespmem:s18+$0x0] =	vst v0;
	s18 =	sor.u32 s19, s14;
	s19 =	sadd.s32 $0x30, s15;
	s14 =	sadd.s32 $0x50, s15  }
0x279: {  	s26 =	sshll.u32 s25, $0x3;
	s22 =	sand.u32 $0x70, s19;
	s19 =	sshll.u32 s19, $0x3  }
.Ltmp5:
0x27a: {  	s15 =	sadd.s32 $0x20, s15;
	s19 =	sand.u32 $0x3C00, s19;
	(pc) =	sbr.rel @p0 .LBB2_12-.Ltmp5, $4  }
0x27b: {  	s26 =	sand.u32 $0x3C00, s26;
	s20 =	sand.u32 $0x70, s15;
	s19 =	sadd.s32 s19, s17  }
0x27c: {  	s18 =	sor.u32 s23, s18;
	s19 =	sor.u32 s22, s19;
	s22 =	sadd.s32 s26, s17  }
0x27d: {  	s28 =	sand.u32 $0x70, s25;
	[tilespmem:s18+$0x0] =	vst v0;
	s18 =	sshll.u32 s15, $0x3;
	s15 =	sor.u32 s23, s19  }
0x27e: {  	s26 =	sshll.u32 s16, $0x3;
	s19 =	sand.u32 $0x3C00, s18;
	s18 =	sshll.u32 s14, $0x3  }
0x27f: {  	s19 =	sadd.s32 s19, s17  }
0x280: {  	s14 =	sand.u32 $0x70, s14;
	s16 =	sand.u32 $0x70, s16;
	s19 =	sor.u32 s20, s19  }
0x281: {  	s18 =	sand.u32 $0x3C00, s18;
	s2 =	sand.u32 $0x3C00, s2;
	s19 =	sor.u32 s23, s19  }
0x282: {  	s29 =	sor.u32 s28, s22;
	s30 =	sand.u32 $0x3C00, s26;
	s18 =	sadd.s32 s18, s17;
	[tilespmem:s19+$0x0] =	vst v0  }
0x283: {  	s31 =	sor.u32 s23, s29;
	s20 =	sadd.s32 s30, s17;
	s14 =	sor.u32 s14, s18;
	[tilespmem:s15+$0x0] =	vst v0  }
0x284: {  	s2 =	sadd.s32 s2, s17;
	s22 =	sor.u32 s16, s20;
	s14 =	sor.u32 s23, s14;
	[tilespmem:s31+$0x0] =	vst v0  }
0x285: {  	s2 =	sor.u32 s21, s2;
	s24 =	sor.u32 s23, s22;
	[tilespmem:s14+$0x0] =	vst v0  }
0x286: {  	s2 =	sor.u32 s23, s2;
	[tilespmem:s24+$0x0] =	vst v0  }
0x287: {  	s19 =	rddreg [dreg:$0x12];
	[tilespmem:s2+$0x0] =	vst v0;
	s2 =	simm.s32 $0x3070  }
0x288: {  	s25 =	sshll.u32 s19, $0x3;
	v1 =	vld [tilespmem:s2+$0xFFFFFF90]  }
0x289: {  	s26 =	sand.u32 $0x70, s19;
	s14 =	sand.u32 $0x1800, s25  }
0x28a: {  	s28 =	sand.u32 $0x6000, s13;
	s14 =	sor.u32 s26, s14  }
0x28b: {  	s15 =	sand.u32 $0x380, s13;
	s14 =	sor.u32 s28, s14  }
0x28c: {  	s17 =	sand.u32 $0x370, s19;
	s14 =	sor.u32 s15, s14  }
0x28d: {  	s29 =	sadd.s32 $0x10, s17;
	[tilespmem:s14+$0x10000] =	vst v1  }
0x28e: {  	s30 =	sshll.u32 s29, $0x3;
	v1 =	vld [tilespmem:s2+$0xFFFFFFA0]  }
0x28f: {  	s16 =	sor.u32 $0x10000, s28;
	s18 =	sand.u32 $0x1C00, s30  }
0x290: {  	s18 =	sor.u32 s18, s16;
	s14 =	sand.u32 $0x70, s29  }
0x291: {  	s14 =	sor.u32 s14, s18  }
0x292: {  	s14 =	sor.u32 s15, s14  }
0x293: {  	s31 =	sadd.s32 $0x20, s17;
	[tilespmem:s14+$0x0] =	vst v1  }
0x294: {  	s20 =	sshll.u32 s31, $0x3;
	v1 =	vld [tilespmem:s2+$0xFFFFFFB0]  }
0x295: {  	s18 =	sand.u32 $0x1C00, s20  }
0x296: {  	s18 =	sor.u32 s18, s16;
	s14 =	sand.u32 $0x70, s31  }
0x297: {  	s14 =	sor.u32 s14, s18  }
0x298: {  	s14 =	sor.u32 s15, s14  }
0x299: {  	s21 =	sadd.s32 $0x30, s17;
	[tilespmem:s14+$0x0] =	vst v1  }
0x29a: {  	s22 =	sshll.u32 s21, $0x3;
	v1 =	vld [tilespmem:s2+$0xFFFFFFC0]  }
0x29b: {  	s18 =	sand.u32 $0x1C00, s22  }
0x29c: {  	s18 =	sor.u32 s18, s16;
	s14 =	sand.u32 $0x70, s21  }
0x29d: {  	s14 =	sor.u32 s14, s18  }
0x29e: {  	s14 =	sor.u32 s15, s14  }
0x29f: {  	s23 =	sadd.s32 $0x40, s17;
	[tilespmem:s14+$0x0] =	vst v1  }
0x2a0: {  	s24 =	sshll.u32 s23, $0x3;
	v1 =	vld [tilespmem:s2+$0xFFFFFFD0]  }
0x2a1: {  	s18 =	sand.u32 $0x1C00, s24  }
0x2a2: {  	s18 =	sor.u32 s18, s16;
	s14 =	sand.u32 $0x70, s23  }
0x2a3: {  	s14 =	sor.u32 s14, s18  }
0x2a4: {  	s14 =	sor.u32 s15, s14  }
0x2a5: {  	s25 =	sadd.s32 $0x50, s17;
	[tilespmem:s14+$0x0] =	vst v1  }
0x2a6: {  	s26 =	sshll.u32 s25, $0x3;
	v1 =	vld [tilespmem:s2+$0xFFFFFFE0]  }
0x2a7: {  	s18 =	sand.u32 $0x1C00, s26  }
0x2a8: {  	s18 =	sor.u32 s18, s16;
	s14 =	sand.u32 $0x70, s25  }
0x2a9: {  	s14 =	sor.u32 s14, s18  }
0x2aa: {  	s14 =	sor.u32 s15, s14  }
0x2ab: {  	s28 =	sadd.s32 $0x60, s17;
	[tilespmem:s14+$0x0] =	vst v1  }
0x2ac: {  	s29 =	sshll.u32 s28, $0x3;
	v1 =	vld [tilespmem:s2+$0xFFFFFFF0]  }
0x2ad: {  	s18 =	sand.u32 $0x1C00, s29  }
0x2ae: {  	s18 =	sor.u32 s18, s16;
	s14 =	sand.u32 $0x70, s28  }
0x2af: {  	s14 =	sor.u32 s14, s18  }
0x2b0: {  	s14 =	sor.u32 s15, s14  }
0x2b1: {  	s30 =	sadd.s32 $0x70, s17;
	[tilespmem:s14+$0x0] =	vst v1  }
0x2b2: {  	s31 =	sshll.u32 s30, $0x3;
	v1 =	vld [tilespmem:s2+$0x0]  }
0x2b3: {  	s2 =	sand.u32 $0x1C00, s31  }
0x2b4: {  	s14 =	sand.u32 $0x70, s30;
	s2 =	sor.u32 s2, s16  }
0x2b5: {  	s2 =	sor.u32 s14, s2  }
0x2b6: {  	s2 =	sor.u32 s15, s2  }
0x2b7: {  	s24 =	sadd.s32 $0x1, s19;
	s23 =	simm.s32 $0x30F0;
	[tilespmem:s2+$0x0] =	vst v1  }
0x2b8: {  	s22 =	simm.s32 $0x800;
	s21 =	simm.s32 $0x400;
	s2 =	sshll.u32 s24, $0x3;
	v1 =	vld [tilespmem:s23+$0xFFFFFF90]  }
.LBB2_14:
0x2b9: {  	p0 =	sne.s32 s22, $0x7C00;
	s14 =	sand.u32 $0x70, s24;
	s2 =	sand.u32 $0x1800, s2  }
0x2ba: {  	s15 =	sand.u32 $0x6000, s21;
	s13 =	sadd.s32 $0x80, s13;
	s14 =	sor.u32 s14, s2  }
0x2bb: {  	s21 =	smov.u32 s22;
	s2 =	sand.u32 $0x380, s13;
	s14 =	sor.u32 s15, s14  }
0x2bc: {  	s17 =	sand.u32 $0x370, s24;
	s14 =	sor.u32 s2, s14  }
0x2bd: {  	[tilespmem:s14+$0x10000] =	vst v1;
	s14 =	sadd.s32 $0x10, s17  }
0x2be: {  	v1 =	vld [tilespmem:s23+$0xFFFFFFA0];
	s16 =	sshll.u32 s14, $0x3  }
0x2bf: {  	s20 =	sor.u32 $0x10000, s15;
	s16 =	sand.u32 $0x1C00, s16  }
0x2c0: {  	s14 =	sand.u32 $0x70, s14;
	s15 =	sor.u32 s16, s20  }
0x2c1: {  	s14 =	sor.u32 s14, s15  }
0x2c2: {  	s14 =	sor.u32 s2, s14  }
0x2c3: {  	[tilespmem:s14+$0x0] =	vst v1;
	s14 =	sadd.s32 $0x20, s17  }
0x2c4: {  	v1 =	vld [tilespmem:s23+$0xFFFFFFB0];
	s15 =	sshll.u32 s14, $0x3  }
0x2c5: {  	s15 =	sand.u32 $0x1C00, s15  }
0x2c6: {  	s14 =	sand.u32 $0x70, s14;
	s15 =	sor.u32 s15, s20  }
0x2c7: {  	s14 =	sor.u32 s14, s15  }
0x2c8: {  	s14 =	sor.u32 s2, s14  }
0x2c9: {  	[tilespmem:s14+$0x0] =	vst v1;
	s14 =	sadd.s32 $0x30, s17  }
0x2ca: {  	v1 =	vld [tilespmem:s23+$0xFFFFFFC0];
	s15 =	sshll.u32 s14, $0x3  }
0x2cb: {  	s15 =	sand.u32 $0x1C00, s15  }
0x2cc: {  	s14 =	sand.u32 $0x70, s14;
	s15 =	sor.u32 s15, s20  }
0x2cd: {  	s14 =	sor.u32 s14, s15  }
0x2ce: {  	s14 =	sor.u32 s2, s14  }
0x2cf: {  	[tilespmem:s14+$0x0] =	vst v1;
	s14 =	sadd.s32 $0x40, s17  }
0x2d0: {  	v1 =	vld [tilespmem:s23+$0xFFFFFFD0];
	s15 =	sshll.u32 s14, $0x3  }
0x2d1: {  	s15 =	sand.u32 $0x1C00, s15  }
0x2d2: {  	s14 =	sand.u32 $0x70, s14;
	s15 =	sor.u32 s15, s20  }
0x2d3: {  	s14 =	sor.u32 s14, s15  }
0x2d4: {  	s14 =	sor.u32 s2, s14  }
0x2d5: {  	[tilespmem:s14+$0x0] =	vst v1;
	s14 =	sadd.s32 $0x50, s17  }
0x2d6: {  	v1 =	vld [tilespmem:s23+$0xFFFFFFE0];
	s15 =	sshll.u32 s14, $0x3  }
0x2d7: {  	s15 =	sand.u32 $0x1C00, s15  }
0x2d8: {  	s14 =	sand.u32 $0x70, s14;
	s15 =	sor.u32 s15, s20  }
0x2d9: {  	s14 =	sor.u32 s14, s15  }
0x2da: {  	s14 =	sor.u32 s2, s14  }
0x2db: {  	[tilespmem:s14+$0x0] =	vst v1;
	s14 =	sadd.s32 $0x60, s17  }
0x2dc: {  	v1 =	vld [tilespmem:s23+$0xFFFFFFF0];
	s15 =	sshll.u32 s14, $0x3  }
0x2dd: {  	s15 =	sand.u32 $0x1C00, s15  }
0x2de: {  	s14 =	sand.u32 $0x70, s14;
	s15 =	sor.u32 s15, s20  }
0x2df: {  	s14 =	sor.u32 s14, s15  }
0x2e0: {  	s14 =	sor.u32 s2, s14  }
0x2e1: {  	[tilespmem:s14+$0x0] =	vst v1;
	s14 =	sadd.s32 $0x70, s17  }
0x2e2: {  	v1 =	vld [tilespmem:s23+$0x0];
	s15 =	sshll.u32 s14, $0x3  }
0x2e3: {  	s15 =	sand.u32 $0x1C00, s15  }
.Ltmp6:
0x2e4: {  	s14 =	sand.u32 $0x70, s14;
	s15 =	sor.u32 s15, s20;
	(pc) =	sbr.rel @p0 .LBB2_14-.Ltmp6, $4  }
0x2e5: {  	s14 =	sor.u32 s14, s15  }
0x2e6: {  	s2 =	sor.u32 s2, s14  }
0x2e7: {  	s24 =	sadd.s32 $0x1, s24;
	s23 =	sadd.s32 $0x80, s23;
	[tilespmem:s2+$0x0] =	vst v1  }
0x2e8: {  	s22 =	sadd.s32 $0x400, s22;
	s2 =	sshll.u32 s24, $0x3;
	v1 =	vld [tilespmem:s23+$0xFFFFFF90]  }
0x2e9: {  	s14 =	sand.u32 $0x70, s24;
	s2 =	sand.u32 $0x1800, s2  }
0x2ea: {  	s15 =	sand.u32 $0x6000, s21;
	s21 =	sadd.s32 $0x80, s13;
	s14 =	sor.u32 s14, s2  }
0x2eb: {  	s2 =	sand.u32 $0x380, s21;
	s22 =	sor.u32 s15, s14  }
0x2ec: {  	s24 =	sand.u32 $0x370, s24;
	s13 =	sor.u32 s2, s22  }
0x2ed: {  	s25 =	sadd.s32 $0x10, s24;
	[tilespmem:s13+$0x10000] =	vst v1  }
0x2ee: {  	s16 =	sshll.u32 s25, $0x3;
	v1 =	vld [tilespmem:s23+$0xFFFFFFA0]  }
0x2ef: {  	s15 =	sor.u32 $0x10000, s15;
	s16 =	sand.u32 $0x1C00, s16  }
0x2f0: {  	s13 =	sand.u32 $0x70, s25;
	s16 =	sor.u32 s16, s15  }
0x2f1: {  	s13 =	sor.u32 s13, s16  }
0x2f2: {  	s13 =	sor.u32 s2, s13  }
0x2f3: {  	s26 =	sadd.s32 $0x20, s24;
	[tilespmem:s13+$0x0] =	vst v1  }
0x2f4: {  	s28 =	sshll.u32 s26, $0x3;
	v1 =	vld [tilespmem:s23+$0xFFFFFFB0]  }
0x2f5: {  	s16 =	sand.u32 $0x1C00, s28  }
0x2f6: {  	s16 =	sor.u32 s16, s15;
	s13 =	sand.u32 $0x70, s26  }
0x2f7: {  	s13 =	sor.u32 s13, s16  }
0x2f8: {  	s13 =	sor.u32 s2, s13  }
0x2f9: {  	s29 =	sadd.s32 $0x30, s24;
	[tilespmem:s13+$0x0] =	vst v1  }
0x2fa: {  	s30 =	sshll.u32 s29, $0x3;
	v1 =	vld [tilespmem:s23+$0xFFFFFFC0]  }
0x2fb: {  	s16 =	sand.u32 $0x1C00, s30  }
0x2fc: {  	s16 =	sor.u32 s16, s15;
	s13 =	sand.u32 $0x70, s29  }
0x2fd: {  	s13 =	sor.u32 s13, s16  }
0x2fe: {  	s13 =	sor.u32 s2, s13  }
0x2ff: {  	s31 =	sadd.s32 $0x40, s24;
	[tilespmem:s13+$0x0] =	vst v1  }
0x300: {  	s17 =	sshll.u32 s31, $0x3;
	v1 =	vld [tilespmem:s23+$0xFFFFFFD0]  }
0x301: {  	s16 =	sand.u32 $0x1C00, s17  }
0x302: {  	s16 =	sor.u32 s16, s15;
	s13 =	sand.u32 $0x70, s31  }
0x303: {  	s13 =	sor.u32 s13, s16  }
0x304: {  	s13 =	sor.u32 s2, s13  }
0x305: {  	s18 =	sadd.s32 $0x50, s24;
	[tilespmem:s13+$0x0] =	vst v1  }
0x306: {  	s19 =	sshll.u32 s18, $0x3;
	v1 =	vld [tilespmem:s23+$0xFFFFFFE0]  }
0x307: {  	s16 =	sand.u32 $0x1C00, s19  }
0x308: {  	s16 =	sor.u32 s16, s15;
	s13 =	sand.u32 $0x70, s18  }
0x309: {  	s13 =	sor.u32 s13, s16  }
0x30a: {  	s13 =	sor.u32 s2, s13  }
0x30b: {  	s20 =	sadd.s32 $0x60, s24;
	[tilespmem:s13+$0x0] =	vst v1  }
0x30c: {  	s21 =	sshll.u32 s20, $0x3;
	v1 =	vld [tilespmem:s23+$0xFFFFFFF0]  }
0x30d: {  	s16 =	sand.u32 $0x1C00, s21  }
0x30e: {  	s16 =	sor.u32 s16, s15;
	s13 =	sand.u32 $0x70, s20  }
0x30f: {  	s22 =	sadd.s32 $0x70, s24;
	s13 =	sor.u32 s13, s16  }
0x310: {  	s14 =	sshll.u32 s22, $0x3;
	s13 =	sor.u32 s2, s13  }
0x311: {  	s14 =	sand.u32 $0x1C00, s14;
	[tilespmem:s13+$0x0] =	vst v1  }
0x312: {  	s14 =	sor.u32 s14, s15;
	s13 =	sand.u32 $0x70, s22;
	v1 =	vld [tilespmem:s23+$0x0]  }
0x313: {  	s13 =	sor.u32 s13, s14  }
0x314: {  	s2 =	sor.u32 s2, s13;
	s13 =	simm.s32 $0x0  }
0x315: {  	s24 =	rddreg [dreg:$0x8];
	s26 =	sand.u32 $0x6000, s13  }
0x316: {  	s25 =	simm.s32 $0x10000;
	s19 =	simm.s32 $0x1;
	s15 =	sor.u32 $0x8000, s26  }
0x317: {  	s16 =	simm.s32 $0x2;
	s17 =	sand.u32 $0x380, s13;
	s1 =	sor.u32 s1, s15;
	[tilespmem:s2+$0x0] =	vst v1  }
0x318: {  	[hbm4b:s24+s13] =	stream.linear.scatter [tilespmem:s25], [sflag:$0x2], $0x8000, $0x38;
	[tilespmem:$0x18000] =	vst v63  }
0x319: {  	s14 =	sor.u32 s5, s15;
	s29 =	sor.u32 s8, s15;
	_ =	swait.ge [sflag:s19], $0x8000  }
0x31a: {  	s30 =	sor.u32 s12, s15;
	s31 =	sor.u32 s10, s15;
	[sflag:s19] =	ssyncset.done $0x0  }
0x31b: {  	s5 =	sor.u32 s17, s1;
	s28 =	sor.u32 s3, s14;
	[sflag:s19] =	ssyncadd.s32 $0xFFFF8000  }
0x31c: {  	s2 =	simm.s32 $0x80;
	s3 =	sor.u32 s6, s29;
	s1 =	sor.u32 s17, s28;
	[tilespmem:s5+$0x0] =	vst v0  }
0x31d: {  	s6 =	sor.u32 s11, s30;
	s8 =	sor.u32 s9, s31;
	s3 =	sor.u32 s17, s3;
	[tilespmem:s1+$0x0] =	vst v0  }
0x31e: {  	s6 =	sor.u32 s17, s6;
	s1 =	simm.s32 $0x400;
	[tilespmem:s3+$0x0] =	vst v0;
	s3 =	rddreg [dreg:$0x10]  }
.LBB2_16:
0x31f: {  	s8 =	sor.u32 s17, s8;
	s9 =	sshll.u32 s0, $0x3  }
0x320: {  	s3 =	sadd.s32 $0x1, s3;
	s10 =	smov.u32 s2;
	s11 =	smov.u32 s1  }
0x321: {  	p0 =	sne.s32 s2, $0xF80;
	s7 =	sor.u32 s7, s15;
	[tilespmem:s8+$0x0] =	vst v0;
	s8 =	sand.u32 $0x1C00, s9  }
0x322: {  	s0 =	sand.u32 $0x70, s0;
	s4 =	sor.u32 s4, s7;
	[tilespmem:s5+$0x40] =	vst v0;
	s5 =	sor.u32 s8, s15  }
0x323: {  	s2 =	sadd.s32 $0x80, s2;
	s4 =	sor.u32 s17, s4;
	[tilespmem:s6+$0x0] =	vst v0;
	s0 =	sor.u32 s0, s5  }
0x324: {  	[tilespmem:s4+$0x0] =	vst v0;
	s0 =	sor.u32 s17, s0  }
0x325: {  	s1 =	sadd.s32 $0x400, s1;
	s6 =	sand.u32 $0x330, s3;
	[tilespmem:s0+$0x0] =	vst v0  }
0x326: {  	s4 =	sand.u32 $0x30, s3;
	s17 =	sand.u32 $0x380, s10;
	s0 =	sshll.u32 s3, $0x3  }
0x327: {  	s5 =	sand.u32 $0x6000, s11;
	s8 =	sadd.s32 $0x10, s6;
	s7 =	sand.u32 $0x1800, s0  }
0x328: {  	s9 =	sadd.s32 $0x30, s6;
	s15 =	sor.u32 $0x8000, s5;
	s0 =	sadd.s32 $0x70, s6  }
0x329: {  	s10 =	sshll.u32 s9, $0x3;
	s4 =	sor.u32 s4, s7;
	s7 =	sshll.u32 s8, $0x3  }
0x32a: {  	s12 =	sadd.s32 $0x50, s6;
	s5 =	sand.u32 $0x1800, s7;
	s7 =	sand.u32 $0x1800, s10  }
0x32b: {  	s9 =	sand.u32 $0x70, s9;
	s4 =	sor.u32 s4, s15;
	s10 =	sadd.s32 $0x20, s6  }
0x32c: {  	s8 =	sand.u32 $0x70, s8;
	s11 =	sor.u32 s5, s15;
	s5 =	sor.u32 s17, s4  }
0x32d: {  	s4 =	sor.u32 s8, s11;
	s8 =	sand.u32 $0x70, s10;
	s10 =	sshll.u32 s10, $0x3  }
0x32e: {  	s14 =	sadd.s32 $0x60, s6;
	s11 =	sshll.u32 s12, $0x3;
	s6 =	sand.u32 $0x1800, s10  }
.Ltmp7:
0x32f: {  	s10 =	sand.u32 $0x1C00, s11;
	s11 =	sshll.u32 s14, $0x3;
	(pc) =	sbr.rel @p0 .LBB2_16-.Ltmp7, $4  }
0x330: {  	s12 =	sand.u32 $0x70, s12;
	s4 =	sor.u32 s17, s4;
	s6 =	sor.u32 s6, s15  }
0x331: {  	s7 =	sor.u32 s7, s15;
	s10 =	sor.u32 s10, s15;
	s6 =	sor.u32 s8, s6;
	[tilespmem:s5+$0x0] =	vst v0  }
0x332: {  	s8 =	sor.u32 s9, s7;
	[tilespmem:s4+$0x0] =	vst v0;
	s4 =	sor.u32 s17, s6;
	s6 =	sor.u32 s12, s10  }
0x333: {  	s7 =	sand.u32 $0x1C00, s11;
	[tilespmem:s4+$0x0] =	vst v0;
	s6 =	sor.u32 s17, s6;
	s4 =	sand.u32 $0x70, s14  }
0x334: {  	s1 =	sor.u32 s17, s8;
	s2 =	sshll.u32 s0, $0x3  }
0x335: {  	s29 =	sor.u32 s7, s15;
	[tilespmem:s1+$0x0] =	vst v0;
	s2 =	sand.u32 $0x1C00, s2  }
0x336: {  	s30 =	sand.u32 $0x70, s0;
	s1 =	sor.u32 s4, s29;
	[tilespmem:s5+$0x40] =	vst v0;
	s2 =	sor.u32 s2, s15  }
0x337: {  	s1 =	sor.u32 s17, s1;
	[tilespmem:s6+$0x0] =	vst v0;
	s0 =	sor.u32 s30, s2  }
0x338: {  	[tilespmem:s1+$0x0] =	vst v0;
	s0 =	sor.u32 s17, s0  }
0x339: {  	s31 =	simm.s32 $0x0;
	s6 =	rddreg [dreg:$0x13];
	[tilespmem:s0+$0x0] =	vst v0  }
0x33a: {  	s7 =	sshll.u32 s6, $0x3;
	v1 =	vld [tilespmem:s31+$0x4000]  }
0x33b: {  	s3 =	sand.u32 $0x6000, s13;
	s8 =	sand.u32 $0x70, s6;
	s1 =	sand.u32 $0x1800, s7  }
0x33c: {  	s10 =	sor.u32 $0x8000, s3;
	s9 =	sor.u32 s8, s1  }
0x33d: {  	s11 =	sand.u32 $0x380, s13;
	s3 =	sor.u32 s9, s10  }
0x33e: {  	s12 =	sand.u32 $0x370, s6;
	s3 =	sor.u32 s11, s3  }
0x33f: {  	s14 =	sadd.s32 $0x10, s12;
	[tilespmem:s3+$0x0] =	vst v1  }
0x340: {  	s15 =	sshll.u32 s14, $0x3;
	v1 =	vld [tilespmem:s31+$0x4010]  }
0x341: {  	s5 =	sand.u32 $0x1C00, s15  }
0x342: {  	s5 =	sor.u32 s5, s10;
	s3 =	sand.u32 $0x70, s14  }
0x343: {  	s3 =	sor.u32 s3, s5  }
0x344: {  	s3 =	sor.u32 s11, s3  }
0x345: {  	s17 =	sadd.s32 $0x20, s12;
	[tilespmem:s3+$0x0] =	vst v1  }
0x346: {  	s18 =	sshll.u32 s17, $0x3;
	v1 =	vld [tilespmem:s31+$0x4020]  }
0x347: {  	s5 =	sand.u32 $0x1C00, s18  }
0x348: {  	s5 =	sor.u32 s5, s10;
	s3 =	sand.u32 $0x70, s17  }
0x349: {  	s3 =	sor.u32 s3, s5  }
0x34a: {  	s3 =	sor.u32 s11, s3  }
0x34b: {  	s20 =	sadd.s32 $0x30, s12;
	[tilespmem:s3+$0x0] =	vst v1  }
0x34c: {  	s21 =	sshll.u32 s20, $0x3;
	v1 =	vld [tilespmem:s31+$0x4030]  }
0x34d: {  	s5 =	sand.u32 $0x1C00, s21  }
0x34e: {  	s5 =	sor.u32 s5, s10;
	s3 =	sand.u32 $0x70, s20  }
0x34f: {  	s3 =	sor.u32 s3, s5  }
0x350: {  	s3 =	sor.u32 s11, s3  }
0x351: {  	s22 =	sadd.s32 $0x40, s12;
	[tilespmem:s3+$0x0] =	vst v1  }
0x352: {  	s23 =	sshll.u32 s22, $0x3;
	v1 =	vld [tilespmem:s31+$0x4040]  }
0x353: {  	s5 =	sand.u32 $0x1C00, s23  }
0x354: {  	s5 =	sor.u32 s5, s10;
	s3 =	sand.u32 $0x70, s22  }
0x355: {  	s3 =	sor.u32 s3, s5  }
0x356: {  	s3 =	sor.u32 s11, s3  }
0x357: {  	s24 =	sadd.s32 $0x50, s12;
	[tilespmem:s3+$0x0] =	vst v1  }
0x358: {  	s26 =	sshll.u32 s24, $0x3;
	v1 =	vld [tilespmem:s31+$0x4050]  }
0x359: {  	s5 =	sand.u32 $0x1C00, s26  }
0x35a: {  	s5 =	sor.u32 s5, s10;
	s3 =	sand.u32 $0x70, s24  }
0x35b: {  	s3 =	sor.u32 s3, s5  }
0x35c: {  	s3 =	sor.u32 s11, s3  }
0x35d: {  	s28 =	sadd.s32 $0x60, s12;
	[tilespmem:s3+$0x0] =	vst v1  }
0x35e: {  	s29 =	sshll.u32 s28, $0x3;
	v1 =	vld [tilespmem:s31+$0x4060]  }
0x35f: {  	s5 =	sand.u32 $0x1C00, s29  }
0x360: {  	s5 =	sor.u32 s5, s10;
	s3 =	sand.u32 $0x70, s28  }
0x361: {  	s3 =	sor.u32 s3, s5  }
0x362: {  	s3 =	sor.u32 s11, s3  }
0x363: {  	s30 =	sadd.s32 $0x70, s12;
	[tilespmem:s3+$0x0] =	vst v1  }
0x364: {  	v1 =	vld [tilespmem:s31+$0x4070];
	s31 =	sshll.u32 s30, $0x3  }
0x365: {  	s0 =	sand.u32 $0x1C00, s31  }
0x366: {  	s3 =	sand.u32 $0x70, s30;
	s0 =	sor.u32 s0, s10  }
0x367: {  	s0 =	sor.u32 s3, s0  }
0x368: {  	s4 =	simm.s32 $0x400;
	s1 =	sor.u32 s11, s0  }
0x369: {  	s3 =	simm.s32 $0x0;
	s0 =	simm.s32 $0x80;
	[tilespmem:s1+$0x0] =	vst v1;
	s1 =	sadd.s32 $0x1, s6  }
.LBB2_18:
0x36a: {  	p0 =	sne.s32 s4, $0x3E00;
	v1 =	vld [tilespmem:s0+$0x4000];
	s2 =	sshll.u32 s1, $0x3;
	s13 =	sadd.s32 $0x400, s13  }
0x36b: {  	s5 =	sand.u32 $0x70, s1;
	s6 =	sand.u32 $0x6000, s13;
	s2 =	sand.u32 $0x1800, s2  }
0x36c: {  	s3 =	sadd.s32 $0x80, s3;
	s7 =	sor.u32 s5, s2;
	s5 =	sor.u32 $0x8000, s6  }
0x36d: {  	s2 =	sand.u32 $0x380, s3;
	s7 =	sor.u32 s7, s5  }
0x36e: {  	s6 =	sand.u32 $0x370, s1;
	s7 =	sor.u32 s2, s7  }
0x36f: {  	[tilespmem:s7+$0x0] =	vst v1;
	s7 =	sadd.s32 $0x10, s6  }
0x370: {  	v1 =	vld [tilespmem:s0+$0x4010];
	s8 =	sshll.u32 s7, $0x3  }
0x371: {  	s8 =	sand.u32 $0x1C00, s8  }
0x372: {  	s7 =	sand.u32 $0x70, s7;
	s8 =	sor.u32 s8, s5  }
0x373: {  	s7 =	sor.u32 s7, s8  }
0x374: {  	s7 =	sor.u32 s2, s7  }
0x375: {  	[tilespmem:s7+$0x0] =	vst v1;
	s7 =	sadd.s32 $0x20, s6  }
0x376: {  	v1 =	vld [tilespmem:s0+$0x4020];
	s8 =	sshll.u32 s7, $0x3  }
0x377: {  	s8 =	sand.u32 $0x1C00, s8  }
0x378: {  	s7 =	sand.u32 $0x70, s7;
	s8 =	sor.u32 s8, s5  }
0x379: {  	s7 =	sor.u32 s7, s8  }
0x37a: {  	s7 =	sor.u32 s2, s7  }
0x37b: {  	[tilespmem:s7+$0x0] =	vst v1;
	s7 =	sadd.s32 $0x30, s6  }
0x37c: {  	v1 =	vld [tilespmem:s0+$0x4030];
	s8 =	sshll.u32 s7, $0x3  }
0x37d: {  	s8 =	sand.u32 $0x1C00, s8  }
0x37e: {  	s7 =	sand.u32 $0x70, s7;
	s8 =	sor.u32 s8, s5  }
0x37f: {  	s7 =	sor.u32 s7, s8  }
0x380: {  	s7 =	sor.u32 s2, s7  }
0x381: {  	[tilespmem:s7+$0x0] =	vst v1;
	s7 =	sadd.s32 $0x40, s6  }
0x382: {  	v1 =	vld [tilespmem:s0+$0x4040];
	s8 =	sshll.u32 s7, $0x3  }
0x383: {  	s8 =	sand.u32 $0x1C00, s8  }
0x384: {  	s7 =	sand.u32 $0x70, s7;
	s8 =	sor.u32 s8, s5  }
0x385: {  	s7 =	sor.u32 s7, s8  }
0x386: {  	s7 =	sor.u32 s2, s7  }
0x387: {  	[tilespmem:s7+$0x0] =	vst v1;
	s7 =	sadd.s32 $0x50, s6  }
0x388: {  	v1 =	vld [tilespmem:s0+$0x4050];
	s8 =	sshll.u32 s7, $0x3  }
0x389: {  	s8 =	sand.u32 $0x1C00, s8  }
0x38a: {  	s7 =	sand.u32 $0x70, s7;
	s8 =	sor.u32 s8, s5  }
0x38b: {  	s7 =	sor.u32 s7, s8  }
0x38c: {  	s7 =	sor.u32 s2, s7  }
0x38d: {  	[tilespmem:s7+$0x0] =	vst v1;
	s7 =	sadd.s32 $0x60, s6  }
0x38e: {  	v1 =	vld [tilespmem:s0+$0x4060];
	s8 =	sshll.u32 s7, $0x3  }
0x38f: {  	s8 =	sand.u32 $0x1C00, s8  }
0x390: {  	s7 =	sand.u32 $0x70, s7;
	s8 =	sor.u32 s8, s5  }
0x391: {  	s7 =	sor.u32 s7, s8  }
0x392: {  	s7 =	sor.u32 s2, s7  }
0x393: {  	s6 =	sadd.s32 $0x70, s6;
	[tilespmem:s7+$0x0] =	vst v1  }
0x394: {  	v1 =	vld [tilespmem:s0+$0x4070];
	s0 =	sshll.u32 s6, $0x3  }
.Ltmp8:
0x395: {  	s0 =	sand.u32 $0x1C00, s0;
	(pc) =	sbr.rel @p0 .LBB2_18-.Ltmp8, $4  }
0x396: {  	s6 =	sand.u32 $0x70, s6;
	s0 =	sor.u32 s0, s5  }
0x397: {  	s0 =	sor.u32 s6, s0  }
0x398: {  	s2 =	sor.u32 s2, s0  }
0x399: {  	s1 =	sadd.s32 $0x1, s1;
	s0 =	sshra.s32 s4, $0x2;
	s4 =	sadd.s32 $0x200, s4;
	[tilespmem:s2+$0x0] =	vst v1  }
0x39a: {  	v1 =	vld [tilespmem:s0+$0x4000];
	s2 =	sshll.u32 s1, $0x3;
	s4 =	sadd.s32 $0x400, s13  }
0x39b: {  	s5 =	sand.u32 $0x70, s1;
	s4 =	sand.u32 $0x6000, s4;
	s2 =	sand.u32 $0x1800, s2  }
0x39c: {  	s3 =	sadd.s32 $0x80, s3;
	s5 =	sor.u32 s5, s2;
	s23 =	sor.u32 $0x8000, s4  }
0x39d: {  	s3 =	sand.u32 $0x380, s3;
	s4 =	sor.u32 s5, s23  }
0x39e: {  	s24 =	sand.u32 $0x370, s1;
	s4 =	sor.u32 s3, s4  }
0x39f: {  	s26 =	sadd.s32 $0x10, s24;
	[tilespmem:s4+$0x0] =	vst v1  }
0x3a0: {  	s28 =	sshll.u32 s26, $0x3;
	v1 =	vld [tilespmem:s0+$0x4010]  }
0x3a1: {  	s5 =	sand.u32 $0x1C00, s28  }
0x3a2: {  	s5 =	sor.u32 s5, s23;
	s4 =	sand.u32 $0x70, s26  }
0x3a3: {  	s4 =	sor.u32 s4, s5  }
0x3a4: {  	s4 =	sor.u32 s3, s4  }
0x3a5: {  	s29 =	sadd.s32 $0x20, s24;
	[tilespmem:s4+$0x0] =	vst v1  }
0x3a6: {  	s30 =	sshll.u32 s29, $0x3;
	v1 =	vld [tilespmem:s0+$0x4020]  }
0x3a7: {  	s5 =	sand.u32 $0x1C00, s30  }
0x3a8: {  	s5 =	sor.u32 s5, s23;
	s4 =	sand.u32 $0x70, s29  }
0x3a9: {  	s4 =	sor.u32 s4, s5  }
0x3aa: {  	s4 =	sor.u32 s3, s4  }
0x3ab: {  	s31 =	sadd.s32 $0x30, s24;
	[tilespmem:s4+$0x0] =	vst v1  }
0x3ac: {  	s6 =	sshll.u32 s31, $0x3;
	v1 =	vld [tilespmem:s0+$0x4030]  }
0x3ad: {  	s5 =	sand.u32 $0x1C00, s6  }
0x3ae: {  	s5 =	sor.u32 s5, s23;
	s4 =	sand.u32 $0x70, s31  }
0x3af: {  	s4 =	sor.u32 s4, s5  }
0x3b0: {  	s4 =	sor.u32 s3, s4  }
0x3b1: {  	s7 =	sadd.s32 $0x40, s24;
	[tilespmem:s4+$0x0] =	vst v1  }
0x3b2: {  	s8 =	sshll.u32 s7, $0x3;
	v1 =	vld [tilespmem:s0+$0x4040]  }
0x3b3: {  	s5 =	sand.u32 $0x1C00, s8  }
0x3b4: {  	s5 =	sor.u32 s5, s23;
	s4 =	sand.u32 $0x70, s7  }
0x3b5: {  	s4 =	sor.u32 s4, s5  }
0x3b6: {  	s4 =	sor.u32 s3, s4  }
0x3b7: {  	s9 =	sadd.s32 $0x50, s24;
	[tilespmem:s4+$0x0] =	vst v1  }
0x3b8: {  	s10 =	sshll.u32 s9, $0x3;
	v1 =	vld [tilespmem:s0+$0x4050]  }
0x3b9: {  	s5 =	sand.u32 $0x1C00, s10  }
0x3ba: {  	s5 =	sor.u32 s5, s23;
	s4 =	sand.u32 $0x70, s9  }
0x3bb: {  	s4 =	sor.u32 s4, s5  }
0x3bc: {  	s4 =	sor.u32 s3, s4  }
0x3bd: {  	s11 =	sadd.s32 $0x60, s24;
	[tilespmem:s4+$0x0] =	vst v1  }
0x3be: {  	s12 =	sshll.u32 s11, $0x3;
	v1 =	vld [tilespmem:s0+$0x4060]  }
0x3bf: {  	s5 =	sand.u32 $0x1C00, s12  }
0x3c0: {  	s5 =	sor.u32 s5, s23;
	s4 =	sand.u32 $0x70, s11  }
0x3c1: {  	s4 =	sor.u32 s4, s5  }
0x3c2: {  	s4 =	sor.u32 s3, s4  }
0x3c3: {  	s1 =	sadd.s32 $0x70, s24;
	[tilespmem:s4+$0x0] =	vst v1  }
0x3c4: {  	s13 =	sshll.u32 s1, $0x3;
	v1 =	vld [tilespmem:s0+$0x4070]  }
0x3c5: {  	s0 =	sand.u32 $0x1C00, s13  }
0x3c6: {  	s1 =	sand.u32 $0x70, s1;
	s0 =	sor.u32 s0, s23  }
0x3c7: {  	s0 =	sor.u32 s1, s0  }
0x3c8: {  	s14 =	rddreg [dreg:$0x9];
	s23 =	simm.s32 $0x0;
	s0 =	sor.u32 s3, s0  }
0x3c9: {  	s15 =	simm.s32 $0x8000;
	s4 =	simm.s32 $0x400;
	s6 =	sand.u32 $0x6000, s23;
	[tilespmem:s0+$0x0] =	vst v1  }
0x3ca: {  	[hbm4b:s14+s23] =	stream.linear.scatter [tilespmem:s15], [sflag:$0x1], $0x8000, $0x38;
	[tilespmem:$0x18000] =	vst v63  }
0x3cb: {  	s1 =	simm.s32 $0x80;
	s5 =	sor.u32 $0x10000, s6;
	_ =	swait.ge [sflag:s16], $0x8000  }
0x3cc: {  	s0 =	sand.u32 $0x380, s23;
	[sflag:s16] =	ssyncset.done $0x0;
	s17 =	rddreg [dreg:$0x12]  }
0x3cd: {  	[sflag:s16] =	ssyncadd.s32 $0xFFFF8000;
	s3 =	sadd.s32 $0x1, s17;
	s9 =	sand.u32 $0x370, s17  }
0x3ce: {  	s18 =	sand.u32 $0x70, s17;
	s7 =	sshll.u32 s17, $0x3;
	s8 =	sadd.s32 $0x10, s9  }
0x3cf: {  	s7 =	sand.u32 $0x1800, s7;
	s11 =	sadd.s32 $0x70, s9;
	s22 =	sadd.s32 $0x60, s9  }
0x3d0: {  	s24 =	sadd.s32 $0x30, s9;
	s28 =	sadd.s32 $0x20, s9;
	s17 =	sadd.s32 $0x40, s9  }
0x3d1: {  	s10 =	sshll.u32 s8, $0x3;
	s7 =	sor.u32 s18, s7;
	s2 =	sand.u32 $0x70, s11  }
0x3d2: {  	s21 =	sand.u32 $0x70, s8;
	s8 =	sshll.u32 s22, $0x3;
	s14 =	sand.u32 $0x70, s24  }
0x3d3: {  	s12 =	sshll.u32 s24, $0x3;
	s30 =	sshll.u32 s28, $0x3;
	s31 =	sshll.u32 s17, $0x3  }
0x3d4: {  	s10 =	sand.u32 $0x1C00, s10;
	s6 =	sor.u32 s6, s7;
	s7 =	sshll.u32 s11, $0x3  }
0x3d5: {  	s26 =	sand.u32 $0x1C00, s12;
	s11 =	sadd.s32 $0x50, s9;
	s10 =	sor.u32 s10, s5  }
0x3d6: {  	s12 =	sand.u32 $0x70, s28;
	s20 =	sor.u32 s0, s6;
	s10 =	sor.u32 s21, s10  }
0x3d7: {  	s6 =	sand.u32 $0x70, s22;
	s15 =	sor.u32 s0, s10;
	s10 =	sor.u32 s26, s5  }
0x3d8: {  	s13 =	sshll.u32 s11, $0x3;
	[tilespmem:s20+$0x10000] =	vst v0;
	s29 =	sor.u32 s14, s10;
	s10 =	sand.u32 $0x70, s17  }
0x3d9: {  	[tilespmem:s15+$0x0] =	vst v0;
	s14 =	sand.u32 $0x1C00, s30;
	s15 =	sand.u32 $0x1C00, s31;
	s9 =	sor.u32 s0, s29  }
.LBB2_20:
0x3da: {  	s14 =	sor.u32 s14, s5;
	s15 =	sor.u32 s15, s5;
	s11 =	sand.u32 $0x70, s11  }
0x3db: {  	s16 =	smov.u32 s1;
	s17 =	smov.u32 s3;
	s18 =	smov.u32 s4  }
0x3dc: {  	s13 =	sand.u32 $0x1C00, s13;
	s8 =	sand.u32 $0x1C00, s8;
	s7 =	sand.u32 $0x1C00, s7  }
0x3dd: {  	s12 =	sor.u32 s12, s14;
	s13 =	sor.u32 s13, s5;
	s7 =	sor.u32 s7, s5  }
0x3de: {  	s10 =	sor.u32 s10, s15;
	s11 =	sor.u32 s11, s13;
	s2 =	sor.u32 s2, s7  }
0x3df: {  	s5 =	sor.u32 s8, s5;
	s7 =	sor.u32 s0, s12;
	s11 =	sor.u32 s0, s11  }
0x3e0: {  	p0 =	sne.s32 s1, $0xF80;
	s5 =	sor.u32 s6, s5;
	[tilespmem:s7+$0x0] =	vst v0;
	s7 =	sor.u32 s0, s10  }
0x3e1: {  	s1 =	sadd.s32 $0x80, s1;
	s5 =	sor.u32 s0, s5;
	s2 =	sor.u32 s0, s2;
	[tilespmem:s9+$0x0] =	vst v0  }
0x3e2: {  	[tilespmem:s7+$0x0] =	vst v0  }
0x3e3: {  	s3 =	sadd.s32 $0x1, s3;
	[tilespmem:s11+$0x0] =	vst v0  }
0x3e4: {  	s4 =	sadd.s32 $0x400, s4;
	s0 =	sand.u32 $0x380, s16;
	s9 =	sand.u32 $0x370, s17;
	[tilespmem:s5+$0x0] =	vst v0  }
0x3e5: {  	s6 =	sand.u32 $0x70, s17;
	s7 =	sand.u32 $0x6000, s18;
	s8 =	sadd.s32 $0x10, s9;
	[tilespmem:s2+$0x0] =	vst v0  }
0x3e6: {  	s10 =	sshll.u32 s8, $0x3;
	s5 =	sor.u32 $0x10000, s7;
	s2 =	sshll.u32 s17, $0x3  }
0x3e7: {  	s11 =	sadd.s32 $0x70, s9;
	s8 =	sand.u32 $0x70, s8;
	s2 =	sand.u32 $0x1800, s2  }
0x3e8: {  	s10 =	sand.u32 $0x1C00, s10;
	s6 =	sor.u32 s6, s2;
	s2 =	sand.u32 $0x70, s11  }
0x3e9: {  	s10 =	sor.u32 s10, s5;
	s6 =	sor.u32 s7, s6;
	s7 =	sshll.u32 s11, $0x3  }
0x3ea: {  	s10 =	sor.u32 s8, s10;
	s11 =	sadd.s32 $0x60, s9;
	s6 =	sor.u32 s0, s6  }
0x3eb: {  	s10 =	sor.u32 s0, s10;
	s8 =	sshll.u32 s11, $0x3;
	[tilespmem:s6+$0x10000] =	vst v0;
	s6 =	sadd.s32 $0x30, s9  }
0x3ec: {  	s13 =	sand.u32 $0x70, s6;
	s12 =	sshll.u32 s6, $0x3;
	s6 =	sand.u32 $0x70, s11  }
.Ltmp9:
0x3ed: {  	s11 =	sadd.s32 $0x50, s9;
	s12 =	sand.u32 $0x1C00, s12;
	(pc) =	sbr.rel @p0 .LBB2_20-.Ltmp9, $4  }
0x3ee: {  	s14 =	sadd.s32 $0x20, s9;
	s16 =	sadd.s32 $0x40, s9;
	s15 =	sor.u32 s12, s5  }
0x3ef: {  	s12 =	sand.u32 $0x70, s14;
	[tilespmem:s10+$0x0] =	vst v0;
	s9 =	sor.u32 s13, s15;
	s10 =	sand.u32 $0x70, s16  }
0x3f0: {  	s13 =	sshll.u32 s14, $0x3;
	s15 =	sshll.u32 s16, $0x3;
	s9 =	sor.u32 s0, s9  }
0x3f1: {  	s14 =	sand.u32 $0x1C00, s13;
	s15 =	sand.u32 $0x1C00, s15;
	s13 =	sshll.u32 s11, $0x3  }
0x3f2: {  	s1 =	sor.u32 s14, s5  }
0x3f3: {  	s3 =	sor.u32 s15, s5;
	s4 =	sand.u32 $0x70, s11;
	s1 =	sor.u32 s12, s1  }
0x3f4: {  	s13 =	sand.u32 $0x1C00, s13;
	s8 =	sand.u32 $0x1C00, s8;
	s1 =	sor.u32 s0, s1  }
0x3f5: {  	s7 =	sand.u32 $0x1C00, s7;
	s11 =	sor.u32 s13, s5;
	s3 =	sor.u32 s10, s3;
	[tilespmem:s1+$0x0] =	vst v0  }
0x3f6: {  	s15 =	sor.u32 s8, s5;
	s14 =	sor.u32 s4, s11;
	s3 =	sor.u32 s0, s3;
	[tilespmem:s9+$0x0] =	vst v0  }
0x3f7: {  	s16 =	sor.u32 s7, s5;
	s4 =	sor.u32 s6, s15;
	s1 =	sor.u32 s0, s14;
	[tilespmem:s3+$0x0] =	vst v0  }
0x3f8: {  	s5 =	rddreg [dreg:$0x14];
	s2 =	sor.u32 s2, s16;
	s17 =	sor.u32 s0, s4;
	[tilespmem:s1+$0x0] =	vst v0  }
0x3f9: {  	s20 =	sand.u32 $0x3F0, s5;
	s18 =	sor.u32 s0, s2;
	[tilespmem:s17+$0x0] =	vst v0  }
0x3fa: {  	s0 =	smin.u32 s20, $0x380;
	s2 =	simm.s32 $0x0;
	[tilespmem:s18+$0x0] =	vst v0  }
0x3fb: {  	s1 =	sshll.u32 s0, $0x3;
	v1 =	vld [tilespmem:s2+$0x5000]  }
0x3fc: {  	s1 =	sor.u32 s0, s1  }
0x3fd: {  	s21 =	sand.u32 $0x6000, s23;
	s1 =	sand.u32 $0x1C70, s1  }
0x3fe: {  	s15 =	sand.u32 $0x380, s23;
	[dreg:$0x18] =	wrdreg s1;
	s1 =	sor.u32 s21, s1  }
0x3ff: {  	s1 =	sor.u32 s15, s1  }
0x400: {  	s22 =	sadd.s32 $0x10, s0;
	[tilespmem:s1+$0x10000] =	vst v1  }
0x401: {  	s24 =	sshll.u32 s22, $0x3;
	v1 =	vld [tilespmem:s2+$0x5010]  }
0x402: {  	s6 =	sor.u32 $0x10000, s21;
	s4 =	sand.u32 $0x3C00, s24  }
0x403: {  	s26 =	sand.u32 $0x70, s22;
	s28 =	sadd.s32 s4, s6  }
0x404: {  	s1 =	sor.u32 s26, s28  }
0x405: {  	s1 =	sor.u32 s15, s1  }
0x406: {  	s29 =	sadd.s32 $0x20, s0;
	[tilespmem:s1+$0x0] =	vst v1  }
0x407: {  	[dreg:$0x1a] =	wrdreg s4;
	s4 =	sshll.u32 s29, $0x3;
	v1 =	vld [tilespmem:s2+$0x5020]  }
0x408: {  	s3 =	sand.u32 $0x3C00, s4  }
0x409: {  	s4 =	sand.u32 $0x70, s29;
	s7 =	sadd.s32 s3, s6  }
0x40a: {  	s1 =	sor.u32 s4, s7  }
0x40b: {  	s1 =	sor.u32 s15, s1  }
0x40c: {  	s8 =	sadd.s32 $0x30, s0;
	[tilespmem:s1+$0x0] =	vst v1  }
0x40d: {  	s9 =	sshll.u32 s8, $0x3;
	v1 =	vld [tilespmem:s2+$0x5030]  }
0x40e: {  	s10 =	sand.u32 $0x3C00, s9  }
0x40f: {  	s11 =	sand.u32 $0x70, s8;
	s12 =	sadd.s32 s10, s6  }
0x410: {  	s1 =	sor.u32 s11, s12  }
0x411: {  	s1 =	sor.u32 s15, s1  }
0x412: {  	[dreg:$0x19] =	wrdreg s3;
	s3 =	sadd.s32 $0x40, s0;
	[tilespmem:s1+$0x0] =	vst v1  }
0x413: {  	s13 =	sshll.u32 s3, $0x3;
	v1 =	vld [tilespmem:s2+$0x5040]  }
0x414: {  	s12 =	sand.u32 $0x3C00, s13  }
0x415: {  	s14 =	sand.u32 $0x70, s3;
	s16 =	sadd.s32 s12, s6  }
0x416: {  	s1 =	sor.u32 s14, s16  }
0x417: {  	s1 =	sor.u32 s15, s1  }
0x418: {  	s7 =	sadd.s32 $0x50, s0;
	[tilespmem:s1+$0x0] =	vst v1  }
0x419: {  	[dreg:$0x1c] =	wrdreg s11;
	s11 =	sshll.u32 s7, $0x3;
	v1 =	vld [tilespmem:s2+$0x5050]  }
0x41a: {  	s17 =	sand.u32 $0x3C00, s11  }
0x41b: {  	s18 =	sand.u32 $0x70, s7;
	s1 =	sadd.s32 s17, s6  }
0x41c: {  	s1 =	sor.u32 s18, s1  }
0x41d: {  	s1 =	sor.u32 s15, s1  }
0x41e: {  	s20 =	sadd.s32 $0x60, s0;
	[tilespmem:s1+$0x0] =	vst v1  }
0x41f: {  	s1 =	sshll.u32 s20, $0x3;
	v1 =	vld [tilespmem:s2+$0x5060]  }
0x420: {  	s21 =	sand.u32 $0x3C00, s1  }
0x421: {  	s31 =	sand.u32 $0x70, s20;
	s22 =	sadd.s32 s21, s6  }
0x422: {  	s24 =	sor.u32 s31, s22  }
0x423: {  	s28 =	sor.u32 s15, s24  }
0x424: {  	s30 =	sadd.s32 $0x70, s0;
	[tilespmem:s28+$0x0] =	vst v1  }
0x425: {  	[dreg:$0x1b] =	wrdreg s26;
	s26 =	sshll.u32 s30, $0x3;
	v1 =	vld [tilespmem:s2+$0x5070]  }
0x426: {  	[dreg:$0x1d] =	wrdreg s10;
	s0 =	sand.u32 $0x3C00, s26  }
0x427: {  	s29 =	sand.u32 $0x70, s30;
	s26 =	simm.s32 $0x400;
	s6 =	sadd.s32 s0, s6  }
0x428: {  	s21 =	simm.s32 $0x0;
	s22 =	sadd.s32 $0x1, s5;
	s8 =	sor.u32 s29, s6  }
0x429: {  	s24 =	simm.s32 $0x200;
	s6 =	sand.u32 $0x3F0, s22;
	s8 =	sor.u32 s15, s8  }
.LBB2_22:
0x42a: {  	p0 =	sne.s32 s26, $0x3E00;
	s20 =	smin.u32 s6, $0x380;
	s17 =	sshra.s32 s24, $0x2;
	[tilespmem:s8+$0x0] =	vst v1  }
0x42b: {  	s24 =	smov.u32 s26;
	v1 =	vld [tilespmem:s17+$0x5000];
	s2 =	sshll.u32 s20, $0x3  }
0x42c: {  	s23 =	sadd.s32 $0x400, s23;
	s2 =	sor.u32 s20, s2  }
0x42d: {  	s21 =	sadd.s32 $0x80, s21;
	s6 =	sand.u32 $0x6000, s23;
	s8 =	sand.u32 $0x1C70, s2  }
0x42e: {  	s2 =	sand.u32 $0x380, s21;
	s8 =	sor.u32 s6, s8  }
0x42f: {  	s8 =	sor.u32 s2, s8  }
0x430: {  	[tilespmem:s8+$0x10000] =	vst v1;
	s8 =	sadd.s32 $0x10, s20  }
0x431: {  	v1 =	vld [tilespmem:s17+$0x5010];
	s14 =	sshll.u32 s8, $0x3  }
0x432: {  	s15 =	sor.u32 $0x10000, s6;
	s14 =	sand.u32 $0x3C00, s14  }
0x433: {  	s6 =	sand.u32 $0x70, s8;
	s8 =	sadd.s32 s14, s15  }
0x434: {  	s6 =	sor.u32 s6, s8  }
0x435: {  	s6 =	sor.u32 s2, s6  }
0x436: {  	[tilespmem:s6+$0x0] =	vst v1;
	s6 =	sadd.s32 $0x20, s20  }
0x437: {  	v1 =	vld [tilespmem:s17+$0x5020];
	s8 =	sshll.u32 s6, $0x3  }
0x438: {  	s8 =	sand.u32 $0x3C00, s8  }
0x439: {  	s6 =	sand.u32 $0x70, s6;
	s8 =	sadd.s32 s8, s15  }
0x43a: {  	s6 =	sor.u32 s6, s8  }
0x43b: {  	s6 =	sor.u32 s2, s6  }
0x43c: {  	[tilespmem:s6+$0x0] =	vst v1;
	s6 =	sadd.s32 $0x30, s20  }
0x43d: {  	v1 =	vld [tilespmem:s17+$0x5030];
	s8 =	sshll.u32 s6, $0x3  }
0x43e: {  	s8 =	sand.u32 $0x3C00, s8  }
0x43f: {  	s6 =	sand.u32 $0x70, s6;
	s8 =	sadd.s32 s8, s15  }
0x440: {  	s6 =	sor.u32 s6, s8  }
0x441: {  	s6 =	sor.u32 s2, s6  }
0x442: {  	[tilespmem:s6+$0x0] =	vst v1;
	s6 =	sadd.s32 $0x40, s20  }
0x443: {  	v1 =	vld [tilespmem:s17+$0x5040];
	s8 =	sshll.u32 s6, $0x3  }
0x444: {  	s8 =	sand.u32 $0x3C00, s8  }
0x445: {  	s6 =	sand.u32 $0x70, s6;
	s8 =	sadd.s32 s8, s15  }
0x446: {  	s6 =	sor.u32 s6, s8  }
0x447: {  	s6 =	sor.u32 s2, s6  }
0x448: {  	[tilespmem:s6+$0x0] =	vst v1;
	s6 =	sadd.s32 $0x50, s20  }
0x449: {  	v1 =	vld [tilespmem:s17+$0x5050];
	s8 =	sshll.u32 s6, $0x3  }
0x44a: {  	s8 =	sand.u32 $0x3C00, s8  }
0x44b: {  	s6 =	sand.u32 $0x70, s6;
	s8 =	sadd.s32 s8, s15  }
0x44c: {  	s6 =	sor.u32 s6, s8  }
0x44d: {  	s6 =	sor.u32 s2, s6  }
0x44e: {  	[tilespmem:s6+$0x0] =	vst v1;
	s6 =	sadd.s32 $0x60, s20  }
0x44f: {  	v1 =	vld [tilespmem:s17+$0x5060];
	s8 =	sshll.u32 s6, $0x3  }
0x450: {  	s8 =	sand.u32 $0x3C00, s8  }
0x451: {  	s6 =	sand.u32 $0x70, s6;
	s8 =	sadd.s32 s8, s15  }
0x452: {  	s6 =	sor.u32 s6, s8  }
0x453: {  	s6 =	sor.u32 s2, s6  }
0x454: {  	[tilespmem:s6+$0x0] =	vst v1;
	s6 =	sadd.s32 $0x70, s20  }
.Ltmp10:
0x455: {  	v1 =	vld [tilespmem:s17+$0x5070];
	s8 =	sshll.u32 s6, $0x3;
	(pc) =	sbr.rel @p0 .LBB2_22-.Ltmp10, $4  }
0x456: {  	s8 =	sand.u32 $0x3C00, s8  }
0x457: {  	s6 =	sand.u32 $0x70, s6;
	s8 =	sadd.s32 s8, s15  }
0x458: {  	s22 =	sadd.s32 $0x1, s22;
	s8 =	sor.u32 s6, s8  }
0x459: {  	s26 =	sadd.s32 $0x200, s26;
	s6 =	sand.u32 $0x3F0, s22;
	s8 =	sor.u32 s2, s8  }
0x45a: {  	s2 =	smin.u32 s6, $0x380;
	s15 =	sshra.s32 s24, $0x2;
	[tilespmem:s8+$0x0] =	vst v1  }
0x45b: {  	v1 =	vld [tilespmem:s15+$0x5000];
	s6 =	sshll.u32 s2, $0x3  }
0x45c: {  	s16 =	sadd.s32 $0x400, s23;
	s6 =	sor.u32 s2, s6  }
0x45d: {  	s14 =	sadd.s32 $0x80, s21;
	s8 =	sand.u32 $0x6000, s16;
	s6 =	sand.u32 $0x1C70, s6  }
0x45e: {  	s16 =	sand.u32 $0x380, s14;
	s6 =	sor.u32 s8, s6  }
0x45f: {  	s6 =	sor.u32 s16, s6  }
0x460: {  	s17 =	sadd.s32 $0x10, s2;
	[tilespmem:s6+$0x10000] =	vst v1  }
0x461: {  	s18 =	sshll.u32 s17, $0x3;
	v1 =	vld [tilespmem:s15+$0x5010]  }
0x462: {  	s14 =	sand.u32 $0x3C00, s18;
	s8 =	sor.u32 $0x10000, s8  }
0x463: {  	s14 =	sadd.s32 s14, s8;
	s6 =	sand.u32 $0x70, s17  }
0x464: {  	s6 =	sor.u32 s6, s14  }
0x465: {  	s6 =	sor.u32 s16, s6  }
0x466: {  	s20 =	sadd.s32 $0x20, s2;
	[tilespmem:s6+$0x0] =	vst v1  }
0x467: {  	s21 =	sshll.u32 s20, $0x3;
	v1 =	vld [tilespmem:s15+$0x5020]  }
0x468: {  	s14 =	sand.u32 $0x3C00, s21  }
0x469: {  	s14 =	sadd.s32 s14, s8;
	s6 =	sand.u32 $0x70, s20  }
0x46a: {  	s6 =	sor.u32 s6, s14  }
0x46b: {  	s6 =	sor.u32 s16, s6  }
0x46c: {  	s22 =	sadd.s32 $0x30, s2;
	[tilespmem:s6+$0x0] =	vst v1  }
0x46d: {  	s23 =	sshll.u32 s22, $0x3;
	v1 =	vld [tilespmem:s15+$0x5030]  }
0x46e: {  	s14 =	sand.u32 $0x3C00, s23  }
0x46f: {  	s14 =	sadd.s32 s14, s8;
	s6 =	sand.u32 $0x70, s22  }
0x470: {  	s6 =	sor.u32 s6, s14  }
0x471: {  	s6 =	sor.u32 s16, s6  }
0x472: {  	s24 =	sadd.s32 $0x40, s2;
	[tilespmem:s6+$0x0] =	vst v1  }
0x473: {  	s26 =	sshll.u32 s24, $0x3;
	v1 =	vld [tilespmem:s15+$0x5040]  }
0x474: {  	s14 =	sand.u32 $0x3C00, s26  }
0x475: {  	s14 =	sadd.s32 s14, s8;
	s6 =	sand.u32 $0x70, s24  }
0x476: {  	s6 =	sor.u32 s6, s14  }
0x477: {  	s6 =	sor.u32 s16, s6  }
0x478: {  	s5 =	sadd.s32 $0x50, s2;
	[tilespmem:s6+$0x0] =	vst v1  }
0x479: {  	s9 =	sshll.u32 s5, $0x3;
	v1 =	vld [tilespmem:s15+$0x5050]  }
0x47a: {  	s14 =	sand.u32 $0x3C00, s9  }
0x47b: {  	s14 =	sadd.s32 s14, s8;
	s6 =	sand.u32 $0x70, s5  }
0x47c: {  	s6 =	sor.u32 s6, s14  }
0x47d: {  	s6 =	sor.u32 s16, s6  }
0x47e: {  	s10 =	sadd.s32 $0x60, s2;
	[tilespmem:s6+$0x0] =	vst v1  }
0x47f: {  	s13 =	sshll.u32 s10, $0x3;
	v1 =	vld [tilespmem:s15+$0x5060]  }
0x480: {  	s14 =	sand.u32 $0x3C00, s13  }
0x481: {  	s14 =	sadd.s32 s14, s8;
	s6 =	sand.u32 $0x70, s10  }
0x482: {  	s6 =	sor.u32 s6, s14  }
0x483: {  	s6 =	sor.u32 s16, s6  }
0x484: {  	s2 =	sadd.s32 $0x70, s2;
	[tilespmem:s6+$0x0] =	vst v1  }
0x485: {  	v1 =	vld [tilespmem:s15+$0x5070];
	s15 =	sshll.u32 s2, $0x3  }
0x486: {  	s6 =	sand.u32 $0x3C00, s15  }
0x487: {  	s2 =	sand.u32 $0x70, s2;
	s6 =	sadd.s32 s6, s8  }
0x488: {  	s2 =	sor.u32 s2, s6  }
0x489: {  	s2 =	sor.u32 s16, s2  }
0x48a: {  	s22 =	simm.s32 $0x400;
	s9 =	simm.s32 $0x0;
	s16 =	rddreg [dreg:$0xa];
	[tilespmem:s2+$0x0] =	vst v1  }
0x48b: {  	[hbm4b:s16+s9] =	stream.linear.scatter [tilespmem:s25], [sflag:$0x2], $0x8000, $0x38;
	[tilespmem:$0x18000] =	vst v63  }
0x48c: {  	s26 =	simm.s32 $0x80;
	s24 =	sand.u32 $0x380, s9;
	_ =	swait.ge [sflag:s19], $0x8000  }
0x48d: {  	s23 =	sand.u32 $0x6000, s9;
	[sflag:s19] =	ssyncset.done $0x0;
	s5 =	rddreg [dreg:$0x13]  }
0x48e: {  	[sflag:s19] =	ssyncadd.s32 $0xFFFF8000;
	s21 =	sadd.s32 $0x1, s5;
	s18 =	sshll.u32 s5, $0x3  }
0x48f: {  	s17 =	sand.u32 $0x70, s5;
	s19 =	sand.u32 $0x370, s5;
	s6 =	sand.u32 $0x1800, s18  }
0x490: {  	s25 =	sadd.s32 $0x10, s19;
	s5 =	sadd.s32 $0x70, s19;
	s18 =	sadd.s32 $0x30, s19  }
0x491: {  	s28 =	sadd.s32 $0x60, s19;
	s29 =	sadd.s32 $0x40, s19;
	s8 =	sadd.s32 $0x20, s19  }
0x492: {  	s2 =	sor.u32 s17, s6;
	s17 =	sor.u32 $0x8000, s23;
	s9 =	sshll.u32 s25, $0x3  }
0x493: {  	s15 =	sshll.u32 s5, $0x3;
	s14 =	sshll.u32 s18, $0x3;
	s20 =	sand.u32 $0x70, s5  }
0x494: {  	s6 =	sand.u32 $0x70, s25;
	s23 =	sshll.u32 s28, $0x3;
	s5 =	sshll.u32 s29, $0x3  }
0x495: {  	s29 =	sand.u32 $0x70, s29;
	s10 =	sor.u32 s2, s17;
	s13 =	sand.u32 $0x1C00, s9  }
0x496: {  	s9 =	sand.u32 $0x1C00, s14;
	s14 =	sadd.s32 $0x50, s19;
	s2 =	sand.u32 $0x70, s28  }
0x497: {  	s19 =	sor.u32 s24, s10;
	s10 =	sand.u32 $0x70, s8;
	s8 =	sshll.u32 s8, $0x3  }
0x498: {  	s28 =	sand.u32 $0x70, s18;
	s16 =	sand.u32 $0x1C00, s23;
	s8 =	sand.u32 $0x1C00, s8  }
0x499: {  	s23 =	sand.u32 $0x1C00, s5;
	s25 =	sor.u32 s13, s17;
	s13 =	sor.u32 s8, s17  }
0x49a: {  	s18 =	sshll.u32 s14, $0x3;
	s8 =	sor.u32 s6, s25;
	s25 =	sor.u32 s10, s13  }
0x49b: {  	[tilespmem:s19+$0x0] =	vst v0;
	s19 =	sor.u32 s9, s17;
	s6 =	sor.u32 s23, s17;
	s25 =	sor.u32 s24, s25  }
.LBB2_24:
0x49c: {  	s5 =	sor.u32 s24, s8;
	s8 =	sand.u32 $0x70, s14;
	s9 =	sand.u32 $0x1C00, s18  }
0x49d: {  	s10 =	smov.u32 s26;
	s13 =	smov.u32 s21;
	s14 =	smov.u32 s22  }
0x49e: {  	s6 =	sor.u32 s29, s6;
	s15 =	sand.u32 $0x1C00, s15;
	[tilespmem:s5+$0x0] =	vst v0;
	s5 =	sor.u32 s28, s19  }
0x49f: {  	s6 =	sor.u32 s24, s6;
	s9 =	sor.u32 s9, s17;
	s15 =	sor.u32 s15, s17;
	[tilespmem:s25+$0x0] =	vst v0  }
0x4a0: {  	s5 =	sor.u32 s24, s5;
	s8 =	sor.u32 s8, s9;
	s9 =	sor.u32 s20, s15  }
0x4a1: {  	s9 =	sor.u32 s24, s9;
	[tilespmem:s5+$0x0] =	vst v0;
	s5 =	sor.u32 s24, s8;
	s8 =	sor.u32 s16, s17  }
0x4a2: {  	p0 =	sne.s32 s26, $0xF80;
	s26 =	sadd.s32 $0x80, s26;
	[tilespmem:s6+$0x0] =	vst v0;
	s2 =	sor.u32 s2, s8  }
0x4a3: {  	[tilespmem:s5+$0x0] =	vst v0;
	s2 =	sor.u32 s24, s2  }
0x4a4: {  	[tilespmem:s2+$0x0] =	vst v0  }
0x4a5: {  	s21 =	sadd.s32 $0x1, s21;
	s22 =	sadd.s32 $0x400, s22;
	s8 =	sand.u32 $0x6000, s14;
	[tilespmem:s9+$0x0] =	vst v0  }
0x4a6: {  	s5 =	sshll.u32 s13, $0x3;
	s24 =	sand.u32 $0x380, s10;
	s2 =	sand.u32 $0x70, s13  }
0x4a7: {  	s6 =	sand.u32 $0x370, s13;
	s17 =	sor.u32 $0x8000, s8;
	s5 =	sand.u32 $0x1800, s5  }
0x4a8: {  	s2 =	sor.u32 s2, s5;
	s5 =	sadd.s32 $0x10, s6;
	s9 =	sadd.s32 $0x70, s6  }
0x4a9: {  	s10 =	sadd.s32 $0x30, s6;
	s16 =	sadd.s32 $0x60, s6;
	s8 =	sshll.u32 s5, $0x3  }
0x4aa: {  	s13 =	sor.u32 s2, s17;
	s15 =	sshll.u32 s9, $0x3;
	s8 =	sand.u32 $0x1C00, s8  }
0x4ab: {  	s14 =	sadd.s32 $0x50, s6;
	s2 =	sshll.u32 s10, $0x3;
	s20 =	sand.u32 $0x70, s9  }
0x4ac: {  	s19 =	sadd.s32 $0x40, s6;
	s9 =	sand.u32 $0x1C00, s2;
	s2 =	sand.u32 $0x70, s16  }
0x4ad: {  	s28 =	sand.u32 $0x70, s10;
	s5 =	sand.u32 $0x70, s5;
	s16 =	sshll.u32 s16, $0x3  }
0x4ae: {  	s6 =	sadd.s32 $0x20, s6;
	s10 =	sor.u32 s24, s13;
	s16 =	sand.u32 $0x1C00, s16  }
.Ltmp11:
0x4af: {  	s13 =	sand.u32 $0x70, s6;
	s6 =	sshll.u32 s6, $0x3;
	(pc) =	sbr.rel @p0 .LBB2_24-.Ltmp11, $4  }
0x4b0: {  	s18 =	sshll.u32 s19, $0x3;
	s8 =	sor.u32 s8, s17;
	s6 =	sand.u32 $0x1C00, s6  }
0x4b1: {  	s23 =	sand.u32 $0x1C00, s18;
	s18 =	sshll.u32 s14, $0x3;
	s6 =	sor.u32 s6, s17  }
0x4b2: {  	s29 =	sand.u32 $0x70, s19;
	s8 =	sor.u32 s5, s8;
	s5 =	sor.u32 s13, s6  }
0x4b3: {  	s19 =	sor.u32 s9, s17;
	s6 =	sor.u32 s23, s17;
	s25 =	sor.u32 s24, s5;
	[tilespmem:s10+$0x0] =	vst v0  }
0x4b4: {  	s5 =	sor.u32 s24, s8;
	s21 =	sand.u32 $0x70, s14  }
0x4b5: {  	s9 =	sand.u32 $0x1C00, s18;
	s22 =	sor.u32 s28, s19;
	s6 =	sor.u32 s29, s6;
	[tilespmem:s5+$0x0] =	vst v0  }
0x4b6: {  	s10 =	sand.u32 $0x1C00, s15;
	s9 =	sor.u32 s9, s17;
	s5 =	sor.u32 s24, s22;
	[tilespmem:s25+$0x0] =	vst v0  }
0x4b7: {  	s23 =	sor.u32 s16, s17;
	s6 =	sor.u32 s24, s6;
	s8 =	sor.u32 s21, s9;
	[tilespmem:s5+$0x0] =	vst v0  }
0x4b8: {  	s2 =	sor.u32 s2, s23;
	s25 =	sor.u32 s10, s17;
	s8 =	sor.u32 s24, s8;
	[tilespmem:s6+$0x0] =	vst v0  }
0x4b9: {  	s13 =	rddreg [dreg:$0x15];
	s2 =	sor.u32 s24, s2;
	s26 =	sor.u32 s20, s25;
	[tilespmem:s8+$0x0] =	vst v0  }
0x4ba: {  	s28 =	sand.u32 $0x3B0, s13;
	s5 =	sor.u32 s24, s26;
	[tilespmem:s2+$0x0] =	vst v0  }
0x4bb: {  	s29 =	smin.u32 s28, $0x380;
	s2 =	simm.s32 $0x0;
	[tilespmem:s5+$0x0] =	vst v0  }
0x4bc: {  	s14 =	simm.s32 $0x0;
	s6 =	sshll.u32 s29, $0x3;
	v1 =	vld [tilespmem:s2+$0x6000]  }
0x4bd: {  	s15 =	sand.u32 $0x6000, s14;
	s6 =	sor.u32 s29, s6  }
0x4be: {  	s8 =	sor.u32 $0x8000, s15;
	s6 =	sand.u32 $0x1C30, s6  }
0x4bf: {  	s16 =	sand.u32 $0x380, s14;
	s6 =	sor.u32 s6, s8  }
0x4c0: {  	s6 =	sor.u32 s16, s6  }
0x4c1: {  	s18 =	sadd.s32 $0x10, s29;
	[tilespmem:s6+$0x0] =	vst v1  }
0x4c2: {  	s19 =	sshll.u32 s18, $0x3;
	v1 =	vld [tilespmem:s2+$0x6010]  }
0x4c3: {  	s10 =	sand.u32 $0x1C00, s19  }
0x4c4: {  	s9 =	sand.u32 $0x70, s18;
	s10 =	sor.u32 s10, s8  }
0x4c5: {  	s9 =	sor.u32 s9, s10  }
0x4c6: {  	s9 =	sor.u32 s16, s9  }
0x4c7: {  	s20 =	sadd.s32 $0x20, s29;
	[tilespmem:s9+$0x0] =	vst v1  }
0x4c8: {  	s21 =	sshll.u32 s20, $0x3;
	v1 =	vld [tilespmem:s2+$0x6020]  }
0x4c9: {  	s9 =	sand.u32 $0x1C00, s21  }
0x4ca: {  	s10 =	sand.u32 $0x70, s20;
	s9 =	sor.u32 s9, s8  }
0x4cb: {  	s9 =	sor.u32 s10, s9  }
0x4cc: {  	s9 =	sor.u32 s16, s9  }
0x4cd: {  	s22 =	sadd.s32 $0x30, s29;
	[tilespmem:s9+$0x0] =	vst v1  }
0x4ce: {  	s23 =	sshll.u32 s22, $0x3;
	v1 =	vld [tilespmem:s2+$0x6030]  }
0x4cf: {  	s9 =	sand.u32 $0x1C00, s23  }
0x4d0: {  	s10 =	sand.u32 $0x70, s22;
	s9 =	sor.u32 s9, s8  }
0x4d1: {  	s9 =	sor.u32 s10, s9  }
0x4d2: {  	s9 =	sor.u32 s16, s9  }
0x4d3: {  	[tilespmem:s9+$0x0] =	vst v1  }
0x4d4: {  	v1 =	vld [tilespmem:s2+$0x6040];
	_ =	sdelay $0x4  }
0x4d5: {  	s24 =	sadd.s32 $0x50, s29;
	[tilespmem:s6+$0x40] =	vst v1  }
0x4d6: {  	s25 =	sshll.u32 s24, $0x3;
	v1 =	vld [tilespmem:s2+$0x6050]  }
0x4d7: {  	s6 =	sand.u32 $0x3C00, s25  }
0x4d8: {  	s9 =	sand.u32 $0x70, s24;
	s6 =	sadd.s32 s6, s8  }
0x4d9: {  	s6 =	sor.u32 s9, s6  }
0x4da: {  	s6 =	sor.u32 s16, s6  }
0x4db: {  	s26 =	sadd.s32 $0x60, s29;
	[tilespmem:s6+$0x0] =	vst v1  }
0x4dc: {  	s28 =	sshll.u32 s26, $0x3;
	v1 =	vld [tilespmem:s2+$0x6060]  }
0x4dd: {  	s6 =	sand.u32 $0x3C00, s28  }
0x4de: {  	s9 =	sand.u32 $0x70, s26;
	s6 =	sadd.s32 s6, s8  }
0x4df: {  	s6 =	sor.u32 s9, s6  }
0x4e0: {  	s6 =	sor.u32 s16, s6  }
0x4e1: {  	s5 =	sadd.s32 $0x70, s29;
	[tilespmem:s6+$0x0] =	vst v1  }
0x4e2: {  	s29 =	sshll.u32 s5, $0x3;
	v1 =	vld [tilespmem:s2+$0x6070]  }
0x4e3: {  	s17 =	sadd.s32 $0x1, s13;
	s5 =	sand.u32 $0x70, s5;
	s10 =	sand.u32 $0x3C00, s29  }
0x4e4: {  	s21 =	simm.s32 $0x400;
	s22 =	simm.s32 $0x400;
	s8 =	sadd.s32 s10, s8  }
0x4e5: {  	s23 =	simm.s32 $0x80;
	s26 =	simm.s32 $0x80;
	s5 =	sor.u32 s5, s8  }
0x4e6: {  	s24 =	sand.u32 $0x380, s26;
	s8 =	sor.u32 s16, s5;
	s6 =	sand.u32 $0x3B0, s17  }
.LBB2_26:
0x4e7: {  	s2 =	sshra.s32 s22, $0x2;
	s5 =	smin.u32 s6, $0x380;
	s6 =	sand.u32 $0x6000, s21;
	[tilespmem:s8+$0x0] =	vst v1  }
0x4e8: {  	v1 =	vld [tilespmem:s23+$0x6000];
	s8 =	sshll.u32 s5, $0x3;
	s9 =	sadd.s32 $0x10, s5;
	s10 =	sadd.s32 $0x20, s5  }
0x4e9: {  	s6 =	sor.u32 $0x8000, s6;
	s8 =	sor.u32 s5, s8;
	s13 =	sshll.u32 s9, $0x3  }
0x4ea: {  	s9 =	sand.u32 $0x70, s9;
	s8 =	sand.u32 $0x1C30, s8;
	s13 =	sand.u32 $0x1C00, s13  }
0x4eb: {  	s14 =	sand.u32 $0x70, s10;
	s8 =	sor.u32 s8, s6;
	s13 =	sor.u32 s13, s6  }
0x4ec: {  	s15 =	sor.u32 s24, s8;
	s8 =	sor.u32 s9, s13;
	s9 =	sshll.u32 s10, $0x3  }
0x4ed: {  	s10 =	sadd.s32 $0x30, s5;
	s13 =	sadd.s32 $0x50, s5;
	[tilespmem:s15+$0x0] =	vst v1;
	s9 =	sand.u32 $0x1C00, s9  }
0x4ee: {  	s16 =	sshll.u32 s10, $0x3;
	s18 =	sshll.u32 s13, $0x3;
	v1 =	vld [tilespmem:s23+$0x6010];
	s9 =	sor.u32 s9, s6  }
0x4ef: {  	s13 =	sand.u32 $0x70, s13;
	s16 =	sand.u32 $0x1C00, s16;
	s18 =	sand.u32 $0x3C00, s18  }
0x4f0: {  	s10 =	sand.u32 $0x70, s10;
	s16 =	sor.u32 s16, s6;
	s18 =	sadd.s32 s18, s6  }
0x4f1: {  	s10 =	sor.u32 s10, s16;
	s13 =	sor.u32 s13, s18;
	s16 =	sadd.s32 $0x60, s5  }
0x4f2: {  	s8 =	sor.u32 s24, s8;
	s5 =	sadd.s32 $0x70, s5;
	s18 =	sshll.u32 s16, $0x3  }
0x4f3: {  	[tilespmem:s8+$0x0] =	vst v1;
	s8 =	sor.u32 s14, s9;
	s9 =	sand.u32 $0x3C00, s18;
	s14 =	sshll.u32 s5, $0x3  }
0x4f4: {  	s16 =	sand.u32 $0x70, s16;
	v1 =	vld [tilespmem:s23+$0x6020];
	s9 =	sadd.s32 s9, s6;
	s14 =	sand.u32 $0x3C00, s14  }
0x4f5: {  	s5 =	sand.u32 $0x70, s5;
	s9 =	sor.u32 s16, s9;
	s6 =	sadd.s32 s14, s6  }
0x4f6: {  	p0 =	sne.s32 s22, $0x3E00;
	s22 =	sadd.s32 $0x200, s22;
	s5 =	sor.u32 s5, s6  }
0x4f7: {  	_ = 	snop  }
0x4f8: {  	s6 =	sor.u32 s24, s8  }
0x4f9: {  	[tilespmem:s6+$0x0] =	vst v1  }
0x4fa: {  	v1 =	vld [tilespmem:s23+$0x6030];
	_ =	sdelay $0x3  }
0x4fb: {  	s6 =	sor.u32 s24, s10  }
0x4fc: {  	[tilespmem:s6+$0x0] =	vst v1  }
0x4fd: {  	v1 =	vld [tilespmem:s23+$0x6040];
	_ =	sdelay $0x4  }
0x4fe: {  	[tilespmem:s15+$0x40] =	vst v1  }
0x4ff: {  	v1 =	vld [tilespmem:s23+$0x6050];
	_ =	sdelay $0x3  }
0x500: {  	s6 =	sor.u32 s24, s13  }
0x501: {  	[tilespmem:s6+$0x0] =	vst v1  }
0x502: {  	v1 =	vld [tilespmem:s23+$0x6060];
	_ =	sdelay $0x3  }
0x503: {  	s6 =	sor.u32 s24, s9  }
0x504: {  	[tilespmem:s6+$0x0] =	vst v1  }
.Ltmp12:
0x505: {  	v1 =	vld [tilespmem:s23+$0x6070];
	s23 =	smov.u32 s2;
	(pc) =	sbr.rel @p0 .LBB2_26-.Ltmp12, $3  }
0x506: {  	_ =	sdelay $0x1  }
0x507: {  	s26 =	sadd.s32 $0x80, s26;
	s21 =	sadd.s32 $0x400, s21;
	s17 =	sadd.s32 $0x1, s17  }
0x508: {  	s8 =	sor.u32 s24, s5;
	s24 =	sand.u32 $0x380, s26;
	s6 =	sand.u32 $0x3B0, s17  }
0x509: {  	s2 =	smin.u32 s6, $0x380;
	[tilespmem:s8+$0x0] =	vst v1  }
0x50a: {  	v1 =	vld [tilespmem:s23+$0x6000];
	s5 =	sshll.u32 s2, $0x3  }
0x50b: {  	s17 =	sand.u32 $0x6000, s21;
	s5 =	sor.u32 s2, s5  }
0x50c: {  	s6 =	sor.u32 $0x8000, s17;
	s5 =	sand.u32 $0x1C30, s5  }
0x50d: {  	s5 =	sor.u32 s5, s6  }
0x50e: {  	s5 =	sor.u32 s24, s5  }
0x50f: {  	s18 =	sadd.s32 $0x10, s2;
	[tilespmem:s5+$0x0] =	vst v1  }
0x510: {  	s9 =	sshll.u32 s18, $0x3;
	v1 =	vld [tilespmem:s23+$0x6010]  }
0x511: {  	s9 =	sand.u32 $0x1C00, s9  }
0x512: {  	s8 =	sand.u32 $0x70, s18;
	s9 =	sor.u32 s9, s6  }
0x513: {  	s8 =	sor.u32 s8, s9  }
0x514: {  	s8 =	sor.u32 s24, s8  }
0x515: {  	s19 =	sadd.s32 $0x20, s2;
	[tilespmem:s8+$0x0] =	vst v1  }
0x516: {  	s20 =	sshll.u32 s19, $0x3;
	v1 =	vld [tilespmem:s23+$0x6020]  }
0x517: {  	s8 =	sand.u32 $0x1C00, s20  }
0x518: {  	s9 =	sand.u32 $0x70, s19;
	s8 =	sor.u32 s8, s6  }
0x519: {  	s8 =	sor.u32 s9, s8  }
0x51a: {  	s8 =	sor.u32 s24, s8  }
0x51b: {  	s21 =	sadd.s32 $0x30, s2;
	[tilespmem:s8+$0x0] =	vst v1  }
0x51c: {  	s22 =	sshll.u32 s21, $0x3;
	v1 =	vld [tilespmem:s23+$0x6030]  }
0x51d: {  	s8 =	sand.u32 $0x1C00, s22  }
0x51e: {  	s9 =	sand.u32 $0x70, s21;
	s8 =	sor.u32 s8, s6  }
0x51f: {  	s8 =	sor.u32 s9, s8  }
0x520: {  	s8 =	sor.u32 s24, s8  }
0x521: {  	[tilespmem:s8+$0x0] =	vst v1  }
0x522: {  	v1 =	vld [tilespmem:s23+$0x6040];
	_ =	sdelay $0x4  }
0x523: {  	s25 =	sadd.s32 $0x50, s2;
	[tilespmem:s5+$0x40] =	vst v1  }
0x524: {  	s26 =	sshll.u32 s25, $0x3;
	v1 =	vld [tilespmem:s23+$0x6050]  }
0x525: {  	s5 =	sand.u32 $0x3C00, s26  }
0x526: {  	s8 =	sand.u32 $0x70, s25;
	s5 =	sadd.s32 s5, s6  }
0x527: {  	s5 =	sor.u32 s8, s5  }
0x528: {  	s5 =	sor.u32 s24, s5  }
0x529: {  	s28 =	sadd.s32 $0x60, s2;
	[tilespmem:s5+$0x0] =	vst v1  }
0x52a: {  	s29 =	sshll.u32 s28, $0x3;
	v1 =	vld [tilespmem:s23+$0x6060]  }
0x52b: {  	s5 =	sand.u32 $0x3C00, s29  }
0x52c: {  	s8 =	sand.u32 $0x70, s28;
	s5 =	sadd.s32 s5, s6  }
0x52d: {  	s5 =	sor.u32 s8, s5  }
0x52e: {  	s5 =	sor.u32 s24, s5  }
0x52f: {  	s2 =	sadd.s32 $0x70, s2;
	[tilespmem:s5+$0x0] =	vst v1  }
0x530: {  	s8 =	sshll.u32 s2, $0x3;
	v1 =	vld [tilespmem:s23+$0x6070]  }
0x531: {  	s5 =	sand.u32 $0x3C00, s8  }
0x532: {  	s2 =	sand.u32 $0x70, s2;
	s5 =	sadd.s32 s5, s6  }
0x533: {  	s2 =	sor.u32 s2, s5  }
0x534: {  	s10 =	simm.s32 $0x8000;
	s2 =	sor.u32 s24, s2  }
0x535: {  	s9 =	rddreg [dreg:$0xb];
	s26 =	simm.s32 $0x2;
	s23 =	simm.s32 $0x0;
	[tilespmem:s2+$0x0] =	vst v1  }
0x536: {  	[hbm4b:s9+s23] =	stream.linear.scatter [tilespmem:s10], [sflag:$0x1], $0x8000, $0x38;
	[tilespmem:$0x18000] =	vst v63  }
0x537: {  	_ =	swait.ge [sflag:s26], $0x8000  }
0x538: {  	s14 =	rddreg [dreg:$0x18]  }
0x539: {  	s15 =	rddreg [dreg:$0x1a]  }
0x53a: {  	s18 =	rddreg [dreg:$0x1b]  }
0x53b: {  	s21 =	simm.s32 $0x400;
	s19 =	rddreg [dreg:$0x1d]  }
0x53c: {  	s13 =	sand.u32 $0x6000, s23;
	s17 =	sand.u32 $0x380, s23;
	s25 =	rddreg [dreg:$0x1c]  }
0x53d: {  	s20 =	sor.u32 $0x10000, s13;
	[sflag:s26] =	ssyncset.done $0x0;
	s28 =	rddreg [dreg:$0x14]  }
0x53e: {  	s29 =	rddreg [dreg:$0x19];
	[sflag:s26] =	ssyncadd.s32 $0xFFFF8000;
	s2 =	sor.u32 s13, s14  }
0x53f: {  	s5 =	sadd.s32 s15, s20;
	s22 =	sadd.s32 s19, s20;
	s15 =	simm.s32 $0x1  }
0x540: {  	s16 =	sor.u32 s17, s2;
	s5 =	sor.u32 s18, s5;
	s2 =	simm.s32 $0x80  }
0x541: {  	s8 =	sor.u32 s25, s22;
	[tilespmem:s16+$0x10000] =	vst v0;
	s24 =	sor.u32 s17, s5;
	s5 =	sadd.s32 $0x1, s28  }
0x542: {  	s6 =	sor.u32 s17, s8;
	s8 =	sadd.s32 s29, s20;
	s16 =	simm.s32 $0x10000;
	[tilespmem:s24+$0x0] =	vst v0  }
.LBB2_28:
0x543: {  	s4 =	sor.u32 s4, s8;
	s8 =	sadd.s32 s12, s20  }
0x544: {  	s7 =	sand.u32 $0x70, s7;
	s9 =	smov.u32 s21;
	s10 =	smov.u32 s2  }
0x545: {  	s3 =	sand.u32 $0x70, s3;
	s11 =	sand.u32 $0x3C00, s11;
	s4 =	sor.u32 s17, s4  }
0x546: {  	s0 =	sadd.s32 s0, s20;
	s3 =	sor.u32 s3, s8;
	[tilespmem:s4+$0x0] =	vst v0;
	s4 =	sadd.s32 s11, s20  }
0x547: {  	s1 =	sand.u32 $0x3C00, s1;
	s3 =	sor.u32 s17, s3;
	[tilespmem:s6+$0x0] =	vst v0;
	s4 =	sor.u32 s7, s4  }
0x548: {  	s1 =	sadd.s32 s1, s20;
	[tilespmem:s3+$0x0] =	vst v0;
	s3 =	sor.u32 s17, s4;
	s4 =	sand.u32 $0x70, s30  }
0x549: {  	p0 =	sne.s32 s21, $0x7C00;
	s1 =	sor.u32 s31, s1;
	[tilespmem:s3+$0x0] =	vst v0;
	s0 =	sor.u32 s4, s0  }
0x54a: {  	s21 =	sadd.s32 $0x400, s21;
	s1 =	sor.u32 s17, s1;
	s0 =	sor.u32 s17, s0  }
0x54b: {  	[tilespmem:s1+$0x0] =	vst v0  }
0x54c: {  	[tilespmem:s0+$0x0] =	vst v0;
	s0 =	sand.u32 $0x3F0, s5  }
0x54d: {  	s2 =	sadd.s32 $0x80, s2;
	s5 =	sadd.s32 $0x1, s5;
	s3 =	smin.u32 s0, $0x380  }
0x54e: {  	s17 =	sand.u32 $0x380, s10;
	s0 =	sand.u32 $0x6000, s9;
	s1 =	sshll.u32 s3, $0x3  }
0x54f: {  	s4 =	sadd.s32 $0x10, s3;
	s20 =	sor.u32 $0x10000, s0;
	s30 =	sadd.s32 $0x70, s3  }
0x550: {  	s9 =	sadd.s32 $0x20, s3;
	s1 =	sor.u32 s3, s1;
	s6 =	sshll.u32 s4, $0x3  }
0x551: {  	s7 =	sshll.u32 s30, $0x3;
	s1 =	sand.u32 $0x1C70, s1;
	s6 =	sand.u32 $0x3C00, s6  }
0x552: {  	s1 =	sor.u32 s0, s1;
	s6 =	sadd.s32 s6, s20;
	s0 =	sand.u32 $0x3C00, s7  }
0x553: {  	s4 =	sand.u32 $0x70, s4;
	s7 =	sadd.s32 $0x60, s3;
	s1 =	sor.u32 s17, s1  }
0x554: {  	s4 =	sor.u32 s4, s6;
	s6 =	sadd.s32 $0x30, s3;
	[tilespmem:s1+$0x10000] =	vst v0;
	s1 =	sshll.u32 s7, $0x3  }
0x555: {  	s31 =	sand.u32 $0x70, s7;
	s8 =	sand.u32 $0x70, s6;
	s6 =	sshll.u32 s6, $0x3  }
.Ltmp13:
0x556: {  	s6 =	sand.u32 $0x3C00, s6;
	s7 =	sadd.s32 $0x50, s3;
	(pc) =	sbr.rel @p0 .LBB2_28-.Ltmp13, $4  }
0x557: {  	s10 =	sshll.u32 s9, $0x3;
	s3 =	sadd.s32 $0x40, s3;
	s6 =	sadd.s32 s6, s20  }
0x558: {  	s10 =	sand.u32 $0x3C00, s10;
	s4 =	sor.u32 s17, s4;
	s6 =	sor.u32 s8, s6  }
0x559: {  	s6 =	sor.u32 s17, s6;
	[tilespmem:s4+$0x0] =	vst v0;
	s4 =	sand.u32 $0x70, s9;
	s9 =	sshll.u32 s3, $0x3  }
0x55a: {  	s11 =	sshll.u32 s7, $0x3;
	s8 =	sadd.s32 s10, s20;
	s12 =	sand.u32 $0x3C00, s9  }
0x55b: {  	s2 =	sor.u32 s4, s8  }
0x55c: {  	s28 =	sadd.s32 s12, s20;
	s5 =	sand.u32 $0x70, s7;
	s3 =	sand.u32 $0x70, s3  }
0x55d: {  	s29 =	sand.u32 $0x3C00, s11;
	s0 =	sadd.s32 s0, s20;
	s2 =	sor.u32 s17, s2  }
0x55e: {  	s1 =	sand.u32 $0x3C00, s1;
	s3 =	sor.u32 s3, s28;
	s4 =	sadd.s32 s29, s20;
	[tilespmem:s2+$0x0] =	vst v0  }
0x55f: {  	s1 =	sadd.s32 s1, s20;
	s3 =	sor.u32 s17, s3;
	s2 =	sor.u32 s5, s4;
	[tilespmem:s6+$0x0] =	vst v0  }
0x560: {  	s5 =	sand.u32 $0x70, s30;
	s1 =	sor.u32 s31, s1;
	s2 =	sor.u32 s17, s2;
	[tilespmem:s3+$0x0] =	vst v0  }
0x561: {  	s7 =	rddreg [dreg:$0x16];
	s0 =	sor.u32 s5, s0;
	s1 =	sor.u32 s17, s1;
	[tilespmem:s2+$0x0] =	vst v0  }
0x562: {  	s6 =	sand.u32 $0x3F0, s7;
	s0 =	sor.u32 s17, s0;
	[tilespmem:s1+$0x0] =	vst v0  }
0x563: {  	s8 =	simm.s32 $0x0;
	s1 =	smin.u32 s6, $0x380;
	[tilespmem:s0+$0x0] =	vst v0  }
0x564: {  	s9 =	sshll.u32 s1, $0x3;
	v1 =	vld [tilespmem:s8+$0x7000]  }
0x565: {  	s2 =	sor.u32 s1, s9  }
0x566: {  	s10 =	sand.u32 $0x6000, s23;
	s11 =	sand.u32 $0x1C70, s2  }
0x567: {  	s12 =	sand.u32 $0x380, s23;
	s4 =	sor.u32 s10, s11  }
0x568: {  	s4 =	sor.u32 s12, s4  }
0x569: {  	s13 =	sadd.s32 $0x10, s1;
	[tilespmem:s4+$0x10000] =	vst v1  }
0x56a: {  	s14 =	sshll.u32 s13, $0x3;
	v1 =	vld [tilespmem:s8+$0x7010]  }
0x56b: {  	s3 =	sor.u32 $0x10000, s10;
	s5 =	sand.u32 $0x3C00, s14  }
0x56c: {  	s5 =	sadd.s32 s5, s3;
	s4 =	sand.u32 $0x70, s13  }
0x56d: {  	s4 =	sor.u32 s4, s5  }
0x56e: {  	s4 =	sor.u32 s12, s4  }
0x56f: {  	s17 =	sadd.s32 $0x20, s1;
	[tilespmem:s4+$0x0] =	vst v1  }
0x570: {  	s18 =	sshll.u32 s17, $0x3;
	v1 =	vld [tilespmem:s8+$0x7020]  }
0x571: {  	s5 =	sand.u32 $0x3C00, s18  }
0x572: {  	s5 =	sadd.s32 s5, s3;
	s4 =	sand.u32 $0x70, s17  }
0x573: {  	s4 =	sor.u32 s4, s5  }
0x574: {  	s4 =	sor.u32 s12, s4  }
0x575: {  	s19 =	sadd.s32 $0x30, s1;
	[tilespmem:s4+$0x0] =	vst v1  }
0x576: {  	s20 =	sshll.u32 s19, $0x3;
	v1 =	vld [tilespmem:s8+$0x7030]  }
0x577: {  	s5 =	sand.u32 $0x3C00, s20  }
0x578: {  	s5 =	sadd.s32 s5, s3;
	s4 =	sand.u32 $0x70, s19  }
0x579: {  	s4 =	sor.u32 s4, s5  }
0x57a: {  	s4 =	sor.u32 s12, s4  }
0x57b: {  	s21 =	sadd.s32 $0x40, s1;
	[tilespmem:s4+$0x0] =	vst v1  }
0x57c: {  	s22 =	sshll.u32 s21, $0x3;
	v1 =	vld [tilespmem:s8+$0x7040]  }
0x57d: {  	s5 =	sand.u32 $0x3C00, s22  }
0x57e: {  	s5 =	sadd.s32 s5, s3;
	s4 =	sand.u32 $0x70, s21  }
0x57f: {  	s4 =	sor.u32 s4, s5  }
0x580: {  	s4 =	sor.u32 s12, s4  }
0x581: {  	s24 =	sadd.s32 $0x50, s1;
	[tilespmem:s4+$0x0] =	vst v1  }
0x582: {  	s25 =	sshll.u32 s24, $0x3;
	v1 =	vld [tilespmem:s8+$0x7050]  }
0x583: {  	s5 =	sand.u32 $0x3C00, s25  }
0x584: {  	s5 =	sadd.s32 s5, s3;
	s4 =	sand.u32 $0x70, s24  }
0x585: {  	s4 =	sor.u32 s4, s5  }
0x586: {  	s4 =	sor.u32 s12, s4  }
0x587: {  	s28 =	sadd.s32 $0x60, s1;
	[tilespmem:s4+$0x0] =	vst v1  }
0x588: {  	s29 =	sshll.u32 s28, $0x3;
	v1 =	vld [tilespmem:s8+$0x7060]  }
0x589: {  	s4 =	sand.u32 $0x3C00, s29  }
0x58a: {  	s5 =	sand.u32 $0x70, s28;
	s4 =	sadd.s32 s4, s3  }
0x58b: {  	s4 =	sor.u32 s5, s4  }
0x58c: {  	s4 =	sor.u32 s12, s4  }
0x58d: {  	s1 =	sadd.s32 $0x70, s1;
	[tilespmem:s4+$0x0] =	vst v1  }
0x58e: {  	s30 =	sshll.u32 s1, $0x3;
	v1 =	vld [tilespmem:s8+$0x7070]  }
0x58f: {  	s0 =	simm.s32 $0x0;
	s5 =	sand.u32 $0x3C00, s30  }
0x590: {  	s31 =	sand.u32 $0x70, s1;
	s1 =	sadd.s32 $0x1, s7;
	s5 =	sadd.s32 s5, s3  }
0x591: {  	s14 =	rddreg [dreg:$0xe];
	s3 =	simm.s32 $0x200;
	s6 =	sor.u32 s31, s5  }
0x592: {  	s5 =	sand.u32 $0x3F0, s1;
	s6 =	sor.u32 s12, s6;
	s4 =	simm.s32 $0x400  }
.LBB2_30:
0x593: {  	p0 =	sne.s32 s4, $0x3E00;
	s2 =	smin.u32 s5, $0x380;
	s5 =	sshra.s32 s3, $0x2;
	[tilespmem:s6+$0x0] =	vst v1  }
0x594: {  	s3 =	smov.u32 s4;
	v1 =	vld [tilespmem:s5+$0x7000];
	s6 =	sshll.u32 s2, $0x3  }
0x595: {  	s23 =	sadd.s32 $0x400, s23;
	s6 =	sor.u32 s2, s6  }
0x596: {  	s0 =	sadd.s32 $0x80, s0;
	s7 =	sand.u32 $0x6000, s23;
	s8 =	sand.u32 $0x1C70, s6  }
0x597: {  	s6 =	sand.u32 $0x380, s0;
	s8 =	sor.u32 s7, s8  }
0x598: {  	s8 =	sor.u32 s6, s8  }
0x599: {  	[tilespmem:s8+$0x10000] =	vst v1;
	s8 =	sadd.s32 $0x10, s2  }
0x59a: {  	v1 =	vld [tilespmem:s5+$0x7010];
	s9 =	sshll.u32 s8, $0x3  }
0x59b: {  	s7 =	sor.u32 $0x10000, s7;
	s9 =	sand.u32 $0x3C00, s9  }
0x59c: {  	s8 =	sand.u32 $0x70, s8;
	s9 =	sadd.s32 s9, s7  }
0x59d: {  	s8 =	sor.u32 s8, s9  }
0x59e: {  	s8 =	sor.u32 s6, s8  }
0x59f: {  	[tilespmem:s8+$0x0] =	vst v1;
	s8 =	sadd.s32 $0x20, s2  }
0x5a0: {  	v1 =	vld [tilespmem:s5+$0x7020];
	s9 =	sshll.u32 s8, $0x3  }
0x5a1: {  	s9 =	sand.u32 $0x3C00, s9  }
0x5a2: {  	s8 =	sand.u32 $0x70, s8;
	s9 =	sadd.s32 s9, s7  }
0x5a3: {  	s8 =	sor.u32 s8, s9  }
0x5a4: {  	s8 =	sor.u32 s6, s8  }
0x5a5: {  	[tilespmem:s8+$0x0] =	vst v1;
	s8 =	sadd.s32 $0x30, s2  }
0x5a6: {  	v1 =	vld [tilespmem:s5+$0x7030];
	s9 =	sshll.u32 s8, $0x3  }
0x5a7: {  	s9 =	sand.u32 $0x3C00, s9  }
0x5a8: {  	s8 =	sand.u32 $0x70, s8;
	s9 =	sadd.s32 s9, s7  }
0x5a9: {  	s8 =	sor.u32 s8, s9  }
0x5aa: {  	s8 =	sor.u32 s6, s8  }
0x5ab: {  	[tilespmem:s8+$0x0] =	vst v1;
	s8 =	sadd.s32 $0x40, s2  }
0x5ac: {  	v1 =	vld [tilespmem:s5+$0x7040];
	s9 =	sshll.u32 s8, $0x3  }
0x5ad: {  	s9 =	sand.u32 $0x3C00, s9  }
0x5ae: {  	s8 =	sand.u32 $0x70, s8;
	s9 =	sadd.s32 s9, s7  }
0x5af: {  	s8 =	sor.u32 s8, s9  }
0x5b0: {  	s8 =	sor.u32 s6, s8  }
0x5b1: {  	[tilespmem:s8+$0x0] =	vst v1;
	s8 =	sadd.s32 $0x50, s2  }
0x5b2: {  	v1 =	vld [tilespmem:s5+$0x7050];
	s9 =	sshll.u32 s8, $0x3  }
0x5b3: {  	s9 =	sand.u32 $0x3C00, s9  }
0x5b4: {  	s8 =	sand.u32 $0x70, s8;
	s9 =	sadd.s32 s9, s7  }
0x5b5: {  	s8 =	sor.u32 s8, s9  }
0x5b6: {  	s8 =	sor.u32 s6, s8  }
0x5b7: {  	[tilespmem:s8+$0x0] =	vst v1;
	s8 =	sadd.s32 $0x60, s2  }
0x5b8: {  	v1 =	vld [tilespmem:s5+$0x7060];
	s9 =	sshll.u32 s8, $0x3  }
0x5b9: {  	s9 =	sand.u32 $0x3C00, s9  }
0x5ba: {  	s8 =	sand.u32 $0x70, s8;
	s9 =	sadd.s32 s9, s7  }
0x5bb: {  	s8 =	sor.u32 s8, s9  }
0x5bc: {  	s8 =	sor.u32 s6, s8  }
0x5bd: {  	s2 =	sadd.s32 $0x70, s2;
	[tilespmem:s8+$0x0] =	vst v1  }
.Ltmp14:
0x5be: {  	v1 =	vld [tilespmem:s5+$0x7070];
	s5 =	sshll.u32 s2, $0x3;
	(pc) =	sbr.rel @p0 .LBB2_30-.Ltmp14, $4  }
0x5bf: {  	s5 =	sand.u32 $0x3C00, s5  }
0x5c0: {  	s2 =	sand.u32 $0x70, s2;
	s5 =	sadd.s32 s5, s7  }
0x5c1: {  	s1 =	sadd.s32 $0x1, s1;
	s2 =	sor.u32 s2, s5  }
0x5c2: {  	s4 =	sadd.s32 $0x200, s4;
	s5 =	sand.u32 $0x3F0, s1;
	s6 =	sor.u32 s6, s2  }
0x5c3: {  	s1 =	smin.u32 s5, $0x380;
	s2 =	sshra.s32 s3, $0x2;
	[tilespmem:s6+$0x0] =	vst v1  }
0x5c4: {  	v1 =	vld [tilespmem:s2+$0x7000];
	s10 =	sshll.u32 s1, $0x3  }
0x5c5: {  	s4 =	sadd.s32 $0x400, s23;
	s3 =	sor.u32 s1, s10  }
0x5c6: {  	s0 =	sadd.s32 $0x80, s0;
	s4 =	sand.u32 $0x6000, s4;
	s3 =	sand.u32 $0x1C70, s3  }
0x5c7: {  	s0 =	sand.u32 $0x380, s0;
	s3 =	sor.u32 s4, s3  }
0x5c8: {  	s3 =	sor.u32 s0, s3  }
0x5c9: {  	s11 =	sadd.s32 $0x10, s1;
	[tilespmem:s3+$0x10000] =	vst v1  }
0x5ca: {  	s12 =	sshll.u32 s11, $0x3;
	v1 =	vld [tilespmem:s2+$0x7010]  }
0x5cb: {  	s5 =	sand.u32 $0x3C00, s12;
	s4 =	sor.u32 $0x10000, s4  }
0x5cc: {  	s5 =	sadd.s32 s5, s4;
	s3 =	sand.u32 $0x70, s11  }
0x5cd: {  	s3 =	sor.u32 s3, s5  }
0x5ce: {  	s3 =	sor.u32 s0, s3  }
0x5cf: {  	s13 =	sadd.s32 $0x20, s1;
	[tilespmem:s3+$0x0] =	vst v1  }
0x5d0: {  	s17 =	sshll.u32 s13, $0x3;
	v1 =	vld [tilespmem:s2+$0x7020]  }
0x5d1: {  	s5 =	sand.u32 $0x3C00, s17  }
0x5d2: {  	s5 =	sadd.s32 s5, s4;
	s3 =	sand.u32 $0x70, s13  }
0x5d3: {  	s3 =	sor.u32 s3, s5  }
0x5d4: {  	s3 =	sor.u32 s0, s3  }
0x5d5: {  	s18 =	sadd.s32 $0x30, s1;
	[tilespmem:s3+$0x0] =	vst v1  }
0x5d6: {  	s19 =	sshll.u32 s18, $0x3;
	v1 =	vld [tilespmem:s2+$0x7030]  }
0x5d7: {  	s5 =	sand.u32 $0x3C00, s19  }
0x5d8: {  	s5 =	sadd.s32 s5, s4;
	s3 =	sand.u32 $0x70, s18  }
0x5d9: {  	s3 =	sor.u32 s3, s5  }
0x5da: {  	s3 =	sor.u32 s0, s3  }
0x5db: {  	s20 =	sadd.s32 $0x40, s1;
	[tilespmem:s3+$0x0] =	vst v1  }
0x5dc: {  	s21 =	sshll.u32 s20, $0x3;
	v1 =	vld [tilespmem:s2+$0x7040]  }
0x5dd: {  	s5 =	sand.u32 $0x3C00, s21  }
0x5de: {  	s5 =	sadd.s32 s5, s4;
	s3 =	sand.u32 $0x70, s20  }
0x5df: {  	s3 =	sor.u32 s3, s5  }
0x5e0: {  	s3 =	sor.u32 s0, s3  }
0x5e1: {  	s22 =	sadd.s32 $0x50, s1;
	[tilespmem:s3+$0x0] =	vst v1  }
0x5e2: {  	s23 =	sshll.u32 s22, $0x3;
	v1 =	vld [tilespmem:s2+$0x7050]  }
0x5e3: {  	s5 =	sand.u32 $0x3C00, s23  }
0x5e4: {  	s5 =	sadd.s32 s5, s4;
	s3 =	sand.u32 $0x70, s22  }
0x5e5: {  	s3 =	sor.u32 s3, s5  }
0x5e6: {  	s3 =	sor.u32 s0, s3  }
0x5e7: {  	s24 =	sadd.s32 $0x60, s1;
	[tilespmem:s3+$0x0] =	vst v1  }
0x5e8: {  	s25 =	sshll.u32 s24, $0x3;
	v1 =	vld [tilespmem:s2+$0x7060]  }
0x5e9: {  	s5 =	sand.u32 $0x3C00, s25  }
0x5ea: {  	s5 =	sadd.s32 s5, s4;
	s3 =	sand.u32 $0x70, s24  }
0x5eb: {  	s3 =	sor.u32 s3, s5  }
0x5ec: {  	s3 =	sor.u32 s0, s3  }
0x5ed: {  	s1 =	sadd.s32 $0x70, s1;
	[tilespmem:s3+$0x0] =	vst v1  }
0x5ee: {  	s28 =	sshll.u32 s1, $0x3;
	v1 =	vld [tilespmem:s2+$0x7070]  }
0x5ef: {  	s2 =	sand.u32 $0x3C00, s28  }
0x5f0: {  	s1 =	sand.u32 $0x70, s1;
	s2 =	sadd.s32 s2, s4  }
0x5f1: {  	s1 =	sor.u32 s1, s2  }
0x5f2: {  	s0 =	sor.u32 s0, s1  }
0x5f3: {  	s6 =	simm.s32 $0x0;
	s29 =	rddreg [dreg:$0xc];
	[tilespmem:s0+$0x0] =	vst v1  }
0x5f4: {  	[hbm4b:s29+s6] =	stream.linear.scatter [tilespmem:s16], [sflag:$0x2], $0x8000, $0x38;
	[tilespmem:$0x18000] =	vst v63  }
0x5f5: {  	_ =	swait.ge [sflag:s15], $0x8000  }
0x5f6: {  	[sflag:s15] =	ssyncset.done $0x0  }
0x5f7: {  	[sflag:s15] =	ssyncadd.s32 $0xFFFF8000  }
0x5f8: {  	_ =	swait.ge [sflag:s26], $0x8000  }
0x5f9: {  	s30 =	rddreg [dreg:$0x17]  }
0x5fa: {  	s31 =	rddreg [dreg:$0xd];
	s1 =	sadd.s32 $0x1, s30  }
0x5fb: {  	p0 =	sne.s32 s1, s31  }
.Ltmp15:
0x5fc: {  	_ = 	snop;
	(pc) =	sbr.rel @p0 .LBB2_1-.Ltmp15, $3  }
0x5fd: {  	_ =	sdelay $0x1  }
0x5fe: {  	[sflag:s26] =	ssyncset.done $0x0  }
0x5ff: {  	[sflag:s26] =	ssyncadd.s32 $0xFFFF8000  }
0x600: {  	_ =	sfence.sel $0x180000  }
0x601: {  	[bflag:$0x0] =	sbarrier.arrive $0xFFFF  }
0x602: {  	_ =	strace $0x90000047  }
0x603: {  	s0 =	stileid.u32;
	[bflag:$0x2] =	sbarrier.arrive $0xFFFF  }
0x604: {  	p0 =	sne.s32 s0, $0x0;
	s0 =	rddreg [dreg:$0x2]  }
0x605: {  	s0 =	sadd.s32 @!p0 $0x100000, s0  }
0x606: {  	[sflag:s0] =	ssyncadd.tile.s32 @!p0 $0x1;
	_ =	shalt  }
.Lfunc_end2:
_tile_overlayer_lowered:
.L_overlay_start_2:
0x607: {  	(tag) =	ssettag $0x2  }
0x608: {  	s0 =	rddreg [dreg:$0x0];
	s2 =	stileid.u32  }
0x609: {  	s1 =	rddreg [dreg:$0x1];
	p0 =	sne.s32 s2, $0x0  }
0x60a: {  	s3 =	rddreg [dreg:$0x2];
	[bflag:$0x3] =	sbarrier.arrive $0xFFFF;
	s2 =	simm.s32 @!p0 $0x1C03  }
0x60b: {  	[timem:s3], [sflag:s2] =	dma.local @!p0 [hbm:s0], s1  }
0x60c: {  	s0 =	simm.s32 @!p0 $0x3  }
0x60d: {  	_ =	swait.ge @!p0 [sflag:s0], s1  }
0x60e: {  	s1 =	ssub.s32 @!p0 $0x0, s1;
	[sflag:s0] =	ssyncset.done @!p0 $0x0  }
0x60f: {  	[sflag:s0] =	ssyncadd.s32 @!p0 s1  }
0x610: {  	[bflag:$0x3] =	sbarrier.arrive $0xFFFF  }
0x611: {  	_ =	shalt  }

</sc_bundles>
